<compile_context>
chip_gen: v7x
topology: tpu7x:2x2x1
jax: 0.10.2.dev20260603
libtpu: 0.0.44.dev20260713+nightly
codegen_flags: <defaults>
</compile_context>

<pallas_src>
import jax
import jax.numpy as jnp
from jax import lax
from jax.experimental import pallas as pl
from jax.experimental.pallas import tpu as pltpu
from jax.experimental.pallas import tpu_sc as plsc

N = 10000
E = 160000
IN_FEAT = 128
OUT_FEAT = 128
NUM_RELS = 4

NC = 2
NS = 16
L = 16
NW = NC * NS

C = 64
NCHUNK = E // C
CHUNKS_PER_W = -(-NCHUNK // NW)
N_PAD = 10112
ROWS_PER_TILE = N_PAD // NS
STAGE_CHUNKS = [(z * C, C) for z in range(ROWS_PER_TILE // C)] + [
    ((ROWS_PER_TILE // C) * C, ROWS_PER_TILE % C)]

ROW_BLK = 1000
NB = N // ROW_BLK
DB_BLK = 2000
DNB = N // DB_BLK



def _dense_body(feat_ref, w_ref, fw_ref, m_ref, f_ref):
    x = feat_ref[...]
    for r in range(NUM_RELS):
        m_ref[r] = jnp.dot(x, w_ref[r], preferred_element_type=jnp.float32)
        f_ref[r] = jnp.dot(x, fw_ref[r], preferred_element_type=jnp.float32)


_dense_call = pl.pallas_call(
    _dense_body,
    grid=(DNB,),
    in_specs=[
        pl.BlockSpec((DB_BLK, IN_FEAT), lambda i: (i, 0)),
        pl.BlockSpec((NUM_RELS, IN_FEAT, OUT_FEAT), lambda i: (0, 0, 0)),
        pl.BlockSpec((NUM_RELS, IN_FEAT, 2 * OUT_FEAT), lambda i: (0, 0, 0)),
    ],
    out_specs=[
        pl.BlockSpec((NUM_RELS, DB_BLK, OUT_FEAT), lambda i: (0, i, 0)),
        pl.BlockSpec((NUM_RELS, DB_BLK, 2 * OUT_FEAT), lambda i: (0, i, 0)),
    ],
    out_shape=[
        jax.ShapeDtypeStruct((NUM_RELS, N, OUT_FEAT), jnp.float32),
        jax.ShapeDtypeStruct((NUM_RELS, N, 2 * OUT_FEAT), jnp.float32),
    ],
)



def _edge_body(m_hbm, f_hbm, ei_hbm, et_hbm, out_hbm,
               acc_sh,
               src0, dst0, et0, m0, f0,
               src1, dst1, et1, m1, f1,
               dsc0, dsc1,
               semi0, semm0, semf0, semi1, semm1, semf1,
               sems0, sems1):
    c = lax.axis_index("c")
    s = lax.axis_index("s")
    wid = s * NC + c
    row0 = s * ROWS_PER_TILE

    buf = (
        dict(src=src0, dst=dst0, et=et0, dsc=dsc0,
             m=m0, f=f0, semi=semi0, semm=semm0, semf=semf0, sems=sems0),
        dict(src=src1, dst=dst1, et=et1, dsc=dsc1,
             m=m1, f=f1, semi=semi1, semm=semm1, semf=semf1, sems=sems1),
    )

    zero = jnp.zeros((L,), jnp.float32)


    def _stage_a(k, b):
        ci = k * NW + wid

        @pl.when(ci < NCHUNK)
        def _():
            off = ci * C
            pltpu.async_copy(ei_hbm.at[0, pl.ds(off, C)], b["src"], b["semi"])
            pltpu.async_copy(ei_hbm.at[1, pl.ds(off, C)], b["dst"], b["semi"])
            pltpu.async_copy(et_hbm.at[pl.ds(off, C)], b["et"], b["semi"])

    def _stage_b(k, b):
        ci = k * NW + wid

        @pl.when(jnp.logical_and(ci < NCHUNK, k >= 2))
        def _():
            pltpu.make_async_copy(
                b["m"], acc_sh.at[b["dsc"]], b["sems"]).wait()

        @pl.when(ci < NCHUNK)
        def _():
            for r in ("src", "dst", "et"):
                pltpu.make_async_copy(
                    et_hbm.at[pl.ds(0, C)], b[r], b["semi"]).wait()
            for j in range(C // L):
                sl = pl.ds(j * L, L)
                etn = b["et"][sl] * N
                b["src"][sl] = etn + b["src"][sl]
                b["et"][sl] = etn + b["dst"][sl]
            pltpu.async_copy(m_hbm.at[b["src"]], b["m"], b["semm"])
            pltpu.async_copy(f_hbm.at[b["et"]], b["f"], b["semf"])

    def _stage_c(k, b):
        ci = k * NW + wid

        @pl.when(ci < NCHUNK)
        def _():
            pltpu.make_async_copy(
                m_hbm.at[pl.ds(0, C), :], b["m"], b["semm"]).wait()
            pltpu.make_async_copy(
                f_hbm.at[pl.ds(0, C), :], b["f"], b["semf"]).wait()

            @plsc.parallel_loop(0, C, 1, unroll=4)
            def _edge(j):
                for kk in range(OUT_FEAT // L):
                    sl = pl.ds(kk * L, L)
                    mm = b["m"][j, sl]
                    gg = b["f"][j, sl]
                    bb = b["f"][j, pl.ds(OUT_FEAT + kk * L, L)]
                    b["m"][j, sl] = jnp.maximum(gg * mm + bb, 0.0)
            for j in range(C // L):
                sl = pl.ds(j * L, L)
                b["dsc"][sl] = b["dst"][sl]
            pltpu.async_copy(b["m"], acc_sh.at[b["dsc"]], b["sems"],
                             add=True)

    _stage_a(0, buf[0])
    _stage_a(1, buf[1])
    _stage_b(0, buf[0])

    def _zrow2(i, _):
        for k in range(OUT_FEAT // L):
            m1[i, pl.ds(k * L, L)] = zero
        return 0

    lax.fori_loop(0, C, _zrow2, 0)
    for off, zr in STAGE_CHUNKS:
        pltpu.sync_copy(m1.at[pl.ds(0, zr), :],
                        acc_sh.at[pl.ds(row0 + off, zr), :])
    plsc.subcore_barrier()

    def _iter(i, _):
        for half in range(2):
            k = 2 * i + half
            b_cur = buf[half]
            b_nxt = buf[1 - half]
            _stage_b(k + 1, b_nxt)
            _stage_c(k, b_cur)
            _stage_a(k + 2, b_cur)
        return 0

    lax.fori_loop(0, (CHUNKS_PER_W + 1) // 2, _iter, 0)

    for b in buf:
        pltpu.make_async_copy(b["m"], acc_sh.at[b["dsc"]], b["sems"]).wait()

    plsc.subcore_barrier()
    for off, zr in STAGE_CHUNKS:
        pltpu.sync_copy(acc_sh.at[pl.ds(row0 + off, zr), :],
                        m0.at[pl.ds(0, zr), :])
        pltpu.sync_copy(m0.at[pl.ds(0, zr), :],
                        out_hbm.at[c, pl.ds(row0 + off, zr), :])


def _make_edge_call():
    return pl.kernel(
        _edge_body,
        out_type=jax.ShapeDtypeStruct((NC, N_PAD, OUT_FEAT), jnp.float32),
        mesh=plsc.VectorSubcoreMesh(
            core_axis_name="c", subcore_axis_name="s",
            num_cores=NC, num_subcores=NS,
        ),
        scratch_types=(
            [pltpu.VMEM_SHARED((N_PAD, OUT_FEAT), jnp.float32)]
            + 2 * (
                [pltpu.VMEM((C,), jnp.int32)] * 3
                + [pltpu.VMEM((C, OUT_FEAT), jnp.float32),
                   pltpu.VMEM((C, 2 * OUT_FEAT), jnp.float32)]
            )
            + [pltpu.VMEM((C,), jnp.int32)] * 2
            + [pltpu.SemaphoreType.DMA] * 8
        ),
    )



def _combine_body(p_ref, feat_ref, lw_ref, bias_ref, o_ref):
    o_ref[...] = (
        p_ref[0] + p_ref[1]
        + jnp.dot(feat_ref[...], lw_ref[...],
                  preferred_element_type=jnp.float32)
        + bias_ref[...]
    )


_combine_call = pl.pallas_call(
    _combine_body,
    grid=(NB,),
    in_specs=[
        pl.BlockSpec((NC, ROW_BLK, OUT_FEAT), lambda i: (0, i, 0)),
        pl.BlockSpec((ROW_BLK, IN_FEAT), lambda i: (i, 0)),
        pl.BlockSpec((IN_FEAT, OUT_FEAT), lambda i: (0, 0)),
        pl.BlockSpec((1, OUT_FEAT), lambda i: (0, 0)),
    ],
    out_specs=pl.BlockSpec((ROW_BLK, OUT_FEAT), lambda i: (i, 0)),
    out_shape=jax.ShapeDtypeStruct((N, OUT_FEAT), jnp.float32),
)


@jax.jit
def _impl(feat, edge_index, etypes, W, film_W, h_bias, loop_weight):
    bias2 = h_bias.reshape(1, OUT_FEAT)

    m2, f2 = _dense_call(feat, W, film_W)

    partial = _make_edge_call()(
        m2.reshape(NUM_RELS * N, OUT_FEAT),
        f2.reshape(NUM_RELS * N, 2 * OUT_FEAT),
        edge_index, etypes)
    return _combine_call(partial, feat, loop_weight, bias2)


def kernel(feat, edge_index, etypes, W, film_W, h_bias, loop_weight):
    return _impl(feat, edge_index, etypes, W, film_W, h_bias, loop_weight)

# --- scband reference (transcript-rebuilt; emitter-appended) ---
"""Pipeline reference for scband-gnnfi-lmlayer-78091095376253 (READ-ONLY COPY).

The authoritative reference and input builder live on the scoring server;
editing this copy changes nothing except your own understanding.
"""

import jax, jax.numpy as jnp
import numpy as np

N = 10000
E = 160000
IN_FEAT = 128
OUT_FEAT = 128
NUM_RELS = 4


def setup_inputs(seed: int = 0) -> dict:
    key = jax.random.key(seed)
    ks = jax.random.split(key, 8)
    feat = jax.random.normal(ks[0], (N, IN_FEAT), dtype=jnp.float32)
    edge_index = jax.random.randint(ks[1], (2, E), 0, N)
    etypes = jax.random.randint(ks[2], (E,), 0, NUM_RELS)
    # TypedLinear weights: one [in, out] matrix per relation (no per-relation bias in DGL TypedLinear)
    w_scale = (2.0 / (IN_FEAT + OUT_FEAT)) ** 0.5
    W = jax.random.normal(ks[3], (NUM_RELS, IN_FEAT, OUT_FEAT), dtype=jnp.float32) * w_scale
    f_scale = (2.0 / (IN_FEAT + 2 * OUT_FEAT)) ** 0.5
    film_W = jax.random.normal(ks[4], (NUM_RELS, IN_FEAT, 2 * OUT_FEAT), dtype=jnp.float32) * f_scale
    h_bias = jnp.zeros((OUT_FEAT,), dtype=jnp.float32)
    # self-loop weight, xavier_uniform with relu gain
    gain = float(np.sqrt(2.0))
    bound = gain * float(np.sqrt(6.0 / (IN_FEAT + OUT_FEAT)))
    loop_weight = jax.random.uniform(ks[5], (IN_FEAT, OUT_FEAT), dtype=jnp.float32, minval=-bound, maxval=bound)
    return {"feat": feat, "edge_index": edge_index, "etypes": etypes,
            "W": W, "film_W": film_W, "h_bias": h_bias, "loop_weight": loop_weight}


def reference(feat, edge_index, etypes, W, film_W, h_bias, loop_weight):
    src = edge_index[0]
    dst = edge_index[1]
    h_src = feat[src]          # gather source node feats  [E, in]
    h_dst = feat[dst]          # gather dest node feats    [E, in]
    # TypedLinear: per-edge relation-typed matmul. Computed per relation with
    # masking (mathematically identical to h_src @ W[etypes[e]] per edge) to
    # avoid materializing a [E, in, out] gathered weight tensor.
    m = jnp.zeros((h_src.shape[0], OUT_FEAT), dtype=jnp.float32)
    fw = jnp.zeros((h_src.shape[0], 2 * OUT_FEAT), dtype=jnp.float32)
    for r in range(NUM_RELS):
        mask = (etypes == r)[:, None]
        m = m + jnp.where(mask, h_src @ W[r], 0.0)
        fw = fw + jnp.where(mask, h_dst @ film_W[r], 0.0)
    gamma = fw[:, :OUT_FEAT]
    beta = fw[:, OUT_FEAT:]
    msg = jax.nn.relu(gamma * m + beta)            # message_func: relu(gamma*m+beta)
    h = jax.ops.segment_sum(msg, dst, num_segments=N)  # fn.sum('m','h') scatter-add to dst
    # layer_norm=False, activation=None, dropout=0.0 -> identity
    h = h + h_bias                                  # bias=True
    h = h + feat @ loop_weight                      # self_loop=True
    return h

if __name__ == "__main__":
    import jax
    _d = setup_inputs()
    print(jax.jit(kernel)(*tuple(_d.values())))

</pallas_src>

<mosaic_0001>
#map = affine_map<(d0, d1) -> (0, 0)>
#map1 = affine_map<(d0, d1) -> (0)>
#map2 = affine_map<(d0, d1) -> (0, 0, 0)>
module attributes {stable_mosaic.version = 14 : i64} {
  func.func @_edge_body(%arg0: i32, %arg1: i32, %arg2: memref<40000x128xf32, #tpu.memory_space<hbm>>, %arg3: memref<40000x256xf32, #tpu.memory_space<hbm>>, %arg4: memref<2x160000xi32, #tpu.memory_space<hbm>>, %arg5: memref<160000xi32, #tpu.memory_space<hbm>>, %arg6: memref<2x10112x128xf32, #tpu.memory_space<hbm>>, %arg7: memref<10112x128xf32, #tpu.memory_space<vmem_shared>>, %arg8: memref<64xi32, #tpu.memory_space<vmem>>, %arg9: memref<64xi32, #tpu.memory_space<vmem>>, %arg10: memref<64xi32, #tpu.memory_space<vmem>>, %arg11: memref<64x128xf32, #tpu.memory_space<vmem>>, %arg12: memref<64x256xf32, #tpu.memory_space<vmem>>, %arg13: memref<64xi32, #tpu.memory_space<vmem>>, %arg14: memref<64xi32, #tpu.memory_space<vmem>>, %arg15: memref<64xi32, #tpu.memory_space<vmem>>, %arg16: memref<64x128xf32, #tpu.memory_space<vmem>>, %arg17: memref<64x256xf32, #tpu.memory_space<vmem>>, %arg18: memref<64xi32, #tpu.memory_space<vmem>>, %arg19: memref<64xi32, #tpu.memory_space<vmem>>, %arg20: memref<!tpu.dma_semaphore, #tpu.memory_space<semaphore_mem>>, %arg21: memref<!tpu.dma_semaphore, #tpu.memory_space<semaphore_mem>>, %arg22: memref<!tpu.dma_semaphore, #tpu.memory_space<semaphore_mem>>, %arg23: memref<!tpu.dma_semaphore, #tpu.memory_space<semaphore_mem>>, %arg24: memref<!tpu.dma_semaphore, #tpu.memory_space<semaphore_mem>>, %arg25: memref<!tpu.dma_semaphore, #tpu.memory_space<semaphore_mem>>, %arg26: memref<!tpu.dma_semaphore, #tpu.memory_space<semaphore_mem>>, %arg27: memref<!tpu.dma_semaphore, #tpu.memory_space<semaphore_mem>>) attributes {dimension_semantics = [#tpu.dimension_semantics<core_parallel>, #tpu.dimension_semantics<subcore_parallel>], iteration_bounds = array<i64: 2, 16>, scalar_prefetch = 0 : i64, scratch_operands = 21 : i64, tpu.core_type = #tpu.core_type<sc_vector_subcore>, window_params = [{transform_indices = #map}, {transform_indices = #map}, {transform_indices = #map}, {transform_indices = #map1}, {transform_indices = #map2}]} {
    %mul3A = arith.constant 2 : i32
    %mul3A_0 = arith.muli %arg1, %mul3A : i32
    %add3A = arith.addi %mul3A_0, %arg0 : i32
    %mul3A_1 = arith.constant 632 : i32
    %mul3A_2 = arith.muli %arg1, %mul3A_1 : i32
    %broadcast_in_dim3A = arith.constant 0.000000e+00 : f32
    %broadcast_in_dim3A_3 = vector.broadcast %broadcast_in_dim3A : f32 to vector<16xf32>
    %add3A_4 = arith.constant 0 : i32
    %add3A_5 = arith.addi %add3A_4, %add3A : i32
    %lt3A = arith.constant 2500 : i32
    %lt3A_6 = arith.cmpi slt, %add3A_5, %lt3A : i32
    %convert_element_type3A = arith.extui %lt3A_6 : i1 to i32
    %cond3A = arith.constant 0 : i32
    %cond3A_7 = arith.cmpi ne, %convert_element_type3A, %cond3A : i32
    scf.if %cond3A_7 {
      %mul3A_107 = arith.constant 64 : i32
      %mul3A_108 = arith.muli %add3A_5, %mul3A_107 : i32
      %dma_start3A = arith.constant 0 : i32
      %dma_start3A_109 = tpu.memref_slice %arg4[%dma_start3A, %mul3A_108] : memref<2x160000xi32, #tpu.memory_space<hbm>> -> memref<1x64xi32, #tpu.memory_space<hbm>>
      %dma_start3A_110 = tpu.memref_squeeze %dma_start3A_109 : memref<1x64xi32, #tpu.memory_space<hbm>> -> memref<64xi32, #tpu.memory_space<hbm>>
      %dma_start3A_111 = tpu.memref_slice %arg4[%dma_start3A, %mul3A_108] : memref<2x160000xi32, #tpu.memory_space<hbm>> -> memref<1x64xi32, #tpu.memory_space<hbm>>
      %dma_start3A_112 = tpu.memref_squeeze %dma_start3A_111 : memref<1x64xi32, #tpu.memory_space<hbm>> -> memref<64xi32, #tpu.memory_space<hbm>>
      tpu.enqueue_dma source(%dma_start3A_112 : memref<64xi32, #tpu.memory_space<hbm>>) target(%arg8 : memref<64xi32, #tpu.memory_space<vmem>>) target_semaphore(%arg20 : memref<!tpu.dma_semaphore, #tpu.memory_space<semaphore_mem>>)
      %dma_start3A_113 = arith.constant 1 : i32
      %dma_start3A_114 = tpu.memref_slice %arg4[%dma_start3A_113, %mul3A_108] : memref<2x160000xi32, #tpu.memory_space<hbm>> -> memref<1x64xi32, #tpu.memory_space<hbm>>
      %dma_start3A_115 = tpu.memref_squeeze %dma_start3A_114 : memref<1x64xi32, #tpu.memory_space<hbm>> -> memref<64xi32, #tpu.memory_space<hbm>>
      %dma_start3A_116 = tpu.memref_slice %arg4[%dma_start3A_113, %mul3A_108] : memref<2x160000xi32, #tpu.memory_space<hbm>> -> memref<1x64xi32, #tpu.memory_space<hbm>>
      %dma_start3A_117 = tpu.memref_squeeze %dma_start3A_116 : memref<1x64xi32, #tpu.memory_space<hbm>> -> memref<64xi32, #tpu.memory_space<hbm>>
      tpu.enqueue_dma source(%dma_start3A_117 : memref<64xi32, #tpu.memory_space<hbm>>) target(%arg9 : memref<64xi32, #tpu.memory_space<vmem>>) target_semaphore(%arg20 : memref<!tpu.dma_semaphore, #tpu.memory_space<semaphore_mem>>)
      %dma_start3A_118 = tpu.memref_slice %arg5[%mul3A_108] : memref<160000xi32, #tpu.memory_space<hbm>> -> memref<64xi32, #tpu.memory_space<hbm>>
      %dma_start3A_119 = tpu.memref_slice %arg5[%mul3A_108] : memref<160000xi32, #tpu.memory_space<hbm>> -> memref<64xi32, #tpu.memory_space<hbm>>
      tpu.enqueue_dma source(%dma_start3A_119 : memref<64xi32, #tpu.memory_space<hbm>>) target(%arg10 : memref<64xi32, #tpu.memory_space<vmem>>) target_semaphore(%arg20 : memref<!tpu.dma_semaphore, #tpu.memory_space<semaphore_mem>>)
    } else {
    }
    %add3A_8 = arith.constant 32 : i32
    %add3A_9 = arith.addi %add3A_8, %add3A : i32
    %lt3A_10 = arith.constant 2500 : i32
    %lt3A_11 = arith.cmpi slt, %add3A_9, %lt3A_10 : i32
    %convert_element_type3A_12 = arith.extui %lt3A_11 : i1 to i32
    %cond3A_13 = arith.constant 0 : i32
    %cond3A_14 = arith.cmpi ne, %convert_element_type3A_12, %cond3A_13 : i32
    scf.if %cond3A_14 {
      %mul3A_107 = arith.constant 64 : i32
      %mul3A_108 = arith.muli %add3A_9, %mul3A_107 : i32
      %dma_start3A = arith.constant 0 : i32
      %dma_start3A_109 = tpu.memref_slice %arg4[%dma_start3A, %mul3A_108] : memref<2x160000xi32, #tpu.memory_space<hbm>> -> memref<1x64xi32, #tpu.memory_space<hbm>>
      %dma_start3A_110 = tpu.memref_squeeze %dma_start3A_109 : memref<1x64xi32, #tpu.memory_space<hbm>> -> memref<64xi32, #tpu.memory_space<hbm>>
      %dma_start3A_111 = tpu.memref_slice %arg4[%dma_start3A, %mul3A_108] : memref<2x160000xi32, #tpu.memory_space<hbm>> -> memref<1x64xi32, #tpu.memory_space<hbm>>
      %dma_start3A_112 = tpu.memref_squeeze %dma_start3A_111 : memref<1x64xi32, #tpu.memory_space<hbm>> -> memref<64xi32, #tpu.memory_space<hbm>>
      tpu.enqueue_dma source(%dma_start3A_112 : memref<64xi32, #tpu.memory_space<hbm>>) target(%arg13 : memref<64xi32, #tpu.memory_space<vmem>>) target_semaphore(%arg23 : memref<!tpu.dma_semaphore, #tpu.memory_space<semaphore_mem>>)
      %dma_start3A_113 = arith.constant 1 : i32
      %dma_start3A_114 = tpu.memref_slice %arg4[%dma_start3A_113, %mul3A_108] : memref<2x160000xi32, #tpu.memory_space<hbm>> -> memref<1x64xi32, #tpu.memory_space<hbm>>
      %dma_start3A_115 = tpu.memref_squeeze %dma_start3A_114 : memref<1x64xi32, #tpu.memory_space<hbm>> -> memref<64xi32, #tpu.memory_space<hbm>>
      %dma_start3A_116 = tpu.memref_slice %arg4[%dma_start3A_113, %mul3A_108] : memref<2x160000xi32, #tpu.memory_space<hbm>> -> memref<1x64xi32, #tpu.memory_space<hbm>>
      %dma_start3A_117 = tpu.memref_squeeze %dma_start3A_116 : memref<1x64xi32, #tpu.memory_space<hbm>> -> memref<64xi32, #tpu.memory_space<hbm>>
      tpu.enqueue_dma source(%dma_start3A_117 : memref<64xi32, #tpu.memory_space<hbm>>) target(%arg14 : memref<64xi32, #tpu.memory_space<vmem>>) target_semaphore(%arg23 : memref<!tpu.dma_semaphore, #tpu.memory_space<semaphore_mem>>)
      %dma_start3A_118 = tpu.memref_slice %arg5[%mul3A_108] : memref<160000xi32, #tpu.memory_space<hbm>> -> memref<64xi32, #tpu.memory_space<hbm>>
      %dma_start3A_119 = tpu.memref_slice %arg5[%mul3A_108] : memref<160000xi32, #tpu.memory_space<hbm>> -> memref<64xi32, #tpu.memory_space<hbm>>
      tpu.enqueue_dma source(%dma_start3A_119 : memref<64xi32, #tpu.memory_space<hbm>>) target(%arg15 : memref<64xi32, #tpu.memory_space<vmem>>) target_semaphore(%arg23 : memref<!tpu.dma_semaphore, #tpu.memory_space<semaphore_mem>>)
    } else {
    }
    %add3A_15 = arith.constant 0 : i32
    %add3A_16 = arith.addi %add3A_15, %add3A : i32
    %lt3A_17 = arith.constant 2500 : i32
    %lt3A_18 = arith.cmpi slt, %add3A_16, %lt3A_17 : i32
    %and3A = arith.constant false
    %and3A_19 = arith.andi %lt3A_18, %and3A : i1
    %convert_element_type3A_20 = arith.extui %and3A_19 : i1 to i32
    %cond3A_21 = arith.constant 0 : i32
    %cond3A_22 = arith.cmpi ne, %convert_element_type3A_20, %cond3A_21 : i32
    scf.if %cond3A_22 {
      %dma_wait3A_107 = arith.constant 0 : i32
      %dma_wait3A_108 = arith.constant 0 : i32
      %dma_wait3A_109 = tpu.memref_slice %arg7[%dma_wait3A_107, %dma_wait3A_108] : memref<10112x128xf32, #tpu.memory_space<vmem_shared>> -> memref<10112x128xf32, #tpu.memory_space<vmem_shared>>
      tpu.wait_indirect_dma semaphore(%arg26 : memref<!tpu.dma_semaphore, #tpu.memory_space<semaphore_mem>>) src(%arg11 : memref<64x128xf32, #tpu.memory_space<vmem>>) dst(%dma_wait3A_109 : memref<10112x128xf32, #tpu.memory_space<vmem_shared>>)
    } else {
    }
    %lt3A_23 = arith.constant 2500 : i32
    %lt3A_24 = arith.cmpi slt, %add3A_16, %lt3A_23 : i32
    %convert_element_type3A_25 = arith.extui %lt3A_24 : i1 to i32
    %cond3A_26 = arith.constant 0 : i32
    %cond3A_27 = arith.cmpi ne, %convert_element_type3A_25, %cond3A_26 : i32
    scf.if %cond3A_27 {
      %dma_wait3A_107 = arith.constant 0 : i32
      %dma_wait3A_108 = tpu.memref_slice %arg5[%dma_wait3A_107] : memref<160000xi32, #tpu.memory_space<hbm>> -> memref<64xi32, #tpu.memory_space<hbm>>
      %dma_wait3A_109 = arith.constant 0 : i32
      %dma_wait3A_110 = tpu.memref_slice %arg5[%dma_wait3A_109] : memref<160000xi32, #tpu.memory_space<hbm>> -> memref<64xi32, #tpu.memory_space<hbm>>
      tpu.wait_dma2 semaphore(%arg20 : memref<!tpu.dma_semaphore, #tpu.memory_space<semaphore_mem>>) src(%dma_wait3A_110 : memref<64xi32, #tpu.memory_space<hbm>>) dst(%arg8 : memref<64xi32, #tpu.memory_space<vmem>>)
      %dma_wait3A_111 = arith.constant 0 : i32
      %dma_wait3A_112 = tpu.memref_slice %arg5[%dma_wait3A_111] : memref<160000xi32, #tpu.memory_space<hbm>> -> memref<64xi32, #tpu.memory_space<hbm>>
      %dma_wait3A_113 = arith.constant 0 : i32
      %dma_wait3A_114 = tpu.memref_slice %arg5[%dma_wait3A_113] : memref<160000xi32, #tpu.memory_space<hbm>> -> memref<64xi32, #tpu.memory_space<hbm>>
      tpu.wait_dma2 semaphore(%arg20 : memref<!tpu.dma_semaphore, #tpu.memory_space<semaphore_mem>>) src(%dma_wait3A_114 : memref<64xi32, #tpu.memory_space<hbm>>) dst(%arg9 : memref<64xi32, #tpu.memory_space<vmem>>)
      %dma_wait3A_115 = arith.constant 0 : i32
      %dma_wait3A_116 = tpu.memref_slice %arg5[%dma_wait3A_115] : memref<160000xi32, #tpu.memory_space<hbm>> -> memref<64xi32, #tpu.memory_space<hbm>>
      %dma_wait3A_117 = arith.constant 0 : i32
      %dma_wait3A_118 = tpu.memref_slice %arg5[%dma_wait3A_117] : memref<160000xi32, #tpu.memory_space<hbm>> -> memref<64xi32, #tpu.memory_space<hbm>>
      tpu.wait_dma2 semaphore(%arg20 : memref<!tpu.dma_semaphore, #tpu.memory_space<semaphore_mem>>) src(%dma_wait3A_118 : memref<64xi32, #tpu.memory_space<hbm>>) dst(%arg10 : memref<64xi32, #tpu.memory_space<vmem>>)
      %get3A = arith.constant 0 : index
      %get3A_119 = tpu.vector_load %arg10[%get3A] {strides = array<i32>} : memref<64xi32, #tpu.memory_space<vmem>>, vector<16xi32>,
      %get3A_120 = vector.shape_cast %get3A_119 : vector<16xi32> to vector<16xi32>
      %mul3A_121 = arith.constant 10000 : i32
      %mul3A_122 = vector.broadcast %mul3A_121 : i32 to vector<16xi32>
      %mul3A_123 = arith.muli %get3A_120, %mul3A_122 : vector<16xi32>
      %get3A_124 = arith.constant 0 : index
      %get3A_125 = tpu.vector_load %arg8[%get3A_124] {strides = array<i32>} : memref<64xi32, #tpu.memory_space<vmem>>, vector<16xi32>,
      %get3A_126 = vector.shape_cast %get3A_125 : vector<16xi32> to vector<16xi32>
      %add3A_127 = arith.addi %mul3A_123, %get3A_126 : vector<16xi32>
      %swap3A = arith.constant 0 : index
      %swap3A_128 = tpu.vector_load %arg8[%swap3A] {strides = array<i32>} : memref<64xi32, #tpu.memory_space<vmem>>, vector<16xi32>,
      %swap3A_129 = vector.shape_cast %swap3A_128 : vector<16xi32> to vector<16xi32>
      %swap3A_130 = vector.shape_cast %add3A_127 : vector<16xi32> to vector<16xi32>
      tpu.vector_store %arg8[%swap3A], %swap3A_130 {strides = array<i32>} : memref<64xi32, #tpu.memory_space<vmem>>, vector<16xi32>,
      %get3A_131 = arith.constant 0 : index
      %get3A_132 = tpu.vector_load %arg9[%get3A_131] {strides = array<i32>} : memref<64xi32, #tpu.memory_space<vmem>>, vector<16xi32>,
      %get3A_133 = vector.shape_cast %get3A_132 : vector<16xi32> to vector<16xi32>
      %add3A_134 = arith.addi %mul3A_123, %get3A_133 : vector<16xi32>
      %swap3A_135 = arith.constant 0 : index
      %swap3A_136 = tpu.vector_load %arg10[%swap3A_135] {strides = array<i32>} : memref<64xi32, #tpu.memory_space<vmem>>, vector<16xi32>,
      %swap3A_137 = vector.shape_cast %swap3A_136 : vector<16xi32> to vector<16xi32>
      %swap3A_138 = vector.shape_cast %add3A_134 : vector<16xi32> to vector<16xi32>
      tpu.vector_store %arg10[%swap3A_135], %swap3A_138 {strides = array<i32>} : memref<64xi32, #tpu.memory_space<vmem>>, vector<16xi32>,
      %get3A_139 = arith.constant 16 : index
      %get3A_140 = tpu.vector_load %arg10[%get3A_139] {strides = array<i32>} : memref<64xi32, #tpu.memory_space<vmem>>, vector<16xi32>,
      %get3A_141 = vector.shape_cast %get3A_140 : vector<16xi32> to vector<16xi32>
      %mul3A_142 = arith.constant 10000 : i32
      %mul3A_143 = vector.broadcast %mul3A_142 : i32 to vector<16xi32>
      %mul3A_144 = arith.muli %get3A_141, %mul3A_143 : vector<16xi32>
      %get3A_145 = arith.constant 16 : index
      %get3A_146 = tpu.vector_load %arg8[%get3A_145] {strides = array<i32>} : memref<64xi32, #tpu.memory_space<vmem>>, vector<16xi32>,
      %get3A_147 = vector.shape_cast %get3A_146 : vector<16xi32> to vector<16xi32>
      %add3A_148 = arith.addi %mul3A_144, %get3A_147 : vector<16xi32>
      %swap3A_149 = arith.constant 16 : index
      %swap3A_150 = tpu.vector_load %arg8[%swap3A_149] {strides = array<i32>} : memref<64xi32, #tpu.memory_space<vmem>>, vector<16xi32>,
      %swap3A_151 = vector.shape_cast %swap3A_150 : vector<16xi32> to vector<16xi32>
      %swap3A_152 = vector.shape_cast %add3A_148 : vector<16xi32> to vector<16xi32>
      tpu.vector_store %arg8[%swap3A_149], %swap3A_152 {strides = array<i32>} : memref<64xi32, #tpu.memory_space<vmem>>, vector<16xi32>,
      %get3A_153 = arith.constant 16 : index
      %get3A_154 = tpu.vector_load %arg9[%get3A_153] {strides = array<i32>} : memref<64xi32, #tpu.memory_space<vmem>>, vector<16xi32>,
      %get3A_155 = vector.shape_cast %get3A_154 : vector<16xi32> to vector<16xi32>
      %add3A_156 = arith.addi %mul3A_144, %get3A_155 : vector<16xi32>
      %swap3A_157 = arith.constant 16 : index
      %swap3A_158 = tpu.vector_load %arg10[%swap3A_157] {strides = array<i32>} : memref<64xi32, #tpu.memory_space<vmem>>, vector<16xi32>,
      %swap3A_159 = vector.shape_cast %swap3A_158 : vector<16xi32> to vector<16xi32>
      %swap3A_160 = vector.shape_cast %add3A_156 : vector<16xi32> to vector<16xi32>
      tpu.vector_store %arg10[%swap3A_157], %swap3A_160 {strides = array<i32>} : memref<64xi32, #tpu.memory_space<vmem>>, vector<16xi32>,
      %get3A_161 = arith.constant 32 : index
      %get3A_162 = tpu.vector_load %arg10[%get3A_161] {strides = array<i32>} : memref<64xi32, #tpu.memory_space<vmem>>, vector<16xi32>,
      %get3A_163 = vector.shape_cast %get3A_162 : vector<16xi32> to vector<16xi32>
      %mul3A_164 = arith.constant 10000 : i32
      %mul3A_165 = vector.broadcast %mul3A_164 : i32 to vector<16xi32>
      %mul3A_166 = arith.muli %get3A_163, %mul3A_165 : vector<16xi32>
      %get3A_167 = arith.constant 32 : index
      %get3A_168 = tpu.vector_load %arg8[%get3A_167] {strides = array<i32>} : memref<64xi32, #tpu.memory_space<vmem>>, vector<16xi32>,
      %get3A_169 = vector.shape_cast %get3A_168 : vector<16xi32> to vector<16xi32>
      %add3A_170 = arith.addi %mul3A_166, %get3A_169 : vector<16xi32>
      %swap3A_171 = arith.constant 32 : index
      %swap3A_172 = tpu.vector_load %arg8[%swap3A_171] {strides = array<i32>} : memref<64xi32, #tpu.memory_space<vmem>>, vector<16xi32>,
      %swap3A_173 = vector.shape_cast %swap3A_172 : vector<16xi32> to vector<16xi32>
      %swap3A_174 = vector.shape_cast %add3A_170 : vector<16xi32> to vector<16xi32>
      tpu.vector_store %arg8[%swap3A_171], %swap3A_174 {strides = array<i32>} : memref<64xi32, #tpu.memory_space<vmem>>, vector<16xi32>,
      %get3A_175 = arith.constant 32 : index
      %get3A_176 = tpu.vector_load %arg9[%get3A_175] {strides = array<i32>} : memref<64xi32, #tpu.memory_space<vmem>>, vector<16xi32>,
      %get3A_177 = vector.shape_cast %get3A_176 : vector<16xi32> to vector<16xi32>
      %add3A_178 = arith.addi %mul3A_166, %get3A_177 : vector<16xi32>
      %swap3A_179 = arith.constant 32 : index
      %swap3A_180 = tpu.vector_load %arg10[%swap3A_179] {strides = array<i32>} : memref<64xi32, #tpu.memory_space<vmem>>, vector<16xi32>,
      %swap3A_181 = vector.shape_cast %swap3A_180 : vector<16xi32> to vector<16xi32>
      %swap3A_182 = vector.shape_cast %add3A_178 : vector<16xi32> to vector<16xi32>
      tpu.vector_store %arg10[%swap3A_179], %swap3A_182 {strides = array<i32>} : memref<64xi32, #tpu.memory_space<vmem>>, vector<16xi32>,
      %get3A_183 = arith.constant 48 : index
      %get3A_184 = tpu.vector_load %arg10[%get3A_183] {strides = array<i32>} : memref<64xi32, #tpu.memory_space<vmem>>, vector<16xi32>,
      %get3A_185 = vector.shape_cast %get3A_184 : vector<16xi32> to vector<16xi32>
      %mul3A_186 = arith.constant 10000 : i32
      %mul3A_187 = vector.broadcast %mul3A_186 : i32 to vector<16xi32>
      %mul3A_188 = arith.muli %get3A_185, %mul3A_187 : vector<16xi32>
      %get3A_189 = arith.constant 48 : index
      %get3A_190 = tpu.vector_load %arg8[%get3A_189] {strides = array<i32>} : memref<64xi32, #tpu.memory_space<vmem>>, vector<16xi32>,
      %get3A_191 = vector.shape_cast %get3A_190 : vector<16xi32> to vector<16xi32>
      %add3A_192 = arith.addi %mul3A_188, %get3A_191 : vector<16xi32>
      %swap3A_193 = arith.constant 48 : index
      %swap3A_194 = tpu.vector_load %arg8[%swap3A_193] {strides = array<i32>} : memref<64xi32, #tpu.memory_space<vmem>>, vector<16xi32>,
      %swap3A_195 = vector.shape_cast %swap3A_194 : vector<16xi32> to vector<16xi32>
      %swap3A_196 = vector.shape_cast %add3A_192 : vector<16xi32> to vector<16xi32>
      tpu.vector_store %arg8[%swap3A_193], %swap3A_196 {strides = array<i32>} : memref<64xi32, #tpu.memory_space<vmem>>, vector<16xi32>,
      %get3A_197 = arith.constant 48 : index
      %get3A_198 = tpu.vector_load %arg9[%get3A_197] {strides = array<i32>} : memref<64xi32, #tpu.memory_space<vmem>>, vector<16xi32>,
      %get3A_199 = vector.shape_cast %get3A_198 : vector<16xi32> to vector<16xi32>
      %add3A_200 = arith.addi %mul3A_188, %get3A_199 : vector<16xi32>
      %swap3A_201 = arith.constant 48 : index
      %swap3A_202 = tpu.vector_load %arg10[%swap3A_201] {strides = array<i32>} : memref<64xi32, #tpu.memory_space<vmem>>, vector<16xi32>,
      %swap3A_203 = vector.shape_cast %swap3A_202 : vector<16xi32> to vector<16xi32>
      %swap3A_204 = vector.shape_cast %add3A_200 : vector<16xi32> to vector<16xi32>
      tpu.vector_store %arg10[%swap3A_201], %swap3A_204 {strides = array<i32>} : memref<64xi32, #tpu.memory_space<vmem>>, vector<16xi32>,
      %dma_start3A = arith.constant 0 : i32
      %dma_start3A_205 = arith.constant 0 : i32
      %dma_start3A_206 = tpu.memref_slice %arg2[%dma_start3A, %dma_start3A_205] : memref<40000x128xf32, #tpu.memory_space<hbm>> -> memref<40000x128xf32, #tpu.memory_space<hbm>>
      tpu.enqueue_indirect_dma source(%dma_start3A_206 : memref<40000x128xf32, #tpu.memory_space<hbm>>) target(%arg11 : memref<64x128xf32, #tpu.memory_space<vmem>>) offsets(%arg8 : memref<64xi32, #tpu.memory_space<vmem>>) semaphore(%arg21 : memref<!tpu.dma_semaphore, #tpu.memory_space<semaphore_mem>>)
      %dma_start3A_207 = arith.constant 0 : i32
      %dma_start3A_208 = arith.constant 0 : i32
      %dma_start3A_209 = tpu.memref_slice %arg3[%dma_start3A_207, %dma_start3A_208] : memref<40000x256xf32, #tpu.memory_space<hbm>> -> memref<40000x256xf32, #tpu.memory_space<hbm>>
      tpu.enqueue_indirect_dma source(%dma_start3A_209 : memref<40000x256xf32, #tpu.memory_space<hbm>>) target(%arg12 : memref<64x256xf32, #tpu.memory_space<vmem>>) offsets(%arg10 : memref<64xi32, #tpu.memory_space<vmem>>) semaphore(%arg22 : memref<!tpu.dma_semaphore, #tpu.memory_space<semaphore_mem>>)
    } else {
    }
    %scan3A = arith.constant 0 : i32
    %scan3A_28 = arith.constant 0 : i32
    %scan3A_29 = arith.constant 64 : i32
    %scan3A_30 = arith.addi %scan3A_28, %scan3A_29 : i32
    %scan3A_31 = arith.constant 1 : i32
    %scan3A_32 = scf.for %scan3A_107 = %scan3A_28 to %scan3A_30 step %scan3A_31 iter_args(%scan3A_108 = %scan3A) -> (i32)  : i32 {
      %swap3A = arith.index_cast %scan3A_107 : i32 to index
      %swap3A_109 = arith.constant 0 : index
      %swap3A_110 = tpu.vector_load %arg16[%swap3A, %swap3A_109] {strides = array<i32>} : memref<64x128xf32, #tpu.memory_space<vmem>>, vector<1x16xf32>,
      %swap3A_111 = vector.shape_cast %swap3A_110 : vector<1x16xf32> to vector<16xf32>
      %swap3A_112 = vector.shape_cast %broadcast_in_dim3A_3 : vector<16xf32> to vector<1x16xf32>
      tpu.vector_store %arg16[%swap3A, %swap3A_109], %swap3A_112 {strides = array<i32>} : memref<64x128xf32, #tpu.memory_space<vmem>>, vector<1x16xf32>,
      %swap3A_113 = arith.index_cast %scan3A_107 : i32 to index
      %swap3A_114 = arith.constant 16 : index
      %swap3A_115 = tpu.vector_load %arg16[%swap3A_113, %swap3A_114] {strides = array<i32>} : memref<64x128xf32, #tpu.memory_space<vmem>>, vector<1x16xf32>,
      %swap3A_116 = vector.shape_cast %swap3A_115 : vector<1x16xf32> to vector<16xf32>
      %swap3A_117 = vector.shape_cast %broadcast_in_dim3A_3 : vector<16xf32> to vector<1x16xf32>
      tpu.vector_store %arg16[%swap3A_113, %swap3A_114], %swap3A_117 {strides = array<i32>} : memref<64x128xf32, #tpu.memory_space<vmem>>, vector<1x16xf32>,
      %swap3A_118 = arith.index_cast %scan3A_107 : i32 to index
      %swap3A_119 = arith.constant 32 : index
      %swap3A_120 = tpu.vector_load %arg16[%swap3A_118, %swap3A_119] {strides = array<i32>} : memref<64x128xf32, #tpu.memory_space<vmem>>, vector<1x16xf32>,
      %swap3A_121 = vector.shape_cast %swap3A_120 : vector<1x16xf32> to vector<16xf32>
      %swap3A_122 = vector.shape_cast %broadcast_in_dim3A_3 : vector<16xf32> to vector<1x16xf32>
      tpu.vector_store %arg16[%swap3A_118, %swap3A_119], %swap3A_122 {strides = array<i32>} : memref<64x128xf32, #tpu.memory_space<vmem>>, vector<1x16xf32>,
      %swap3A_123 = arith.index_cast %scan3A_107 : i32 to index
      %swap3A_124 = arith.constant 48 : index
      %swap3A_125 = tpu.vector_load %arg16[%swap3A_123, %swap3A_124] {strides = array<i32>} : memref<64x128xf32, #tpu.memory_space<vmem>>, vector<1x16xf32>,
      %swap3A_126 = vector.shape_cast %swap3A_125 : vector<1x16xf32> to vector<16xf32>
      %swap3A_127 = vector.shape_cast %broadcast_in_dim3A_3 : vector<16xf32> to vector<1x16xf32>
      tpu.vector_store %arg16[%swap3A_123, %swap3A_124], %swap3A_127 {strides = array<i32>} : memref<64x128xf32, #tpu.memory_space<vmem>>, vector<1x16xf32>,
      %swap3A_128 = arith.index_cast %scan3A_107 : i32 to index
      %swap3A_129 = arith.constant 64 : index
      %swap3A_130 = tpu.vector_load %arg16[%swap3A_128, %swap3A_129] {strides = array<i32>} : memref<64x128xf32, #tpu.memory_space<vmem>>, vector<1x16xf32>,
      %swap3A_131 = vector.shape_cast %swap3A_130 : vector<1x16xf32> to vector<16xf32>
      %swap3A_132 = vector.shape_cast %broadcast_in_dim3A_3 : vector<16xf32> to vector<1x16xf32>
      tpu.vector_store %arg16[%swap3A_128, %swap3A_129], %swap3A_132 {strides = array<i32>} : memref<64x128xf32, #tpu.memory_space<vmem>>, vector<1x16xf32>,
      %swap3A_133 = arith.index_cast %scan3A_107 : i32 to index
      %swap3A_134 = arith.constant 80 : index
      %swap3A_135 = tpu.vector_load %arg16[%swap3A_133, %swap3A_134] {strides = array<i32>} : memref<64x128xf32, #tpu.memory_space<vmem>>, vector<1x16xf32>,
      %swap3A_136 = vector.shape_cast %swap3A_135 : vector<1x16xf32> to vector<16xf32>
      %swap3A_137 = vector.shape_cast %broadcast_in_dim3A_3 : vector<16xf32> to vector<1x16xf32>
      tpu.vector_store %arg16[%swap3A_133, %swap3A_134], %swap3A_137 {strides = array<i32>} : memref<64x128xf32, #tpu.memory_space<vmem>>, vector<1x16xf32>,
      %swap3A_138 = arith.index_cast %scan3A_107 : i32 to index
      %swap3A_139 = arith.constant 96 : index
      %swap3A_140 = tpu.vector_load %arg16[%swap3A_138, %swap3A_139] {strides = array<i32>} : memref<64x128xf32, #tpu.memory_space<vmem>>, vector<1x16xf32>,
      %swap3A_141 = vector.shape_cast %swap3A_140 : vector<1x16xf32> to vector<16xf32>
      %swap3A_142 = vector.shape_cast %broadcast_in_dim3A_3 : vector<16xf32> to vector<1x16xf32>
      tpu.vector_store %arg16[%swap3A_138, %swap3A_139], %swap3A_142 {strides = array<i32>} : memref<64x128xf32, #tpu.memory_space<vmem>>, vector<1x16xf32>,
      %swap3A_143 = arith.index_cast %scan3A_107 : i32 to index
      %swap3A_144 = arith.constant 112 : index
      %swap3A_145 = tpu.vector_load %arg16[%swap3A_143, %swap3A_144] {strides = array<i32>} : memref<64x128xf32, #tpu.memory_space<vmem>>, vector<1x16xf32>,
      %swap3A_146 = vector.shape_cast %swap3A_145 : vector<1x16xf32> to vector<16xf32>
      %swap3A_147 = vector.shape_cast %broadcast_in_dim3A_3 : vector<16xf32> to vector<1x16xf32>
      tpu.vector_store %arg16[%swap3A_143, %swap3A_144], %swap3A_147 {strides = array<i32>} : memref<64x128xf32, #tpu.memory_space<vmem>>, vector<1x16xf32>,
      %scan3A_148 = arith.constant 0 : i32
      scf.yield %scan3A_148 : i32
    }
    %scan3A_33 = arith.constant 64 : i32
    %add3A_34 = arith.constant 0 : i32
    %add3A_35 = arith.addi %mul3A_2, %add3A_34 : i32
    "tpu.region"() ({
      %run_scoped3A = tpu.sem_alloc : memref<!tpu.dma_semaphore, #tpu.memory_space<semaphore_mem>>
      %dma_start3A = arith.constant 0 : i32
      %dma_start3A_107 = arith.constant 0 : i32
      %dma_start3A_108 = tpu.memref_slice %arg16[%dma_start3A, %dma_start3A_107] : memref<64x128xf32, #tpu.memory_space<vmem>> -> memref<64x128xf32, #tpu.memory_space<vmem>>
      %dma_start3A_109 = arith.constant 0 : i32
      %dma_start3A_110 = tpu.memref_slice %arg7[%add3A_35, %dma_start3A_109] : memref<10112x128xf32, #tpu.memory_space<vmem_shared>> -> memref<64x128xf32, #tpu.memory_space<vmem_shared>>
      %dma_start3A_111 = arith.constant 0 : i32
      %dma_start3A_112 = tpu.memref_slice %arg7[%add3A_35, %dma_start3A_111] : memref<10112x128xf32, #tpu.memory_space<vmem_shared>> -> memref<64x128xf32, #tpu.memory_space<vmem_shared>>
      %dma_start3A_113 = arith.constant 0 : i32
      %dma_start3A_114 = arith.constant 0 : i32
      %dma_start3A_115 = tpu.memref_slice %arg16[%dma_start3A_113, %dma_start3A_114] : memref<64x128xf32, #tpu.memory_space<vmem>> -> memref<64x128xf32, #tpu.memory_space<vmem>>
      tpu.enqueue_dma source(%dma_start3A_115 : memref<64x128xf32, #tpu.memory_space<vmem>>) target(%dma_start3A_112 : memref<64x128xf32, #tpu.memory_space<vmem_shared>>) target_semaphore(%run_scoped3A : memref<!tpu.dma_semaphore, #tpu.memory_space<semaphore_mem>>)
      %dma_wait3A_116 = arith.constant 0 : i32
      %dma_wait3A_117 = arith.constant 0 : i32
      %dma_wait3A_118 = tpu.memref_slice %arg16[%dma_wait3A_116, %dma_wait3A_117] : memref<64x128xf32, #tpu.memory_space<vmem>> -> memref<64x128xf32, #tpu.memory_space<vmem>>
      %dma_wait3A_119 = arith.constant 0 : i32
      %dma_wait3A_120 = tpu.memref_slice %arg7[%add3A_35, %dma_wait3A_119] : memref<10112x128xf32, #tpu.memory_space<vmem_shared>> -> memref<64x128xf32, #tpu.memory_space<vmem_shared>>
      %dma_wait3A_121 = arith.constant 0 : i32
      %dma_wait3A_122 = tpu.memref_slice %arg7[%add3A_35, %dma_wait3A_121] : memref<10112x128xf32, #tpu.memory_space<vmem_shared>> -> memref<64x128xf32, #tpu.memory_space<vmem_shared>>
      %dma_wait3A_123 = arith.constant 0 : i32
      %dma_wait3A_124 = arith.constant 0 : i32
      %dma_wait3A_125 = tpu.memref_slice %arg16[%dma_wait3A_123, %dma_wait3A_124] : memref<64x128xf32, #tpu.memory_space<vmem>> -> memref<64x128xf32, #tpu.memory_space<vmem>>
      tpu.wait_dma2 semaphore(%run_scoped3A : memref<!tpu.dma_semaphore, #tpu.memory_space<semaphore_mem>>) src(%dma_wait3A_125 : memref<64x128xf32, #tpu.memory_space<vmem>>) dst(%dma_wait3A_122 : memref<64x128xf32, #tpu.memory_space<vmem_shared>>)
      tpu.yield
    }) : () -> ()
    %add3A_36 = arith.constant 64 : i32
    %add3A_37 = arith.addi %mul3A_2, %add3A_36 : i32
    "tpu.region"() ({
      %run_scoped3A = tpu.sem_alloc : memref<!tpu.dma_semaphore, #tpu.memory_space<semaphore_mem>>
      %dma_start3A = arith.constant 0 : i32
      %dma_start3A_107 = arith.constant 0 : i32
      %dma_start3A_108 = tpu.memref_slice %arg16[%dma_start3A, %dma_start3A_107] : memref<64x128xf32, #tpu.memory_space<vmem>> -> memref<64x128xf32, #tpu.memory_space<vmem>>
      %dma_start3A_109 = arith.constant 0 : i32
      %dma_start3A_110 = tpu.memref_slice %arg7[%add3A_37, %dma_start3A_109] : memref<10112x128xf32, #tpu.memory_space<vmem_shared>> -> memref<64x128xf32, #tpu.memory_space<vmem_shared>>
      %dma_start3A_111 = arith.constant 0 : i32
      %dma_start3A_112 = tpu.memref_slice %arg7[%add3A_37, %dma_start3A_111] : memref<10112x128xf32, #tpu.memory_space<vmem_shared>> -> memref<64x128xf32, #tpu.memory_space<vmem_shared>>
      %dma_start3A_113 = arith.constant 0 : i32
      %dma_start3A_114 = arith.constant 0 : i32
      %dma_start3A_115 = tpu.memref_slice %arg16[%dma_start3A_113, %dma_start3A_114] : memref<64x128xf32, #tpu.memory_space<vmem>> -> memref<64x128xf32, #tpu.memory_space<vmem>>
      tpu.enqueue_dma source(%dma_start3A_115 : memref<64x128xf32, #tpu.memory_space<vmem>>) target(%dma_start3A_112 : memref<64x128xf32, #tpu.memory_space<vmem_shared>>) target_semaphore(%run_scoped3A : memref<!tpu.dma_semaphore, #tpu.memory_space<semaphore_mem>>)
      %dma_wait3A_116 = arith.constant 0 : i32
      %dma_wait3A_117 = arith.constant 0 : i32
      %dma_wait3A_118 = tpu.memref_slice %arg16[%dma_wait3A_116, %dma_wait3A_117] : memref<64x128xf32, #tpu.memory_space<vmem>> -> memref<64x128xf32, #tpu.memory_space<vmem>>
      %dma_wait3A_119 = arith.constant 0 : i32
      %dma_wait3A_120 = tpu.memref_slice %arg7[%add3A_37, %dma_wait3A_119] : memref<10112x128xf32, #tpu.memory_space<vmem_shared>> -> memref<64x128xf32, #tpu.memory_space<vmem_shared>>
      %dma_wait3A_121 = arith.constant 0 : i32
      %dma_wait3A_122 = tpu.memref_slice %arg7[%add3A_37, %dma_wait3A_121] : memref<10112x128xf32, #tpu.memory_space<vmem_shared>> -> memref<64x128xf32, #tpu.memory_space<vmem_shared>>
      %dma_wait3A_123 = arith.constant 0 : i32
      %dma_wait3A_124 = arith.constant 0 : i32
      %dma_wait3A_125 = tpu.memref_slice %arg16[%dma_wait3A_123, %dma_wait3A_124] : memref<64x128xf32, #tpu.memory_space<vmem>> -> memref<64x128xf32, #tpu.memory_space<vmem>>
      tpu.wait_dma2 semaphore(%run_scoped3A : memref<!tpu.dma_semaphore, #tpu.memory_space<semaphore_mem>>) src(%dma_wait3A_125 : memref<64x128xf32, #tpu.memory_space<vmem>>) dst(%dma_wait3A_122 : memref<64x128xf32, #tpu.memory_space<vmem_shared>>)
      tpu.yield
    }) : () -> ()
    %add3A_38 = arith.constant 128 : i32
    %add3A_39 = arith.addi %mul3A_2, %add3A_38 : i32
    "tpu.region"() ({
      %run_scoped3A = tpu.sem_alloc : memref<!tpu.dma_semaphore, #tpu.memory_space<semaphore_mem>>
      %dma_start3A = arith.constant 0 : i32
      %dma_start3A_107 = arith.constant 0 : i32
      %dma_start3A_108 = tpu.memref_slice %arg16[%dma_start3A, %dma_start3A_107] : memref<64x128xf32, #tpu.memory_space<vmem>> -> memref<64x128xf32, #tpu.memory_space<vmem>>
      %dma_start3A_109 = arith.constant 0 : i32
      %dma_start3A_110 = tpu.memref_slice %arg7[%add3A_39, %dma_start3A_109] : memref<10112x128xf32, #tpu.memory_space<vmem_shared>> -> memref<64x128xf32, #tpu.memory_space<vmem_shared>>
      %dma_start3A_111 = arith.constant 0 : i32
      %dma_start3A_112 = tpu.memref_slice %arg7[%add3A_39, %dma_start3A_111] : memref<10112x128xf32, #tpu.memory_space<vmem_shared>> -> memref<64x128xf32, #tpu.memory_space<vmem_shared>>
      %dma_start3A_113 = arith.constant 0 : i32
      %dma_start3A_114 = arith.constant 0 : i32
      %dma_start3A_115 = tpu.memref_slice %arg16[%dma_start3A_113, %dma_start3A_114] : memref<64x128xf32, #tpu.memory_space<vmem>> -> memref<64x128xf32, #tpu.memory_space<vmem>>
      tpu.enqueue_dma source(%dma_start3A_115 : memref<64x128xf32, #tpu.memory_space<vmem>>) target(%dma_start3A_112 : memref<64x128xf32, #tpu.memory_space<vmem_shared>>) target_semaphore(%run_scoped3A : memref<!tpu.dma_semaphore, #tpu.memory_space<semaphore_mem>>)
      %dma_wait3A_116 = arith.constant 0 : i32
      %dma_wait3A_117 = arith.constant 0 : i32
      %dma_wait3A_118 = tpu.memref_slice %arg16[%dma_wait3A_116, %dma_wait3A_117] : memref<64x128xf32, #tpu.memory_space<vmem>> -> memref<64x128xf32, #tpu.memory_space<vmem>>
      %dma_wait3A_119 = arith.constant 0 : i32
      %dma_wait3A_120 = tpu.memref_slice %arg7[%add3A_39, %dma_wait3A_119] : memref<10112x128xf32, #tpu.memory_space<vmem_shared>> -> memref<64x128xf32, #tpu.memory_space<vmem_shared>>
      %dma_wait3A_121 = arith.constant 0 : i32
      %dma_wait3A_122 = tpu.memref_slice %arg7[%add3A_39, %dma_wait3A_121] : memref<10112x128xf32, #tpu.memory_space<vmem_shared>> -> memref<64x128xf32, #tpu.memory_space<vmem_shared>>
      %dma_wait3A_123 = arith.constant 0 : i32
      %dma_wait3A_124 = arith.constant 0 : i32
      %dma_wait3A_125 = tpu.memref_slice %arg16[%dma_wait3A_123, %dma_wait3A_124] : memref<64x128xf32, #tpu.memory_space<vmem>> -> memref<64x128xf32, #tpu.memory_space<vmem>>
      tpu.wait_dma2 semaphore(%run_scoped3A : memref<!tpu.dma_semaphore, #tpu.memory_space<semaphore_mem>>) src(%dma_wait3A_125 : memref<64x128xf32, #tpu.memory_space<vmem>>) dst(%dma_wait3A_122 : memref<64x128xf32, #tpu.memory_space<vmem_shared>>)
      tpu.yield
    }) : () -> ()
    %add3A_40 = arith.constant 192 : i32
    %add3A_41 = arith.addi %mul3A_2, %add3A_40 : i32
    "tpu.region"() ({
      %run_scoped3A = tpu.sem_alloc : memref<!tpu.dma_semaphore, #tpu.memory_space<semaphore_mem>>
      %dma_start3A = arith.constant 0 : i32
      %dma_start3A_107 = arith.constant 0 : i32
      %dma_start3A_108 = tpu.memref_slice %arg16[%dma_start3A, %dma_start3A_107] : memref<64x128xf32, #tpu.memory_space<vmem>> -> memref<64x128xf32, #tpu.memory_space<vmem>>
      %dma_start3A_109 = arith.constant 0 : i32
      %dma_start3A_110 = tpu.memref_slice %arg7[%add3A_41, %dma_start3A_109] : memref<10112x128xf32, #tpu.memory_space<vmem_shared>> -> memref<64x128xf32, #tpu.memory_space<vmem_shared>>
      %dma_start3A_111 = arith.constant 0 : i32
      %dma_start3A_112 = tpu.memref_slice %arg7[%add3A_41, %dma_start3A_111] : memref<10112x128xf32, #tpu.memory_space<vmem_shared>> -> memref<64x128xf32, #tpu.memory_space<vmem_shared>>
      %dma_start3A_113 = arith.constant 0 : i32
      %dma_start3A_114 = arith.constant 0 : i32
      %dma_start3A_115 = tpu.memref_slice %arg16[%dma_start3A_113, %dma_start3A_114] : memref<64x128xf32, #tpu.memory_space<vmem>> -> memref<64x128xf32, #tpu.memory_space<vmem>>
      tpu.enqueue_dma source(%dma_start3A_115 : memref<64x128xf32, #tpu.memory_space<vmem>>) target(%dma_start3A_112 : memref<64x128xf32, #tpu.memory_space<vmem_shared>>) target_semaphore(%run_scoped3A : memref<!tpu.dma_semaphore, #tpu.memory_space<semaphore_mem>>)
      %dma_wait3A_116 = arith.constant 0 : i32
      %dma_wait3A_117 = arith.constant 0 : i32
      %dma_wait3A_118 = tpu.memref_slice %arg16[%dma_wait3A_116, %dma_wait3A_117] : memref<64x128xf32, #tpu.memory_space<vmem>> -> memref<64x128xf32, #tpu.memory_space<vmem>>
      %dma_wait3A_119 = arith.constant 0 : i32
      %dma_wait3A_120 = tpu.memref_slice %arg7[%add3A_41, %dma_wait3A_119] : memref<10112x128xf32, #tpu.memory_space<vmem_shared>> -> memref<64x128xf32, #tpu.memory_space<vmem_shared>>
      %dma_wait3A_121 = arith.constant 0 : i32
      %dma_wait3A_122 = tpu.memref_slice %arg7[%add3A_41, %dma_wait3A_121] : memref<10112x128xf32, #tpu.memory_space<vmem_shared>> -> memref<64x128xf32, #tpu.memory_space<vmem_shared>>
      %dma_wait3A_123 = arith.constant 0 : i32
      %dma_wait3A_124 = arith.constant 0 : i32
      %dma_wait3A_125 = tpu.memref_slice %arg16[%dma_wait3A_123, %dma_wait3A_124] : memref<64x128xf32, #tpu.memory_space<vmem>> -> memref<64x128xf32, #tpu.memory_space<vmem>>
      tpu.wait_dma2 semaphore(%run_scoped3A : memref<!tpu.dma_semaphore, #tpu.memory_space<semaphore_mem>>) src(%dma_wait3A_125 : memref<64x128xf32, #tpu.memory_space<vmem>>) dst(%dma_wait3A_122 : memref<64x128xf32, #tpu.memory_space<vmem_shared>>)
      tpu.yield
    }) : () -> ()
    %add3A_42 = arith.constant 256 : i32
    %add3A_43 = arith.addi %mul3A_2, %add3A_42 : i32
    "tpu.region"() ({
      %run_scoped3A = tpu.sem_alloc : memref<!tpu.dma_semaphore, #tpu.memory_space<semaphore_mem>>
      %dma_start3A = arith.constant 0 : i32
      %dma_start3A_107 = arith.constant 0 : i32
      %dma_start3A_108 = tpu.memref_slice %arg16[%dma_start3A, %dma_start3A_107] : memref<64x128xf32, #tpu.memory_space<vmem>> -> memref<64x128xf32, #tpu.memory_space<vmem>>
      %dma_start3A_109 = arith.constant 0 : i32
      %dma_start3A_110 = tpu.memref_slice %arg7[%add3A_43, %dma_start3A_109] : memref<10112x128xf32, #tpu.memory_space<vmem_shared>> -> memref<64x128xf32, #tpu.memory_space<vmem_shared>>
      %dma_start3A_111 = arith.constant 0 : i32
      %dma_start3A_112 = tpu.memref_slice %arg7[%add3A_43, %dma_start3A_111] : memref<10112x128xf32, #tpu.memory_space<vmem_shared>> -> memref<64x128xf32, #tpu.memory_space<vmem_shared>>
      %dma_start3A_113 = arith.constant 0 : i32
      %dma_start3A_114 = arith.constant 0 : i32
      %dma_start3A_115 = tpu.memref_slice %arg16[%dma_start3A_113, %dma_start3A_114] : memref<64x128xf32, #tpu.memory_space<vmem>> -> memref<64x128xf32, #tpu.memory_space<vmem>>
      tpu.enqueue_dma source(%dma_start3A_115 : memref<64x128xf32, #tpu.memory_space<vmem>>) target(%dma_start3A_112 : memref<64x128xf32, #tpu.memory_space<vmem_shared>>) target_semaphore(%run_scoped3A : memref<!tpu.dma_semaphore, #tpu.memory_space<semaphore_mem>>)
      %dma_wait3A_116 = arith.constant 0 : i32
      %dma_wait3A_117 = arith.constant 0 : i32
      %dma_wait3A_118 = tpu.memref_slice %arg16[%dma_wait3A_116, %dma_wait3A_117] : memref<64x128xf32, #tpu.memory_space<vmem>> -> memref<64x128xf32, #tpu.memory_space<vmem>>
      %dma_wait3A_119 = arith.constant 0 : i32
      %dma_wait3A_120 = tpu.memref_slice %arg7[%add3A_43, %dma_wait3A_119] : memref<10112x128xf32, #tpu.memory_space<vmem_shared>> -> memref<64x128xf32, #tpu.memory_space<vmem_shared>>
      %dma_wait3A_121 = arith.constant 0 : i32
      %dma_wait3A_122 = tpu.memref_slice %arg7[%add3A_43, %dma_wait3A_121] : memref<10112x128xf32, #tpu.memory_space<vmem_shared>> -> memref<64x128xf32, #tpu.memory_space<vmem_shared>>
      %dma_wait3A_123 = arith.constant 0 : i32
      %dma_wait3A_124 = arith.constant 0 : i32
      %dma_wait3A_125 = tpu.memref_slice %arg16[%dma_wait3A_123, %dma_wait3A_124] : memref<64x128xf32, #tpu.memory_space<vmem>> -> memref<64x128xf32, #tpu.memory_space<vmem>>
      tpu.wait_dma2 semaphore(%run_scoped3A : memref<!tpu.dma_semaphore, #tpu.memory_space<semaphore_mem>>) src(%dma_wait3A_125 : memref<64x128xf32, #tpu.memory_space<vmem>>) dst(%dma_wait3A_122 : memref<64x128xf32, #tpu.memory_space<vmem_shared>>)
      tpu.yield
    }) : () -> ()
    %add3A_44 = arith.constant 320 : i32
    %add3A_45 = arith.addi %mul3A_2, %add3A_44 : i32
    "tpu.region"() ({
      %run_scoped3A = tpu.sem_alloc : memref<!tpu.dma_semaphore, #tpu.memory_space<semaphore_mem>>
      %dma_start3A = arith.constant 0 : i32
      %dma_start3A_107 = arith.constant 0 : i32
      %dma_start3A_108 = tpu.memref_slice %arg16[%dma_start3A, %dma_start3A_107] : memref<64x128xf32, #tpu.memory_space<vmem>> -> memref<64x128xf32, #tpu.memory_space<vmem>>
      %dma_start3A_109 = arith.constant 0 : i32
      %dma_start3A_110 = tpu.memref_slice %arg7[%add3A_45, %dma_start3A_109] : memref<10112x128xf32, #tpu.memory_space<vmem_shared>> -> memref<64x128xf32, #tpu.memory_space<vmem_shared>>
      %dma_start3A_111 = arith.constant 0 : i32
      %dma_start3A_112 = tpu.memref_slice %arg7[%add3A_45, %dma_start3A_111] : memref<10112x128xf32, #tpu.memory_space<vmem_shared>> -> memref<64x128xf32, #tpu.memory_space<vmem_shared>>
      %dma_start3A_113 = arith.constant 0 : i32
      %dma_start3A_114 = arith.constant 0 : i32
      %dma_start3A_115 = tpu.memref_slice %arg16[%dma_start3A_113, %dma_start3A_114] : memref<64x128xf32, #tpu.memory_space<vmem>> -> memref<64x128xf32, #tpu.memory_space<vmem>>
      tpu.enqueue_dma source(%dma_start3A_115 : memref<64x128xf32, #tpu.memory_space<vmem>>) target(%dma_start3A_112 : memref<64x128xf32, #tpu.memory_space<vmem_shared>>) target_semaphore(%run_scoped3A : memref<!tpu.dma_semaphore, #tpu.memory_space<semaphore_mem>>)
      %dma_wait3A_116 = arith.constant 0 : i32
      %dma_wait3A_117 = arith.constant 0 : i32
      %dma_wait3A_118 = tpu.memref_slice %arg16[%dma_wait3A_116, %dma_wait3A_117] : memref<64x128xf32, #tpu.memory_space<vmem>> -> memref<64x128xf32, #tpu.memory_space<vmem>>
      %dma_wait3A_119 = arith.constant 0 : i32
      %dma_wait3A_120 = tpu.memref_slice %arg7[%add3A_45, %dma_wait3A_119] : memref<10112x128xf32, #tpu.memory_space<vmem_shared>> -> memref<64x128xf32, #tpu.memory_space<vmem_shared>>
      %dma_wait3A_121 = arith.constant 0 : i32
      %dma_wait3A_122 = tpu.memref_slice %arg7[%add3A_45, %dma_wait3A_121] : memref<10112x128xf32, #tpu.memory_space<vmem_shared>> -> memref<64x128xf32, #tpu.memory_space<vmem_shared>>
      %dma_wait3A_123 = arith.constant 0 : i32
      %dma_wait3A_124 = arith.constant 0 : i32
      %dma_wait3A_125 = tpu.memref_slice %arg16[%dma_wait3A_123, %dma_wait3A_124] : memref<64x128xf32, #tpu.memory_space<vmem>> -> memref<64x128xf32, #tpu.memory_space<vmem>>
      tpu.wait_dma2 semaphore(%run_scoped3A : memref<!tpu.dma_semaphore, #tpu.memory_space<semaphore_mem>>) src(%dma_wait3A_125 : memref<64x128xf32, #tpu.memory_space<vmem>>) dst(%dma_wait3A_122 : memref<64x128xf32, #tpu.memory_space<vmem_shared>>)
      tpu.yield
    }) : () -> ()
    %add3A_46 = arith.constant 384 : i32
    %add3A_47 = arith.addi %mul3A_2, %add3A_46 : i32
    "tpu.region"() ({
      %run_scoped3A = tpu.sem_alloc : memref<!tpu.dma_semaphore, #tpu.memory_space<semaphore_mem>>
      %dma_start3A = arith.constant 0 : i32
      %dma_start3A_107 = arith.constant 0 : i32
      %dma_start3A_108 = tpu.memref_slice %arg16[%dma_start3A, %dma_start3A_107] : memref<64x128xf32, #tpu.memory_space<vmem>> -> memref<64x128xf32, #tpu.memory_space<vmem>>
      %dma_start3A_109 = arith.constant 0 : i32
      %dma_start3A_110 = tpu.memref_slice %arg7[%add3A_47, %dma_start3A_109] : memref<10112x128xf32, #tpu.memory_space<vmem_shared>> -> memref<64x128xf32, #tpu.memory_space<vmem_shared>>
      %dma_start3A_111 = arith.constant 0 : i32
      %dma_start3A_112 = tpu.memref_slice %arg7[%add3A_47, %dma_start3A_111] : memref<10112x128xf32, #tpu.memory_space<vmem_shared>> -> memref<64x128xf32, #tpu.memory_space<vmem_shared>>
      %dma_start3A_113 = arith.constant 0 : i32
      %dma_start3A_114 = arith.constant 0 : i32
      %dma_start3A_115 = tpu.memref_slice %arg16[%dma_start3A_113, %dma_start3A_114] : memref<64x128xf32, #tpu.memory_space<vmem>> -> memref<64x128xf32, #tpu.memory_space<vmem>>
      tpu.enqueue_dma source(%dma_start3A_115 : memref<64x128xf32, #tpu.memory_space<vmem>>) target(%dma_start3A_112 : memref<64x128xf32, #tpu.memory_space<vmem_shared>>) target_semaphore(%run_scoped3A : memref<!tpu.dma_semaphore, #tpu.memory_space<semaphore_mem>>)
      %dma_wait3A_116 = arith.constant 0 : i32
      %dma_wait3A_117 = arith.constant 0 : i32
      %dma_wait3A_118 = tpu.memref_slice %arg16[%dma_wait3A_116, %dma_wait3A_117] : memref<64x128xf32, #tpu.memory_space<vmem>> -> memref<64x128xf32, #tpu.memory_space<vmem>>
      %dma_wait3A_119 = arith.constant 0 : i32
      %dma_wait3A_120 = tpu.memref_slice %arg7[%add3A_47, %dma_wait3A_119] : memref<10112x128xf32, #tpu.memory_space<vmem_shared>> -> memref<64x128xf32, #tpu.memory_space<vmem_shared>>
      %dma_wait3A_121 = arith.constant 0 : i32
      %dma_wait3A_122 = tpu.memref_slice %arg7[%add3A_47, %dma_wait3A_121] : memref<10112x128xf32, #tpu.memory_space<vmem_shared>> -> memref<64x128xf32, #tpu.memory_space<vmem_shared>>
      %dma_wait3A_123 = arith.constant 0 : i32
      %dma_wait3A_124 = arith.constant 0 : i32
      %dma_wait3A_125 = tpu.memref_slice %arg16[%dma_wait3A_123, %dma_wait3A_124] : memref<64x128xf32, #tpu.memory_space<vmem>> -> memref<64x128xf32, #tpu.memory_space<vmem>>
      tpu.wait_dma2 semaphore(%run_scoped3A : memref<!tpu.dma_semaphore, #tpu.memory_space<semaphore_mem>>) src(%dma_wait3A_125 : memref<64x128xf32, #tpu.memory_space<vmem>>) dst(%dma_wait3A_122 : memref<64x128xf32, #tpu.memory_space<vmem_shared>>)
      tpu.yield
    }) : () -> ()
    %add3A_48 = arith.constant 448 : i32
    %add3A_49 = arith.addi %mul3A_2, %add3A_48 : i32
    "tpu.region"() ({
      %run_scoped3A = tpu.sem_alloc : memref<!tpu.dma_semaphore, #tpu.memory_space<semaphore_mem>>
      %dma_start3A = arith.constant 0 : i32
      %dma_start3A_107 = arith.constant 0 : i32
      %dma_start3A_108 = tpu.memref_slice %arg16[%dma_start3A, %dma_start3A_107] : memref<64x128xf32, #tpu.memory_space<vmem>> -> memref<64x128xf32, #tpu.memory_space<vmem>>
      %dma_start3A_109 = arith.constant 0 : i32
      %dma_start3A_110 = tpu.memref_slice %arg7[%add3A_49, %dma_start3A_109] : memref<10112x128xf32, #tpu.memory_space<vmem_shared>> -> memref<64x128xf32, #tpu.memory_space<vmem_shared>>
      %dma_start3A_111 = arith.constant 0 : i32
      %dma_start3A_112 = tpu.memref_slice %arg7[%add3A_49, %dma_start3A_111] : memref<10112x128xf32, #tpu.memory_space<vmem_shared>> -> memref<64x128xf32, #tpu.memory_space<vmem_shared>>
      %dma_start3A_113 = arith.constant 0 : i32
      %dma_start3A_114 = arith.constant 0 : i32
      %dma_start3A_115 = tpu.memref_slice %arg16[%dma_start3A_113, %dma_start3A_114] : memref<64x128xf32, #tpu.memory_space<vmem>> -> memref<64x128xf32, #tpu.memory_space<vmem>>
      tpu.enqueue_dma source(%dma_start3A_115 : memref<64x128xf32, #tpu.memory_space<vmem>>) target(%dma_start3A_112 : memref<64x128xf32, #tpu.memory_space<vmem_shared>>) target_semaphore(%run_scoped3A : memref<!tpu.dma_semaphore, #tpu.memory_space<semaphore_mem>>)
      %dma_wait3A_116 = arith.constant 0 : i32
      %dma_wait3A_117 = arith.constant 0 : i32
      %dma_wait3A_118 = tpu.memref_slice %arg16[%dma_wait3A_116, %dma_wait3A_117] : memref<64x128xf32, #tpu.memory_space<vmem>> -> memref<64x128xf32, #tpu.memory_space<vmem>>
      %dma_wait3A_119 = arith.constant 0 : i32
      %dma_wait3A_120 = tpu.memref_slice %arg7[%add3A_49, %dma_wait3A_119] : memref<10112x128xf32, #tpu.memory_space<vmem_shared>> -> memref<64x128xf32, #tpu.memory_space<vmem_shared>>
      %dma_wait3A_121 = arith.constant 0 : i32
      %dma_wait3A_122 = tpu.memref_slice %arg7[%add3A_49, %dma_wait3A_121] : memref<10112x128xf32, #tpu.memory_space<vmem_shared>> -> memref<64x128xf32, #tpu.memory_space<vmem_shared>>
      %dma_wait3A_123 = arith.constant 0 : i32
      %dma_wait3A_124 = arith.constant 0 : i32
      %dma_wait3A_125 = tpu.memref_slice %arg16[%dma_wait3A_123, %dma_wait3A_124] : memref<64x128xf32, #tpu.memory_space<vmem>> -> memref<64x128xf32, #tpu.memory_space<vmem>>
      tpu.wait_dma2 semaphore(%run_scoped3A : memref<!tpu.dma_semaphore, #tpu.memory_space<semaphore_mem>>) src(%dma_wait3A_125 : memref<64x128xf32, #tpu.memory_space<vmem>>) dst(%dma_wait3A_122 : memref<64x128xf32, #tpu.memory_space<vmem_shared>>)
      tpu.yield
    }) : () -> ()
    %add3A_50 = arith.constant 512 : i32
    %add3A_51 = arith.addi %mul3A_2, %add3A_50 : i32
    "tpu.region"() ({
      %run_scoped3A = tpu.sem_alloc : memref<!tpu.dma_semaphore, #tpu.memory_space<semaphore_mem>>
      %dma_start3A = arith.constant 0 : i32
      %dma_start3A_107 = arith.constant 0 : i32
      %dma_start3A_108 = tpu.memref_slice %arg16[%dma_start3A, %dma_start3A_107] : memref<64x128xf32, #tpu.memory_space<vmem>> -> memref<64x128xf32, #tpu.memory_space<vmem>>
      %dma_start3A_109 = arith.constant 0 : i32
      %dma_start3A_110 = tpu.memref_slice %arg7[%add3A_51, %dma_start3A_109] : memref<10112x128xf32, #tpu.memory_space<vmem_shared>> -> memref<64x128xf32, #tpu.memory_space<vmem_shared>>
      %dma_start3A_111 = arith.constant 0 : i32
      %dma_start3A_112 = tpu.memref_slice %arg7[%add3A_51, %dma_start3A_111] : memref<10112x128xf32, #tpu.memory_space<vmem_shared>> -> memref<64x128xf32, #tpu.memory_space<vmem_shared>>
      %dma_start3A_113 = arith.constant 0 : i32
      %dma_start3A_114 = arith.constant 0 : i32
      %dma_start3A_115 = tpu.memref_slice %arg16[%dma_start3A_113, %dma_start3A_114] : memref<64x128xf32, #tpu.memory_space<vmem>> -> memref<64x128xf32, #tpu.memory_space<vmem>>
      tpu.enqueue_dma source(%dma_start3A_115 : memref<64x128xf32, #tpu.memory_space<vmem>>) target(%dma_start3A_112 : memref<64x128xf32, #tpu.memory_space<vmem_shared>>) target_semaphore(%run_scoped3A : memref<!tpu.dma_semaphore, #tpu.memory_space<semaphore_mem>>)
      %dma_wait3A_116 = arith.constant 0 : i32
      %dma_wait3A_117 = arith.constant 0 : i32
      %dma_wait3A_118 = tpu.memref_slice %arg16[%dma_wait3A_116, %dma_wait3A_117] : memref<64x128xf32, #tpu.memory_space<vmem>> -> memref<64x128xf32, #tpu.memory_space<vmem>>
      %dma_wait3A_119 = arith.constant 0 : i32
      %dma_wait3A_120 = tpu.memref_slice %arg7[%add3A_51, %dma_wait3A_119] : memref<10112x128xf32, #tpu.memory_space<vmem_shared>> -> memref<64x128xf32, #tpu.memory_space<vmem_shared>>
      %dma_wait3A_121 = arith.constant 0 : i32
      %dma_wait3A_122 = tpu.memref_slice %arg7[%add3A_51, %dma_wait3A_121] : memref<10112x128xf32, #tpu.memory_space<vmem_shared>> -> memref<64x128xf32, #tpu.memory_space<vmem_shared>>
      %dma_wait3A_123 = arith.constant 0 : i32
      %dma_wait3A_124 = arith.constant 0 : i32
      %dma_wait3A_125 = tpu.memref_slice %arg16[%dma_wait3A_123, %dma_wait3A_124] : memref<64x128xf32, #tpu.memory_space<vmem>> -> memref<64x128xf32, #tpu.memory_space<vmem>>
      tpu.wait_dma2 semaphore(%run_scoped3A : memref<!tpu.dma_semaphore, #tpu.memory_space<semaphore_mem>>) src(%dma_wait3A_125 : memref<64x128xf32, #tpu.memory_space<vmem>>) dst(%dma_wait3A_122 : memref<64x128xf32, #tpu.memory_space<vmem_shared>>)
      tpu.yield
    }) : () -> ()
    %add3A_52 = arith.constant 576 : i32
    %add3A_53 = arith.addi %mul3A_2, %add3A_52 : i32
    "tpu.region"() ({
      %run_scoped3A = tpu.sem_alloc : memref<!tpu.dma_semaphore, #tpu.memory_space<semaphore_mem>>
      %dma_start3A = arith.constant 0 : i32
      %dma_start3A_107 = arith.constant 0 : i32
      %dma_start3A_108 = tpu.memref_slice %arg16[%dma_start3A, %dma_start3A_107] : memref<64x128xf32, #tpu.memory_space<vmem>> -> memref<56x128xf32, #tpu.memory_space<vmem>>
      %dma_start3A_109 = arith.constant 0 : i32
      %dma_start3A_110 = tpu.memref_slice %arg7[%add3A_53, %dma_start3A_109] : memref<10112x128xf32, #tpu.memory_space<vmem_shared>> -> memref<56x128xf32, #tpu.memory_space<vmem_shared>>
      %dma_start3A_111 = arith.constant 0 : i32
      %dma_start3A_112 = tpu.memref_slice %arg7[%add3A_53, %dma_start3A_111] : memref<10112x128xf32, #tpu.memory_space<vmem_shared>> -> memref<56x128xf32, #tpu.memory_space<vmem_shared>>
      %dma_start3A_113 = arith.constant 0 : i32
      %dma_start3A_114 = arith.constant 0 : i32
      %dma_start3A_115 = tpu.memref_slice %arg16[%dma_start3A_113, %dma_start3A_114] : memref<64x128xf32, #tpu.memory_space<vmem>> -> memref<56x128xf32, #tpu.memory_space<vmem>>
      tpu.enqueue_dma source(%dma_start3A_115 : memref<56x128xf32, #tpu.memory_space<vmem>>) target(%dma_start3A_112 : memref<56x128xf32, #tpu.memory_space<vmem_shared>>) target_semaphore(%run_scoped3A : memref<!tpu.dma_semaphore, #tpu.memory_space<semaphore_mem>>)
      %dma_wait3A_116 = arith.constant 0 : i32
      %dma_wait3A_117 = arith.constant 0 : i32
      %dma_wait3A_118 = tpu.memref_slice %arg16[%dma_wait3A_116, %dma_wait3A_117] : memref<64x128xf32, #tpu.memory_space<vmem>> -> memref<56x128xf32, #tpu.memory_space<vmem>>
      %dma_wait3A_119 = arith.constant 0 : i32
      %dma_wait3A_120 = tpu.memref_slice %arg7[%add3A_53, %dma_wait3A_119] : memref<10112x128xf32, #tpu.memory_space<vmem_shared>> -> memref<56x128xf32, #tpu.memory_space<vmem_shared>>
      %dma_wait3A_121 = arith.constant 0 : i32
      %dma_wait3A_122 = tpu.memref_slice %arg7[%add3A_53, %dma_wait3A_121] : memref<10112x128xf32, #tpu.memory_space<vmem_shared>> -> memref<56x128xf32, #tpu.memory_space<vmem_shared>>
      %dma_wait3A_123 = arith.constant 0 : i32
      %dma_wait3A_124 = arith.constant 0 : i32
      %dma_wait3A_125 = tpu.memref_slice %arg16[%dma_wait3A_123, %dma_wait3A_124] : memref<64x128xf32, #tpu.memory_space<vmem>> -> memref<56x128xf32, #tpu.memory_space<vmem>>
      tpu.wait_dma2 semaphore(%run_scoped3A : memref<!tpu.dma_semaphore, #tpu.memory_space<semaphore_mem>>) src(%dma_wait3A_125 : memref<56x128xf32, #tpu.memory_space<vmem>>) dst(%dma_wait3A_122 : memref<56x128xf32, #tpu.memory_space<vmem_shared>>)
      tpu.yield
    }) : () -> ()
    %barrier3A = arith.constant 0 : index
    tpu.barrier barrier_id(%barrier3A)
    %scan3A_54 = arith.constant 0 : i32
    %scan3A_55 = arith.constant 0 : i32
    %scan3A_56 = arith.constant 40 : i32
    %scan3A_57 = arith.addi %scan3A_55, %scan3A_56 : i32
    %scan3A_58 = arith.constant 1 : i32
    %scan3A_59 = scf.for %scan3A_107 = %scan3A_55 to %scan3A_57 step %scan3A_58 iter_args(%scan3A_108 = %scan3A_54) -> (i32)  : i32 {
      %mul3A_109 = arith.constant 2 : i32
      %mul3A_110 = arith.muli %mul3A_109, %scan3A_107 : i32
      %add3A_111 = arith.constant 0 : i32
      %add3A_112 = arith.addi %mul3A_110, %add3A_111 : i32
      %add3A_113 = arith.constant 1 : i32
      %add3A_114 = arith.addi %add3A_112, %add3A_113 : i32
      %mul3A_115 = arith.constant 32 : i32
      %mul3A_116 = arith.muli %add3A_114, %mul3A_115 : i32
      %add3A_117 = arith.addi %mul3A_116, %add3A : i32
      %lt3A_118 = arith.constant 2500 : i32
      %lt3A_119 = arith.cmpi slt, %add3A_117, %lt3A_118 : i32
      %ge3A = arith.constant 2 : i32
      %ge3A_120 = arith.cmpi sge, %add3A_114, %ge3A : i32
      %and3A_121 = arith.andi %lt3A_119, %ge3A_120 : i1
      %convert_element_type3A_122 = arith.extui %and3A_121 : i1 to i32
      %cond3A_123 = arith.constant 0 : i32
      %cond3A_124 = arith.cmpi ne, %convert_element_type3A_122, %cond3A_123 : i32
      scf.if %cond3A_124 {
        %dma_wait3A_189 = arith.constant 0 : i32
        %dma_wait3A_190 = arith.constant 0 : i32
        %dma_wait3A_191 = tpu.memref_slice %arg7[%dma_wait3A_189, %dma_wait3A_190] : memref<10112x128xf32, #tpu.memory_space<vmem_shared>> -> memref<10112x128xf32, #tpu.memory_space<vmem_shared>>
        tpu.wait_indirect_dma semaphore(%arg27 : memref<!tpu.dma_semaphore, #tpu.memory_space<semaphore_mem>>) src(%arg16 : memref<64x128xf32, #tpu.memory_space<vmem>>) dst(%dma_wait3A_191 : memref<10112x128xf32, #tpu.memory_space<vmem_shared>>)
      } else {
      }
      %lt3A_125 = arith.constant 2500 : i32
      %lt3A_126 = arith.cmpi slt, %add3A_117, %lt3A_125 : i32
      %convert_element_type3A_127 = arith.extui %lt3A_126 : i1 to i32
      %cond3A_128 = arith.constant 0 : i32
      %cond3A_129 = arith.cmpi ne, %convert_element_type3A_127, %cond3A_128 : i32
      scf.if %cond3A_129 {
        %dma_wait3A_189 = arith.constant 0 : i32
        %dma_wait3A_190 = tpu.memref_slice %arg5[%dma_wait3A_189] : memref<160000xi32, #tpu.memory_space<hbm>> -> memref<64xi32, #tpu.memory_space<hbm>>
        %dma_wait3A_191 = arith.constant 0 : i32
        %dma_wait3A_192 = tpu.memref_slice %arg5[%dma_wait3A_191] : memref<160000xi32, #tpu.memory_space<hbm>> -> memref<64xi32, #tpu.memory_space<hbm>>
        tpu.wait_dma2 semaphore(%arg23 : memref<!tpu.dma_semaphore, #tpu.memory_space<semaphore_mem>>) src(%dma_wait3A_192 : memref<64xi32, #tpu.memory_space<hbm>>) dst(%arg13 : memref<64xi32, #tpu.memory_space<vmem>>)
        %dma_wait3A_193 = arith.constant 0 : i32
        %dma_wait3A_194 = tpu.memref_slice %arg5[%dma_wait3A_193] : memref<160000xi32, #tpu.memory_space<hbm>> -> memref<64xi32, #tpu.memory_space<hbm>>
        %dma_wait3A_195 = arith.constant 0 : i32
        %dma_wait3A_196 = tpu.memref_slice %arg5[%dma_wait3A_195] : memref<160000xi32, #tpu.memory_space<hbm>> -> memref<64xi32, #tpu.memory_space<hbm>>
        tpu.wait_dma2 semaphore(%arg23 : memref<!tpu.dma_semaphore, #tpu.memory_space<semaphore_mem>>) src(%dma_wait3A_196 : memref<64xi32, #tpu.memory_space<hbm>>) dst(%arg14 : memref<64xi32, #tpu.memory_space<vmem>>)
        %dma_wait3A_197 = arith.constant 0 : i32
        %dma_wait3A_198 = tpu.memref_slice %arg5[%dma_wait3A_197] : memref<160000xi32, #tpu.memory_space<hbm>> -> memref<64xi32, #tpu.memory_space<hbm>>
        %dma_wait3A_199 = arith.constant 0 : i32
        %dma_wait3A_200 = tpu.memref_slice %arg5[%dma_wait3A_199] : memref<160000xi32, #tpu.memory_space<hbm>> -> memref<64xi32, #tpu.memory_space<hbm>>
        tpu.wait_dma2 semaphore(%arg23 : memref<!tpu.dma_semaphore, #tpu.memory_space<semaphore_mem>>) src(%dma_wait3A_200 : memref<64xi32, #tpu.memory_space<hbm>>) dst(%arg15 : memref<64xi32, #tpu.memory_space<vmem>>)
        %get3A = arith.constant 0 : index
        %get3A_201 = tpu.vector_load %arg15[%get3A] {strides = array<i32>} : memref<64xi32, #tpu.memory_space<vmem>>, vector<16xi32>,
        %get3A_202 = vector.shape_cast %get3A_201 : vector<16xi32> to vector<16xi32>
        %mul3A_203 = arith.constant 10000 : i32
        %mul3A_204 = vector.broadcast %mul3A_203 : i32 to vector<16xi32>
        %mul3A_205 = arith.muli %get3A_202, %mul3A_204 : vector<16xi32>
        %get3A_206 = arith.constant 0 : index
        %get3A_207 = tpu.vector_load %arg13[%get3A_206] {strides = array<i32>} : memref<64xi32, #tpu.memory_space<vmem>>, vector<16xi32>,
        %get3A_208 = vector.shape_cast %get3A_207 : vector<16xi32> to vector<16xi32>
        %add3A_209 = arith.addi %mul3A_205, %get3A_208 : vector<16xi32>
        %swap3A = arith.constant 0 : index
        %swap3A_210 = tpu.vector_load %arg13[%swap3A] {strides = array<i32>} : memref<64xi32, #tpu.memory_space<vmem>>, vector<16xi32>,
        %swap3A_211 = vector.shape_cast %swap3A_210 : vector<16xi32> to vector<16xi32>
        %swap3A_212 = vector.shape_cast %add3A_209 : vector<16xi32> to vector<16xi32>
        tpu.vector_store %arg13[%swap3A], %swap3A_212 {strides = array<i32>} : memref<64xi32, #tpu.memory_space<vmem>>, vector<16xi32>,
        %get3A_213 = arith.constant 0 : index
        %get3A_214 = tpu.vector_load %arg14[%get3A_213] {strides = array<i32>} : memref<64xi32, #tpu.memory_space<vmem>>, vector<16xi32>,
        %get3A_215 = vector.shape_cast %get3A_214 : vector<16xi32> to vector<16xi32>
        %add3A_216 = arith.addi %mul3A_205, %get3A_215 : vector<16xi32>
        %swap3A_217 = arith.constant 0 : index
        %swap3A_218 = tpu.vector_load %arg15[%swap3A_217] {strides = array<i32>} : memref<64xi32, #tpu.memory_space<vmem>>, vector<16xi32>,
        %swap3A_219 = vector.shape_cast %swap3A_218 : vector<16xi32> to vector<16xi32>
        %swap3A_220 = vector.shape_cast %add3A_216 : vector<16xi32> to vector<16xi32>
        tpu.vector_store %arg15[%swap3A_217], %swap3A_220 {strides = array<i32>} : memref<64xi32, #tpu.memory_space<vmem>>, vector<16xi32>,
        %get3A_221 = arith.constant 16 : index
        %get3A_222 = tpu.vector_load %arg15[%get3A_221] {strides = array<i32>} : memref<64xi32, #tpu.memory_space<vmem>>, vector<16xi32>,
        %get3A_223 = vector.shape_cast %get3A_222 : vector<16xi32> to vector<16xi32>
        %mul3A_224 = arith.constant 10000 : i32
        %mul3A_225 = vector.broadcast %mul3A_224 : i32 to vector<16xi32>
        %mul3A_226 = arith.muli %get3A_223, %mul3A_225 : vector<16xi32>
        %get3A_227 = arith.constant 16 : index
        %get3A_228 = tpu.vector_load %arg13[%get3A_227] {strides = array<i32>} : memref<64xi32, #tpu.memory_space<vmem>>, vector<16xi32>,
        %get3A_229 = vector.shape_cast %get3A_228 : vector<16xi32> to vector<16xi32>
        %add3A_230 = arith.addi %mul3A_226, %get3A_229 : vector<16xi32>
        %swap3A_231 = arith.constant 16 : index
        %swap3A_232 = tpu.vector_load %arg13[%swap3A_231] {strides = array<i32>} : memref<64xi32, #tpu.memory_space<vmem>>, vector<16xi32>,
        %swap3A_233 = vector.shape_cast %swap3A_232 : vector<16xi32> to vector<16xi32>
        %swap3A_234 = vector.shape_cast %add3A_230 : vector<16xi32> to vector<16xi32>
        tpu.vector_store %arg13[%swap3A_231], %swap3A_234 {strides = array<i32>} : memref<64xi32, #tpu.memory_space<vmem>>, vector<16xi32>,
        %get3A_235 = arith.constant 16 : index
        %get3A_236 = tpu.vector_load %arg14[%get3A_235] {strides = array<i32>} : memref<64xi32, #tpu.memory_space<vmem>>, vector<16xi32>,
        %get3A_237 = vector.shape_cast %get3A_236 : vector<16xi32> to vector<16xi32>
        %add3A_238 = arith.addi %mul3A_226, %get3A_237 : vector<16xi32>
        %swap3A_239 = arith.constant 16 : index
        %swap3A_240 = tpu.vector_load %arg15[%swap3A_239] {strides = array<i32>} : memref<64xi32, #tpu.memory_space<vmem>>, vector<16xi32>,
        %swap3A_241 = vector.shape_cast %swap3A_240 : vector<16xi32> to vector<16xi32>
        %swap3A_242 = vector.shape_cast %add3A_238 : vector<16xi32> to vector<16xi32>
        tpu.vector_store %arg15[%swap3A_239], %swap3A_242 {strides = array<i32>} : memref<64xi32, #tpu.memory_space<vmem>>, vector<16xi32>,
        %get3A_243 = arith.constant 32 : index
        %get3A_244 = tpu.vector_load %arg15[%get3A_243] {strides = array<i32>} : memref<64xi32, #tpu.memory_space<vmem>>, vector<16xi32>,
        %get3A_245 = vector.shape_cast %get3A_244 : vector<16xi32> to vector<16xi32>
        %mul3A_246 = arith.constant 10000 : i32
        %mul3A_247 = vector.broadcast %mul3A_246 : i32 to vector<16xi32>
        %mul3A_248 = arith.muli %get3A_245, %mul3A_247 : vector<16xi32>
        %get3A_249 = arith.constant 32 : index
        %get3A_250 = tpu.vector_load %arg13[%get3A_249] {strides = array<i32>} : memref<64xi32, #tpu.memory_space<vmem>>, vector<16xi32>,
        %get3A_251 = vector.shape_cast %get3A_250 : vector<16xi32> to vector<16xi32>
        %add3A_252 = arith.addi %mul3A_248, %get3A_251 : vector<16xi32>
        %swap3A_253 = arith.constant 32 : index
        %swap3A_254 = tpu.vector_load %arg13[%swap3A_253] {strides = array<i32>} : memref<64xi32, #tpu.memory_space<vmem>>, vector<16xi32>,
        %swap3A_255 = vector.shape_cast %swap3A_254 : vector<16xi32> to vector<16xi32>
        %swap3A_256 = vector.shape_cast %add3A_252 : vector<16xi32> to vector<16xi32>
        tpu.vector_store %arg13[%swap3A_253], %swap3A_256 {strides = array<i32>} : memref<64xi32, #tpu.memory_space<vmem>>, vector<16xi32>,
        %get3A_257 = arith.constant 32 : index
        %get3A_258 = tpu.vector_load %arg14[%get3A_257] {strides = array<i32>} : memref<64xi32, #tpu.memory_space<vmem>>, vector<16xi32>,
        %get3A_259 = vector.shape_cast %get3A_258 : vector<16xi32> to vector<16xi32>
        %add3A_260 = arith.addi %mul3A_248, %get3A_259 : vector<16xi32>
        %swap3A_261 = arith.constant 32 : index
        %swap3A_262 = tpu.vector_load %arg15[%swap3A_261] {strides = array<i32>} : memref<64xi32, #tpu.memory_space<vmem>>, vector<16xi32>,
        %swap3A_263 = vector.shape_cast %swap3A_262 : vector<16xi32> to vector<16xi32>
        %swap3A_264 = vector.shape_cast %add3A_260 : vector<16xi32> to vector<16xi32>
        tpu.vector_store %arg15[%swap3A_261], %swap3A_264 {strides = array<i32>} : memref<64xi32, #tpu.memory_space<vmem>>, vector<16xi32>,
        %get3A_265 = arith.constant 48 : index
        %get3A_266 = tpu.vector_load %arg15[%get3A_265] {strides = array<i32>} : memref<64xi32, #tpu.memory_space<vmem>>, vector<16xi32>,
        %get3A_267 = vector.shape_cast %get3A_266 : vector<16xi32> to vector<16xi32>
        %mul3A_268 = arith.constant 10000 : i32
        %mul3A_269 = vector.broadcast %mul3A_268 : i32 to vector<16xi32>
        %mul3A_270 = arith.muli %get3A_267, %mul3A_269 : vector<16xi32>
        %get3A_271 = arith.constant 48 : index
        %get3A_272 = tpu.vector_load %arg13[%get3A_271] {strides = array<i32>} : memref<64xi32, #tpu.memory_space<vmem>>, vector<16xi32>,
        %get3A_273 = vector.shape_cast %get3A_272 : vector<16xi32> to vector<16xi32>
        %add3A_274 = arith.addi %mul3A_270, %get3A_273 : vector<16xi32>
        %swap3A_275 = arith.constant 48 : index
        %swap3A_276 = tpu.vector_load %arg13[%swap3A_275] {strides = array<i32>} : memref<64xi32, #tpu.memory_space<vmem>>, vector<16xi32>,
        %swap3A_277 = vector.shape_cast %swap3A_276 : vector<16xi32> to vector<16xi32>
        %swap3A_278 = vector.shape_cast %add3A_274 : vector<16xi32> to vector<16xi32>
        tpu.vector_store %arg13[%swap3A_275], %swap3A_278 {strides = array<i32>} : memref<64xi32, #tpu.memory_space<vmem>>, vector<16xi32>,
        %get3A_279 = arith.constant 48 : index
        %get3A_280 = tpu.vector_load %arg14[%get3A_279] {strides = array<i32>} : memref<64xi32, #tpu.memory_space<vmem>>, vector<16xi32>,
        %get3A_281 = vector.shape_cast %get3A_280 : vector<16xi32> to vector<16xi32>
        %add3A_282 = arith.addi %mul3A_270, %get3A_281 : vector<16xi32>
        %swap3A_283 = arith.constant 48 : index
        %swap3A_284 = tpu.vector_load %arg15[%swap3A_283] {strides = array<i32>} : memref<64xi32, #tpu.memory_space<vmem>>, vector<16xi32>,
        %swap3A_285 = vector.shape_cast %swap3A_284 : vector<16xi32> to vector<16xi32>
        %swap3A_286 = vector.shape_cast %add3A_282 : vector<16xi32> to vector<16xi32>
        tpu.vector_store %arg15[%swap3A_283], %swap3A_286 {strides = array<i32>} : memref<64xi32, #tpu.memory_space<vmem>>, vector<16xi32>,
        %dma_start3A = arith.constant 0 : i32
        %dma_start3A_287 = arith.constant 0 : i32
        %dma_start3A_288 = tpu.memref_slice %arg2[%dma_start3A, %dma_start3A_287] : memref<40000x128xf32, #tpu.memory_space<hbm>> -> memref<40000x128xf32, #tpu.memory_space<hbm>>
        tpu.enqueue_indirect_dma source(%dma_start3A_288 : memref<40000x128xf32, #tpu.memory_space<hbm>>) target(%arg16 : memref<64x128xf32, #tpu.memory_space<vmem>>) offsets(%arg13 : memref<64xi32, #tpu.memory_space<vmem>>) semaphore(%arg24 : memref<!tpu.dma_semaphore, #tpu.memory_space<semaphore_mem>>)
        %dma_start3A_289 = arith.constant 0 : i32
        %dma_start3A_290 = arith.constant 0 : i32
        %dma_start3A_291 = tpu.memref_slice %arg3[%dma_start3A_289, %dma_start3A_290] : memref<40000x256xf32, #tpu.memory_space<hbm>> -> memref<40000x256xf32, #tpu.memory_space<hbm>>
        tpu.enqueue_indirect_dma source(%dma_start3A_291 : memref<40000x256xf32, #tpu.memory_space<hbm>>) target(%arg17 : memref<64x256xf32, #tpu.memory_space<vmem>>) offsets(%arg15 : memref<64xi32, #tpu.memory_space<vmem>>) semaphore(%arg25 : memref<!tpu.dma_semaphore, #tpu.memory_space<semaphore_mem>>)
      } else {
      }
      %mul3A_130 = arith.constant 32 : i32
      %mul3A_131 = arith.muli %add3A_112, %mul3A_130 : i32
      %add3A_132 = arith.addi %mul3A_131, %add3A : i32
      %lt3A_133 = arith.constant 2500 : i32
      %lt3A_134 = arith.cmpi slt, %add3A_132, %lt3A_133 : i32
      %convert_element_type3A_135 = arith.extui %lt3A_134 : i1 to i32
      %cond3A_136 = arith.constant 0 : i32
      %cond3A_137 = arith.cmpi ne, %convert_element_type3A_135, %cond3A_136 : i32
      scf.if %cond3A_137 {
        %dma_wait3A_189 = arith.constant 0 : i32
        %dma_wait3A_190 = arith.constant 0 : i32
        %dma_wait3A_191 = tpu.memref_slice %arg2[%dma_wait3A_189, %dma_wait3A_190] : memref<40000x128xf32, #tpu.memory_space<hbm>> -> memref<64x128xf32, #tpu.memory_space<hbm>>
        %dma_wait3A_192 = arith.constant 0 : i32
        %dma_wait3A_193 = arith.constant 0 : i32
        %dma_wait3A_194 = tpu.memref_slice %arg2[%dma_wait3A_192, %dma_wait3A_193] : memref<40000x128xf32, #tpu.memory_space<hbm>> -> memref<64x128xf32, #tpu.memory_space<hbm>>
        tpu.wait_dma2 semaphore(%arg21 : memref<!tpu.dma_semaphore, #tpu.memory_space<semaphore_mem>>) src(%dma_wait3A_194 : memref<64x128xf32, #tpu.memory_space<hbm>>) dst(%arg11 : memref<64x128xf32, #tpu.memory_space<vmem>>)
        %dma_wait3A_195 = arith.constant 0 : i32
        %dma_wait3A_196 = arith.constant 0 : i32
        %dma_wait3A_197 = tpu.memref_slice %arg3[%dma_wait3A_195, %dma_wait3A_196] : memref<40000x256xf32, #tpu.memory_space<hbm>> -> memref<64x256xf32, #tpu.memory_space<hbm>>
        %dma_wait3A_198 = arith.constant 0 : i32
        %dma_wait3A_199 = arith.constant 0 : i32
        %dma_wait3A_200 = tpu.memref_slice %arg3[%dma_wait3A_198, %dma_wait3A_199] : memref<40000x256xf32, #tpu.memory_space<hbm>> -> memref<64x256xf32, #tpu.memory_space<hbm>>
        tpu.wait_dma2 semaphore(%arg22 : memref<!tpu.dma_semaphore, #tpu.memory_space<semaphore_mem>>) src(%dma_wait3A_200 : memref<64x256xf32, #tpu.memory_space<hbm>>) dst(%arg12 : memref<64x256xf32, #tpu.memory_space<vmem>>)
        %parallel_loop3A = arith.constant 0 : i32
        %parallel_loop3A_201 = arith.constant 64 : i32
        %parallel_loop3A_202 = arith.constant 1 : i32
        scf.for %parallel_loop3A_231 = %parallel_loop3A to %parallel_loop3A_201 step %parallel_loop3A_202  : i32 {
          %parallel_loop3A_232 = arith.index_cast %parallel_loop3A_231 : i32 to index
          %parallel_loop3A_233 = arith.constant 0 : index
          %parallel_loop3A_234 = tpu.vector_load %arg11[%parallel_loop3A_232, %parallel_loop3A_233] {strides = array<i32>} : memref<64x128xf32, #tpu.memory_space<vmem>>, vector<1x16xf32>,
          %parallel_loop3A_235 = vector.shape_cast %parallel_loop3A_234 : vector<1x16xf32> to vector<16xf32>
          %parallel_loop3A_236 = arith.index_cast %parallel_loop3A_231 : i32 to index
          %parallel_loop3A_237 = arith.constant 0 : index
          %parallel_loop3A_238 = tpu.vector_load %arg12[%parallel_loop3A_236, %parallel_loop3A_237] {strides = array<i32>} : memref<64x256xf32, #tpu.memory_space<vmem>>, vector<1x16xf32>,
          %parallel_loop3A_239 = vector.shape_cast %parallel_loop3A_238 : vector<1x16xf32> to vector<16xf32>
          %parallel_loop3A_240 = arith.index_cast %parallel_loop3A_231 : i32 to index
          %parallel_loop3A_241 = arith.constant 128 : index
          %parallel_loop3A_242 = tpu.vector_load %arg12[%parallel_loop3A_240, %parallel_loop3A_241] {strides = array<i32>} : memref<64x256xf32, #tpu.memory_space<vmem>>, vector<1x16xf32>,
          %parallel_loop3A_243 = vector.shape_cast %parallel_loop3A_242 : vector<1x16xf32> to vector<16xf32>
          %parallel_loop3A_244 = arith.mulf %parallel_loop3A_239, %parallel_loop3A_235 : vector<16xf32>
          %parallel_loop3A_245 = arith.addf %parallel_loop3A_244, %parallel_loop3A_243 : vector<16xf32>
          %parallel_loop3A_246 = arith.constant 0.000000e+00 : f32
          %parallel_loop3A_247 = vector.broadcast %parallel_loop3A_246 : f32 to vector<16xf32>
          %parallel_loop3A_248 = arith.maximumf %parallel_loop3A_245, %parallel_loop3A_247 : vector<16xf32>
          %parallel_loop3A_249 = arith.index_cast %parallel_loop3A_231 : i32 to index
          %parallel_loop3A_250 = arith.constant 0 : index
          %parallel_loop3A_251 = tpu.vector_load %arg11[%parallel_loop3A_249, %parallel_loop3A_250] {strides = array<i32>} : memref<64x128xf32, #tpu.memory_space<vmem>>, vector<1x16xf32>,
          %parallel_loop3A_252 = vector.shape_cast %parallel_loop3A_251 : vector<1x16xf32> to vector<16xf32>
          %parallel_loop3A_253 = vector.shape_cast %parallel_loop3A_248 : vector<16xf32> to vector<1x16xf32>
          tpu.vector_store %arg11[%parallel_loop3A_249, %parallel_loop3A_250], %parallel_loop3A_253 {strides = array<i32>} : memref<64x128xf32, #tpu.memory_space<vmem>>, vector<1x16xf32>,
          %parallel_loop3A_254 = arith.index_cast %parallel_loop3A_231 : i32 to index
          %parallel_loop3A_255 = arith.constant 16 : index
          %parallel_loop3A_256 = tpu.vector_load %arg11[%parallel_loop3A_254, %parallel_loop3A_255] {strides = array<i32>} : memref<64x128xf32, #tpu.memory_space<vmem>>, vector<1x16xf32>,
          %parallel_loop3A_257 = vector.shape_cast %parallel_loop3A_256 : vector<1x16xf32> to vector<16xf32>
          %parallel_loop3A_258 = arith.index_cast %parallel_loop3A_231 : i32 to index
          %parallel_loop3A_259 = arith.constant 16 : index
          %parallel_loop3A_260 = tpu.vector_load %arg12[%parallel_loop3A_258, %parallel_loop3A_259] {strides = array<i32>} : memref<64x256xf32, #tpu.memory_space<vmem>>, vector<1x16xf32>,
          %parallel_loop3A_261 = vector.shape_cast %parallel_loop3A_260 : vector<1x16xf32> to vector<16xf32>
          %parallel_loop3A_262 = arith.index_cast %parallel_loop3A_231 : i32 to index
          %parallel_loop3A_263 = arith.constant 144 : index
          %parallel_loop3A_264 = tpu.vector_load %arg12[%parallel_loop3A_262, %parallel_loop3A_263] {strides = array<i32>} : memref<64x256xf32, #tpu.memory_space<vmem>>, vector<1x16xf32>,
          %parallel_loop3A_265 = vector.shape_cast %parallel_loop3A_264 : vector<1x16xf32> to vector<16xf32>
          %parallel_loop3A_266 = arith.mulf %parallel_loop3A_261, %parallel_loop3A_257 : vector<16xf32>
          %parallel_loop3A_267 = arith.addf %parallel_loop3A_266, %parallel_loop3A_265 : vector<16xf32>
          %parallel_loop3A_268 = arith.constant 0.000000e+00 : f32
          %parallel_loop3A_269 = vector.broadcast %parallel_loop3A_268 : f32 to vector<16xf32>
          %parallel_loop3A_270 = arith.maximumf %parallel_loop3A_267, %parallel_loop3A_269 : vector<16xf32>
          %parallel_loop3A_271 = arith.index_cast %parallel_loop3A_231 : i32 to index
          %parallel_loop3A_272 = arith.constant 16 : index
          %parallel_loop3A_273 = tpu.vector_load %arg11[%parallel_loop3A_271, %parallel_loop3A_272] {strides = array<i32>} : memref<64x128xf32, #tpu.memory_space<vmem>>, vector<1x16xf32>,
          %parallel_loop3A_274 = vector.shape_cast %parallel_loop3A_273 : vector<1x16xf32> to vector<16xf32>
          %parallel_loop3A_275 = vector.shape_cast %parallel_loop3A_270 : vector<16xf32> to vector<1x16xf32>
          tpu.vector_store %arg11[%parallel_loop3A_271, %parallel_loop3A_272], %parallel_loop3A_275 {strides = array<i32>} : memref<64x128xf32, #tpu.memory_space<vmem>>, vector<1x16xf32>,
          %parallel_loop3A_276 = arith.index_cast %parallel_loop3A_231 : i32 to index
          %parallel_loop3A_277 = arith.constant 32 : index
          %parallel_loop3A_278 = tpu.vector_load %arg11[%parallel_loop3A_276, %parallel_loop3A_277] {strides = array<i32>} : memref<64x128xf32, #tpu.memory_space<vmem>>, vector<1x16xf32>,
          %parallel_loop3A_279 = vector.shape_cast %parallel_loop3A_278 : vector<1x16xf32> to vector<16xf32>
          %parallel_loop3A_280 = arith.index_cast %parallel_loop3A_231 : i32 to index
          %parallel_loop3A_281 = arith.constant 32 : index
          %parallel_loop3A_282 = tpu.vector_load %arg12[%parallel_loop3A_280, %parallel_loop3A_281] {strides = array<i32>} : memref<64x256xf32, #tpu.memory_space<vmem>>, vector<1x16xf32>,
          %parallel_loop3A_283 = vector.shape_cast %parallel_loop3A_282 : vector<1x16xf32> to vector<16xf32>
          %parallel_loop3A_284 = arith.index_cast %parallel_loop3A_231 : i32 to index
          %parallel_loop3A_285 = arith.constant 160 : index
          %parallel_loop3A_286 = tpu.vector_load %arg12[%parallel_loop3A_284, %parallel_loop3A_285] {strides = array<i32>} : memref<64x256xf32, #tpu.memory_space<vmem>>, vector<1x16xf32>,
          %parallel_loop3A_287 = vector.shape_cast %parallel_loop3A_286 : vector<1x16xf32> to vector<16xf32>
          %parallel_loop3A_288 = arith.mulf %parallel_loop3A_283, %parallel_loop3A_279 : vector<16xf32>
          %parallel_loop3A_289 = arith.addf %parallel_loop3A_288, %parallel_loop3A_287 : vector<16xf32>
          %parallel_loop3A_290 = arith.constant 0.000000e+00 : f32
          %parallel_loop3A_291 = vector.broadcast %parallel_loop3A_290 : f32 to vector<16xf32>
          %parallel_loop3A_292 = arith.maximumf %parallel_loop3A_289, %parallel_loop3A_291 : vector<16xf32>
          %parallel_loop3A_293 = arith.index_cast %parallel_loop3A_231 : i32 to index
          %parallel_loop3A_294 = arith.constant 32 : index
          %parallel_loop3A_295 = tpu.vector_load %arg11[%parallel_loop3A_293, %parallel_loop3A_294] {strides = array<i32>} : memref<64x128xf32, #tpu.memory_space<vmem>>, vector<1x16xf32>,
          %parallel_loop3A_296 = vector.shape_cast %parallel_loop3A_295 : vector<1x16xf32> to vector<16xf32>
          %parallel_loop3A_297 = vector.shape_cast %parallel_loop3A_292 : vector<16xf32> to vector<1x16xf32>
          tpu.vector_store %arg11[%parallel_loop3A_293, %parallel_loop3A_294], %parallel_loop3A_297 {strides = array<i32>} : memref<64x128xf32, #tpu.memory_space<vmem>>, vector<1x16xf32>,
          %parallel_loop3A_298 = arith.index_cast %parallel_loop3A_231 : i32 to index
          %parallel_loop3A_299 = arith.constant 48 : index
          %parallel_loop3A_300 = tpu.vector_load %arg11[%parallel_loop3A_298, %parallel_loop3A_299] {strides = array<i32>} : memref<64x128xf32, #tpu.memory_space<vmem>>, vector<1x16xf32>,
          %parallel_loop3A_301 = vector.shape_cast %parallel_loop3A_300 : vector<1x16xf32> to vector<16xf32>
          %parallel_loop3A_302 = arith.index_cast %parallel_loop3A_231 : i32 to index
          %parallel_loop3A_303 = arith.constant 48 : index
          %parallel_loop3A_304 = tpu.vector_load %arg12[%parallel_loop3A_302, %parallel_loop3A_303] {strides = array<i32>} : memref<64x256xf32, #tpu.memory_space<vmem>>, vector<1x16xf32>,
          %parallel_loop3A_305 = vector.shape_cast %parallel_loop3A_304 : vector<1x16xf32> to vector<16xf32>
          %parallel_loop3A_306 = arith.index_cast %parallel_loop3A_231 : i32 to index
          %parallel_loop3A_307 = arith.constant 176 : index
          %parallel_loop3A_308 = tpu.vector_load %arg12[%parallel_loop3A_306, %parallel_loop3A_307] {strides = array<i32>} : memref<64x256xf32, #tpu.memory_space<vmem>>, vector<1x16xf32>,
          %parallel_loop3A_309 = vector.shape_cast %parallel_loop3A_308 : vector<1x16xf32> to vector<16xf32>
          %parallel_loop3A_310 = arith.mulf %parallel_loop3A_305, %parallel_loop3A_301 : vector<16xf32>
          %parallel_loop3A_311 = arith.addf %parallel_loop3A_310, %parallel_loop3A_309 : vector<16xf32>
          %parallel_loop3A_312 = arith.constant 0.000000e+00 : f32
          %parallel_loop3A_313 = vector.broadcast %parallel_loop3A_312 : f32 to vector<16xf32>
          %parallel_loop3A_314 = arith.maximumf %parallel_loop3A_311, %parallel_loop3A_313 : vector<16xf32>
          %parallel_loop3A_315 = arith.index_cast %parallel_loop3A_231 : i32 to index
          %parallel_loop3A_316 = arith.constant 48 : index
          %parallel_loop3A_317 = tpu.vector_load %arg11[%parallel_loop3A_315, %parallel_loop3A_316] {strides = array<i32>} : memref<64x128xf32, #tpu.memory_space<vmem>>, vector<1x16xf32>,
          %parallel_loop3A_318 = vector.shape_cast %parallel_loop3A_317 : vector<1x16xf32> to vector<16xf32>
          %parallel_loop3A_319 = vector.shape_cast %parallel_loop3A_314 : vector<16xf32> to vector<1x16xf32>
          tpu.vector_store %arg11[%parallel_loop3A_315, %parallel_loop3A_316], %parallel_loop3A_319 {strides = array<i32>} : memref<64x128xf32, #tpu.memory_space<vmem>>, vector<1x16xf32>,
          %parallel_loop3A_320 = arith.index_cast %parallel_loop3A_231 : i32 to index
          %parallel_loop3A_321 = arith.constant 64 : index
          %parallel_loop3A_322 = tpu.vector_load %arg11[%parallel_loop3A_320, %parallel_loop3A_321] {strides = array<i32>} : memref<64x128xf32, #tpu.memory_space<vmem>>, vector<1x16xf32>,
          %parallel_loop3A_323 = vector.shape_cast %parallel_loop3A_322 : vector<1x16xf32> to vector<16xf32>
          %parallel_loop3A_324 = arith.index_cast %parallel_loop3A_231 : i32 to index
          %parallel_loop3A_325 = arith.constant 64 : index
          %parallel_loop3A_326 = tpu.vector_load %arg12[%parallel_loop3A_324, %parallel_loop3A_325] {strides = array<i32>} : memref<64x256xf32, #tpu.memory_space<vmem>>, vector<1x16xf32>,
          %parallel_loop3A_327 = vector.shape_cast %parallel_loop3A_326 : vector<1x16xf32> to vector<16xf32>
          %parallel_loop3A_328 = arith.index_cast %parallel_loop3A_231 : i32 to index
          %parallel_loop3A_329 = arith.constant 192 : index
          %parallel_loop3A_330 = tpu.vector_load %arg12[%parallel_loop3A_328, %parallel_loop3A_329] {strides = array<i32>} : memref<64x256xf32, #tpu.memory_space<vmem>>, vector<1x16xf32>,
          %parallel_loop3A_331 = vector.shape_cast %parallel_loop3A_330 : vector<1x16xf32> to vector<16xf32>
          %parallel_loop3A_332 = arith.mulf %parallel_loop3A_327, %parallel_loop3A_323 : vector<16xf32>
          %parallel_loop3A_333 = arith.addf %parallel_loop3A_332, %parallel_loop3A_331 : vector<16xf32>
          %parallel_loop3A_334 = arith.constant 0.000000e+00 : f32
          %parallel_loop3A_335 = vector.broadcast %parallel_loop3A_334 : f32 to vector<16xf32>
          %parallel_loop3A_336 = arith.maximumf %parallel_loop3A_333, %parallel_loop3A_335 : vector<16xf32>
          %parallel_loop3A_337 = arith.index_cast %parallel_loop3A_231 : i32 to index
          %parallel_loop3A_338 = arith.constant 64 : index
          %parallel_loop3A_339 = tpu.vector_load %arg11[%parallel_loop3A_337, %parallel_loop3A_338] {strides = array<i32>} : memref<64x128xf32, #tpu.memory_space<vmem>>, vector<1x16xf32>,
          %parallel_loop3A_340 = vector.shape_cast %parallel_loop3A_339 : vector<1x16xf32> to vector<16xf32>
          %parallel_loop3A_341 = vector.shape_cast %parallel_loop3A_336 : vector<16xf32> to vector<1x16xf32>
          tpu.vector_store %arg11[%parallel_loop3A_337, %parallel_loop3A_338], %parallel_loop3A_341 {strides = array<i32>} : memref<64x128xf32, #tpu.memory_space<vmem>>, vector<1x16xf32>,
          %parallel_loop3A_342 = arith.index_cast %parallel_loop3A_231 : i32 to index
          %parallel_loop3A_343 = arith.constant 80 : index
          %parallel_loop3A_344 = tpu.vector_load %arg11[%parallel_loop3A_342, %parallel_loop3A_343] {strides = array<i32>} : memref<64x128xf32, #tpu.memory_space<vmem>>, vector<1x16xf32>,
          %parallel_loop3A_345 = vector.shape_cast %parallel_loop3A_344 : vector<1x16xf32> to vector<16xf32>
          %parallel_loop3A_346 = arith.index_cast %parallel_loop3A_231 : i32 to index
          %parallel_loop3A_347 = arith.constant 80 : index
          %parallel_loop3A_348 = tpu.vector_load %arg12[%parallel_loop3A_346, %parallel_loop3A_347] {strides = array<i32>} : memref<64x256xf32, #tpu.memory_space<vmem>>, vector<1x16xf32>,
          %parallel_loop3A_349 = vector.shape_cast %parallel_loop3A_348 : vector<1x16xf32> to vector<16xf32>
          %parallel_loop3A_350 = arith.index_cast %parallel_loop3A_231 : i32 to index
          %parallel_loop3A_351 = arith.constant 208 : index
          %parallel_loop3A_352 = tpu.vector_load %arg12[%parallel_loop3A_350, %parallel_loop3A_351] {strides = array<i32>} : memref<64x256xf32, #tpu.memory_space<vmem>>, vector<1x16xf32>,
          %parallel_loop3A_353 = vector.shape_cast %parallel_loop3A_352 : vector<1x16xf32> to vector<16xf32>
          %parallel_loop3A_354 = arith.mulf %parallel_loop3A_349, %parallel_loop3A_345 : vector<16xf32>
          %parallel_loop3A_355 = arith.addf %parallel_loop3A_354, %parallel_loop3A_353 : vector<16xf32>
          %parallel_loop3A_356 = arith.constant 0.000000e+00 : f32
          %parallel_loop3A_357 = vector.broadcast %parallel_loop3A_356 : f32 to vector<16xf32>
          %parallel_loop3A_358 = arith.maximumf %parallel_loop3A_355, %parallel_loop3A_357 : vector<16xf32>
          %parallel_loop3A_359 = arith.index_cast %parallel_loop3A_231 : i32 to index
          %parallel_loop3A_360 = arith.constant 80 : index
          %parallel_loop3A_361 = tpu.vector_load %arg11[%parallel_loop3A_359, %parallel_loop3A_360] {strides = array<i32>} : memref<64x128xf32, #tpu.memory_space<vmem>>, vector<1x16xf32>,
          %parallel_loop3A_362 = vector.shape_cast %parallel_loop3A_361 : vector<1x16xf32> to vector<16xf32>
          %parallel_loop3A_363 = vector.shape_cast %parallel_loop3A_358 : vector<16xf32> to vector<1x16xf32>
          tpu.vector_store %arg11[%parallel_loop3A_359, %parallel_loop3A_360], %parallel_loop3A_363 {strides = array<i32>} : memref<64x128xf32, #tpu.memory_space<vmem>>, vector<1x16xf32>,
          %parallel_loop3A_364 = arith.index_cast %parallel_loop3A_231 : i32 to index
          %parallel_loop3A_365 = arith.constant 96 : index
          %parallel_loop3A_366 = tpu.vector_load %arg11[%parallel_loop3A_364, %parallel_loop3A_365] {strides = array<i32>} : memref<64x128xf32, #tpu.memory_space<vmem>>, vector<1x16xf32>,
          %parallel_loop3A_367 = vector.shape_cast %parallel_loop3A_366 : vector<1x16xf32> to vector<16xf32>
          %parallel_loop3A_368 = arith.index_cast %parallel_loop3A_231 : i32 to index
          %parallel_loop3A_369 = arith.constant 96 : index
          %parallel_loop3A_370 = tpu.vector_load %arg12[%parallel_loop3A_368, %parallel_loop3A_369] {strides = array<i32>} : memref<64x256xf32, #tpu.memory_space<vmem>>, vector<1x16xf32>,
          %parallel_loop3A_371 = vector.shape_cast %parallel_loop3A_370 : vector<1x16xf32> to vector<16xf32>
          %parallel_loop3A_372 = arith.index_cast %parallel_loop3A_231 : i32 to index
          %parallel_loop3A_373 = arith.constant 224 : index
          %parallel_loop3A_374 = tpu.vector_load %arg12[%parallel_loop3A_372, %parallel_loop3A_373] {strides = array<i32>} : memref<64x256xf32, #tpu.memory_space<vmem>>, vector<1x16xf32>,
          %parallel_loop3A_375 = vector.shape_cast %parallel_loop3A_374 : vector<1x16xf32> to vector<16xf32>
          %parallel_loop3A_376 = arith.mulf %parallel_loop3A_371, %parallel_loop3A_367 : vector<16xf32>
          %parallel_loop3A_377 = arith.addf %parallel_loop3A_376, %parallel_loop3A_375 : vector<16xf32>
          %parallel_loop3A_378 = arith.constant 0.000000e+00 : f32
          %parallel_loop3A_379 = vector.broadcast %parallel_loop3A_378 : f32 to vector<16xf32>
          %parallel_loop3A_380 = arith.maximumf %parallel_loop3A_377, %parallel_loop3A_379 : vector<16xf32>
          %parallel_loop3A_381 = arith.index_cast %parallel_loop3A_231 : i32 to index
          %parallel_loop3A_382 = arith.constant 96 : index
          %parallel_loop3A_383 = tpu.vector_load %arg11[%parallel_loop3A_381, %parallel_loop3A_382] {strides = array<i32>} : memref<64x128xf32, #tpu.memory_space<vmem>>, vector<1x16xf32>,
          %parallel_loop3A_384 = vector.shape_cast %parallel_loop3A_383 : vector<1x16xf32> to vector<16xf32>
          %parallel_loop3A_385 = vector.shape_cast %parallel_loop3A_380 : vector<16xf32> to vector<1x16xf32>
          tpu.vector_store %arg11[%parallel_loop3A_381, %parallel_loop3A_382], %parallel_loop3A_385 {strides = array<i32>} : memref<64x128xf32, #tpu.memory_space<vmem>>, vector<1x16xf32>,
          %parallel_loop3A_386 = arith.index_cast %parallel_loop3A_231 : i32 to index
          %parallel_loop3A_387 = arith.constant 112 : index
          %parallel_loop3A_388 = tpu.vector_load %arg11[%parallel_loop3A_386, %parallel_loop3A_387] {strides = array<i32>} : memref<64x128xf32, #tpu.memory_space<vmem>>, vector<1x16xf32>,
          %parallel_loop3A_389 = vector.shape_cast %parallel_loop3A_388 : vector<1x16xf32> to vector<16xf32>
          %parallel_loop3A_390 = arith.index_cast %parallel_loop3A_231 : i32 to index
          %parallel_loop3A_391 = arith.constant 112 : index
          %parallel_loop3A_392 = tpu.vector_load %arg12[%parallel_loop3A_390, %parallel_loop3A_391] {strides = array<i32>} : memref<64x256xf32, #tpu.memory_space<vmem>>, vector<1x16xf32>,
          %parallel_loop3A_393 = vector.shape_cast %parallel_loop3A_392 : vector<1x16xf32> to vector<16xf32>
          %parallel_loop3A_394 = arith.index_cast %parallel_loop3A_231 : i32 to index
          %parallel_loop3A_395 = arith.constant 240 : index
          %parallel_loop3A_396 = tpu.vector_load %arg12[%parallel_loop3A_394, %parallel_loop3A_395] {strides = array<i32>} : memref<64x256xf32, #tpu.memory_space<vmem>>, vector<1x16xf32>,
          %parallel_loop3A_397 = vector.shape_cast %parallel_loop3A_396 : vector<1x16xf32> to vector<16xf32>
          %parallel_loop3A_398 = arith.mulf %parallel_loop3A_393, %parallel_loop3A_389 : vector<16xf32>
          %parallel_loop3A_399 = arith.addf %parallel_loop3A_398, %parallel_loop3A_397 : vector<16xf32>
          %parallel_loop3A_400 = arith.constant 0.000000e+00 : f32
          %parallel_loop3A_401 = vector.broadcast %parallel_loop3A_400 : f32 to vector<16xf32>
          %parallel_loop3A_402 = arith.maximumf %parallel_loop3A_399, %parallel_loop3A_401 : vector<16xf32>
          %parallel_loop3A_403 = arith.index_cast %parallel_loop3A_231 : i32 to index
          %parallel_loop3A_404 = arith.constant 112 : index
          %parallel_loop3A_405 = tpu.vector_load %arg11[%parallel_loop3A_403, %parallel_loop3A_404] {strides = array<i32>} : memref<64x128xf32, #tpu.memory_space<vmem>>, vector<1x16xf32>,
          %parallel_loop3A_406 = vector.shape_cast %parallel_loop3A_405 : vector<1x16xf32> to vector<16xf32>
          %parallel_loop3A_407 = vector.shape_cast %parallel_loop3A_402 : vector<16xf32> to vector<1x16xf32>
          tpu.vector_store %arg11[%parallel_loop3A_403, %parallel_loop3A_404], %parallel_loop3A_407 {strides = array<i32>} : memref<64x128xf32, #tpu.memory_space<vmem>>, vector<1x16xf32>,
        } {sc.loop_unroll_factor = 4 : i64, sc.parallel_access}
        %get3A = arith.constant 0 : index
        %get3A_203 = tpu.vector_load %arg9[%get3A] {strides = array<i32>} : memref<64xi32, #tpu.memory_space<vmem>>, vector<16xi32>,
        %get3A_204 = vector.shape_cast %get3A_203 : vector<16xi32> to vector<16xi32>
        %swap3A = arith.constant 0 : index
        %swap3A_205 = tpu.vector_load %arg18[%swap3A] {strides = array<i32>} : memref<64xi32, #tpu.memory_space<vmem>>, vector<16xi32>,
        %swap3A_206 = vector.shape_cast %swap3A_205 : vector<16xi32> to vector<16xi32>
        %swap3A_207 = vector.shape_cast %get3A_204 : vector<16xi32> to vector<16xi32>
        tpu.vector_store %arg18[%swap3A], %swap3A_207 {strides = array<i32>} : memref<64xi32, #tpu.memory_space<vmem>>, vector<16xi32>,
        %get3A_208 = arith.constant 16 : index
        %get3A_209 = tpu.vector_load %arg9[%get3A_208] {strides = array<i32>} : memref<64xi32, #tpu.memory_space<vmem>>, vector<16xi32>,
        %get3A_210 = vector.shape_cast %get3A_209 : vector<16xi32> to vector<16xi32>
        %swap3A_211 = arith.constant 16 : index
        %swap3A_212 = tpu.vector_load %arg18[%swap3A_211] {strides = array<i32>} : memref<64xi32, #tpu.memory_space<vmem>>, vector<16xi32>,
        %swap3A_213 = vector.shape_cast %swap3A_212 : vector<16xi32> to vector<16xi32>
        %swap3A_214 = vector.shape_cast %get3A_210 : vector<16xi32> to vector<16xi32>
        tpu.vector_store %arg18[%swap3A_211], %swap3A_214 {strides = array<i32>} : memref<64xi32, #tpu.memory_space<vmem>>, vector<16xi32>,
        %get3A_215 = arith.constant 32 : index
        %get3A_216 = tpu.vector_load %arg9[%get3A_215] {strides = array<i32>} : memref<64xi32, #tpu.memory_space<vmem>>, vector<16xi32>,
        %get3A_217 = vector.shape_cast %get3A_216 : vector<16xi32> to vector<16xi32>
        %swap3A_218 = arith.constant 32 : index
        %swap3A_219 = tpu.vector_load %arg18[%swap3A_218] {strides = array<i32>} : memref<64xi32, #tpu.memory_space<vmem>>, vector<16xi32>,
        %swap3A_220 = vector.shape_cast %swap3A_219 : vector<16xi32> to vector<16xi32>
        %swap3A_221 = vector.shape_cast %get3A_217 : vector<16xi32> to vector<16xi32>
        tpu.vector_store %arg18[%swap3A_218], %swap3A_221 {strides = array<i32>} : memref<64xi32, #tpu.memory_space<vmem>>, vector<16xi32>,
        %get3A_222 = arith.constant 48 : index
        %get3A_223 = tpu.vector_load %arg9[%get3A_222] {strides = array<i32>} : memref<64xi32, #tpu.memory_space<vmem>>, vector<16xi32>,
        %get3A_224 = vector.shape_cast %get3A_223 : vector<16xi32> to vector<16xi32>
        %swap3A_225 = arith.constant 48 : index
        %swap3A_226 = tpu.vector_load %arg18[%swap3A_225] {strides = array<i32>} : memref<64xi32, #tpu.memory_space<vmem>>, vector<16xi32>,
        %swap3A_227 = vector.shape_cast %swap3A_226 : vector<16xi32> to vector<16xi32>
        %swap3A_228 = vector.shape_cast %get3A_224 : vector<16xi32> to vector<16xi32>
        tpu.vector_store %arg18[%swap3A_225], %swap3A_228 {strides = array<i32>} : memref<64xi32, #tpu.memory_space<vmem>>, vector<16xi32>,
        %dma_start3A = arith.constant 0 : i32
        %dma_start3A_229 = arith.constant 0 : i32
        %dma_start3A_230 = tpu.memref_slice %arg7[%dma_start3A, %dma_start3A_229] : memref<10112x128xf32, #tpu.memory_space<vmem_shared>> -> memref<10112x128xf32, #tpu.memory_space<vmem_shared>>
        tpu.enqueue_indirect_dma source(%arg11 : memref<64x128xf32, #tpu.memory_space<vmem>>) target(%dma_start3A_230 : memref<10112x128xf32, #tpu.memory_space<vmem_shared>>) offsets(%arg18 : memref<64xi32, #tpu.memory_space<vmem>>) semaphore(%arg26 : memref<!tpu.dma_semaphore, #tpu.memory_space<semaphore_mem>>) {add = true}
      } else {
      }
      %add3A_138 = arith.constant 2 : i32
      %add3A_139 = arith.addi %add3A_112, %add3A_138 : i32
      %mul3A_140 = arith.constant 32 : i32
      %mul3A_141 = arith.muli %add3A_139, %mul3A_140 : i32
      %add3A_142 = arith.addi %mul3A_141, %add3A : i32
      %lt3A_143 = arith.constant 2500 : i32
      %lt3A_144 = arith.cmpi slt, %add3A_142, %lt3A_143 : i32
      %convert_element_type3A_145 = arith.extui %lt3A_144 : i1 to i32
      %cond3A_146 = arith.constant 0 : i32
      %cond3A_147 = arith.cmpi ne, %convert_element_type3A_145, %cond3A_146 : i32
      scf.if %cond3A_147 {
        %mul3A_189 = arith.constant 64 : i32
        %mul3A_190 = arith.muli %add3A_142, %mul3A_189 : i32
        %dma_start3A = arith.constant 0 : i32
        %dma_start3A_191 = tpu.memref_slice %arg4[%dma_start3A, %mul3A_190] : memref<2x160000xi32, #tpu.memory_space<hbm>> -> memref<1x64xi32, #tpu.memory_space<hbm>>
        %dma_start3A_192 = tpu.memref_squeeze %dma_start3A_191 : memref<1x64xi32, #tpu.memory_space<hbm>> -> memref<64xi32, #tpu.memory_space<hbm>>
        %dma_start3A_193 = tpu.memref_slice %arg4[%dma_start3A, %mul3A_190] : memref<2x160000xi32, #tpu.memory_space<hbm>> -> memref<1x64xi32, #tpu.memory_space<hbm>>
        %dma_start3A_194 = tpu.memref_squeeze %dma_start3A_193 : memref<1x64xi32, #tpu.memory_space<hbm>> -> memref<64xi32, #tpu.memory_space<hbm>>
        tpu.enqueue_dma source(%dma_start3A_194 : memref<64xi32, #tpu.memory_space<hbm>>) target(%arg8 : memref<64xi32, #tpu.memory_space<vmem>>) target_semaphore(%arg20 : memref<!tpu.dma_semaphore, #tpu.memory_space<semaphore_mem>>)
        %dma_start3A_195 = arith.constant 1 : i32
        %dma_start3A_196 = tpu.memref_slice %arg4[%dma_start3A_195, %mul3A_190] : memref<2x160000xi32, #tpu.memory_space<hbm>> -> memref<1x64xi32, #tpu.memory_space<hbm>>
        %dma_start3A_197 = tpu.memref_squeeze %dma_start3A_196 : memref<1x64xi32, #tpu.memory_space<hbm>> -> memref<64xi32, #tpu.memory_space<hbm>>
        %dma_start3A_198 = tpu.memref_slice %arg4[%dma_start3A_195, %mul3A_190] : memref<2x160000xi32, #tpu.memory_space<hbm>> -> memref<1x64xi32, #tpu.memory_space<hbm>>
        %dma_start3A_199 = tpu.memref_squeeze %dma_start3A_198 : memref<1x64xi32, #tpu.memory_space<hbm>> -> memref<64xi32, #tpu.memory_space<hbm>>
        tpu.enqueue_dma source(%dma_start3A_199 : memref<64xi32, #tpu.memory_space<hbm>>) target(%arg9 : memref<64xi32, #tpu.memory_space<vmem>>) target_semaphore(%arg20 : memref<!tpu.dma_semaphore, #tpu.memory_space<semaphore_mem>>)
        %dma_start3A_200 = tpu.memref_slice %arg5[%mul3A_190] : memref<160000xi32, #tpu.memory_space<hbm>> -> memref<64xi32, #tpu.memory_space<hbm>>
        %dma_start3A_201 = tpu.memref_slice %arg5[%mul3A_190] : memref<160000xi32, #tpu.memory_space<hbm>> -> memref<64xi32, #tpu.memory_space<hbm>>
        tpu.enqueue_dma source(%dma_start3A_201 : memref<64xi32, #tpu.memory_space<hbm>>) target(%arg10 : memref<64xi32, #tpu.memory_space<vmem>>) target_semaphore(%arg20 : memref<!tpu.dma_semaphore, #tpu.memory_space<semaphore_mem>>)
      } else {
      }
      %mul3A_148 = arith.constant 2 : i32
      %mul3A_149 = arith.muli %mul3A_148, %scan3A_107 : i32
      %add3A_150 = arith.constant 1 : i32
      %add3A_151 = arith.addi %mul3A_149, %add3A_150 : i32
      %add3A_152 = arith.constant 1 : i32
      %add3A_153 = arith.addi %add3A_151, %add3A_152 : i32
      %mul3A_154 = arith.constant 32 : i32
      %mul3A_155 = arith.muli %add3A_153, %mul3A_154 : i32
      %add3A_156 = arith.addi %mul3A_155, %add3A : i32
      %lt3A_157 = arith.constant 2500 : i32
      %lt3A_158 = arith.cmpi slt, %add3A_156, %lt3A_157 : i32
      %ge3A_159 = arith.constant 2 : i32
      %ge3A_160 = arith.cmpi sge, %add3A_153, %ge3A_159 : i32
      %and3A_161 = arith.andi %lt3A_158, %ge3A_160 : i1
      %convert_element_type3A_162 = arith.extui %and3A_161 : i1 to i32
      %cond3A_163 = arith.constant 0 : i32
      %cond3A_164 = arith.cmpi ne, %convert_element_type3A_162, %cond3A_163 : i32
      scf.if %cond3A_164 {
        %dma_wait3A_189 = arith.constant 0 : i32
        %dma_wait3A_190 = arith.constant 0 : i32
        %dma_wait3A_191 = tpu.memref_slice %arg7[%dma_wait3A_189, %dma_wait3A_190] : memref<10112x128xf32, #tpu.memory_space<vmem_shared>> -> memref<10112x128xf32, #tpu.memory_space<vmem_shared>>
        tpu.wait_indirect_dma semaphore(%arg26 : memref<!tpu.dma_semaphore, #tpu.memory_space<semaphore_mem>>) src(%arg11 : memref<64x128xf32, #tpu.memory_space<vmem>>) dst(%dma_wait3A_191 : memref<10112x128xf32, #tpu.memory_space<vmem_shared>>)
      } else {
      }
      %lt3A_165 = arith.constant 2500 : i32
      %lt3A_166 = arith.cmpi slt, %add3A_156, %lt3A_165 : i32
      %convert_element_type3A_167 = arith.extui %lt3A_166 : i1 to i32
      %cond3A_168 = arith.constant 0 : i32
      %cond3A_169 = arith.cmpi ne, %convert_element_type3A_167, %cond3A_168 : i32
      scf.if %cond3A_169 {
        %dma_wait3A_189 = arith.constant 0 : i32
        %dma_wait3A_190 = tpu.memref_slice %arg5[%dma_wait3A_189] : memref<160000xi32, #tpu.memory_space<hbm>> -> memref<64xi32, #tpu.memory_space<hbm>>
        %dma_wait3A_191 = arith.constant 0 : i32
        %dma_wait3A_192 = tpu.memref_slice %arg5[%dma_wait3A_191] : memref<160000xi32, #tpu.memory_space<hbm>> -> memref<64xi32, #tpu.memory_space<hbm>>
        tpu.wait_dma2 semaphore(%arg20 : memref<!tpu.dma_semaphore, #tpu.memory_space<semaphore_mem>>) src(%dma_wait3A_192 : memref<64xi32, #tpu.memory_space<hbm>>) dst(%arg8 : memref<64xi32, #tpu.memory_space<vmem>>)
        %dma_wait3A_193 = arith.constant 0 : i32
        %dma_wait3A_194 = tpu.memref_slice %arg5[%dma_wait3A_193] : memref<160000xi32, #tpu.memory_space<hbm>> -> memref<64xi32, #tpu.memory_space<hbm>>
        %dma_wait3A_195 = arith.constant 0 : i32
        %dma_wait3A_196 = tpu.memref_slice %arg5[%dma_wait3A_195] : memref<160000xi32, #tpu.memory_space<hbm>> -> memref<64xi32, #tpu.memory_space<hbm>>
        tpu.wait_dma2 semaphore(%arg20 : memref<!tpu.dma_semaphore, #tpu.memory_space<semaphore_mem>>) src(%dma_wait3A_196 : memref<64xi32, #tpu.memory_space<hbm>>) dst(%arg9 : memref<64xi32, #tpu.memory_space<vmem>>)
        %dma_wait3A_197 = arith.constant 0 : i32
        %dma_wait3A_198 = tpu.memref_slice %arg5[%dma_wait3A_197] : memref<160000xi32, #tpu.memory_space<hbm>> -> memref<64xi32, #tpu.memory_space<hbm>>
        %dma_wait3A_199 = arith.constant 0 : i32
        %dma_wait3A_200 = tpu.memref_slice %arg5[%dma_wait3A_199] : memref<160000xi32, #tpu.memory_space<hbm>> -> memref<64xi32, #tpu.memory_space<hbm>>
        tpu.wait_dma2 semaphore(%arg20 : memref<!tpu.dma_semaphore, #tpu.memory_space<semaphore_mem>>) src(%dma_wait3A_200 : memref<64xi32, #tpu.memory_space<hbm>>) dst(%arg10 : memref<64xi32, #tpu.memory_space<vmem>>)
        %get3A = arith.constant 0 : index
        %get3A_201 = tpu.vector_load %arg10[%get3A] {strides = array<i32>} : memref<64xi32, #tpu.memory_space<vmem>>, vector<16xi32>,
        %get3A_202 = vector.shape_cast %get3A_201 : vector<16xi32> to vector<16xi32>
        %mul3A_203 = arith.constant 10000 : i32
        %mul3A_204 = vector.broadcast %mul3A_203 : i32 to vector<16xi32>
        %mul3A_205 = arith.muli %get3A_202, %mul3A_204 : vector<16xi32>
        %get3A_206 = arith.constant 0 : index
        %get3A_207 = tpu.vector_load %arg8[%get3A_206] {strides = array<i32>} : memref<64xi32, #tpu.memory_space<vmem>>, vector<16xi32>,
        %get3A_208 = vector.shape_cast %get3A_207 : vector<16xi32> to vector<16xi32>
        %add3A_209 = arith.addi %mul3A_205, %get3A_208 : vector<16xi32>
        %swap3A = arith.constant 0 : index
        %swap3A_210 = tpu.vector_load %arg8[%swap3A] {strides = array<i32>} : memref<64xi32, #tpu.memory_space<vmem>>, vector<16xi32>,
        %swap3A_211 = vector.shape_cast %swap3A_210 : vector<16xi32> to vector<16xi32>
        %swap3A_212 = vector.shape_cast %add3A_209 : vector<16xi32> to vector<16xi32>
        tpu.vector_store %arg8[%swap3A], %swap3A_212 {strides = array<i32>} : memref<64xi32, #tpu.memory_space<vmem>>, vector<16xi32>,
        %get3A_213 = arith.constant 0 : index
        %get3A_214 = tpu.vector_load %arg9[%get3A_213] {strides = array<i32>} : memref<64xi32, #tpu.memory_space<vmem>>, vector<16xi32>,
        %get3A_215 = vector.shape_cast %get3A_214 : vector<16xi32> to vector<16xi32>
        %add3A_216 = arith.addi %mul3A_205, %get3A_215 : vector<16xi32>
        %swap3A_217 = arith.constant 0 : index
        %swap3A_218 = tpu.vector_load %arg10[%swap3A_217] {strides = array<i32>} : memref<64xi32, #tpu.memory_space<vmem>>, vector<16xi32>,
        %swap3A_219 = vector.shape_cast %swap3A_218 : vector<16xi32> to vector<16xi32>
        %swap3A_220 = vector.shape_cast %add3A_216 : vector<16xi32> to vector<16xi32>
        tpu.vector_store %arg10[%swap3A_217], %swap3A_220 {strides = array<i32>} : memref<64xi32, #tpu.memory_space<vmem>>, vector<16xi32>,
        %get3A_221 = arith.constant 16 : index
        %get3A_222 = tpu.vector_load %arg10[%get3A_221] {strides = array<i32>} : memref<64xi32, #tpu.memory_space<vmem>>, vector<16xi32>,
        %get3A_223 = vector.shape_cast %get3A_222 : vector<16xi32> to vector<16xi32>
        %mul3A_224 = arith.constant 10000 : i32
        %mul3A_225 = vector.broadcast %mul3A_224 : i32 to vector<16xi32>
        %mul3A_226 = arith.muli %get3A_223, %mul3A_225 : vector<16xi32>
        %get3A_227 = arith.constant 16 : index
        %get3A_228 = tpu.vector_load %arg8[%get3A_227] {strides = array<i32>} : memref<64xi32, #tpu.memory_space<vmem>>, vector<16xi32>,
        %get3A_229 = vector.shape_cast %get3A_228 : vector<16xi32> to vector<16xi32>
        %add3A_230 = arith.addi %mul3A_226, %get3A_229 : vector<16xi32>
        %swap3A_231 = arith.constant 16 : index
        %swap3A_232 = tpu.vector_load %arg8[%swap3A_231] {strides = array<i32>} : memref<64xi32, #tpu.memory_space<vmem>>, vector<16xi32>,
        %swap3A_233 = vector.shape_cast %swap3A_232 : vector<16xi32> to vector<16xi32>
        %swap3A_234 = vector.shape_cast %add3A_230 : vector<16xi32> to vector<16xi32>
        tpu.vector_store %arg8[%swap3A_231], %swap3A_234 {strides = array<i32>} : memref<64xi32, #tpu.memory_space<vmem>>, vector<16xi32>,
        %get3A_235 = arith.constant 16 : index
        %get3A_236 = tpu.vector_load %arg9[%get3A_235] {strides = array<i32>} : memref<64xi32, #tpu.memory_space<vmem>>, vector<16xi32>,
        %get3A_237 = vector.shape_cast %get3A_236 : vector<16xi32> to vector<16xi32>
        %add3A_238 = arith.addi %mul3A_226, %get3A_237 : vector<16xi32>
        %swap3A_239 = arith.constant 16 : index
        %swap3A_240 = tpu.vector_load %arg10[%swap3A_239] {strides = array<i32>} : memref<64xi32, #tpu.memory_space<vmem>>, vector<16xi32>,
        %swap3A_241 = vector.shape_cast %swap3A_240 : vector<16xi32> to vector<16xi32>
        %swap3A_242 = vector.shape_cast %add3A_238 : vector<16xi32> to vector<16xi32>
        tpu.vector_store %arg10[%swap3A_239], %swap3A_242 {strides = array<i32>} : memref<64xi32, #tpu.memory_space<vmem>>, vector<16xi32>,
        %get3A_243 = arith.constant 32 : index
        %get3A_244 = tpu.vector_load %arg10[%get3A_243] {strides = array<i32>} : memref<64xi32, #tpu.memory_space<vmem>>, vector<16xi32>,
        %get3A_245 = vector.shape_cast %get3A_244 : vector<16xi32> to vector<16xi32>
        %mul3A_246 = arith.constant 10000 : i32
        %mul3A_247 = vector.broadcast %mul3A_246 : i32 to vector<16xi32>
        %mul3A_248 = arith.muli %get3A_245, %mul3A_247 : vector<16xi32>
        %get3A_249 = arith.constant 32 : index
        %get3A_250 = tpu.vector_load %arg8[%get3A_249] {strides = array<i32>} : memref<64xi32, #tpu.memory_space<vmem>>, vector<16xi32>,
        %get3A_251 = vector.shape_cast %get3A_250 : vector<16xi32> to vector<16xi32>
        %add3A_252 = arith.addi %mul3A_248, %get3A_251 : vector<16xi32>
        %swap3A_253 = arith.constant 32 : index
        %swap3A_254 = tpu.vector_load %arg8[%swap3A_253] {strides = array<i32>} : memref<64xi32, #tpu.memory_space<vmem>>, vector<16xi32>,
        %swap3A_255 = vector.shape_cast %swap3A_254 : vector<16xi32> to vector<16xi32>
        %swap3A_256 = vector.shape_cast %add3A_252 : vector<16xi32> to vector<16xi32>
        tpu.vector_store %arg8[%swap3A_253], %swap3A_256 {strides = array<i32>} : memref<64xi32, #tpu.memory_space<vmem>>, vector<16xi32>,
        %get3A_257 = arith.constant 32 : index
        %get3A_258 = tpu.vector_load %arg9[%get3A_257] {strides = array<i32>} : memref<64xi32, #tpu.memory_space<vmem>>, vector<16xi32>,
        %get3A_259 = vector.shape_cast %get3A_258 : vector<16xi32> to vector<16xi32>
        %add3A_260 = arith.addi %mul3A_248, %get3A_259 : vector<16xi32>
        %swap3A_261 = arith.constant 32 : index
        %swap3A_262 = tpu.vector_load %arg10[%swap3A_261] {strides = array<i32>} : memref<64xi32, #tpu.memory_space<vmem>>, vector<16xi32>,
        %swap3A_263 = vector.shape_cast %swap3A_262 : vector<16xi32> to vector<16xi32>
        %swap3A_264 = vector.shape_cast %add3A_260 : vector<16xi32> to vector<16xi32>
        tpu.vector_store %arg10[%swap3A_261], %swap3A_264 {strides = array<i32>} : memref<64xi32, #tpu.memory_space<vmem>>, vector<16xi32>,
        %get3A_265 = arith.constant 48 : index
        %get3A_266 = tpu.vector_load %arg10[%get3A_265] {strides = array<i32>} : memref<64xi32, #tpu.memory_space<vmem>>, vector<16xi32>,
        %get3A_267 = vector.shape_cast %get3A_266 : vector<16xi32> to vector<16xi32>
        %mul3A_268 = arith.constant 10000 : i32
        %mul3A_269 = vector.broadcast %mul3A_268 : i32 to vector<16xi32>
        %mul3A_270 = arith.muli %get3A_267, %mul3A_269 : vector<16xi32>
        %get3A_271 = arith.constant 48 : index
        %get3A_272 = tpu.vector_load %arg8[%get3A_271] {strides = array<i32>} : memref<64xi32, #tpu.memory_space<vmem>>, vector<16xi32>,
        %get3A_273 = vector.shape_cast %get3A_272 : vector<16xi32> to vector<16xi32>
        %add3A_274 = arith.addi %mul3A_270, %get3A_273 : vector<16xi32>
        %swap3A_275 = arith.constant 48 : index
        %swap3A_276 = tpu.vector_load %arg8[%swap3A_275] {strides = array<i32>} : memref<64xi32, #tpu.memory_space<vmem>>, vector<16xi32>,
        %swap3A_277 = vector.shape_cast %swap3A_276 : vector<16xi32> to vector<16xi32>
        %swap3A_278 = vector.shape_cast %add3A_274 : vector<16xi32> to vector<16xi32>
        tpu.vector_store %arg8[%swap3A_275], %swap3A_278 {strides = array<i32>} : memref<64xi32, #tpu.memory_space<vmem>>, vector<16xi32>,
        %get3A_279 = arith.constant 48 : index
        %get3A_280 = tpu.vector_load %arg9[%get3A_279] {strides = array<i32>} : memref<64xi32, #tpu.memory_space<vmem>>, vector<16xi32>,
        %get3A_281 = vector.shape_cast %get3A_280 : vector<16xi32> to vector<16xi32>
        %add3A_282 = arith.addi %mul3A_270, %get3A_281 : vector<16xi32>
        %swap3A_283 = arith.constant 48 : index
        %swap3A_284 = tpu.vector_load %arg10[%swap3A_283] {strides = array<i32>} : memref<64xi32, #tpu.memory_space<vmem>>, vector<16xi32>,
        %swap3A_285 = vector.shape_cast %swap3A_284 : vector<16xi32> to vector<16xi32>
        %swap3A_286 = vector.shape_cast %add3A_282 : vector<16xi32> to vector<16xi32>
        tpu.vector_store %arg10[%swap3A_283], %swap3A_286 {strides = array<i32>} : memref<64xi32, #tpu.memory_space<vmem>>, vector<16xi32>,
        %dma_start3A = arith.constant 0 : i32
        %dma_start3A_287 = arith.constant 0 : i32
        %dma_start3A_288 = tpu.memref_slice %arg2[%dma_start3A, %dma_start3A_287] : memref<40000x128xf32, #tpu.memory_space<hbm>> -> memref<40000x128xf32, #tpu.memory_space<hbm>>
        tpu.enqueue_indirect_dma source(%dma_start3A_288 : memref<40000x128xf32, #tpu.memory_space<hbm>>) target(%arg11 : memref<64x128xf32, #tpu.memory_space<vmem>>) offsets(%arg8 : memref<64xi32, #tpu.memory_space<vmem>>) semaphore(%arg21 : memref<!tpu.dma_semaphore, #tpu.memory_space<semaphore_mem>>)
        %dma_start3A_289 = arith.constant 0 : i32
        %dma_start3A_290 = arith.constant 0 : i32
        %dma_start3A_291 = tpu.memref_slice %arg3[%dma_start3A_289, %dma_start3A_290] : memref<40000x256xf32, #tpu.memory_space<hbm>> -> memref<40000x256xf32, #tpu.memory_space<hbm>>
        tpu.enqueue_indirect_dma source(%dma_start3A_291 : memref<40000x256xf32, #tpu.memory_space<hbm>>) target(%arg12 : memref<64x256xf32, #tpu.memory_space<vmem>>) offsets(%arg10 : memref<64xi32, #tpu.memory_space<vmem>>) semaphore(%arg22 : memref<!tpu.dma_semaphore, #tpu.memory_space<semaphore_mem>>)
      } else {
      }
      %mul3A_170 = arith.constant 32 : i32
      %mul3A_171 = arith.muli %add3A_151, %mul3A_170 : i32
      %add3A_172 = arith.addi %mul3A_171, %add3A : i32
      %lt3A_173 = arith.constant 2500 : i32
      %lt3A_174 = arith.cmpi slt, %add3A_172, %lt3A_173 : i32
      %convert_element_type3A_175 = arith.extui %lt3A_174 : i1 to i32
      %cond3A_176 = arith.constant 0 : i32
      %cond3A_177 = arith.cmpi ne, %convert_element_type3A_175, %cond3A_176 : i32
      scf.if %cond3A_177 {
        %dma_wait3A_189 = arith.constant 0 : i32
        %dma_wait3A_190 = arith.constant 0 : i32
        %dma_wait3A_191 = tpu.memref_slice %arg2[%dma_wait3A_189, %dma_wait3A_190] : memref<40000x128xf32, #tpu.memory_space<hbm>> -> memref<64x128xf32, #tpu.memory_space<hbm>>
        %dma_wait3A_192 = arith.constant 0 : i32
        %dma_wait3A_193 = arith.constant 0 : i32
        %dma_wait3A_194 = tpu.memref_slice %arg2[%dma_wait3A_192, %dma_wait3A_193] : memref<40000x128xf32, #tpu.memory_space<hbm>> -> memref<64x128xf32, #tpu.memory_space<hbm>>
        tpu.wait_dma2 semaphore(%arg24 : memref<!tpu.dma_semaphore, #tpu.memory_space<semaphore_mem>>) src(%dma_wait3A_194 : memref<64x128xf32, #tpu.memory_space<hbm>>) dst(%arg16 : memref<64x128xf32, #tpu.memory_space<vmem>>)
        %dma_wait3A_195 = arith.constant 0 : i32
        %dma_wait3A_196 = arith.constant 0 : i32
        %dma_wait3A_197 = tpu.memref_slice %arg3[%dma_wait3A_195, %dma_wait3A_196] : memref<40000x256xf32, #tpu.memory_space<hbm>> -> memref<64x256xf32, #tpu.memory_space<hbm>>
        %dma_wait3A_198 = arith.constant 0 : i32
        %dma_wait3A_199 = arith.constant 0 : i32
        %dma_wait3A_200 = tpu.memref_slice %arg3[%dma_wait3A_198, %dma_wait3A_199] : memref<40000x256xf32, #tpu.memory_space<hbm>> -> memref<64x256xf32, #tpu.memory_space<hbm>>
        tpu.wait_dma2 semaphore(%arg25 : memref<!tpu.dma_semaphore, #tpu.memory_space<semaphore_mem>>) src(%dma_wait3A_200 : memref<64x256xf32, #tpu.memory_space<hbm>>) dst(%arg17 : memref<64x256xf32, #tpu.memory_space<vmem>>)
        %parallel_loop3A = arith.constant 0 : i32
        %parallel_loop3A_201 = arith.constant 64 : i32
        %parallel_loop3A_202 = arith.constant 1 : i32
        scf.for %parallel_loop3A_231 = %parallel_loop3A to %parallel_loop3A_201 step %parallel_loop3A_202  : i32 {
          %parallel_loop3A_232 = arith.index_cast %parallel_loop3A_231 : i32 to index
          %parallel_loop3A_233 = arith.constant 0 : index
          %parallel_loop3A_234 = tpu.vector_load %arg16[%parallel_loop3A_232, %parallel_loop3A_233] {strides = array<i32>} : memref<64x128xf32, #tpu.memory_space<vmem>>, vector<1x16xf32>,
          %parallel_loop3A_235 = vector.shape_cast %parallel_loop3A_234 : vector<1x16xf32> to vector<16xf32>
          %parallel_loop3A_236 = arith.index_cast %parallel_loop3A_231 : i32 to index
          %parallel_loop3A_237 = arith.constant 0 : index
          %parallel_loop3A_238 = tpu.vector_load %arg17[%parallel_loop3A_236, %parallel_loop3A_237] {strides = array<i32>} : memref<64x256xf32, #tpu.memory_space<vmem>>, vector<1x16xf32>,
          %parallel_loop3A_239 = vector.shape_cast %parallel_loop3A_238 : vector<1x16xf32> to vector<16xf32>
          %parallel_loop3A_240 = arith.index_cast %parallel_loop3A_231 : i32 to index
          %parallel_loop3A_241 = arith.constant 128 : index
          %parallel_loop3A_242 = tpu.vector_load %arg17[%parallel_loop3A_240, %parallel_loop3A_241] {strides = array<i32>} : memref<64x256xf32, #tpu.memory_space<vmem>>, vector<1x16xf32>,
          %parallel_loop3A_243 = vector.shape_cast %parallel_loop3A_242 : vector<1x16xf32> to vector<16xf32>
          %parallel_loop3A_244 = arith.mulf %parallel_loop3A_239, %parallel_loop3A_235 : vector<16xf32>
          %parallel_loop3A_245 = arith.addf %parallel_loop3A_244, %parallel_loop3A_243 : vector<16xf32>
          %parallel_loop3A_246 = arith.constant 0.000000e+00 : f32
          %parallel_loop3A_247 = vector.broadcast %parallel_loop3A_246 : f32 to vector<16xf32>
          %parallel_loop3A_248 = arith.maximumf %parallel_loop3A_245, %parallel_loop3A_247 : vector<16xf32>
          %parallel_loop3A_249 = arith.index_cast %parallel_loop3A_231 : i32 to index
          %parallel_loop3A_250 = arith.constant 0 : index
          %parallel_loop3A_251 = tpu.vector_load %arg16[%parallel_loop3A_249, %parallel_loop3A_250] {strides = array<i32>} : memref<64x128xf32, #tpu.memory_space<vmem>>, vector<1x16xf32>,
          %parallel_loop3A_252 = vector.shape_cast %parallel_loop3A_251 : vector<1x16xf32> to vector<16xf32>
          %parallel_loop3A_253 = vector.shape_cast %parallel_loop3A_248 : vector<16xf32> to vector<1x16xf32>
          tpu.vector_store %arg16[%parallel_loop3A_249, %parallel_loop3A_250], %parallel_loop3A_253 {strides = array<i32>} : memref<64x128xf32, #tpu.memory_space<vmem>>, vector<1x16xf32>,
          %parallel_loop3A_254 = arith.index_cast %parallel_loop3A_231 : i32 to index
          %parallel_loop3A_255 = arith.constant 16 : index
          %parallel_loop3A_256 = tpu.vector_load %arg16[%parallel_loop3A_254, %parallel_loop3A_255] {strides = array<i32>} : memref<64x128xf32, #tpu.memory_space<vmem>>, vector<1x16xf32>,
          %parallel_loop3A_257 = vector.shape_cast %parallel_loop3A_256 : vector<1x16xf32> to vector<16xf32>
          %parallel_loop3A_258 = arith.index_cast %parallel_loop3A_231 : i32 to index
          %parallel_loop3A_259 = arith.constant 16 : index
          %parallel_loop3A_260 = tpu.vector_load %arg17[%parallel_loop3A_258, %parallel_loop3A_259] {strides = array<i32>} : memref<64x256xf32, #tpu.memory_space<vmem>>, vector<1x16xf32>,
          %parallel_loop3A_261 = vector.shape_cast %parallel_loop3A_260 : vector<1x16xf32> to vector<16xf32>
          %parallel_loop3A_262 = arith.index_cast %parallel_loop3A_231 : i32 to index
          %parallel_loop3A_263 = arith.constant 144 : index
          %parallel_loop3A_264 = tpu.vector_load %arg17[%parallel_loop3A_262, %parallel_loop3A_263] {strides = array<i32>} : memref<64x256xf32, #tpu.memory_space<vmem>>, vector<1x16xf32>,
          %parallel_loop3A_265 = vector.shape_cast %parallel_loop3A_264 : vector<1x16xf32> to vector<16xf32>
          %parallel_loop3A_266 = arith.mulf %parallel_loop3A_261, %parallel_loop3A_257 : vector<16xf32>
          %parallel_loop3A_267 = arith.addf %parallel_loop3A_266, %parallel_loop3A_265 : vector<16xf32>
          %parallel_loop3A_268 = arith.constant 0.000000e+00 : f32
          %parallel_loop3A_269 = vector.broadcast %parallel_loop3A_268 : f32 to vector<16xf32>
          %parallel_loop3A_270 = arith.maximumf %parallel_loop3A_267, %parallel_loop3A_269 : vector<16xf32>
          %parallel_loop3A_271 = arith.index_cast %parallel_loop3A_231 : i32 to index
          %parallel_loop3A_272 = arith.constant 16 : index
          %parallel_loop3A_273 = tpu.vector_load %arg16[%parallel_loop3A_271, %parallel_loop3A_272] {strides = array<i32>} : memref<64x128xf32, #tpu.memory_space<vmem>>, vector<1x16xf32>,
          %parallel_loop3A_274 = vector.shape_cast %parallel_loop3A_273 : vector<1x16xf32> to vector<16xf32>
          %parallel_loop3A_275 = vector.shape_cast %parallel_loop3A_270 : vector<16xf32> to vector<1x16xf32>
          tpu.vector_store %arg16[%parallel_loop3A_271, %parallel_loop3A_272], %parallel_loop3A_275 {strides = array<i32>} : memref<64x128xf32, #tpu.memory_space<vmem>>, vector<1x16xf32>,
          %parallel_loop3A_276 = arith.index_cast %parallel_loop3A_231 : i32 to index
          %parallel_loop3A_277 = arith.constant 32 : index
          %parallel_loop3A_278 = tpu.vector_load %arg16[%parallel_loop3A_276, %parallel_loop3A_277] {strides = array<i32>} : memref<64x128xf32, #tpu.memory_space<vmem>>, vector<1x16xf32>,
          %parallel_loop3A_279 = vector.shape_cast %parallel_loop3A_278 : vector<1x16xf32> to vector<16xf32>
          %parallel_loop3A_280 = arith.index_cast %parallel_loop3A_231 : i32 to index
          %parallel_loop3A_281 = arith.constant 32 : index
          %parallel_loop3A_282 = tpu.vector_load %arg17[%parallel_loop3A_280, %parallel_loop3A_281] {strides = array<i32>} : memref<64x256xf32, #tpu.memory_space<vmem>>, vector<1x16xf32>,
          %parallel_loop3A_283 = vector.shape_cast %parallel_loop3A_282 : vector<1x16xf32> to vector<16xf32>
          %parallel_loop3A_284 = arith.index_cast %parallel_loop3A_231 : i32 to index
          %parallel_loop3A_285 = arith.constant 160 : index
          %parallel_loop3A_286 = tpu.vector_load %arg17[%parallel_loop3A_284, %parallel_loop3A_285] {strides = array<i32>} : memref<64x256xf32, #tpu.memory_space<vmem>>, vector<1x16xf32>,
          %parallel_loop3A_287 = vector.shape_cast %parallel_loop3A_286 : vector<1x16xf32> to vector<16xf32>
          %parallel_loop3A_288 = arith.mulf %parallel_loop3A_283, %parallel_loop3A_279 : vector<16xf32>
          %parallel_loop3A_289 = arith.addf %parallel_loop3A_288, %parallel_loop3A_287 : vector<16xf32>
          %parallel_loop3A_290 = arith.constant 0.000000e+00 : f32
          %parallel_loop3A_291 = vector.broadcast %parallel_loop3A_290 : f32 to vector<16xf32>
          %parallel_loop3A_292 = arith.maximumf %parallel_loop3A_289, %parallel_loop3A_291 : vector<16xf32>
          %parallel_loop3A_293 = arith.index_cast %parallel_loop3A_231 : i32 to index
          %parallel_loop3A_294 = arith.constant 32 : index
          %parallel_loop3A_295 = tpu.vector_load %arg16[%parallel_loop3A_293, %parallel_loop3A_294] {strides = array<i32>} : memref<64x128xf32, #tpu.memory_space<vmem>>, vector<1x16xf32>,
          %parallel_loop3A_296 = vector.shape_cast %parallel_loop3A_295 : vector<1x16xf32> to vector<16xf32>
          %parallel_loop3A_297 = vector.shape_cast %parallel_loop3A_292 : vector<16xf32> to vector<1x16xf32>
          tpu.vector_store %arg16[%parallel_loop3A_293, %parallel_loop3A_294], %parallel_loop3A_297 {strides = array<i32>} : memref<64x128xf32, #tpu.memory_space<vmem>>, vector<1x16xf32>,
          %parallel_loop3A_298 = arith.index_cast %parallel_loop3A_231 : i32 to index
          %parallel_loop3A_299 = arith.constant 48 : index
          %parallel_loop3A_300 = tpu.vector_load %arg16[%parallel_loop3A_298, %parallel_loop3A_299] {strides = array<i32>} : memref<64x128xf32, #tpu.memory_space<vmem>>, vector<1x16xf32>,
          %parallel_loop3A_301 = vector.shape_cast %parallel_loop3A_300 : vector<1x16xf32> to vector<16xf32>
          %parallel_loop3A_302 = arith.index_cast %parallel_loop3A_231 : i32 to index
          %parallel_loop3A_303 = arith.constant 48 : index
          %parallel_loop3A_304 = tpu.vector_load %arg17[%parallel_loop3A_302, %parallel_loop3A_303] {strides = array<i32>} : memref<64x256xf32, #tpu.memory_space<vmem>>, vector<1x16xf32>,
          %parallel_loop3A_305 = vector.shape_cast %parallel_loop3A_304 : vector<1x16xf32> to vector<16xf32>
          %parallel_loop3A_306 = arith.index_cast %parallel_loop3A_231 : i32 to index
          %parallel_loop3A_307 = arith.constant 176 : index
          %parallel_loop3A_308 = tpu.vector_load %arg17[%parallel_loop3A_306, %parallel_loop3A_307] {strides = array<i32>} : memref<64x256xf32, #tpu.memory_space<vmem>>, vector<1x16xf32>,
          %parallel_loop3A_309 = vector.shape_cast %parallel_loop3A_308 : vector<1x16xf32> to vector<16xf32>
          %parallel_loop3A_310 = arith.mulf %parallel_loop3A_305, %parallel_loop3A_301 : vector<16xf32>
          %parallel_loop3A_311 = arith.addf %parallel_loop3A_310, %parallel_loop3A_309 : vector<16xf32>
          %parallel_loop3A_312 = arith.constant 0.000000e+00 : f32
          %parallel_loop3A_313 = vector.broadcast %parallel_loop3A_312 : f32 to vector<16xf32>
          %parallel_loop3A_314 = arith.maximumf %parallel_loop3A_311, %parallel_loop3A_313 : vector<16xf32>
          %parallel_loop3A_315 = arith.index_cast %parallel_loop3A_231 : i32 to index
          %parallel_loop3A_316 = arith.constant 48 : index
          %parallel_loop3A_317 = tpu.vector_load %arg16[%parallel_loop3A_315, %parallel_loop3A_316] {strides = array<i32>} : memref<64x128xf32, #tpu.memory_space<vmem>>, vector<1x16xf32>,
          %parallel_loop3A_318 = vector.shape_cast %parallel_loop3A_317 : vector<1x16xf32> to vector<16xf32>
          %parallel_loop3A_319 = vector.shape_cast %parallel_loop3A_314 : vector<16xf32> to vector<1x16xf32>
          tpu.vector_store %arg16[%parallel_loop3A_315, %parallel_loop3A_316], %parallel_loop3A_319 {strides = array<i32>} : memref<64x128xf32, #tpu.memory_space<vmem>>, vector<1x16xf32>,
          %parallel_loop3A_320 = arith.index_cast %parallel_loop3A_231 : i32 to index
          %parallel_loop3A_321 = arith.constant 64 : index
          %parallel_loop3A_322 = tpu.vector_load %arg16[%parallel_loop3A_320, %parallel_loop3A_321] {strides = array<i32>} : memref<64x128xf32, #tpu.memory_space<vmem>>, vector<1x16xf32>,
          %parallel_loop3A_323 = vector.shape_cast %parallel_loop3A_322 : vector<1x16xf32> to vector<16xf32>
          %parallel_loop3A_324 = arith.index_cast %parallel_loop3A_231 : i32 to index
          %parallel_loop3A_325 = arith.constant 64 : index
          %parallel_loop3A_326 = tpu.vector_load %arg17[%parallel_loop3A_324, %parallel_loop3A_325] {strides = array<i32>} : memref<64x256xf32, #tpu.memory_space<vmem>>, vector<1x16xf32>,
          %parallel_loop3A_327 = vector.shape_cast %parallel_loop3A_326 : vector<1x16xf32> to vector<16xf32>
          %parallel_loop3A_328 = arith.index_cast %parallel_loop3A_231 : i32 to index
          %parallel_loop3A_329 = arith.constant 192 : index
          %parallel_loop3A_330 = tpu.vector_load %arg17[%parallel_loop3A_328, %parallel_loop3A_329] {strides = array<i32>} : memref<64x256xf32, #tpu.memory_space<vmem>>, vector<1x16xf32>,
          %parallel_loop3A_331 = vector.shape_cast %parallel_loop3A_330 : vector<1x16xf32> to vector<16xf32>
          %parallel_loop3A_332 = arith.mulf %parallel_loop3A_327, %parallel_loop3A_323 : vector<16xf32>
          %parallel_loop3A_333 = arith.addf %parallel_loop3A_332, %parallel_loop3A_331 : vector<16xf32>
          %parallel_loop3A_334 = arith.constant 0.000000e+00 : f32
          %parallel_loop3A_335 = vector.broadcast %parallel_loop3A_334 : f32 to vector<16xf32>
          %parallel_loop3A_336 = arith.maximumf %parallel_loop3A_333, %parallel_loop3A_335 : vector<16xf32>
          %parallel_loop3A_337 = arith.index_cast %parallel_loop3A_231 : i32 to index
          %parallel_loop3A_338 = arith.constant 64 : index
          %parallel_loop3A_339 = tpu.vector_load %arg16[%parallel_loop3A_337, %parallel_loop3A_338] {strides = array<i32>} : memref<64x128xf32, #tpu.memory_space<vmem>>, vector<1x16xf32>,
          %parallel_loop3A_340 = vector.shape_cast %parallel_loop3A_339 : vector<1x16xf32> to vector<16xf32>
          %parallel_loop3A_341 = vector.shape_cast %parallel_loop3A_336 : vector<16xf32> to vector<1x16xf32>
          tpu.vector_store %arg16[%parallel_loop3A_337, %parallel_loop3A_338], %parallel_loop3A_341 {strides = array<i32>} : memref<64x128xf32, #tpu.memory_space<vmem>>, vector<1x16xf32>,
          %parallel_loop3A_342 = arith.index_cast %parallel_loop3A_231 : i32 to index
          %parallel_loop3A_343 = arith.constant 80 : index
          %parallel_loop3A_344 = tpu.vector_load %arg16[%parallel_loop3A_342, %parallel_loop3A_343] {strides = array<i32>} : memref<64x128xf32, #tpu.memory_space<vmem>>, vector<1x16xf32>,
          %parallel_loop3A_345 = vector.shape_cast %parallel_loop3A_344 : vector<1x16xf32> to vector<16xf32>
          %parallel_loop3A_346 = arith.index_cast %parallel_loop3A_231 : i32 to index
          %parallel_loop3A_347 = arith.constant 80 : index
          %parallel_loop3A_348 = tpu.vector_load %arg17[%parallel_loop3A_346, %parallel_loop3A_347] {strides = array<i32>} : memref<64x256xf32, #tpu.memory_space<vmem>>, vector<1x16xf32>,
          %parallel_loop3A_349 = vector.shape_cast %parallel_loop3A_348 : vector<1x16xf32> to vector<16xf32>
          %parallel_loop3A_350 = arith.index_cast %parallel_loop3A_231 : i32 to index
          %parallel_loop3A_351 = arith.constant 208 : index
          %parallel_loop3A_352 = tpu.vector_load %arg17[%parallel_loop3A_350, %parallel_loop3A_351] {strides = array<i32>} : memref<64x256xf32, #tpu.memory_space<vmem>>, vector<1x16xf32>,
          %parallel_loop3A_353 = vector.shape_cast %parallel_loop3A_352 : vector<1x16xf32> to vector<16xf32>
          %parallel_loop3A_354 = arith.mulf %parallel_loop3A_349, %parallel_loop3A_345 : vector<16xf32>
          %parallel_loop3A_355 = arith.addf %parallel_loop3A_354, %parallel_loop3A_353 : vector<16xf32>
          %parallel_loop3A_356 = arith.constant 0.000000e+00 : f32
          %parallel_loop3A_357 = vector.broadcast %parallel_loop3A_356 : f32 to vector<16xf32>
          %parallel_loop3A_358 = arith.maximumf %parallel_loop3A_355, %parallel_loop3A_357 : vector<16xf32>
          %parallel_loop3A_359 = arith.index_cast %parallel_loop3A_231 : i32 to index
          %parallel_loop3A_360 = arith.constant 80 : index
          %parallel_loop3A_361 = tpu.vector_load %arg16[%parallel_loop3A_359, %parallel_loop3A_360] {strides = array<i32>} : memref<64x128xf32, #tpu.memory_space<vmem>>, vector<1x16xf32>,
          %parallel_loop3A_362 = vector.shape_cast %parallel_loop3A_361 : vector<1x16xf32> to vector<16xf32>
          %parallel_loop3A_363 = vector.shape_cast %parallel_loop3A_358 : vector<16xf32> to vector<1x16xf32>
          tpu.vector_store %arg16[%parallel_loop3A_359, %parallel_loop3A_360], %parallel_loop3A_363 {strides = array<i32>} : memref<64x128xf32, #tpu.memory_space<vmem>>, vector<1x16xf32>,
          %parallel_loop3A_364 = arith.index_cast %parallel_loop3A_231 : i32 to index
          %parallel_loop3A_365 = arith.constant 96 : index
          %parallel_loop3A_366 = tpu.vector_load %arg16[%parallel_loop3A_364, %parallel_loop3A_365] {strides = array<i32>} : memref<64x128xf32, #tpu.memory_space<vmem>>, vector<1x16xf32>,
          %parallel_loop3A_367 = vector.shape_cast %parallel_loop3A_366 : vector<1x16xf32> to vector<16xf32>
          %parallel_loop3A_368 = arith.index_cast %parallel_loop3A_231 : i32 to index
          %parallel_loop3A_369 = arith.constant 96 : index
          %parallel_loop3A_370 = tpu.vector_load %arg17[%parallel_loop3A_368, %parallel_loop3A_369] {strides = array<i32>} : memref<64x256xf32, #tpu.memory_space<vmem>>, vector<1x16xf32>,
          %parallel_loop3A_371 = vector.shape_cast %parallel_loop3A_370 : vector<1x16xf32> to vector<16xf32>
          %parallel_loop3A_372 = arith.index_cast %parallel_loop3A_231 : i32 to index
          %parallel_loop3A_373 = arith.constant 224 : index
          %parallel_loop3A_374 = tpu.vector_load %arg17[%parallel_loop3A_372, %parallel_loop3A_373] {strides = array<i32>} : memref<64x256xf32, #tpu.memory_space<vmem>>, vector<1x16xf32>,
          %parallel_loop3A_375 = vector.shape_cast %parallel_loop3A_374 : vector<1x16xf32> to vector<16xf32>
          %parallel_loop3A_376 = arith.mulf %parallel_loop3A_371, %parallel_loop3A_367 : vector<16xf32>
          %parallel_loop3A_377 = arith.addf %parallel_loop3A_376, %parallel_loop3A_375 : vector<16xf32>
          %parallel_loop3A_378 = arith.constant 0.000000e+00 : f32
          %parallel_loop3A_379 = vector.broadcast %parallel_loop3A_378 : f32 to vector<16xf32>
          %parallel_loop3A_380 = arith.maximumf %parallel_loop3A_377, %parallel_loop3A_379 : vector<16xf32>
          %parallel_loop3A_381 = arith.index_cast %parallel_loop3A_231 : i32 to index
          %parallel_loop3A_382 = arith.constant 96 : index
          %parallel_loop3A_383 = tpu.vector_load %arg16[%parallel_loop3A_381, %parallel_loop3A_382] {strides = array<i32>} : memref<64x128xf32, #tpu.memory_space<vmem>>, vector<1x16xf32>,
          %parallel_loop3A_384 = vector.shape_cast %parallel_loop3A_383 : vector<1x16xf32> to vector<16xf32>
          %parallel_loop3A_385 = vector.shape_cast %parallel_loop3A_380 : vector<16xf32> to vector<1x16xf32>
          tpu.vector_store %arg16[%parallel_loop3A_381, %parallel_loop3A_382], %parallel_loop3A_385 {strides = array<i32>} : memref<64x128xf32, #tpu.memory_space<vmem>>, vector<1x16xf32>,
          %parallel_loop3A_386 = arith.index_cast %parallel_loop3A_231 : i32 to index
          %parallel_loop3A_387 = arith.constant 112 : index
          %parallel_loop3A_388 = tpu.vector_load %arg16[%parallel_loop3A_386, %parallel_loop3A_387] {strides = array<i32>} : memref<64x128xf32, #tpu.memory_space<vmem>>, vector<1x16xf32>,
          %parallel_loop3A_389 = vector.shape_cast %parallel_loop3A_388 : vector<1x16xf32> to vector<16xf32>
          %parallel_loop3A_390 = arith.index_cast %parallel_loop3A_231 : i32 to index
          %parallel_loop3A_391 = arith.constant 112 : index
          %parallel_loop3A_392 = tpu.vector_load %arg17[%parallel_loop3A_390, %parallel_loop3A_391] {strides = array<i32>} : memref<64x256xf32, #tpu.memory_space<vmem>>, vector<1x16xf32>,
          %parallel_loop3A_393 = vector.shape_cast %parallel_loop3A_392 : vector<1x16xf32> to vector<16xf32>
          %parallel_loop3A_394 = arith.index_cast %parallel_loop3A_231 : i32 to index
          %parallel_loop3A_395 = arith.constant 240 : index
          %parallel_loop3A_396 = tpu.vector_load %arg17[%parallel_loop3A_394, %parallel_loop3A_395] {strides = array<i32>} : memref<64x256xf32, #tpu.memory_space<vmem>>, vector<1x16xf32>,
          %parallel_loop3A_397 = vector.shape_cast %parallel_loop3A_396 : vector<1x16xf32> to vector<16xf32>
          %parallel_loop3A_398 = arith.mulf %parallel_loop3A_393, %parallel_loop3A_389 : vector<16xf32>
          %parallel_loop3A_399 = arith.addf %parallel_loop3A_398, %parallel_loop3A_397 : vector<16xf32>
          %parallel_loop3A_400 = arith.constant 0.000000e+00 : f32
          %parallel_loop3A_401 = vector.broadcast %parallel_loop3A_400 : f32 to vector<16xf32>
          %parallel_loop3A_402 = arith.maximumf %parallel_loop3A_399, %parallel_loop3A_401 : vector<16xf32>
          %parallel_loop3A_403 = arith.index_cast %parallel_loop3A_231 : i32 to index
          %parallel_loop3A_404 = arith.constant 112 : index
          %parallel_loop3A_405 = tpu.vector_load %arg16[%parallel_loop3A_403, %parallel_loop3A_404] {strides = array<i32>} : memref<64x128xf32, #tpu.memory_space<vmem>>, vector<1x16xf32>,
          %parallel_loop3A_406 = vector.shape_cast %parallel_loop3A_405 : vector<1x16xf32> to vector<16xf32>
          %parallel_loop3A_407 = vector.shape_cast %parallel_loop3A_402 : vector<16xf32> to vector<1x16xf32>
          tpu.vector_store %arg16[%parallel_loop3A_403, %parallel_loop3A_404], %parallel_loop3A_407 {strides = array<i32>} : memref<64x128xf32, #tpu.memory_space<vmem>>, vector<1x16xf32>,
        } {sc.loop_unroll_factor = 4 : i64, sc.parallel_access}
        %get3A = arith.constant 0 : index
        %get3A_203 = tpu.vector_load %arg14[%get3A] {strides = array<i32>} : memref<64xi32, #tpu.memory_space<vmem>>, vector<16xi32>,
        %get3A_204 = vector.shape_cast %get3A_203 : vector<16xi32> to vector<16xi32>
        %swap3A = arith.constant 0 : index
        %swap3A_205 = tpu.vector_load %arg19[%swap3A] {strides = array<i32>} : memref<64xi32, #tpu.memory_space<vmem>>, vector<16xi32>,
        %swap3A_206 = vector.shape_cast %swap3A_205 : vector<16xi32> to vector<16xi32>
        %swap3A_207 = vector.shape_cast %get3A_204 : vector<16xi32> to vector<16xi32>
        tpu.vector_store %arg19[%swap3A], %swap3A_207 {strides = array<i32>} : memref<64xi32, #tpu.memory_space<vmem>>, vector<16xi32>,
        %get3A_208 = arith.constant 16 : index
        %get3A_209 = tpu.vector_load %arg14[%get3A_208] {strides = array<i32>} : memref<64xi32, #tpu.memory_space<vmem>>, vector<16xi32>,
        %get3A_210 = vector.shape_cast %get3A_209 : vector<16xi32> to vector<16xi32>
        %swap3A_211 = arith.constant 16 : index
        %swap3A_212 = tpu.vector_load %arg19[%swap3A_211] {strides = array<i32>} : memref<64xi32, #tpu.memory_space<vmem>>, vector<16xi32>,
        %swap3A_213 = vector.shape_cast %swap3A_212 : vector<16xi32> to vector<16xi32>
        %swap3A_214 = vector.shape_cast %get3A_210 : vector<16xi32> to vector<16xi32>
        tpu.vector_store %arg19[%swap3A_211], %swap3A_214 {strides = array<i32>} : memref<64xi32, #tpu.memory_space<vmem>>, vector<16xi32>,
        %get3A_215 = arith.constant 32 : index
        %get3A_216 = tpu.vector_load %arg14[%get3A_215] {strides = array<i32>} : memref<64xi32, #tpu.memory_space<vmem>>, vector<16xi32>,
        %get3A_217 = vector.shape_cast %get3A_216 : vector<16xi32> to vector<16xi32>
        %swap3A_218 = arith.constant 32 : index
        %swap3A_219 = tpu.vector_load %arg19[%swap3A_218] {strides = array<i32>} : memref<64xi32, #tpu.memory_space<vmem>>, vector<16xi32>,
        %swap3A_220 = vector.shape_cast %swap3A_219 : vector<16xi32> to vector<16xi32>
        %swap3A_221 = vector.shape_cast %get3A_217 : vector<16xi32> to vector<16xi32>
        tpu.vector_store %arg19[%swap3A_218], %swap3A_221 {strides = array<i32>} : memref<64xi32, #tpu.memory_space<vmem>>, vector<16xi32>,
        %get3A_222 = arith.constant 48 : index
        %get3A_223 = tpu.vector_load %arg14[%get3A_222] {strides = array<i32>} : memref<64xi32, #tpu.memory_space<vmem>>, vector<16xi32>,
        %get3A_224 = vector.shape_cast %get3A_223 : vector<16xi32> to vector<16xi32>
        %swap3A_225 = arith.constant 48 : index
        %swap3A_226 = tpu.vector_load %arg19[%swap3A_225] {strides = array<i32>} : memref<64xi32, #tpu.memory_space<vmem>>, vector<16xi32>,
        %swap3A_227 = vector.shape_cast %swap3A_226 : vector<16xi32> to vector<16xi32>
        %swap3A_228 = vector.shape_cast %get3A_224 : vector<16xi32> to vector<16xi32>
        tpu.vector_store %arg19[%swap3A_225], %swap3A_228 {strides = array<i32>} : memref<64xi32, #tpu.memory_space<vmem>>, vector<16xi32>,
        %dma_start3A = arith.constant 0 : i32
        %dma_start3A_229 = arith.constant 0 : i32
        %dma_start3A_230 = tpu.memref_slice %arg7[%dma_start3A, %dma_start3A_229] : memref<10112x128xf32, #tpu.memory_space<vmem_shared>> -> memref<10112x128xf32, #tpu.memory_space<vmem_shared>>
        tpu.enqueue_indirect_dma source(%arg16 : memref<64x128xf32, #tpu.memory_space<vmem>>) target(%dma_start3A_230 : memref<10112x128xf32, #tpu.memory_space<vmem_shared>>) offsets(%arg19 : memref<64xi32, #tpu.memory_space<vmem>>) semaphore(%arg27 : memref<!tpu.dma_semaphore, #tpu.memory_space<semaphore_mem>>) {add = true}
      } else {
      }
      %add3A_178 = arith.constant 2 : i32
      %add3A_179 = arith.addi %add3A_151, %add3A_178 : i32
      %mul3A_180 = arith.constant 32 : i32
      %mul3A_181 = arith.muli %add3A_179, %mul3A_180 : i32
      %add3A_182 = arith.addi %mul3A_181, %add3A : i32
      %lt3A_183 = arith.constant 2500 : i32
      %lt3A_184 = arith.cmpi slt, %add3A_182, %lt3A_183 : i32
      %convert_element_type3A_185 = arith.extui %lt3A_184 : i1 to i32
      %cond3A_186 = arith.constant 0 : i32
      %cond3A_187 = arith.cmpi ne, %convert_element_type3A_185, %cond3A_186 : i32
      scf.if %cond3A_187 {
        %mul3A_189 = arith.constant 64 : i32
        %mul3A_190 = arith.muli %add3A_182, %mul3A_189 : i32
        %dma_start3A = arith.constant 0 : i32
        %dma_start3A_191 = tpu.memref_slice %arg4[%dma_start3A, %mul3A_190] : memref<2x160000xi32, #tpu.memory_space<hbm>> -> memref<1x64xi32, #tpu.memory_space<hbm>>
        %dma_start3A_192 = tpu.memref_squeeze %dma_start3A_191 : memref<1x64xi32, #tpu.memory_space<hbm>> -> memref<64xi32, #tpu.memory_space<hbm>>
        %dma_start3A_193 = tpu.memref_slice %arg4[%dma_start3A, %mul3A_190] : memref<2x160000xi32, #tpu.memory_space<hbm>> -> memref<1x64xi32, #tpu.memory_space<hbm>>
        %dma_start3A_194 = tpu.memref_squeeze %dma_start3A_193 : memref<1x64xi32, #tpu.memory_space<hbm>> -> memref<64xi32, #tpu.memory_space<hbm>>
        tpu.enqueue_dma source(%dma_start3A_194 : memref<64xi32, #tpu.memory_space<hbm>>) target(%arg13 : memref<64xi32, #tpu.memory_space<vmem>>) target_semaphore(%arg23 : memref<!tpu.dma_semaphore, #tpu.memory_space<semaphore_mem>>)
        %dma_start3A_195 = arith.constant 1 : i32
        %dma_start3A_196 = tpu.memref_slice %arg4[%dma_start3A_195, %mul3A_190] : memref<2x160000xi32, #tpu.memory_space<hbm>> -> memref<1x64xi32, #tpu.memory_space<hbm>>
        %dma_start3A_197 = tpu.memref_squeeze %dma_start3A_196 : memref<1x64xi32, #tpu.memory_space<hbm>> -> memref<64xi32, #tpu.memory_space<hbm>>
        %dma_start3A_198 = tpu.memref_slice %arg4[%dma_start3A_195, %mul3A_190] : memref<2x160000xi32, #tpu.memory_space<hbm>> -> memref<1x64xi32, #tpu.memory_space<hbm>>
        %dma_start3A_199 = tpu.memref_squeeze %dma_start3A_198 : memref<1x64xi32, #tpu.memory_space<hbm>> -> memref<64xi32, #tpu.memory_space<hbm>>
        tpu.enqueue_dma source(%dma_start3A_199 : memref<64xi32, #tpu.memory_space<hbm>>) target(%arg14 : memref<64xi32, #tpu.memory_space<vmem>>) target_semaphore(%arg23 : memref<!tpu.dma_semaphore, #tpu.memory_space<semaphore_mem>>)
        %dma_start3A_200 = tpu.memref_slice %arg5[%mul3A_190] : memref<160000xi32, #tpu.memory_space<hbm>> -> memref<64xi32, #tpu.memory_space<hbm>>
        %dma_start3A_201 = tpu.memref_slice %arg5[%mul3A_190] : memref<160000xi32, #tpu.memory_space<hbm>> -> memref<64xi32, #tpu.memory_space<hbm>>
        tpu.enqueue_dma source(%dma_start3A_201 : memref<64xi32, #tpu.memory_space<hbm>>) target(%arg15 : memref<64xi32, #tpu.memory_space<vmem>>) target_semaphore(%arg23 : memref<!tpu.dma_semaphore, #tpu.memory_space<semaphore_mem>>)
      } else {
      }
      %scan3A_188 = arith.constant 0 : i32
      scf.yield %scan3A_188 : i32
    }
    %scan3A_60 = arith.constant 40 : i32
    %dma_wait3A = arith.constant 0 : i32
    %dma_wait3A_61 = arith.constant 0 : i32
    %dma_wait3A_62 = tpu.memref_slice %arg7[%dma_wait3A, %dma_wait3A_61] : memref<10112x128xf32, #tpu.memory_space<vmem_shared>> -> memref<10112x128xf32, #tpu.memory_space<vmem_shared>>
    tpu.wait_indirect_dma semaphore(%arg26 : memref<!tpu.dma_semaphore, #tpu.memory_space<semaphore_mem>>) src(%arg11 : memref<64x128xf32, #tpu.memory_space<vmem>>) dst(%dma_wait3A_62 : memref<10112x128xf32, #tpu.memory_space<vmem_shared>>)
    %dma_wait3A_63 = arith.constant 0 : i32
    %dma_wait3A_64 = arith.constant 0 : i32
    %dma_wait3A_65 = tpu.memref_slice %arg7[%dma_wait3A_63, %dma_wait3A_64] : memref<10112x128xf32, #tpu.memory_space<vmem_shared>> -> memref<10112x128xf32, #tpu.memory_space<vmem_shared>>
    tpu.wait_indirect_dma semaphore(%arg27 : memref<!tpu.dma_semaphore, #tpu.memory_space<semaphore_mem>>) src(%arg16 : memref<64x128xf32, #tpu.memory_space<vmem>>) dst(%dma_wait3A_65 : memref<10112x128xf32, #tpu.memory_space<vmem_shared>>)
    %barrier3A_66 = arith.constant 0 : index
    tpu.barrier barrier_id(%barrier3A_66)
    %add3A_67 = arith.constant 0 : i32
    %add3A_68 = arith.addi %mul3A_2, %add3A_67 : i32
    "tpu.region"() ({
      %run_scoped3A = tpu.sem_alloc : memref<!tpu.dma_semaphore, #tpu.memory_space<semaphore_mem>>
      %dma_start3A = arith.constant 0 : i32
      %dma_start3A_107 = arith.constant 0 : i32
      %dma_start3A_108 = tpu.memref_slice %arg11[%dma_start3A, %dma_start3A_107] : memref<64x128xf32, #tpu.memory_space<vmem>> -> memref<64x128xf32, #tpu.memory_space<vmem>>
      %dma_start3A_109 = arith.constant 0 : i32
      %dma_start3A_110 = tpu.memref_slice %arg7[%add3A_68, %dma_start3A_109] : memref<10112x128xf32, #tpu.memory_space<vmem_shared>> -> memref<64x128xf32, #tpu.memory_space<vmem_shared>>
      %dma_start3A_111 = arith.constant 0 : i32
      %dma_start3A_112 = arith.constant 0 : i32
      %dma_start3A_113 = tpu.memref_slice %arg11[%dma_start3A_111, %dma_start3A_112] : memref<64x128xf32, #tpu.memory_space<vmem>> -> memref<64x128xf32, #tpu.memory_space<vmem>>
      %dma_start3A_114 = arith.constant 0 : i32
      %dma_start3A_115 = tpu.memref_slice %arg7[%add3A_68, %dma_start3A_114] : memref<10112x128xf32, #tpu.memory_space<vmem_shared>> -> memref<64x128xf32, #tpu.memory_space<vmem_shared>>
      tpu.enqueue_dma source(%dma_start3A_115 : memref<64x128xf32, #tpu.memory_space<vmem_shared>>) target(%dma_start3A_113 : memref<64x128xf32, #tpu.memory_space<vmem>>) target_semaphore(%run_scoped3A : memref<!tpu.dma_semaphore, #tpu.memory_space<semaphore_mem>>)
      %dma_wait3A_116 = arith.constant 0 : i32
      %dma_wait3A_117 = arith.constant 0 : i32
      %dma_wait3A_118 = tpu.memref_slice %arg11[%dma_wait3A_116, %dma_wait3A_117] : memref<64x128xf32, #tpu.memory_space<vmem>> -> memref<64x128xf32, #tpu.memory_space<vmem>>
      %dma_wait3A_119 = arith.constant 0 : i32
      %dma_wait3A_120 = tpu.memref_slice %arg7[%add3A_68, %dma_wait3A_119] : memref<10112x128xf32, #tpu.memory_space<vmem_shared>> -> memref<64x128xf32, #tpu.memory_space<vmem_shared>>
      %dma_wait3A_121 = arith.constant 0 : i32
      %dma_wait3A_122 = arith.constant 0 : i32
      %dma_wait3A_123 = tpu.memref_slice %arg11[%dma_wait3A_121, %dma_wait3A_122] : memref<64x128xf32, #tpu.memory_space<vmem>> -> memref<64x128xf32, #tpu.memory_space<vmem>>
      %dma_wait3A_124 = arith.constant 0 : i32
      %dma_wait3A_125 = tpu.memref_slice %arg7[%add3A_68, %dma_wait3A_124] : memref<10112x128xf32, #tpu.memory_space<vmem_shared>> -> memref<64x128xf32, #tpu.memory_space<vmem_shared>>
      tpu.wait_dma2 semaphore(%run_scoped3A : memref<!tpu.dma_semaphore, #tpu.memory_space<semaphore_mem>>) src(%dma_wait3A_125 : memref<64x128xf32, #tpu.memory_space<vmem_shared>>) dst(%dma_wait3A_123 : memref<64x128xf32, #tpu.memory_space<vmem>>)
      tpu.yield
    }) : () -> ()
    %add3A_69 = arith.constant 0 : i32
    %add3A_70 = arith.addi %mul3A_2, %add3A_69 : i32
    "tpu.region"() ({
      %run_scoped3A = tpu.sem_alloc : memref<!tpu.dma_semaphore, #tpu.memory_space<semaphore_mem>>
      %dma_start3A = arith.constant 0 : i32
      %dma_start3A_107 = arith.constant 0 : i32
      %dma_start3A_108 = tpu.memref_slice %arg11[%dma_start3A, %dma_start3A_107] : memref<64x128xf32, #tpu.memory_space<vmem>> -> memref<64x128xf32, #tpu.memory_space<vmem>>
      %dma_start3A_109 = arith.constant 0 : i32
      %dma_start3A_110 = tpu.memref_slice %arg6[%arg0, %add3A_70, %dma_start3A_109] : memref<2x10112x128xf32, #tpu.memory_space<hbm>> -> memref<1x64x128xf32, #tpu.memory_space<hbm>>
      %dma_start3A_111 = tpu.memref_squeeze %dma_start3A_110 : memref<1x64x128xf32, #tpu.memory_space<hbm>> -> memref<64x128xf32, #tpu.memory_space<hbm>>
      %dma_start3A_112 = arith.constant 0 : i32
      %dma_start3A_113 = tpu.memref_slice %arg6[%arg0, %add3A_70, %dma_start3A_112] : memref<2x10112x128xf32, #tpu.memory_space<hbm>> -> memref<1x64x128xf32, #tpu.memory_space<hbm>>
      %dma_start3A_114 = tpu.memref_squeeze %dma_start3A_113 : memref<1x64x128xf32, #tpu.memory_space<hbm>> -> memref<64x128xf32, #tpu.memory_space<hbm>>
      %dma_start3A_115 = arith.constant 0 : i32
      %dma_start3A_116 = arith.constant 0 : i32
      %dma_start3A_117 = tpu.memref_slice %arg11[%dma_start3A_115, %dma_start3A_116] : memref<64x128xf32, #tpu.memory_space<vmem>> -> memref<64x128xf32, #tpu.memory_space<vmem>>
      tpu.enqueue_dma source(%dma_start3A_117 : memref<64x128xf32, #tpu.memory_space<vmem>>) target(%dma_start3A_114 : memref<64x128xf32, #tpu.memory_space<hbm>>) target_semaphore(%run_scoped3A : memref<!tpu.dma_semaphore, #tpu.memory_space<semaphore_mem>>)
      %dma_wait3A_118 = arith.constant 0 : i32
      %dma_wait3A_119 = arith.constant 0 : i32
      %dma_wait3A_120 = tpu.memref_slice %arg11[%dma_wait3A_118, %dma_wait3A_119] : memref<64x128xf32, #tpu.memory_space<vmem>> -> memref<64x128xf32, #tpu.memory_space<vmem>>
      %dma_wait3A_121 = arith.constant 0 : i32
      %dma_wait3A_122 = tpu.memref_slice %arg6[%arg0, %add3A_70, %dma_wait3A_121] : memref<2x10112x128xf32, #tpu.memory_space<hbm>> -> memref<1x64x128xf32, #tpu.memory_space<hbm>>
      %dma_wait3A_123 = tpu.memref_squeeze %dma_wait3A_122 : memref<1x64x128xf32, #tpu.memory_space<hbm>> -> memref<64x128xf32, #tpu.memory_space<hbm>>
      %dma_wait3A_124 = arith.constant 0 : i32
      %dma_wait3A_125 = tpu.memref_slice %arg6[%arg0, %add3A_70, %dma_wait3A_124] : memref<2x10112x128xf32, #tpu.memory_space<hbm>> -> memref<1x64x128xf32, #tpu.memory_space<hbm>>
      %dma_wait3A_126 = tpu.memref_squeeze %dma_wait3A_125 : memref<1x64x128xf32, #tpu.memory_space<hbm>> -> memref<64x128xf32, #tpu.memory_space<hbm>>
      %dma_wait3A_127 = arith.constant 0 : i32
      %dma_wait3A_128 = arith.constant 0 : i32
      %dma_wait3A_129 = tpu.memref_slice %arg11[%dma_wait3A_127, %dma_wait3A_128] : memref<64x128xf32, #tpu.memory_space<vmem>> -> memref<64x128xf32, #tpu.memory_space<vmem>>
      tpu.wait_dma2 semaphore(%run_scoped3A : memref<!tpu.dma_semaphore, #tpu.memory_space<semaphore_mem>>) src(%dma_wait3A_129 : memref<64x128xf32, #tpu.memory_space<vmem>>) dst(%dma_wait3A_126 : memref<64x128xf32, #tpu.memory_space<hbm>>)
      tpu.yield
    }) : () -> ()
    %add3A_71 = arith.constant 64 : i32
    %add3A_72 = arith.addi %mul3A_2, %add3A_71 : i32
    "tpu.region"() ({
      %run_scoped3A = tpu.sem_alloc : memref<!tpu.dma_semaphore, #tpu.memory_space<semaphore_mem>>
      %dma_start3A = arith.constant 0 : i32
      %dma_start3A_107 = arith.constant 0 : i32
      %dma_start3A_108 = tpu.memref_slice %arg11[%dma_start3A, %dma_start3A_107] : memref<64x128xf32, #tpu.memory_space<vmem>> -> memref<64x128xf32, #tpu.memory_space<vmem>>
      %dma_start3A_109 = arith.constant 0 : i32
      %dma_start3A_110 = tpu.memref_slice %arg7[%add3A_72, %dma_start3A_109] : memref<10112x128xf32, #tpu.memory_space<vmem_shared>> -> memref<64x128xf32, #tpu.memory_space<vmem_shared>>
      %dma_start3A_111 = arith.constant 0 : i32
      %dma_start3A_112 = arith.constant 0 : i32
      %dma_start3A_113 = tpu.memref_slice %arg11[%dma_start3A_111, %dma_start3A_112] : memref<64x128xf32, #tpu.memory_space<vmem>> -> memref<64x128xf32, #tpu.memory_space<vmem>>
      %dma_start3A_114 = arith.constant 0 : i32
      %dma_start3A_115 = tpu.memref_slice %arg7[%add3A_72, %dma_start3A_114] : memref<10112x128xf32, #tpu.memory_space<vmem_shared>> -> memref<64x128xf32, #tpu.memory_space<vmem_shared>>
      tpu.enqueue_dma source(%dma_start3A_115 : memref<64x128xf32, #tpu.memory_space<vmem_shared>>) target(%dma_start3A_113 : memref<64x128xf32, #tpu.memory_space<vmem>>) target_semaphore(%run_scoped3A : memref<!tpu.dma_semaphore, #tpu.memory_space<semaphore_mem>>)
      %dma_wait3A_116 = arith.constant 0 : i32
      %dma_wait3A_117 = arith.constant 0 : i32
      %dma_wait3A_118 = tpu.memref_slice %arg11[%dma_wait3A_116, %dma_wait3A_117] : memref<64x128xf32, #tpu.memory_space<vmem>> -> memref<64x128xf32, #tpu.memory_space<vmem>>
      %dma_wait3A_119 = arith.constant 0 : i32
      %dma_wait3A_120 = tpu.memref_slice %arg7[%add3A_72, %dma_wait3A_119] : memref<10112x128xf32, #tpu.memory_space<vmem_shared>> -> memref<64x128xf32, #tpu.memory_space<vmem_shared>>
      %dma_wait3A_121 = arith.constant 0 : i32
      %dma_wait3A_122 = arith.constant 0 : i32
      %dma_wait3A_123 = tpu.memref_slice %arg11[%dma_wait3A_121, %dma_wait3A_122] : memref<64x128xf32, #tpu.memory_space<vmem>> -> memref<64x128xf32, #tpu.memory_space<vmem>>
      %dma_wait3A_124 = arith.constant 0 : i32
      %dma_wait3A_125 = tpu.memref_slice %arg7[%add3A_72, %dma_wait3A_124] : memref<10112x128xf32, #tpu.memory_space<vmem_shared>> -> memref<64x128xf32, #tpu.memory_space<vmem_shared>>
      tpu.wait_dma2 semaphore(%run_scoped3A : memref<!tpu.dma_semaphore, #tpu.memory_space<semaphore_mem>>) src(%dma_wait3A_125 : memref<64x128xf32, #tpu.memory_space<vmem_shared>>) dst(%dma_wait3A_123 : memref<64x128xf32, #tpu.memory_space<vmem>>)
      tpu.yield
    }) : () -> ()
    %add3A_73 = arith.constant 64 : i32
    %add3A_74 = arith.addi %mul3A_2, %add3A_73 : i32
    "tpu.region"() ({
      %run_scoped3A = tpu.sem_alloc : memref<!tpu.dma_semaphore, #tpu.memory_space<semaphore_mem>>
      %dma_start3A = arith.constant 0 : i32
      %dma_start3A_107 = arith.constant 0 : i32
      %dma_start3A_108 = tpu.memref_slice %arg11[%dma_start3A, %dma_start3A_107] : memref<64x128xf32, #tpu.memory_space<vmem>> -> memref<64x128xf32, #tpu.memory_space<vmem>>
      %dma_start3A_109 = arith.constant 0 : i32
      %dma_start3A_110 = tpu.memref_slice %arg6[%arg0, %add3A_74, %dma_start3A_109] : memref<2x10112x128xf32, #tpu.memory_space<hbm>> -> memref<1x64x128xf32, #tpu.memory_space<hbm>>
      %dma_start3A_111 = tpu.memref_squeeze %dma_start3A_110 : memref<1x64x128xf32, #tpu.memory_space<hbm>> -> memref<64x128xf32, #tpu.memory_space<hbm>>
      %dma_start3A_112 = arith.constant 0 : i32
      %dma_start3A_113 = tpu.memref_slice %arg6[%arg0, %add3A_74, %dma_start3A_112] : memref<2x10112x128xf32, #tpu.memory_space<hbm>> -> memref<1x64x128xf32, #tpu.memory_space<hbm>>
      %dma_start3A_114 = tpu.memref_squeeze %dma_start3A_113 : memref<1x64x128xf32, #tpu.memory_space<hbm>> -> memref<64x128xf32, #tpu.memory_space<hbm>>
      %dma_start3A_115 = arith.constant 0 : i32
      %dma_start3A_116 = arith.constant 0 : i32
      %dma_start3A_117 = tpu.memref_slice %arg11[%dma_start3A_115, %dma_start3A_116] : memref<64x128xf32, #tpu.memory_space<vmem>> -> memref<64x128xf32, #tpu.memory_space<vmem>>
      tpu.enqueue_dma source(%dma_start3A_117 : memref<64x128xf32, #tpu.memory_space<vmem>>) target(%dma_start3A_114 : memref<64x128xf32, #tpu.memory_space<hbm>>) target_semaphore(%run_scoped3A : memref<!tpu.dma_semaphore, #tpu.memory_space<semaphore_mem>>)
      %dma_wait3A_118 = arith.constant 0 : i32
      %dma_wait3A_119 = arith.constant 0 : i32
      %dma_wait3A_120 = tpu.memref_slice %arg11[%dma_wait3A_118, %dma_wait3A_119] : memref<64x128xf32, #tpu.memory_space<vmem>> -> memref<64x128xf32, #tpu.memory_space<vmem>>
      %dma_wait3A_121 = arith.constant 0 : i32
      %dma_wait3A_122 = tpu.memref_slice %arg6[%arg0, %add3A_74, %dma_wait3A_121] : memref<2x10112x128xf32, #tpu.memory_space<hbm>> -> memref<1x64x128xf32, #tpu.memory_space<hbm>>
      %dma_wait3A_123 = tpu.memref_squeeze %dma_wait3A_122 : memref<1x64x128xf32, #tpu.memory_space<hbm>> -> memref<64x128xf32, #tpu.memory_space<hbm>>
      %dma_wait3A_124 = arith.constant 0 : i32
      %dma_wait3A_125 = tpu.memref_slice %arg6[%arg0, %add3A_74, %dma_wait3A_124] : memref<2x10112x128xf32, #tpu.memory_space<hbm>> -> memref<1x64x128xf32, #tpu.memory_space<hbm>>
      %dma_wait3A_126 = tpu.memref_squeeze %dma_wait3A_125 : memref<1x64x128xf32, #tpu.memory_space<hbm>> -> memref<64x128xf32, #tpu.memory_space<hbm>>
      %dma_wait3A_127 = arith.constant 0 : i32
      %dma_wait3A_128 = arith.constant 0 : i32
      %dma_wait3A_129 = tpu.memref_slice %arg11[%dma_wait3A_127, %dma_wait3A_128] : memref<64x128xf32, #tpu.memory_space<vmem>> -> memref<64x128xf32, #tpu.memory_space<vmem>>
      tpu.wait_dma2 semaphore(%run_scoped3A : memref<!tpu.dma_semaphore, #tpu.memory_space<semaphore_mem>>) src(%dma_wait3A_129 : memref<64x128xf32, #tpu.memory_space<vmem>>) dst(%dma_wait3A_126 : memref<64x128xf32, #tpu.memory_space<hbm>>)
      tpu.yield
    }) : () -> ()
    %add3A_75 = arith.constant 128 : i32
    %add3A_76 = arith.addi %mul3A_2, %add3A_75 : i32
    "tpu.region"() ({
      %run_scoped3A = tpu.sem_alloc : memref<!tpu.dma_semaphore, #tpu.memory_space<semaphore_mem>>
      %dma_start3A = arith.constant 0 : i32
      %dma_start3A_107 = arith.constant 0 : i32
      %dma_start3A_108 = tpu.memref_slice %arg11[%dma_start3A, %dma_start3A_107] : memref<64x128xf32, #tpu.memory_space<vmem>> -> memref<64x128xf32, #tpu.memory_space<vmem>>
      %dma_start3A_109 = arith.constant 0 : i32
      %dma_start3A_110 = tpu.memref_slice %arg7[%add3A_76, %dma_start3A_109] : memref<10112x128xf32, #tpu.memory_space<vmem_shared>> -> memref<64x128xf32, #tpu.memory_space<vmem_shared>>
      %dma_start3A_111 = arith.constant 0 : i32
      %dma_start3A_112 = arith.constant 0 : i32
      %dma_start3A_113 = tpu.memref_slice %arg11[%dma_start3A_111, %dma_start3A_112] : memref<64x128xf32, #tpu.memory_space<vmem>> -> memref<64x128xf32, #tpu.memory_space<vmem>>
      %dma_start3A_114 = arith.constant 0 : i32
      %dma_start3A_115 = tpu.memref_slice %arg7[%add3A_76, %dma_start3A_114] : memref<10112x128xf32, #tpu.memory_space<vmem_shared>> -> memref<64x128xf32, #tpu.memory_space<vmem_shared>>
      tpu.enqueue_dma source(%dma_start3A_115 : memref<64x128xf32, #tpu.memory_space<vmem_shared>>) target(%dma_start3A_113 : memref<64x128xf32, #tpu.memory_space<vmem>>) target_semaphore(%run_scoped3A : memref<!tpu.dma_semaphore, #tpu.memory_space<semaphore_mem>>)
      %dma_wait3A_116 = arith.constant 0 : i32
      %dma_wait3A_117 = arith.constant 0 : i32
      %dma_wait3A_118 = tpu.memref_slice %arg11[%dma_wait3A_116, %dma_wait3A_117] : memref<64x128xf32, #tpu.memory_space<vmem>> -> memref<64x128xf32, #tpu.memory_space<vmem>>
      %dma_wait3A_119 = arith.constant 0 : i32
      %dma_wait3A_120 = tpu.memref_slice %arg7[%add3A_76, %dma_wait3A_119] : memref<10112x128xf32, #tpu.memory_space<vmem_shared>> -> memref<64x128xf32, #tpu.memory_space<vmem_shared>>
      %dma_wait3A_121 = arith.constant 0 : i32
      %dma_wait3A_122 = arith.constant 0 : i32
      %dma_wait3A_123 = tpu.memref_slice %arg11[%dma_wait3A_121, %dma_wait3A_122] : memref<64x128xf32, #tpu.memory_space<vmem>> -> memref<64x128xf32, #tpu.memory_space<vmem>>
      %dma_wait3A_124 = arith.constant 0 : i32
      %dma_wait3A_125 = tpu.memref_slice %arg7[%add3A_76, %dma_wait3A_124] : memref<10112x128xf32, #tpu.memory_space<vmem_shared>> -> memref<64x128xf32, #tpu.memory_space<vmem_shared>>
      tpu.wait_dma2 semaphore(%run_scoped3A : memref<!tpu.dma_semaphore, #tpu.memory_space<semaphore_mem>>) src(%dma_wait3A_125 : memref<64x128xf32, #tpu.memory_space<vmem_shared>>) dst(%dma_wait3A_123 : memref<64x128xf32, #tpu.memory_space<vmem>>)
      tpu.yield
    }) : () -> ()
    %add3A_77 = arith.constant 128 : i32
    %add3A_78 = arith.addi %mul3A_2, %add3A_77 : i32
    "tpu.region"() ({
      %run_scoped3A = tpu.sem_alloc : memref<!tpu.dma_semaphore, #tpu.memory_space<semaphore_mem>>
      %dma_start3A = arith.constant 0 : i32
      %dma_start3A_107 = arith.constant 0 : i32
      %dma_start3A_108 = tpu.memref_slice %arg11[%dma_start3A, %dma_start3A_107] : memref<64x128xf32, #tpu.memory_space<vmem>> -> memref<64x128xf32, #tpu.memory_space<vmem>>
      %dma_start3A_109 = arith.constant 0 : i32
      %dma_start3A_110 = tpu.memref_slice %arg6[%arg0, %add3A_78, %dma_start3A_109] : memref<2x10112x128xf32, #tpu.memory_space<hbm>> -> memref<1x64x128xf32, #tpu.memory_space<hbm>>
      %dma_start3A_111 = tpu.memref_squeeze %dma_start3A_110 : memref<1x64x128xf32, #tpu.memory_space<hbm>> -> memref<64x128xf32, #tpu.memory_space<hbm>>
      %dma_start3A_112 = arith.constant 0 : i32
      %dma_start3A_113 = tpu.memref_slice %arg6[%arg0, %add3A_78, %dma_start3A_112] : memref<2x10112x128xf32, #tpu.memory_space<hbm>> -> memref<1x64x128xf32, #tpu.memory_space<hbm>>
      %dma_start3A_114 = tpu.memref_squeeze %dma_start3A_113 : memref<1x64x128xf32, #tpu.memory_space<hbm>> -> memref<64x128xf32, #tpu.memory_space<hbm>>
      %dma_start3A_115 = arith.constant 0 : i32
      %dma_start3A_116 = arith.constant 0 : i32
      %dma_start3A_117 = tpu.memref_slice %arg11[%dma_start3A_115, %dma_start3A_116] : memref<64x128xf32, #tpu.memory_space<vmem>> -> memref<64x128xf32, #tpu.memory_space<vmem>>
      tpu.enqueue_dma source(%dma_start3A_117 : memref<64x128xf32, #tpu.memory_space<vmem>>) target(%dma_start3A_114 : memref<64x128xf32, #tpu.memory_space<hbm>>) target_semaphore(%run_scoped3A : memref<!tpu.dma_semaphore, #tpu.memory_space<semaphore_mem>>)
      %dma_wait3A_118 = arith.constant 0 : i32
      %dma_wait3A_119 = arith.constant 0 : i32
      %dma_wait3A_120 = tpu.memref_slice %arg11[%dma_wait3A_118, %dma_wait3A_119] : memref<64x128xf32, #tpu.memory_space<vmem>> -> memref<64x128xf32, #tpu.memory_space<vmem>>
      %dma_wait3A_121 = arith.constant 0 : i32
      %dma_wait3A_122 = tpu.memref_slice %arg6[%arg0, %add3A_78, %dma_wait3A_121] : memref<2x10112x128xf32, #tpu.memory_space<hbm>> -> memref<1x64x128xf32, #tpu.memory_space<hbm>>
      %dma_wait3A_123 = tpu.memref_squeeze %dma_wait3A_122 : memref<1x64x128xf32, #tpu.memory_space<hbm>> -> memref<64x128xf32, #tpu.memory_space<hbm>>
      %dma_wait3A_124 = arith.constant 0 : i32
      %dma_wait3A_125 = tpu.memref_slice %arg6[%arg0, %add3A_78, %dma_wait3A_124] : memref<2x10112x128xf32, #tpu.memory_space<hbm>> -> memref<1x64x128xf32, #tpu.memory_space<hbm>>
      %dma_wait3A_126 = tpu.memref_squeeze %dma_wait3A_125 : memref<1x64x128xf32, #tpu.memory_space<hbm>> -> memref<64x128xf32, #tpu.memory_space<hbm>>
      %dma_wait3A_127 = arith.constant 0 : i32
      %dma_wait3A_128 = arith.constant 0 : i32
      %dma_wait3A_129 = tpu.memref_slice %arg11[%dma_wait3A_127, %dma_wait3A_128] : memref<64x128xf32, #tpu.memory_space<vmem>> -> memref<64x128xf32, #tpu.memory_space<vmem>>
      tpu.wait_dma2 semaphore(%run_scoped3A : memref<!tpu.dma_semaphore, #tpu.memory_space<semaphore_mem>>) src(%dma_wait3A_129 : memref<64x128xf32, #tpu.memory_space<vmem>>) dst(%dma_wait3A_126 : memref<64x128xf32, #tpu.memory_space<hbm>>)
      tpu.yield
    }) : () -> ()
    %add3A_79 = arith.constant 192 : i32
    %add3A_80 = arith.addi %mul3A_2, %add3A_79 : i32
    "tpu.region"() ({
      %run_scoped3A = tpu.sem_alloc : memref<!tpu.dma_semaphore, #tpu.memory_space<semaphore_mem>>
      %dma_start3A = arith.constant 0 : i32
      %dma_start3A_107 = arith.constant 0 : i32
      %dma_start3A_108 = tpu.memref_slice %arg11[%dma_start3A, %dma_start3A_107] : memref<64x128xf32, #tpu.memory_space<vmem>> -> memref<64x128xf32, #tpu.memory_space<vmem>>
      %dma_start3A_109 = arith.constant 0 : i32
      %dma_start3A_110 = tpu.memref_slice %arg7[%add3A_80, %dma_start3A_109] : memref<10112x128xf32, #tpu.memory_space<vmem_shared>> -> memref<64x128xf32, #tpu.memory_space<vmem_shared>>
      %dma_start3A_111 = arith.constant 0 : i32
      %dma_start3A_112 = arith.constant 0 : i32
      %dma_start3A_113 = tpu.memref_slice %arg11[%dma_start3A_111, %dma_start3A_112] : memref<64x128xf32, #tpu.memory_space<vmem>> -> memref<64x128xf32, #tpu.memory_space<vmem>>
      %dma_start3A_114 = arith.constant 0 : i32
      %dma_start3A_115 = tpu.memref_slice %arg7[%add3A_80, %dma_start3A_114] : memref<10112x128xf32, #tpu.memory_space<vmem_shared>> -> memref<64x128xf32, #tpu.memory_space<vmem_shared>>
      tpu.enqueue_dma source(%dma_start3A_115 : memref<64x128xf32, #tpu.memory_space<vmem_shared>>) target(%dma_start3A_113 : memref<64x128xf32, #tpu.memory_space<vmem>>) target_semaphore(%run_scoped3A : memref<!tpu.dma_semaphore, #tpu.memory_space<semaphore_mem>>)
      %dma_wait3A_116 = arith.constant 0 : i32
      %dma_wait3A_117 = arith.constant 0 : i32
      %dma_wait3A_118 = tpu.memref_slice %arg11[%dma_wait3A_116, %dma_wait3A_117] : memref<64x128xf32, #tpu.memory_space<vmem>> -> memref<64x128xf32, #tpu.memory_space<vmem>>
      %dma_wait3A_119 = arith.constant 0 : i32
      %dma_wait3A_120 = tpu.memref_slice %arg7[%add3A_80, %dma_wait3A_119] : memref<10112x128xf32, #tpu.memory_space<vmem_shared>> -> memref<64x128xf32, #tpu.memory_space<vmem_shared>>
      %dma_wait3A_121 = arith.constant 0 : i32
      %dma_wait3A_122 = arith.constant 0 : i32
      %dma_wait3A_123 = tpu.memref_slice %arg11[%dma_wait3A_121, %dma_wait3A_122] : memref<64x128xf32, #tpu.memory_space<vmem>> -> memref<64x128xf32, #tpu.memory_space<vmem>>
      %dma_wait3A_124 = arith.constant 0 : i32
      %dma_wait3A_125 = tpu.memref_slice %arg7[%add3A_80, %dma_wait3A_124] : memref<10112x128xf32, #tpu.memory_space<vmem_shared>> -> memref<64x128xf32, #tpu.memory_space<vmem_shared>>
      tpu.wait_dma2 semaphore(%run_scoped3A : memref<!tpu.dma_semaphore, #tpu.memory_space<semaphore_mem>>) src(%dma_wait3A_125 : memref<64x128xf32, #tpu.memory_space<vmem_shared>>) dst(%dma_wait3A_123 : memref<64x128xf32, #tpu.memory_space<vmem>>)
      tpu.yield
    }) : () -> ()
    %add3A_81 = arith.constant 192 : i32
    %add3A_82 = arith.addi %mul3A_2, %add3A_81 : i32
    "tpu.region"() ({
      %run_scoped3A = tpu.sem_alloc : memref<!tpu.dma_semaphore, #tpu.memory_space<semaphore_mem>>
      %dma_start3A = arith.constant 0 : i32
      %dma_start3A_107 = arith.constant 0 : i32
      %dma_start3A_108 = tpu.memref_slice %arg11[%dma_start3A, %dma_start3A_107] : memref<64x128xf32, #tpu.memory_space<vmem>> -> memref<64x128xf32, #tpu.memory_space<vmem>>
      %dma_start3A_109 = arith.constant 0 : i32
      %dma_start3A_110 = tpu.memref_slice %arg6[%arg0, %add3A_82, %dma_start3A_109] : memref<2x10112x128xf32, #tpu.memory_space<hbm>> -> memref<1x64x128xf32, #tpu.memory_space<hbm>>
      %dma_start3A_111 = tpu.memref_squeeze %dma_start3A_110 : memref<1x64x128xf32, #tpu.memory_space<hbm>> -> memref<64x128xf32, #tpu.memory_space<hbm>>
      %dma_start3A_112 = arith.constant 0 : i32
      %dma_start3A_113 = tpu.memref_slice %arg6[%arg0, %add3A_82, %dma_start3A_112] : memref<2x10112x128xf32, #tpu.memory_space<hbm>> -> memref<1x64x128xf32, #tpu.memory_space<hbm>>
      %dma_start3A_114 = tpu.memref_squeeze %dma_start3A_113 : memref<1x64x128xf32, #tpu.memory_space<hbm>> -> memref<64x128xf32, #tpu.memory_space<hbm>>
      %dma_start3A_115 = arith.constant 0 : i32
      %dma_start3A_116 = arith.constant 0 : i32
      %dma_start3A_117 = tpu.memref_slice %arg11[%dma_start3A_115, %dma_start3A_116] : memref<64x128xf32, #tpu.memory_space<vmem>> -> memref<64x128xf32, #tpu.memory_space<vmem>>
      tpu.enqueue_dma source(%dma_start3A_117 : memref<64x128xf32, #tpu.memory_space<vmem>>) target(%dma_start3A_114 : memref<64x128xf32, #tpu.memory_space<hbm>>) target_semaphore(%run_scoped3A : memref<!tpu.dma_semaphore, #tpu.memory_space<semaphore_mem>>)
      %dma_wait3A_118 = arith.constant 0 : i32
      %dma_wait3A_119 = arith.constant 0 : i32
      %dma_wait3A_120 = tpu.memref_slice %arg11[%dma_wait3A_118, %dma_wait3A_119] : memref<64x128xf32, #tpu.memory_space<vmem>> -> memref<64x128xf32, #tpu.memory_space<vmem>>
      %dma_wait3A_121 = arith.constant 0 : i32
      %dma_wait3A_122 = tpu.memref_slice %arg6[%arg0, %add3A_82, %dma_wait3A_121] : memref<2x10112x128xf32, #tpu.memory_space<hbm>> -> memref<1x64x128xf32, #tpu.memory_space<hbm>>
      %dma_wait3A_123 = tpu.memref_squeeze %dma_wait3A_122 : memref<1x64x128xf32, #tpu.memory_space<hbm>> -> memref<64x128xf32, #tpu.memory_space<hbm>>
      %dma_wait3A_124 = arith.constant 0 : i32
      %dma_wait3A_125 = tpu.memref_slice %arg6[%arg0, %add3A_82, %dma_wait3A_124] : memref<2x10112x128xf32, #tpu.memory_space<hbm>> -> memref<1x64x128xf32, #tpu.memory_space<hbm>>
      %dma_wait3A_126 = tpu.memref_squeeze %dma_wait3A_125 : memref<1x64x128xf32, #tpu.memory_space<hbm>> -> memref<64x128xf32, #tpu.memory_space<hbm>>
      %dma_wait3A_127 = arith.constant 0 : i32
      %dma_wait3A_128 = arith.constant 0 : i32
      %dma_wait3A_129 = tpu.memref_slice %arg11[%dma_wait3A_127, %dma_wait3A_128] : memref<64x128xf32, #tpu.memory_space<vmem>> -> memref<64x128xf32, #tpu.memory_space<vmem>>
      tpu.wait_dma2 semaphore(%run_scoped3A : memref<!tpu.dma_semaphore, #tpu.memory_space<semaphore_mem>>) src(%dma_wait3A_129 : memref<64x128xf32, #tpu.memory_space<vmem>>) dst(%dma_wait3A_126 : memref<64x128xf32, #tpu.memory_space<hbm>>)
      tpu.yield
    }) : () -> ()
    %add3A_83 = arith.constant 256 : i32
    %add3A_84 = arith.addi %mul3A_2, %add3A_83 : i32
    "tpu.region"() ({
      %run_scoped3A = tpu.sem_alloc : memref<!tpu.dma_semaphore, #tpu.memory_space<semaphore_mem>>
      %dma_start3A = arith.constant 0 : i32
      %dma_start3A_107 = arith.constant 0 : i32
      %dma_start3A_108 = tpu.memref_slice %arg11[%dma_start3A, %dma_start3A_107] : memref<64x128xf32, #tpu.memory_space<vmem>> -> memref<64x128xf32, #tpu.memory_space<vmem>>
      %dma_start3A_109 = arith.constant 0 : i32
      %dma_start3A_110 = tpu.memref_slice %arg7[%add3A_84, %dma_start3A_109] : memref<10112x128xf32, #tpu.memory_space<vmem_shared>> -> memref<64x128xf32, #tpu.memory_space<vmem_shared>>
      %dma_start3A_111 = arith.constant 0 : i32
      %dma_start3A_112 = arith.constant 0 : i32
      %dma_start3A_113 = tpu.memref_slice %arg11[%dma_start3A_111, %dma_start3A_112] : memref<64x128xf32, #tpu.memory_space<vmem>> -> memref<64x128xf32, #tpu.memory_space<vmem>>
      %dma_start3A_114 = arith.constant 0 : i32
      %dma_start3A_115 = tpu.memref_slice %arg7[%add3A_84, %dma_start3A_114] : memref<10112x128xf32, #tpu.memory_space<vmem_shared>> -> memref<64x128xf32, #tpu.memory_space<vmem_shared>>
      tpu.enqueue_dma source(%dma_start3A_115 : memref<64x128xf32, #tpu.memory_space<vmem_shared>>) target(%dma_start3A_113 : memref<64x128xf32, #tpu.memory_space<vmem>>) target_semaphore(%run_scoped3A : memref<!tpu.dma_semaphore, #tpu.memory_space<semaphore_mem>>)
      %dma_wait3A_116 = arith.constant 0 : i32
      %dma_wait3A_117 = arith.constant 0 : i32
      %dma_wait3A_118 = tpu.memref_slice %arg11[%dma_wait3A_116, %dma_wait3A_117] : memref<64x128xf32, #tpu.memory_space<vmem>> -> memref<64x128xf32, #tpu.memory_space<vmem>>
      %dma_wait3A_119 = arith.constant 0 : i32
      %dma_wait3A_120 = tpu.memref_slice %arg7[%add3A_84, %dma_wait3A_119] : memref<10112x128xf32, #tpu.memory_space<vmem_shared>> -> memref<64x128xf32, #tpu.memory_space<vmem_shared>>
      %dma_wait3A_121 = arith.constant 0 : i32
      %dma_wait3A_122 = arith.constant 0 : i32
      %dma_wait3A_123 = tpu.memref_slice %arg11[%dma_wait3A_121, %dma_wait3A_122] : memref<64x128xf32, #tpu.memory_space<vmem>> -> memref<64x128xf32, #tpu.memory_space<vmem>>
      %dma_wait3A_124 = arith.constant 0 : i32
      %dma_wait3A_125 = tpu.memref_slice %arg7[%add3A_84, %dma_wait3A_124] : memref<10112x128xf32, #tpu.memory_space<vmem_shared>> -> memref<64x128xf32, #tpu.memory_space<vmem_shared>>
      tpu.wait_dma2 semaphore(%run_scoped3A : memref<!tpu.dma_semaphore, #tpu.memory_space<semaphore_mem>>) src(%dma_wait3A_125 : memref<64x128xf32, #tpu.memory_space<vmem_shared>>) dst(%dma_wait3A_123 : memref<64x128xf32, #tpu.memory_space<vmem>>)
      tpu.yield
    }) : () -> ()
    %add3A_85 = arith.constant 256 : i32
    %add3A_86 = arith.addi %mul3A_2, %add3A_85 : i32
    "tpu.region"() ({
      %run_scoped3A = tpu.sem_alloc : memref<!tpu.dma_semaphore, #tpu.memory_space<semaphore_mem>>
      %dma_start3A = arith.constant 0 : i32
      %dma_start3A_107 = arith.constant 0 : i32
      %dma_start3A_108 = tpu.memref_slice %arg11[%dma_start3A, %dma_start3A_107] : memref<64x128xf32, #tpu.memory_space<vmem>> -> memref<64x128xf32, #tpu.memory_space<vmem>>
      %dma_start3A_109 = arith.constant 0 : i32
      %dma_start3A_110 = tpu.memref_slice %arg6[%arg0, %add3A_86, %dma_start3A_109] : memref<2x10112x128xf32, #tpu.memory_space<hbm>> -> memref<1x64x128xf32, #tpu.memory_space<hbm>>
      %dma_start3A_111 = tpu.memref_squeeze %dma_start3A_110 : memref<1x64x128xf32, #tpu.memory_space<hbm>> -> memref<64x128xf32, #tpu.memory_space<hbm>>
      %dma_start3A_112 = arith.constant 0 : i32
      %dma_start3A_113 = tpu.memref_slice %arg6[%arg0, %add3A_86, %dma_start3A_112] : memref<2x10112x128xf32, #tpu.memory_space<hbm>> -> memref<1x64x128xf32, #tpu.memory_space<hbm>>
      %dma_start3A_114 = tpu.memref_squeeze %dma_start3A_113 : memref<1x64x128xf32, #tpu.memory_space<hbm>> -> memref<64x128xf32, #tpu.memory_space<hbm>>
      %dma_start3A_115 = arith.constant 0 : i32
      %dma_start3A_116 = arith.constant 0 : i32
      %dma_start3A_117 = tpu.memref_slice %arg11[%dma_start3A_115, %dma_start3A_116] : memref<64x128xf32, #tpu.memory_space<vmem>> -> memref<64x128xf32, #tpu.memory_space<vmem>>
      tpu.enqueue_dma source(%dma_start3A_117 : memref<64x128xf32, #tpu.memory_space<vmem>>) target(%dma_start3A_114 : memref<64x128xf32, #tpu.memory_space<hbm>>) target_semaphore(%run_scoped3A : memref<!tpu.dma_semaphore, #tpu.memory_space<semaphore_mem>>)
      %dma_wait3A_118 = arith.constant 0 : i32
      %dma_wait3A_119 = arith.constant 0 : i32
      %dma_wait3A_120 = tpu.memref_slice %arg11[%dma_wait3A_118, %dma_wait3A_119] : memref<64x128xf32, #tpu.memory_space<vmem>> -> memref<64x128xf32, #tpu.memory_space<vmem>>
      %dma_wait3A_121 = arith.constant 0 : i32
      %dma_wait3A_122 = tpu.memref_slice %arg6[%arg0, %add3A_86, %dma_wait3A_121] : memref<2x10112x128xf32, #tpu.memory_space<hbm>> -> memref<1x64x128xf32, #tpu.memory_space<hbm>>
      %dma_wait3A_123 = tpu.memref_squeeze %dma_wait3A_122 : memref<1x64x128xf32, #tpu.memory_space<hbm>> -> memref<64x128xf32, #tpu.memory_space<hbm>>
      %dma_wait3A_124 = arith.constant 0 : i32
      %dma_wait3A_125 = tpu.memref_slice %arg6[%arg0, %add3A_86, %dma_wait3A_124] : memref<2x10112x128xf32, #tpu.memory_space<hbm>> -> memref<1x64x128xf32, #tpu.memory_space<hbm>>
      %dma_wait3A_126 = tpu.memref_squeeze %dma_wait3A_125 : memref<1x64x128xf32, #tpu.memory_space<hbm>> -> memref<64x128xf32, #tpu.memory_space<hbm>>
      %dma_wait3A_127 = arith.constant 0 : i32
      %dma_wait3A_128 = arith.constant 0 : i32
      %dma_wait3A_129 = tpu.memref_slice %arg11[%dma_wait3A_127, %dma_wait3A_128] : memref<64x128xf32, #tpu.memory_space<vmem>> -> memref<64x128xf32, #tpu.memory_space<vmem>>
      tpu.wait_dma2 semaphore(%run_scoped3A : memref<!tpu.dma_semaphore, #tpu.memory_space<semaphore_mem>>) src(%dma_wait3A_129 : memref<64x128xf32, #tpu.memory_space<vmem>>) dst(%dma_wait3A_126 : memref<64x128xf32, #tpu.memory_space<hbm>>)
      tpu.yield
    }) : () -> ()
    %add3A_87 = arith.constant 320 : i32
    %add3A_88 = arith.addi %mul3A_2, %add3A_87 : i32
    "tpu.region"() ({
      %run_scoped3A = tpu.sem_alloc : memref<!tpu.dma_semaphore, #tpu.memory_space<semaphore_mem>>
      %dma_start3A = arith.constant 0 : i32
      %dma_start3A_107 = arith.constant 0 : i32
      %dma_start3A_108 = tpu.memref_slice %arg11[%dma_start3A, %dma_start3A_107] : memref<64x128xf32, #tpu.memory_space<vmem>> -> memref<64x128xf32, #tpu.memory_space<vmem>>
      %dma_start3A_109 = arith.constant 0 : i32
      %dma_start3A_110 = tpu.memref_slice %arg7[%add3A_88, %dma_start3A_109] : memref<10112x128xf32, #tpu.memory_space<vmem_shared>> -> memref<64x128xf32, #tpu.memory_space<vmem_shared>>
      %dma_start3A_111 = arith.constant 0 : i32
      %dma_start3A_112 = arith.constant 0 : i32
      %dma_start3A_113 = tpu.memref_slice %arg11[%dma_start3A_111, %dma_start3A_112] : memref<64x128xf32, #tpu.memory_space<vmem>> -> memref<64x128xf32, #tpu.memory_space<vmem>>
      %dma_start3A_114 = arith.constant 0 : i32
      %dma_start3A_115 = tpu.memref_slice %arg7[%add3A_88, %dma_start3A_114] : memref<10112x128xf32, #tpu.memory_space<vmem_shared>> -> memref<64x128xf32, #tpu.memory_space<vmem_shared>>
      tpu.enqueue_dma source(%dma_start3A_115 : memref<64x128xf32, #tpu.memory_space<vmem_shared>>) target(%dma_start3A_113 : memref<64x128xf32, #tpu.memory_space<vmem>>) target_semaphore(%run_scoped3A : memref<!tpu.dma_semaphore, #tpu.memory_space<semaphore_mem>>)
      %dma_wait3A_116 = arith.constant 0 : i32
      %dma_wait3A_117 = arith.constant 0 : i32
      %dma_wait3A_118 = tpu.memref_slice %arg11[%dma_wait3A_116, %dma_wait3A_117] : memref<64x128xf32, #tpu.memory_space<vmem>> -> memref<64x128xf32, #tpu.memory_space<vmem>>
      %dma_wait3A_119 = arith.constant 0 : i32
      %dma_wait3A_120 = tpu.memref_slice %arg7[%add3A_88, %dma_wait3A_119] : memref<10112x128xf32, #tpu.memory_space<vmem_shared>> -> memref<64x128xf32, #tpu.memory_space<vmem_shared>>
      %dma_wait3A_121 = arith.constant 0 : i32
      %dma_wait3A_122 = arith.constant 0 : i32
      %dma_wait3A_123 = tpu.memref_slice %arg11[%dma_wait3A_121, %dma_wait3A_122] : memref<64x128xf32, #tpu.memory_space<vmem>> -> memref<64x128xf32, #tpu.memory_space<vmem>>
      %dma_wait3A_124 = arith.constant 0 : i32
      %dma_wait3A_125 = tpu.memref_slice %arg7[%add3A_88, %dma_wait3A_124] : memref<10112x128xf32, #tpu.memory_space<vmem_shared>> -> memref<64x128xf32, #tpu.memory_space<vmem_shared>>
      tpu.wait_dma2 semaphore(%run_scoped3A : memref<!tpu.dma_semaphore, #tpu.memory_space<semaphore_mem>>) src(%dma_wait3A_125 : memref<64x128xf32, #tpu.memory_space<vmem_shared>>) dst(%dma_wait3A_123 : memref<64x128xf32, #tpu.memory_space<vmem>>)
      tpu.yield
    }) : () -> ()
    %add3A_89 = arith.constant 320 : i32
    %add3A_90 = arith.addi %mul3A_2, %add3A_89 : i32
    "tpu.region"() ({
      %run_scoped3A = tpu.sem_alloc : memref<!tpu.dma_semaphore, #tpu.memory_space<semaphore_mem>>
      %dma_start3A = arith.constant 0 : i32
      %dma_start3A_107 = arith.constant 0 : i32
      %dma_start3A_108 = tpu.memref_slice %arg11[%dma_start3A, %dma_start3A_107] : memref<64x128xf32, #tpu.memory_space<vmem>> -> memref<64x128xf32, #tpu.memory_space<vmem>>
      %dma_start3A_109 = arith.constant 0 : i32
      %dma_start3A_110 = tpu.memref_slice %arg6[%arg0, %add3A_90, %dma_start3A_109] : memref<2x10112x128xf32, #tpu.memory_space<hbm>> -> memref<1x64x128xf32, #tpu.memory_space<hbm>>
      %dma_start3A_111 = tpu.memref_squeeze %dma_start3A_110 : memref<1x64x128xf32, #tpu.memory_space<hbm>> -> memref<64x128xf32, #tpu.memory_space<hbm>>
      %dma_start3A_112 = arith.constant 0 : i32
      %dma_start3A_113 = tpu.memref_slice %arg6[%arg0, %add3A_90, %dma_start3A_112] : memref<2x10112x128xf32, #tpu.memory_space<hbm>> -> memref<1x64x128xf32, #tpu.memory_space<hbm>>
      %dma_start3A_114 = tpu.memref_squeeze %dma_start3A_113 : memref<1x64x128xf32, #tpu.memory_space<hbm>> -> memref<64x128xf32, #tpu.memory_space<hbm>>
      %dma_start3A_115 = arith.constant 0 : i32
      %dma_start3A_116 = arith.constant 0 : i32
      %dma_start3A_117 = tpu.memref_slice %arg11[%dma_start3A_115, %dma_start3A_116] : memref<64x128xf32, #tpu.memory_space<vmem>> -> memref<64x128xf32, #tpu.memory_space<vmem>>
      tpu.enqueue_dma source(%dma_start3A_117 : memref<64x128xf32, #tpu.memory_space<vmem>>) target(%dma_start3A_114 : memref<64x128xf32, #tpu.memory_space<hbm>>) target_semaphore(%run_scoped3A : memref<!tpu.dma_semaphore, #tpu.memory_space<semaphore_mem>>)
      %dma_wait3A_118 = arith.constant 0 : i32
      %dma_wait3A_119 = arith.constant 0 : i32
      %dma_wait3A_120 = tpu.memref_slice %arg11[%dma_wait3A_118, %dma_wait3A_119] : memref<64x128xf32, #tpu.memory_space<vmem>> -> memref<64x128xf32, #tpu.memory_space<vmem>>
      %dma_wait3A_121 = arith.constant 0 : i32
      %dma_wait3A_122 = tpu.memref_slice %arg6[%arg0, %add3A_90, %dma_wait3A_121] : memref<2x10112x128xf32, #tpu.memory_space<hbm>> -> memref<1x64x128xf32, #tpu.memory_space<hbm>>
      %dma_wait3A_123 = tpu.memref_squeeze %dma_wait3A_122 : memref<1x64x128xf32, #tpu.memory_space<hbm>> -> memref<64x128xf32, #tpu.memory_space<hbm>>
      %dma_wait3A_124 = arith.constant 0 : i32
      %dma_wait3A_125 = tpu.memref_slice %arg6[%arg0, %add3A_90, %dma_wait3A_124] : memref<2x10112x128xf32, #tpu.memory_space<hbm>> -> memref<1x64x128xf32, #tpu.memory_space<hbm>>
      %dma_wait3A_126 = tpu.memref_squeeze %dma_wait3A_125 : memref<1x64x128xf32, #tpu.memory_space<hbm>> -> memref<64x128xf32, #tpu.memory_space<hbm>>
      %dma_wait3A_127 = arith.constant 0 : i32
      %dma_wait3A_128 = arith.constant 0 : i32
      %dma_wait3A_129 = tpu.memref_slice %arg11[%dma_wait3A_127, %dma_wait3A_128] : memref<64x128xf32, #tpu.memory_space<vmem>> -> memref<64x128xf32, #tpu.memory_space<vmem>>
      tpu.wait_dma2 semaphore(%run_scoped3A : memref<!tpu.dma_semaphore, #tpu.memory_space<semaphore_mem>>) src(%dma_wait3A_129 : memref<64x128xf32, #tpu.memory_space<vmem>>) dst(%dma_wait3A_126 : memref<64x128xf32, #tpu.memory_space<hbm>>)
      tpu.yield
    }) : () -> ()
    %add3A_91 = arith.constant 384 : i32
    %add3A_92 = arith.addi %mul3A_2, %add3A_91 : i32
    "tpu.region"() ({
      %run_scoped3A = tpu.sem_alloc : memref<!tpu.dma_semaphore, #tpu.memory_space<semaphore_mem>>
      %dma_start3A = arith.constant 0 : i32
      %dma_start3A_107 = arith.constant 0 : i32
      %dma_start3A_108 = tpu.memref_slice %arg11[%dma_start3A, %dma_start3A_107] : memref<64x128xf32, #tpu.memory_space<vmem>> -> memref<64x128xf32, #tpu.memory_space<vmem>>
      %dma_start3A_109 = arith.constant 0 : i32
      %dma_start3A_110 = tpu.memref_slice %arg7[%add3A_92, %dma_start3A_109] : memref<10112x128xf32, #tpu.memory_space<vmem_shared>> -> memref<64x128xf32, #tpu.memory_space<vmem_shared>>
      %dma_start3A_111 = arith.constant 0 : i32
      %dma_start3A_112 = arith.constant 0 : i32
      %dma_start3A_113 = tpu.memref_slice %arg11[%dma_start3A_111, %dma_start3A_112] : memref<64x128xf32, #tpu.memory_space<vmem>> -> memref<64x128xf32, #tpu.memory_space<vmem>>
      %dma_start3A_114 = arith.constant 0 : i32
      %dma_start3A_115 = tpu.memref_slice %arg7[%add3A_92, %dma_start3A_114] : memref<10112x128xf32, #tpu.memory_space<vmem_shared>> -> memref<64x128xf32, #tpu.memory_space<vmem_shared>>
      tpu.enqueue_dma source(%dma_start3A_115 : memref<64x128xf32, #tpu.memory_space<vmem_shared>>) target(%dma_start3A_113 : memref<64x128xf32, #tpu.memory_space<vmem>>) target_semaphore(%run_scoped3A : memref<!tpu.dma_semaphore, #tpu.memory_space<semaphore_mem>>)
      %dma_wait3A_116 = arith.constant 0 : i32
      %dma_wait3A_117 = arith.constant 0 : i32
      %dma_wait3A_118 = tpu.memref_slice %arg11[%dma_wait3A_116, %dma_wait3A_117] : memref<64x128xf32, #tpu.memory_space<vmem>> -> memref<64x128xf32, #tpu.memory_space<vmem>>
      %dma_wait3A_119 = arith.constant 0 : i32
      %dma_wait3A_120 = tpu.memref_slice %arg7[%add3A_92, %dma_wait3A_119] : memref<10112x128xf32, #tpu.memory_space<vmem_shared>> -> memref<64x128xf32, #tpu.memory_space<vmem_shared>>
      %dma_wait3A_121 = arith.constant 0 : i32
      %dma_wait3A_122 = arith.constant 0 : i32
      %dma_wait3A_123 = tpu.memref_slice %arg11[%dma_wait3A_121, %dma_wait3A_122] : memref<64x128xf32, #tpu.memory_space<vmem>> -> memref<64x128xf32, #tpu.memory_space<vmem>>
      %dma_wait3A_124 = arith.constant 0 : i32
      %dma_wait3A_125 = tpu.memref_slice %arg7[%add3A_92, %dma_wait3A_124] : memref<10112x128xf32, #tpu.memory_space<vmem_shared>> -> memref<64x128xf32, #tpu.memory_space<vmem_shared>>
      tpu.wait_dma2 semaphore(%run_scoped3A : memref<!tpu.dma_semaphore, #tpu.memory_space<semaphore_mem>>) src(%dma_wait3A_125 : memref<64x128xf32, #tpu.memory_space<vmem_shared>>) dst(%dma_wait3A_123 : memref<64x128xf32, #tpu.memory_space<vmem>>)
      tpu.yield
    }) : () -> ()
    %add3A_93 = arith.constant 384 : i32
    %add3A_94 = arith.addi %mul3A_2, %add3A_93 : i32
    "tpu.region"() ({
      %run_scoped3A = tpu.sem_alloc : memref<!tpu.dma_semaphore, #tpu.memory_space<semaphore_mem>>
      %dma_start3A = arith.constant 0 : i32
      %dma_start3A_107 = arith.constant 0 : i32
      %dma_start3A_108 = tpu.memref_slice %arg11[%dma_start3A, %dma_start3A_107] : memref<64x128xf32, #tpu.memory_space<vmem>> -> memref<64x128xf32, #tpu.memory_space<vmem>>
      %dma_start3A_109 = arith.constant 0 : i32
      %dma_start3A_110 = tpu.memref_slice %arg6[%arg0, %add3A_94, %dma_start3A_109] : memref<2x10112x128xf32, #tpu.memory_space<hbm>> -> memref<1x64x128xf32, #tpu.memory_space<hbm>>
      %dma_start3A_111 = tpu.memref_squeeze %dma_start3A_110 : memref<1x64x128xf32, #tpu.memory_space<hbm>> -> memref<64x128xf32, #tpu.memory_space<hbm>>
      %dma_start3A_112 = arith.constant 0 : i32
      %dma_start3A_113 = tpu.memref_slice %arg6[%arg0, %add3A_94, %dma_start3A_112] : memref<2x10112x128xf32, #tpu.memory_space<hbm>> -> memref<1x64x128xf32, #tpu.memory_space<hbm>>
      %dma_start3A_114 = tpu.memref_squeeze %dma_start3A_113 : memref<1x64x128xf32, #tpu.memory_space<hbm>> -> memref<64x128xf32, #tpu.memory_space<hbm>>
      %dma_start3A_115 = arith.constant 0 : i32
      %dma_start3A_116 = arith.constant 0 : i32
      %dma_start3A_117 = tpu.memref_slice %arg11[%dma_start3A_115, %dma_start3A_116] : memref<64x128xf32, #tpu.memory_space<vmem>> -> memref<64x128xf32, #tpu.memory_space<vmem>>
      tpu.enqueue_dma source(%dma_start3A_117 : memref<64x128xf32, #tpu.memory_space<vmem>>) target(%dma_start3A_114 : memref<64x128xf32, #tpu.memory_space<hbm>>) target_semaphore(%run_scoped3A : memref<!tpu.dma_semaphore, #tpu.memory_space<semaphore_mem>>)
      %dma_wait3A_118 = arith.constant 0 : i32
      %dma_wait3A_119 = arith.constant 0 : i32
      %dma_wait3A_120 = tpu.memref_slice %arg11[%dma_wait3A_118, %dma_wait3A_119] : memref<64x128xf32, #tpu.memory_space<vmem>> -> memref<64x128xf32, #tpu.memory_space<vmem>>
      %dma_wait3A_121 = arith.constant 0 : i32
      %dma_wait3A_122 = tpu.memref_slice %arg6[%arg0, %add3A_94, %dma_wait3A_121] : memref<2x10112x128xf32, #tpu.memory_space<hbm>> -> memref<1x64x128xf32, #tpu.memory_space<hbm>>
      %dma_wait3A_123 = tpu.memref_squeeze %dma_wait3A_122 : memref<1x64x128xf32, #tpu.memory_space<hbm>> -> memref<64x128xf32, #tpu.memory_space<hbm>>
      %dma_wait3A_124 = arith.constant 0 : i32
      %dma_wait3A_125 = tpu.memref_slice %arg6[%arg0, %add3A_94, %dma_wait3A_124] : memref<2x10112x128xf32, #tpu.memory_space<hbm>> -> memref<1x64x128xf32, #tpu.memory_space<hbm>>
      %dma_wait3A_126 = tpu.memref_squeeze %dma_wait3A_125 : memref<1x64x128xf32, #tpu.memory_space<hbm>> -> memref<64x128xf32, #tpu.memory_space<hbm>>
      %dma_wait3A_127 = arith.constant 0 : i32
      %dma_wait3A_128 = arith.constant 0 : i32
      %dma_wait3A_129 = tpu.memref_slice %arg11[%dma_wait3A_127, %dma_wait3A_128] : memref<64x128xf32, #tpu.memory_space<vmem>> -> memref<64x128xf32, #tpu.memory_space<vmem>>
      tpu.wait_dma2 semaphore(%run_scoped3A : memref<!tpu.dma_semaphore, #tpu.memory_space<semaphore_mem>>) src(%dma_wait3A_129 : memref<64x128xf32, #tpu.memory_space<vmem>>) dst(%dma_wait3A_126 : memref<64x128xf32, #tpu.memory_space<hbm>>)
      tpu.yield
    }) : () -> ()
    %add3A_95 = arith.constant 448 : i32
    %add3A_96 = arith.addi %mul3A_2, %add3A_95 : i32
    "tpu.region"() ({
      %run_scoped3A = tpu.sem_alloc : memref<!tpu.dma_semaphore, #tpu.memory_space<semaphore_mem>>
      %dma_start3A = arith.constant 0 : i32
      %dma_start3A_107 = arith.constant 0 : i32
      %dma_start3A_108 = tpu.memref_slice %arg11[%dma_start3A, %dma_start3A_107] : memref<64x128xf32, #tpu.memory_space<vmem>> -> memref<64x128xf32, #tpu.memory_space<vmem>>
      %dma_start3A_109 = arith.constant 0 : i32
      %dma_start3A_110 = tpu.memref_slice %arg7[%add3A_96, %dma_start3A_109] : memref<10112x128xf32, #tpu.memory_space<vmem_shared>> -> memref<64x128xf32, #tpu.memory_space<vmem_shared>>
      %dma_start3A_111 = arith.constant 0 : i32
      %dma_start3A_112 = arith.constant 0 : i32
      %dma_start3A_113 = tpu.memref_slice %arg11[%dma_start3A_111, %dma_start3A_112] : memref<64x128xf32, #tpu.memory_space<vmem>> -> memref<64x128xf32, #tpu.memory_space<vmem>>
      %dma_start3A_114 = arith.constant 0 : i32
      %dma_start3A_115 = tpu.memref_slice %arg7[%add3A_96, %dma_start3A_114] : memref<10112x128xf32, #tpu.memory_space<vmem_shared>> -> memref<64x128xf32, #tpu.memory_space<vmem_shared>>
      tpu.enqueue_dma source(%dma_start3A_115 : memref<64x128xf32, #tpu.memory_space<vmem_shared>>) target(%dma_start3A_113 : memref<64x128xf32, #tpu.memory_space<vmem>>) target_semaphore(%run_scoped3A : memref<!tpu.dma_semaphore, #tpu.memory_space<semaphore_mem>>)
      %dma_wait3A_116 = arith.constant 0 : i32
      %dma_wait3A_117 = arith.constant 0 : i32
      %dma_wait3A_118 = tpu.memref_slice %arg11[%dma_wait3A_116, %dma_wait3A_117] : memref<64x128xf32, #tpu.memory_space<vmem>> -> memref<64x128xf32, #tpu.memory_space<vmem>>
      %dma_wait3A_119 = arith.constant 0 : i32
      %dma_wait3A_120 = tpu.memref_slice %arg7[%add3A_96, %dma_wait3A_119] : memref<10112x128xf32, #tpu.memory_space<vmem_shared>> -> memref<64x128xf32, #tpu.memory_space<vmem_shared>>
      %dma_wait3A_121 = arith.constant 0 : i32
      %dma_wait3A_122 = arith.constant 0 : i32
      %dma_wait3A_123 = tpu.memref_slice %arg11[%dma_wait3A_121, %dma_wait3A_122] : memref<64x128xf32, #tpu.memory_space<vmem>> -> memref<64x128xf32, #tpu.memory_space<vmem>>
      %dma_wait3A_124 = arith.constant 0 : i32
      %dma_wait3A_125 = tpu.memref_slice %arg7[%add3A_96, %dma_wait3A_124] : memref<10112x128xf32, #tpu.memory_space<vmem_shared>> -> memref<64x128xf32, #tpu.memory_space<vmem_shared>>
      tpu.wait_dma2 semaphore(%run_scoped3A : memref<!tpu.dma_semaphore, #tpu.memory_space<semaphore_mem>>) src(%dma_wait3A_125 : memref<64x128xf32, #tpu.memory_space<vmem_shared>>) dst(%dma_wait3A_123 : memref<64x128xf32, #tpu.memory_space<vmem>>)
      tpu.yield
    }) : () -> ()
    %add3A_97 = arith.constant 448 : i32
    %add3A_98 = arith.addi %mul3A_2, %add3A_97 : i32
    "tpu.region"() ({
      %run_scoped3A = tpu.sem_alloc : memref<!tpu.dma_semaphore, #tpu.memory_space<semaphore_mem>>
      %dma_start3A = arith.constant 0 : i32
      %dma_start3A_107 = arith.constant 0 : i32
      %dma_start3A_108 = tpu.memref_slice %arg11[%dma_start3A, %dma_start3A_107] : memref<64x128xf32, #tpu.memory_space<vmem>> -> memref<64x128xf32, #tpu.memory_space<vmem>>
      %dma_start3A_109 = arith.constant 0 : i32
      %dma_start3A_110 = tpu.memref_slice %arg6[%arg0, %add3A_98, %dma_start3A_109] : memref<2x10112x128xf32, #tpu.memory_space<hbm>> -> memref<1x64x128xf32, #tpu.memory_space<hbm>>
      %dma_start3A_111 = tpu.memref_squeeze %dma_start3A_110 : memref<1x64x128xf32, #tpu.memory_space<hbm>> -> memref<64x128xf32, #tpu.memory_space<hbm>>
      %dma_start3A_112 = arith.constant 0 : i32
      %dma_start3A_113 = tpu.memref_slice %arg6[%arg0, %add3A_98, %dma_start3A_112] : memref<2x10112x128xf32, #tpu.memory_space<hbm>> -> memref<1x64x128xf32, #tpu.memory_space<hbm>>
      %dma_start3A_114 = tpu.memref_squeeze %dma_start3A_113 : memref<1x64x128xf32, #tpu.memory_space<hbm>> -> memref<64x128xf32, #tpu.memory_space<hbm>>
      %dma_start3A_115 = arith.constant 0 : i32
      %dma_start3A_116 = arith.constant 0 : i32
      %dma_start3A_117 = tpu.memref_slice %arg11[%dma_start3A_115, %dma_start3A_116] : memref<64x128xf32, #tpu.memory_space<vmem>> -> memref<64x128xf32, #tpu.memory_space<vmem>>
      tpu.enqueue_dma source(%dma_start3A_117 : memref<64x128xf32, #tpu.memory_space<vmem>>) target(%dma_start3A_114 : memref<64x128xf32, #tpu.memory_space<hbm>>) target_semaphore(%run_scoped3A : memref<!tpu.dma_semaphore, #tpu.memory_space<semaphore_mem>>)
      %dma_wait3A_118 = arith.constant 0 : i32
      %dma_wait3A_119 = arith.constant 0 : i32
      %dma_wait3A_120 = tpu.memref_slice %arg11[%dma_wait3A_118, %dma_wait3A_119] : memref<64x128xf32, #tpu.memory_space<vmem>> -> memref<64x128xf32, #tpu.memory_space<vmem>>
      %dma_wait3A_121 = arith.constant 0 : i32
      %dma_wait3A_122 = tpu.memref_slice %arg6[%arg0, %add3A_98, %dma_wait3A_121] : memref<2x10112x128xf32, #tpu.memory_space<hbm>> -> memref<1x64x128xf32, #tpu.memory_space<hbm>>
      %dma_wait3A_123 = tpu.memref_squeeze %dma_wait3A_122 : memref<1x64x128xf32, #tpu.memory_space<hbm>> -> memref<64x128xf32, #tpu.memory_space<hbm>>
      %dma_wait3A_124 = arith.constant 0 : i32
      %dma_wait3A_125 = tpu.memref_slice %arg6[%arg0, %add3A_98, %dma_wait3A_124] : memref<2x10112x128xf32, #tpu.memory_space<hbm>> -> memref<1x64x128xf32, #tpu.memory_space<hbm>>
      %dma_wait3A_126 = tpu.memref_squeeze %dma_wait3A_125 : memref<1x64x128xf32, #tpu.memory_space<hbm>> -> memref<64x128xf32, #tpu.memory_space<hbm>>
      %dma_wait3A_127 = arith.constant 0 : i32
      %dma_wait3A_128 = arith.constant 0 : i32
      %dma_wait3A_129 = tpu.memref_slice %arg11[%dma_wait3A_127, %dma_wait3A_128] : memref<64x128xf32, #tpu.memory_space<vmem>> -> memref<64x128xf32, #tpu.memory_space<vmem>>
      tpu.wait_dma2 semaphore(%run_scoped3A : memref<!tpu.dma_semaphore, #tpu.memory_space<semaphore_mem>>) src(%dma_wait3A_129 : memref<64x128xf32, #tpu.memory_space<vmem>>) dst(%dma_wait3A_126 : memref<64x128xf32, #tpu.memory_space<hbm>>)
      tpu.yield
    }) : () -> ()
    %add3A_99 = arith.constant 512 : i32
    %add3A_100 = arith.addi %mul3A_2, %add3A_99 : i32
    "tpu.region"() ({
      %run_scoped3A = tpu.sem_alloc : memref<!tpu.dma_semaphore, #tpu.memory_space<semaphore_mem>>
      %dma_start3A = arith.constant 0 : i32
      %dma_start3A_107 = arith.constant 0 : i32
      %dma_start3A_108 = tpu.memref_slice %arg11[%dma_start3A, %dma_start3A_107] : memref<64x128xf32, #tpu.memory_space<vmem>> -> memref<64x128xf32, #tpu.memory_space<vmem>>
      %dma_start3A_109 = arith.constant 0 : i32
      %dma_start3A_110 = tpu.memref_slice %arg7[%add3A_100, %dma_start3A_109] : memref<10112x128xf32, #tpu.memory_space<vmem_shared>> -> memref<64x128xf32, #tpu.memory_space<vmem_shared>>
      %dma_start3A_111 = arith.constant 0 : i32
      %dma_start3A_112 = arith.constant 0 : i32
      %dma_start3A_113 = tpu.memref_slice %arg11[%dma_start3A_111, %dma_start3A_112] : memref<64x128xf32, #tpu.memory_space<vmem>> -> memref<64x128xf32, #tpu.memory_space<vmem>>
      %dma_start3A_114 = arith.constant 0 : i32
      %dma_start3A_115 = tpu.memref_slice %arg7[%add3A_100, %dma_start3A_114] : memref<10112x128xf32, #tpu.memory_space<vmem_shared>> -> memref<64x128xf32, #tpu.memory_space<vmem_shared>>
      tpu.enqueue_dma source(%dma_start3A_115 : memref<64x128xf32, #tpu.memory_space<vmem_shared>>) target(%dma_start3A_113 : memref<64x128xf32, #tpu.memory_space<vmem>>) target_semaphore(%run_scoped3A : memref<!tpu.dma_semaphore, #tpu.memory_space<semaphore_mem>>)
      %dma_wait3A_116 = arith.constant 0 : i32
      %dma_wait3A_117 = arith.constant 0 : i32
      %dma_wait3A_118 = tpu.memref_slice %arg11[%dma_wait3A_116, %dma_wait3A_117] : memref<64x128xf32, #tpu.memory_space<vmem>> -> memref<64x128xf32, #tpu.memory_space<vmem>>
      %dma_wait3A_119 = arith.constant 0 : i32
      %dma_wait3A_120 = tpu.memref_slice %arg7[%add3A_100, %dma_wait3A_119] : memref<10112x128xf32, #tpu.memory_space<vmem_shared>> -> memref<64x128xf32, #tpu.memory_space<vmem_shared>>
      %dma_wait3A_121 = arith.constant 0 : i32
      %dma_wait3A_122 = arith.constant 0 : i32
      %dma_wait3A_123 = tpu.memref_slice %arg11[%dma_wait3A_121, %dma_wait3A_122] : memref<64x128xf32, #tpu.memory_space<vmem>> -> memref<64x128xf32, #tpu.memory_space<vmem>>
      %dma_wait3A_124 = arith.constant 0 : i32
      %dma_wait3A_125 = tpu.memref_slice %arg7[%add3A_100, %dma_wait3A_124] : memref<10112x128xf32, #tpu.memory_space<vmem_shared>> -> memref<64x128xf32, #tpu.memory_space<vmem_shared>>
      tpu.wait_dma2 semaphore(%run_scoped3A : memref<!tpu.dma_semaphore, #tpu.memory_space<semaphore_mem>>) src(%dma_wait3A_125 : memref<64x128xf32, #tpu.memory_space<vmem_shared>>) dst(%dma_wait3A_123 : memref<64x128xf32, #tpu.memory_space<vmem>>)
      tpu.yield
    }) : () -> ()
    %add3A_101 = arith.constant 512 : i32
    %add3A_102 = arith.addi %mul3A_2, %add3A_101 : i32
    "tpu.region"() ({
      %run_scoped3A = tpu.sem_alloc : memref<!tpu.dma_semaphore, #tpu.memory_space<semaphore_mem>>
      %dma_start3A = arith.constant 0 : i32
      %dma_start3A_107 = arith.constant 0 : i32
      %dma_start3A_108 = tpu.memref_slice %arg11[%dma_start3A, %dma_start3A_107] : memref<64x128xf32, #tpu.memory_space<vmem>> -> memref<64x128xf32, #tpu.memory_space<vmem>>
      %dma_start3A_109 = arith.constant 0 : i32
      %dma_start3A_110 = tpu.memref_slice %arg6[%arg0, %add3A_102, %dma_start3A_109] : memref<2x10112x128xf32, #tpu.memory_space<hbm>> -> memref<1x64x128xf32, #tpu.memory_space<hbm>>
      %dma_start3A_111 = tpu.memref_squeeze %dma_start3A_110 : memref<1x64x128xf32, #tpu.memory_space<hbm>> -> memref<64x128xf32, #tpu.memory_space<hbm>>
      %dma_start3A_112 = arith.constant 0 : i32
      %dma_start3A_113 = tpu.memref_slice %arg6[%arg0, %add3A_102, %dma_start3A_112] : memref<2x10112x128xf32, #tpu.memory_space<hbm>> -> memref<1x64x128xf32, #tpu.memory_space<hbm>>
      %dma_start3A_114 = tpu.memref_squeeze %dma_start3A_113 : memref<1x64x128xf32, #tpu.memory_space<hbm>> -> memref<64x128xf32, #tpu.memory_space<hbm>>
      %dma_start3A_115 = arith.constant 0 : i32
      %dma_start3A_116 = arith.constant 0 : i32
      %dma_start3A_117 = tpu.memref_slice %arg11[%dma_start3A_115, %dma_start3A_116] : memref<64x128xf32, #tpu.memory_space<vmem>> -> memref<64x128xf32, #tpu.memory_space<vmem>>
      tpu.enqueue_dma source(%dma_start3A_117 : memref<64x128xf32, #tpu.memory_space<vmem>>) target(%dma_start3A_114 : memref<64x128xf32, #tpu.memory_space<hbm>>) target_semaphore(%run_scoped3A : memref<!tpu.dma_semaphore, #tpu.memory_space<semaphore_mem>>)
      %dma_wait3A_118 = arith.constant 0 : i32
      %dma_wait3A_119 = arith.constant 0 : i32
      %dma_wait3A_120 = tpu.memref_slice %arg11[%dma_wait3A_118, %dma_wait3A_119] : memref<64x128xf32, #tpu.memory_space<vmem>> -> memref<64x128xf32, #tpu.memory_space<vmem>>
      %dma_wait3A_121 = arith.constant 0 : i32
      %dma_wait3A_122 = tpu.memref_slice %arg6[%arg0, %add3A_102, %dma_wait3A_121] : memref<2x10112x128xf32, #tpu.memory_space<hbm>> -> memref<1x64x128xf32, #tpu.memory_space<hbm>>
      %dma_wait3A_123 = tpu.memref_squeeze %dma_wait3A_122 : memref<1x64x128xf32, #tpu.memory_space<hbm>> -> memref<64x128xf32, #tpu.memory_space<hbm>>
      %dma_wait3A_124 = arith.constant 0 : i32
      %dma_wait3A_125 = tpu.memref_slice %arg6[%arg0, %add3A_102, %dma_wait3A_124] : memref<2x10112x128xf32, #tpu.memory_space<hbm>> -> memref<1x64x128xf32, #tpu.memory_space<hbm>>
      %dma_wait3A_126 = tpu.memref_squeeze %dma_wait3A_125 : memref<1x64x128xf32, #tpu.memory_space<hbm>> -> memref<64x128xf32, #tpu.memory_space<hbm>>
      %dma_wait3A_127 = arith.constant 0 : i32
      %dma_wait3A_128 = arith.constant 0 : i32
      %dma_wait3A_129 = tpu.memref_slice %arg11[%dma_wait3A_127, %dma_wait3A_128] : memref<64x128xf32, #tpu.memory_space<vmem>> -> memref<64x128xf32, #tpu.memory_space<vmem>>
      tpu.wait_dma2 semaphore(%run_scoped3A : memref<!tpu.dma_semaphore, #tpu.memory_space<semaphore_mem>>) src(%dma_wait3A_129 : memref<64x128xf32, #tpu.memory_space<vmem>>) dst(%dma_wait3A_126 : memref<64x128xf32, #tpu.memory_space<hbm>>)
      tpu.yield
    }) : () -> ()
    %add3A_103 = arith.constant 576 : i32
    %add3A_104 = arith.addi %mul3A_2, %add3A_103 : i32
    "tpu.region"() ({
      %run_scoped3A = tpu.sem_alloc : memref<!tpu.dma_semaphore, #tpu.memory_space<semaphore_mem>>
      %dma_start3A = arith.constant 0 : i32
      %dma_start3A_107 = arith.constant 0 : i32
      %dma_start3A_108 = tpu.memref_slice %arg11[%dma_start3A, %dma_start3A_107] : memref<64x128xf32, #tpu.memory_space<vmem>> -> memref<56x128xf32, #tpu.memory_space<vmem>>
      %dma_start3A_109 = arith.constant 0 : i32
      %dma_start3A_110 = tpu.memref_slice %arg7[%add3A_104, %dma_start3A_109] : memref<10112x128xf32, #tpu.memory_space<vmem_shared>> -> memref<56x128xf32, #tpu.memory_space<vmem_shared>>
      %dma_start3A_111 = arith.constant 0 : i32
      %dma_start3A_112 = arith.constant 0 : i32
      %dma_start3A_113 = tpu.memref_slice %arg11[%dma_start3A_111, %dma_start3A_112] : memref<64x128xf32, #tpu.memory_space<vmem>> -> memref<56x128xf32, #tpu.memory_space<vmem>>
      %dma_start3A_114 = arith.constant 0 : i32
      %dma_start3A_115 = tpu.memref_slice %arg7[%add3A_104, %dma_start3A_114] : memref<10112x128xf32, #tpu.memory_space<vmem_shared>> -> memref<56x128xf32, #tpu.memory_space<vmem_shared>>
      tpu.enqueue_dma source(%dma_start3A_115 : memref<56x128xf32, #tpu.memory_space<vmem_shared>>) target(%dma_start3A_113 : memref<56x128xf32, #tpu.memory_space<vmem>>) target_semaphore(%run_scoped3A : memref<!tpu.dma_semaphore, #tpu.memory_space<semaphore_mem>>)
      %dma_wait3A_116 = arith.constant 0 : i32
      %dma_wait3A_117 = arith.constant 0 : i32
      %dma_wait3A_118 = tpu.memref_slice %arg11[%dma_wait3A_116, %dma_wait3A_117] : memref<64x128xf32, #tpu.memory_space<vmem>> -> memref<56x128xf32, #tpu.memory_space<vmem>>
      %dma_wait3A_119 = arith.constant 0 : i32
      %dma_wait3A_120 = tpu.memref_slice %arg7[%add3A_104, %dma_wait3A_119] : memref<10112x128xf32, #tpu.memory_space<vmem_shared>> -> memref<56x128xf32, #tpu.memory_space<vmem_shared>>
      %dma_wait3A_121 = arith.constant 0 : i32
      %dma_wait3A_122 = arith.constant 0 : i32
      %dma_wait3A_123 = tpu.memref_slice %arg11[%dma_wait3A_121, %dma_wait3A_122] : memref<64x128xf32, #tpu.memory_space<vmem>> -> memref<56x128xf32, #tpu.memory_space<vmem>>
      %dma_wait3A_124 = arith.constant 0 : i32
      %dma_wait3A_125 = tpu.memref_slice %arg7[%add3A_104, %dma_wait3A_124] : memref<10112x128xf32, #tpu.memory_space<vmem_shared>> -> memref<56x128xf32, #tpu.memory_space<vmem_shared>>
      tpu.wait_dma2 semaphore(%run_scoped3A : memref<!tpu.dma_semaphore, #tpu.memory_space<semaphore_mem>>) src(%dma_wait3A_125 : memref<56x128xf32, #tpu.memory_space<vmem_shared>>) dst(%dma_wait3A_123 : memref<56x128xf32, #tpu.memory_space<vmem>>)
      tpu.yield
    }) : () -> ()
    %add3A_105 = arith.constant 576 : i32
    %add3A_106 = arith.addi %mul3A_2, %add3A_105 : i32
    "tpu.region"() ({
      %run_scoped3A = tpu.sem_alloc : memref<!tpu.dma_semaphore, #tpu.memory_space<semaphore_mem>>
      %dma_start3A = arith.constant 0 : i32
      %dma_start3A_107 = arith.constant 0 : i32
      %dma_start3A_108 = tpu.memref_slice %arg11[%dma_start3A, %dma_start3A_107] : memref<64x128xf32, #tpu.memory_space<vmem>> -> memref<56x128xf32, #tpu.memory_space<vmem>>
      %dma_start3A_109 = arith.constant 0 : i32
      %dma_start3A_110 = tpu.memref_slice %arg6[%arg0, %add3A_106, %dma_start3A_109] : memref<2x10112x128xf32, #tpu.memory_space<hbm>> -> memref<1x56x128xf32, #tpu.memory_space<hbm>>
      %dma_start3A_111 = tpu.memref_squeeze %dma_start3A_110 : memref<1x56x128xf32, #tpu.memory_space<hbm>> -> memref<56x128xf32, #tpu.memory_space<hbm>>
      %dma_start3A_112 = arith.constant 0 : i32
      %dma_start3A_113 = tpu.memref_slice %arg6[%arg0, %add3A_106, %dma_start3A_112] : memref<2x10112x128xf32, #tpu.memory_space<hbm>> -> memref<1x56x128xf32, #tpu.memory_space<hbm>>
      %dma_start3A_114 = tpu.memref_squeeze %dma_start3A_113 : memref<1x56x128xf32, #tpu.memory_space<hbm>> -> memref<56x128xf32, #tpu.memory_space<hbm>>
      %dma_start3A_115 = arith.constant 0 : i32
      %dma_start3A_116 = arith.constant 0 : i32
      %dma_start3A_117 = tpu.memref_slice %arg11[%dma_start3A_115, %dma_start3A_116] : memref<64x128xf32, #tpu.memory_space<vmem>> -> memref<56x128xf32, #tpu.memory_space<vmem>>
      tpu.enqueue_dma source(%dma_start3A_117 : memref<56x128xf32, #tpu.memory_space<vmem>>) target(%dma_start3A_114 : memref<56x128xf32, #tpu.memory_space<hbm>>) target_semaphore(%run_scoped3A : memref<!tpu.dma_semaphore, #tpu.memory_space<semaphore_mem>>)
      %dma_wait3A_118 = arith.constant 0 : i32
      %dma_wait3A_119 = arith.constant 0 : i32
      %dma_wait3A_120 = tpu.memref_slice %arg11[%dma_wait3A_118, %dma_wait3A_119] : memref<64x128xf32, #tpu.memory_space<vmem>> -> memref<56x128xf32, #tpu.memory_space<vmem>>
      %dma_wait3A_121 = arith.constant 0 : i32
      %dma_wait3A_122 = tpu.memref_slice %arg6[%arg0, %add3A_106, %dma_wait3A_121] : memref<2x10112x128xf32, #tpu.memory_space<hbm>> -> memref<1x56x128xf32, #tpu.memory_space<hbm>>
      %dma_wait3A_123 = tpu.memref_squeeze %dma_wait3A_122 : memref<1x56x128xf32, #tpu.memory_space<hbm>> -> memref<56x128xf32, #tpu.memory_space<hbm>>
      %dma_wait3A_124 = arith.constant 0 : i32
      %dma_wait3A_125 = tpu.memref_slice %arg6[%arg0, %add3A_106, %dma_wait3A_124] : memref<2x10112x128xf32, #tpu.memory_space<hbm>> -> memref<1x56x128xf32, #tpu.memory_space<hbm>>
      %dma_wait3A_126 = tpu.memref_squeeze %dma_wait3A_125 : memref<1x56x128xf32, #tpu.memory_space<hbm>> -> memref<56x128xf32, #tpu.memory_space<hbm>>
      %dma_wait3A_127 = arith.constant 0 : i32
      %dma_wait3A_128 = arith.constant 0 : i32
      %dma_wait3A_129 = tpu.memref_slice %arg11[%dma_wait3A_127, %dma_wait3A_128] : memref<64x128xf32, #tpu.memory_space<vmem>> -> memref<56x128xf32, #tpu.memory_space<vmem>>
      tpu.wait_dma2 semaphore(%run_scoped3A : memref<!tpu.dma_semaphore, #tpu.memory_space<semaphore_mem>>) src(%dma_wait3A_129 : memref<56x128xf32, #tpu.memory_space<vmem>>) dst(%dma_wait3A_126 : memref<56x128xf32, #tpu.memory_space<hbm>>)
      tpu.yield
    }) : () -> ()
    return
  }
}

module attributes {stable_mosaic.version = 14 : i64} {
  func.func @_combine_body(%arg0: i32, %arg1: memref<2x1000x128xf32, #tpu.memory_space<vmem>>, %arg2: memref<1000x128xf32, #tpu.memory_space<vmem>>, %arg3: memref<128x128xf32, #tpu.memory_space<vmem>>, %arg4: memref<1x128xf32, #tpu.memory_space<vmem>>, %arg5: memref<1000x128xf32, #tpu.memory_space<vmem>>) attributes {dimension_semantics = [#tpu.dimension_semantics<arbitrary>], iteration_bounds = array<i64: 10>, scalar_prefetch = 0 : i64, scratch_operands = 0 : i64, tpu.core_type = #tpu.core_type<tc>, window_params = [{transform_indices = @transform_0, window_bounds = array<i64: 2, 1000, 128>}, {transform_indices = @transform_1, window_bounds = array<i64: 1000, 128>}, {pipeline_mode = #tpu.pipeline_mode<synchronous>, transform_indices = @transform_2, window_bounds = array<i64: 128, 128>}, {pipeline_mode = #tpu.pipeline_mode<synchronous>, transform_indices = @transform_3, window_bounds = array<i64: 1, 128>}, {transform_indices = @transform_4, window_bounds = array<i64: 1000, 128>}]} {
    %get3A = arith.constant 0 : index
    %get3A_0 = arith.constant 0 : index
    %get3A_1 = arith.constant 0 : index
    %get3A_2 = vector.load %arg1[%get3A, %get3A_0, %get3A_1] : memref<2x1000x128xf32, #tpu.memory_space<vmem>>, vector<1x1000x128xf32>
    %get3A_3 = vector.shape_cast %get3A_2 : vector<1x1000x128xf32> to vector<1000x128xf32>
    %get3A_4 = arith.constant 1 : index
    %get3A_5 = arith.constant 0 : index
    %get3A_6 = arith.constant 0 : index
    %get3A_7 = vector.load %arg1[%get3A_4, %get3A_5, %get3A_6] : memref<2x1000x128xf32, #tpu.memory_space<vmem>>, vector<1x1000x128xf32>
    %get3A_8 = vector.shape_cast %get3A_7 : vector<1x1000x128xf32> to vector<1000x128xf32>
    %add3A = arith.addf %get3A_3, %get3A_8 : vector<1000x128xf32>
    %get3A_9 = arith.constant 0 : index
    %get3A_10 = arith.constant 0 : index
    %get3A_11 = vector.load %arg2[%get3A_9, %get3A_10] : memref<1000x128xf32, #tpu.memory_space<vmem>>, vector<1000x128xf32>
    %get3A_12 = arith.constant 0 : index
    %get3A_13 = arith.constant 0 : index
    %get3A_14 = vector.load %arg3[%get3A_12, %get3A_13] : memref<128x128xf32, #tpu.memory_space<vmem>>, vector<128x128xf32>
    %dot_general3A = arith.constant dense<0.000000e+00> : vector<1000x128xf32>
    %dot_general3A_15 = tpu.matmul %get3A_11, %get3A_14, %dot_general3A {dimension_numbers = #tpu.dot_dimension_numbers<[1], [0], [0], [1], [0, 0, 1, 1], [], []>, transpose_lhs_hint = false} : vector<1000x128xf32>, vector<128x128xf32>, vector<1000x128xf32> -> vector<1000x128xf32>
    %add3A_16 = arith.addf %add3A, %dot_general3A_15 : vector<1000x128xf32>
    %get3A_17 = arith.constant 0 : index
    %get3A_18 = arith.constant 0 : index
    %get3A_19 = vector.load %arg4[%get3A_17, %get3A_18] : memref<1x128xf32, #tpu.memory_space<vmem>>, vector<1x128xf32>
    %add3A_20 = vector.broadcast %get3A_19 : vector<1x128xf32> to vector<1000x128xf32>
    %add3A_21 = arith.addf %add3A_16, %add3A_20 : vector<1000x128xf32>
    %swap3A = arith.constant 0 : index
    %swap3A_22 = arith.constant 0 : index
    %swap3A_23 = vector.load %arg5[%swap3A, %swap3A_22] : memref<1000x128xf32, #tpu.memory_space<vmem>>, vector<1000x128xf32>
    tpu.vector_store %arg5[%swap3A, %swap3A_22], %add3A_21 {strides = array<i32>} : memref<1000x128xf32, #tpu.memory_space<vmem>>, vector<1000x128xf32>,
    return
  }
  func.func @transform_0(%arg0: i32) -> (i32, i32, i32) {
    %c0_i32 = arith.constant 0 : i32
    %c0_i32_0 = arith.constant 0 : i32
    %c0_i32_1 = arith.constant 0 : i32
    return %c0_i32, %arg0, %c0_i32_0 : i32, i32, i32
  }
  func.func @transform_1(%arg0: i32) -> (i32, i32) {
    %c0_i32 = arith.constant 0 : i32
    %c0_i32_0 = arith.constant 0 : i32
    return %arg0, %c0_i32 : i32, i32
  }
  func.func @transform_2(%arg0: i32) -> (i32, i32) {
    %c0_i32 = arith.constant 0 : i32
    %c0_i32_0 = arith.constant 0 : i32
    %c0_i32_1 = arith.constant 0 : i32
    return %c0_i32, %c0_i32_0 : i32, i32
  }
  func.func @transform_3(%arg0: i32) -> (i32, i32) {
    %c0_i32 = arith.constant 0 : i32
    %c0_i32_0 = arith.constant 0 : i32
    %c0_i32_1 = arith.constant 0 : i32
    return %c0_i32, %c0_i32_0 : i32, i32
  }
  func.func @transform_4(%arg0: i32) -> (i32, i32) {
    %c0_i32 = arith.constant 0 : i32
    %c0_i32_0 = arith.constant 0 : i32
    return %arg0, %c0_i32 : i32, i32
  }
}

module attributes {stable_mosaic.version = 14 : i64} {
  func.func @_dense_body(%arg0: i32, %arg1: memref<2000x128xf32, #tpu.memory_space<vmem>>, %arg2: memref<4x128x128xf32, #tpu.memory_space<vmem>>, %arg3: memref<4x128x256xf32, #tpu.memory_space<vmem>>, %arg4: memref<4x2000x128xf32, #tpu.memory_space<vmem>>, %arg5: memref<4x2000x256xf32, #tpu.memory_space<vmem>>) attributes {dimension_semantics = [#tpu.dimension_semantics<arbitrary>], iteration_bounds = array<i64: 5>, scalar_prefetch = 0 : i64, scratch_operands = 0 : i64, tpu.core_type = #tpu.core_type<tc>, window_params = [{transform_indices = @transform_0, window_bounds = array<i64: 2000, 128>}, {pipeline_mode = #tpu.pipeline_mode<synchronous>, transform_indices = @transform_1, window_bounds = array<i64: 4, 128, 128>}, {pipeline_mode = #tpu.pipeline_mode<synchronous>, transform_indices = @transform_2, window_bounds = array<i64: 4, 128, 256>}, {transform_indices = @transform_3, window_bounds = array<i64: 4, 2000, 128>}, {transform_indices = @transform_4, window_bounds = array<i64: 4, 2000, 256>}]} {
    %get3A = arith.constant 0 : index
    %get3A_0 = arith.constant 0 : index
    %get3A_1 = vector.load %arg1[%get3A, %get3A_0] : memref<2000x128xf32, #tpu.memory_space<vmem>>, vector<2000x128xf32>
    %get3A_2 = arith.constant 0 : index
    %get3A_3 = arith.constant 0 : index
    %get3A_4 = arith.constant 0 : index
    %get3A_5 = vector.load %arg2[%get3A_2, %get3A_3, %get3A_4] : memref<4x128x128xf32, #tpu.memory_space<vmem>>, vector<1x128x128xf32>
    %get3A_6 = vector.shape_cast %get3A_5 : vector<1x128x128xf32> to vector<128x128xf32>
    %dot_general3A = arith.constant dense<0.000000e+00> : vector<2000x128xf32>
    %dot_general3A_7 = tpu.matmul %get3A_1, %get3A_6, %dot_general3A {dimension_numbers = #tpu.dot_dimension_numbers<[1], [0], [0], [1], [0, 0, 1, 1], [], []>, transpose_lhs_hint = false} : vector<2000x128xf32>, vector<128x128xf32>, vector<2000x128xf32> -> vector<2000x128xf32>
    %swap3A = arith.constant 0 : index
    %swap3A_8 = arith.constant 0 : index
    %swap3A_9 = arith.constant 0 : index
    %swap3A_10 = vector.load %arg4[%swap3A, %swap3A_8, %swap3A_9] : memref<4x2000x128xf32, #tpu.memory_space<vmem>>, vector<1x2000x128xf32>
    %swap3A_11 = vector.shape_cast %swap3A_10 : vector<1x2000x128xf32> to vector<2000x128xf32>
    %swap3A_12 = vector.shape_cast %dot_general3A_7 : vector<2000x128xf32> to vector<1x2000x128xf32>
    tpu.vector_store %arg4[%swap3A, %swap3A_8, %swap3A_9], %swap3A_12 {strides = array<i32>} : memref<4x2000x128xf32, #tpu.memory_space<vmem>>, vector<1x2000x128xf32>,
    %get3A_13 = arith.constant 0 : index
    %get3A_14 = arith.constant 0 : index
    %get3A_15 = arith.constant 0 : index
    %get3A_16 = vector.load %arg3[%get3A_13, %get3A_14, %get3A_15] : memref<4x128x256xf32, #tpu.memory_space<vmem>>, vector<1x128x256xf32>
    %get3A_17 = vector.shape_cast %get3A_16 : vector<1x128x256xf32> to vector<128x256xf32>
    %dot_general3A_18 = arith.constant dense<0.000000e+00> : vector<2000x256xf32>
    %dot_general3A_19 = tpu.matmul %get3A_1, %get3A_17, %dot_general3A_18 {dimension_numbers = #tpu.dot_dimension_numbers<[1], [0], [0], [1], [0, 0, 1, 1], [], []>, transpose_lhs_hint = false} : vector<2000x128xf32>, vector<128x256xf32>, vector<2000x256xf32> -> vector<2000x256xf32>
    %swap3A_20 = arith.constant 0 : index
    %swap3A_21 = arith.constant 0 : index
    %swap3A_22 = arith.constant 0 : index
    %swap3A_23 = vector.load %arg5[%swap3A_20, %swap3A_21, %swap3A_22] : memref<4x2000x256xf32, #tpu.memory_space<vmem>>, vector<1x2000x256xf32>
    %swap3A_24 = vector.shape_cast %swap3A_23 : vector<1x2000x256xf32> to vector<2000x256xf32>
    %swap3A_25 = vector.shape_cast %dot_general3A_19 : vector<2000x256xf32> to vector<1x2000x256xf32>
    tpu.vector_store %arg5[%swap3A_20, %swap3A_21, %swap3A_22], %swap3A_25 {strides = array<i32>} : memref<4x2000x256xf32, #tpu.memory_space<vmem>>, vector<1x2000x256xf32>,
    %get3A_26 = arith.constant 1 : index
    %get3A_27 = arith.constant 0 : index
    %get3A_28 = arith.constant 0 : index
    %get3A_29 = vector.load %arg2[%get3A_26, %get3A_27, %get3A_28] : memref<4x128x128xf32, #tpu.memory_space<vmem>>, vector<1x128x128xf32>
    %get3A_30 = vector.shape_cast %get3A_29 : vector<1x128x128xf32> to vector<128x128xf32>
    %dot_general3A_31 = arith.constant dense<0.000000e+00> : vector<2000x128xf32>
    %dot_general3A_32 = tpu.matmul %get3A_1, %get3A_30, %dot_general3A_31 {dimension_numbers = #tpu.dot_dimension_numbers<[1], [0], [0], [1], [0, 0, 1, 1], [], []>, transpose_lhs_hint = false} : vector<2000x128xf32>, vector<128x128xf32>, vector<2000x128xf32> -> vector<2000x128xf32>
    %swap3A_33 = arith.constant 1 : index
    %swap3A_34 = arith.constant 0 : index
    %swap3A_35 = arith.constant 0 : index
    %swap3A_36 = vector.load %arg4[%swap3A_33, %swap3A_34, %swap3A_35] : memref<4x2000x128xf32, #tpu.memory_space<vmem>>, vector<1x2000x128xf32>
    %swap3A_37 = vector.shape_cast %swap3A_36 : vector<1x2000x128xf32> to vector<2000x128xf32>
    %swap3A_38 = vector.shape_cast %dot_general3A_32 : vector<2000x128xf32> to vector<1x2000x128xf32>
    tpu.vector_store %arg4[%swap3A_33, %swap3A_34, %swap3A_35], %swap3A_38 {strides = array<i32>} : memref<4x2000x128xf32, #tpu.memory_space<vmem>>, vector<1x2000x128xf32>,
    %get3A_39 = arith.constant 1 : index
    %get3A_40 = arith.constant 0 : index
    %get3A_41 = arith.constant 0 : index
    %get3A_42 = vector.load %arg3[%get3A_39, %get3A_40, %get3A_41] : memref<4x128x256xf32, #tpu.memory_space<vmem>>, vector<1x128x256xf32>
    %get3A_43 = vector.shape_cast %get3A_42 : vector<1x128x256xf32> to vector<128x256xf32>
    %dot_general3A_44 = arith.constant dense<0.000000e+00> : vector<2000x256xf32>
    %dot_general3A_45 = tpu.matmul %get3A_1, %get3A_43, %dot_general3A_44 {dimension_numbers = #tpu.dot_dimension_numbers<[1], [0], [0], [1], [0, 0, 1, 1], [], []>, transpose_lhs_hint = false} : vector<2000x128xf32>, vector<128x256xf32>, vector<2000x256xf32> -> vector<2000x256xf32>
    %swap3A_46 = arith.constant 1 : index
    %swap3A_47 = arith.constant 0 : index
    %swap3A_48 = arith.constant 0 : index
    %swap3A_49 = vector.load %arg5[%swap3A_46, %swap3A_47, %swap3A_48] : memref<4x2000x256xf32, #tpu.memory_space<vmem>>, vector<1x2000x256xf32>
    %swap3A_50 = vector.shape_cast %swap3A_49 : vector<1x2000x256xf32> to vector<2000x256xf32>
    %swap3A_51 = vector.shape_cast %dot_general3A_45 : vector<2000x256xf32> to vector<1x2000x256xf32>
    tpu.vector_store %arg5[%swap3A_46, %swap3A_47, %swap3A_48], %swap3A_51 {strides = array<i32>} : memref<4x2000x256xf32, #tpu.memory_space<vmem>>, vector<1x2000x256xf32>,
    %get3A_52 = arith.constant 2 : index
    %get3A_53 = arith.constant 0 : index
    %get3A_54 = arith.constant 0 : index
    %get3A_55 = vector.load %arg2[%get3A_52, %get3A_53, %get3A_54] : memref<4x128x128xf32, #tpu.memory_space<vmem>>, vector<1x128x128xf32>
    %get3A_56 = vector.shape_cast %get3A_55 : vector<1x128x128xf32> to vector<128x128xf32>
    %dot_general3A_57 = arith.constant dense<0.000000e+00> : vector<2000x128xf32>
    %dot_general3A_58 = tpu.matmul %get3A_1, %get3A_56, %dot_general3A_57 {dimension_numbers = #tpu.dot_dimension_numbers<[1], [0], [0], [1], [0, 0, 1, 1], [], []>, transpose_lhs_hint = false} : vector<2000x128xf32>, vector<128x128xf32>, vector<2000x128xf32> -> vector<2000x128xf32>
    %swap3A_59 = arith.constant 2 : index
    %swap3A_60 = arith.constant 0 : index
    %swap3A_61 = arith.constant 0 : index
    %swap3A_62 = vector.load %arg4[%swap3A_59, %swap3A_60, %swap3A_61] : memref<4x2000x128xf32, #tpu.memory_space<vmem>>, vector<1x2000x128xf32>
    %swap3A_63 = vector.shape_cast %swap3A_62 : vector<1x2000x128xf32> to vector<2000x128xf32>
    %swap3A_64 = vector.shape_cast %dot_general3A_58 : vector<2000x128xf32> to vector<1x2000x128xf32>
    tpu.vector_store %arg4[%swap3A_59, %swap3A_60, %swap3A_61], %swap3A_64 {strides = array<i32>} : memref<4x2000x128xf32, #tpu.memory_space<vmem>>, vector<1x2000x128xf32>,
    %get3A_65 = arith.constant 2 : index
    %get3A_66 = arith.constant 0 : index
    %get3A_67 = arith.constant 0 : index
    %get3A_68 = vector.load %arg3[%get3A_65, %get3A_66, %get3A_67] : memref<4x128x256xf32, #tpu.memory_space<vmem>>, vector<1x128x256xf32>
    %get3A_69 = vector.shape_cast %get3A_68 : vector<1x128x256xf32> to vector<128x256xf32>
    %dot_general3A_70 = arith.constant dense<0.000000e+00> : vector<2000x256xf32>
    %dot_general3A_71 = tpu.matmul %get3A_1, %get3A_69, %dot_general3A_70 {dimension_numbers = #tpu.dot_dimension_numbers<[1], [0], [0], [1], [0, 0, 1, 1], [], []>, transpose_lhs_hint = false} : vector<2000x128xf32>, vector<128x256xf32>, vector<2000x256xf32> -> vector<2000x256xf32>
    %swap3A_72 = arith.constant 2 : index
    %swap3A_73 = arith.constant 0 : index
    %swap3A_74 = arith.constant 0 : index
    %swap3A_75 = vector.load %arg5[%swap3A_72, %swap3A_73, %swap3A_74] : memref<4x2000x256xf32, #tpu.memory_space<vmem>>, vector<1x2000x256xf32>
    %swap3A_76 = vector.shape_cast %swap3A_75 : vector<1x2000x256xf32> to vector<2000x256xf32>
    %swap3A_77 = vector.shape_cast %dot_general3A_71 : vector<2000x256xf32> to vector<1x2000x256xf32>
    tpu.vector_store %arg5[%swap3A_72, %swap3A_73, %swap3A_74], %swap3A_77 {strides = array<i32>} : memref<4x2000x256xf32, #tpu.memory_space<vmem>>, vector<1x2000x256xf32>,
    %get3A_78 = arith.constant 3 : index
    %get3A_79 = arith.constant 0 : index
    %get3A_80 = arith.constant 0 : index
    %get3A_81 = vector.load %arg2[%get3A_78, %get3A_79, %get3A_80] : memref<4x128x128xf32, #tpu.memory_space<vmem>>, vector<1x128x128xf32>
    %get3A_82 = vector.shape_cast %get3A_81 : vector<1x128x128xf32> to vector<128x128xf32>
    %dot_general3A_83 = arith.constant dense<0.000000e+00> : vector<2000x128xf32>
    %dot_general3A_84 = tpu.matmul %get3A_1, %get3A_82, %dot_general3A_83 {dimension_numbers = #tpu.dot_dimension_numbers<[1], [0], [0], [1], [0, 0, 1, 1], [], []>, transpose_lhs_hint = false} : vector<2000x128xf32>, vector<128x128xf32>, vector<2000x128xf32> -> vector<2000x128xf32>
    %swap3A_85 = arith.constant 3 : index
    %swap3A_86 = arith.constant 0 : index
    %swap3A_87 = arith.constant 0 : index
    %swap3A_88 = vector.load %arg4[%swap3A_85, %swap3A_86, %swap3A_87] : memref<4x2000x128xf32, #tpu.memory_space<vmem>>, vector<1x2000x128xf32>
    %swap3A_89 = vector.shape_cast %swap3A_88 : vector<1x2000x128xf32> to vector<2000x128xf32>
    %swap3A_90 = vector.shape_cast %dot_general3A_84 : vector<2000x128xf32> to vector<1x2000x128xf32>
    tpu.vector_store %arg4[%swap3A_85, %swap3A_86, %swap3A_87], %swap3A_90 {strides = array<i32>} : memref<4x2000x128xf32, #tpu.memory_space<vmem>>, vector<1x2000x128xf32>,
    %get3A_91 = arith.constant 3 : index
    %get3A_92 = arith.constant 0 : index
    %get3A_93 = arith.constant 0 : index
    %get3A_94 = vector.load %arg3[%get3A_91, %get3A_92, %get3A_93] : memref<4x128x256xf32, #tpu.memory_space<vmem>>, vector<1x128x256xf32>
    %get3A_95 = vector.shape_cast %get3A_94 : vector<1x128x256xf32> to vector<128x256xf32>
    %dot_general3A_96 = arith.constant dense<0.000000e+00> : vector<2000x256xf32>
    %dot_general3A_97 = tpu.matmul %get3A_1, %get3A_95, %dot_general3A_96 {dimension_numbers = #tpu.dot_dimension_numbers<[1], [0], [0], [1], [0, 0, 1, 1], [], []>, transpose_lhs_hint = false} : vector<2000x128xf32>, vector<128x256xf32>, vector<2000x256xf32> -> vector<2000x256xf32>
    %swap3A_98 = arith.constant 3 : index
    %swap3A_99 = arith.constant 0 : index
    %swap3A_100 = arith.constant 0 : index
    %swap3A_101 = vector.load %arg5[%swap3A_98, %swap3A_99, %swap3A_100] : memref<4x2000x256xf32, #tpu.memory_space<vmem>>, vector<1x2000x256xf32>
    %swap3A_102 = vector.shape_cast %swap3A_101 : vector<1x2000x256xf32> to vector<2000x256xf32>
    %swap3A_103 = vector.shape_cast %dot_general3A_97 : vector<2000x256xf32> to vector<1x2000x256xf32>
    tpu.vector_store %arg5[%swap3A_98, %swap3A_99, %swap3A_100], %swap3A_103 {strides = array<i32>} : memref<4x2000x256xf32, #tpu.memory_space<vmem>>, vector<1x2000x256xf32>,
    return
  }
  func.func @transform_0(%arg0: i32) -> (i32, i32) {
    %c0_i32 = arith.constant 0 : i32
    %c0_i32_0 = arith.constant 0 : i32
    return %arg0, %c0_i32 : i32, i32
  }
  func.func @transform_1(%arg0: i32) -> (i32, i32, i32) {
    %c0_i32 = arith.constant 0 : i32
    %c0_i32_0 = arith.constant 0 : i32
    %c0_i32_1 = arith.constant 0 : i32
    %c0_i32_2 = arith.constant 0 : i32
    return %c0_i32, %c0_i32_0, %c0_i32_1 : i32, i32, i32
  }
  func.func @transform_2(%arg0: i32) -> (i32, i32, i32) {
    %c0_i32 = arith.constant 0 : i32
    %c0_i32_0 = arith.constant 0 : i32
    %c0_i32_1 = arith.constant 0 : i32
    %c0_i32_2 = arith.constant 0 : i32
    return %c0_i32, %c0_i32_0, %c0_i32_1 : i32, i32, i32
  }
  func.func @transform_3(%arg0: i32) -> (i32, i32, i32) {
    %c0_i32 = arith.constant 0 : i32
    %c0_i32_0 = arith.constant 0 : i32
    %c0_i32_1 = arith.constant 0 : i32
    return %c0_i32, %arg0, %c0_i32_0 : i32, i32, i32
  }
  func.func @transform_4(%arg0: i32) -> (i32, i32, i32) {
    %c0_i32 = arith.constant 0 : i32
    %c0_i32_0 = arith.constant 0 : i32
    %c0_i32_1 = arith.constant 0 : i32
    return %c0_i32, %arg0, %c0_i32_0 : i32, i32, i32
  }
}

</mosaic_0001>

<sc_bundles>
// kernel: _impl.5.cloned.1.call-start
scs
__scs_entry_jumppad:
0x0: {  	(pc) =	sbr.rel $0x88, $3  }
0x1: {  	(tag) =	ssettag $0x0;
	lr =	simm.s32 $0x1  }
0x2: {  	[smem:$0x3F9A] =	sst lr;
	_ =	strace $0xD0000000  }
0x3: {  	_ = 	snop  }
0x4: {  	_ = 	snop  }
0x5: {  	_ = 	snop  }
0x6: {  	_ = 	snop  }
0x7: {  	_ = 	snop  }
__scs_overlays_trampoline_lowered:
0x8: {  	[smem:$0x3FA9] =	sst s0  }
0x9: {  	[smem:$0x3FAA] =	sst s1  }
0xa: {  	[smem:$0x3FAB] =	sst s2  }
0xb: {  	[smem:$0x3FAC] =	sst s3  }
0xc: {  	[smem:$0x3FAD] =	sst s4  }
0xd: {  	[smem:$0x3FAE] =	sst s5  }
0xe: {  	[smem:$0x3FAF] =	sst s6  }
0xf: {  	[smem:$0x3FB0] =	sst s7  }
0x10: {  	[smem:$0x3FB1] =	sst s8  }
0x11: {  	[smem:$0x3FB2] =	sst s9;
	s0 =	simm.s32 @!p0 $0x0  }
0x12: {  	s1 =	sld [smem:$0x3F98];
	s0 =	simm.s32 @p0 $0x1  }
0x13: {  	[smem:$0x3FB3] =	sst s0;
	s0 =	simm.s32 @!p1 $0x0  }
0x14: {  	s2 =	sld [smem:$0x3F97];
	s0 =	simm.s32 @p1 $0x1  }
0x15: {  	[smem:$0x3FB4] =	sst s0;
	s0 =	simm.s32 @!p2 $0x0  }
0x16: {  	s3 =	sld [smem:$0x3FDB];
	s0 =	simm.s32 @p2 $0x1  }
0x17: {  	s4 =	simm.s32 $0x1BF5;
	[smem:$0x3FB6] =	sst s0  }
0x18: {  	s0 =	sld [smem:$0x3F99];
	_ =	swait.ge [sflag:s4], $0x0  }
0x19: {  	s7 =	sld [smem:$0x3F9A]  }
0x1a: {  	s8 =	sadd.s32 $0xFFFFE003, lr  }
0x1b: {  	s9 =	sadd.s32 $0xFFFFFEF7, lr;
	s5 =	simm.s32 $0xFFFFFFFF;
	p2 =	slt.u32 s8, $0xFFFFF086  }
0x1c: {  	p1 =	slt.u32 s9, $0xF7A;
	s5 =	simm.s32 @!p2 $0x0  }
0x1d: {  	s5 =	simm.s32 @p1 $0x1;
	p0 =	seq.s32 s7, s2  }
0x1e: {  	s7 =	smul.u32 @!p0 $0xF7A, s2;
	p2 =	seq.s32 @!p0 s5, $0x0  }
0x1f: {  	s9 =	smul.u32 $0xF7A, s1;
	s8 =	simm.s32 @!p0 $0x1BF5;
	p2 =	por !p2, p0  }
0x20: {  	[sflag:s8] =	ssyncset.s32 @!p0 $0xFFFFF086;
	s6 =	sadd.s32 @!p0 s3, s7;
	s7 =	simm.s32 @!p0 $0x108  }
0x21: {  	s3 =	sadd.s32 s3, s9;
	s6 =	sadd.s32 @!p0 $0x88, s6;
	s7 =	simm.s32 @p2 $0x1082  }
0x22: {  	[simem:s7], [sflag:s8] =	dma.local @!p0 [hbm:s6], $0xF7A  }
0x23: {  	s9 =	sor.u32 $0xD0000000, s2;
	s6 =	simm.s32 $0x108;
	_ =	swait.ge @!p0 [sflag:s8], $0x0  }
0x24: {  	s3 =	sadd.s32 $0x88, s3;
	s6 =	simm.s32 @!p1 $0x1082;
	[sflag:s4] =	ssyncset.s32 $0xFFFFF086  }
0x25: {  	[simem:s6], [sflag:s4] =	dma.local [hbm:s3], $0xF7A  }
0x26: {  	[smem:$0x3F9A] =	sst s1;
	(tag) =	ssettag s2;
	_ =	strace s9  }
0x27: {  	s1 =	sld [smem:$0x3FAA]  }
0x28: {  	s2 =	sld [smem:$0x3FAB]  }
0x29: {  	s4 =	sld [smem:$0x3FAD]  }
0x2a: {  	p0 =	seq.s32 s5, $0x0;
	s5 =	sld [smem:$0x3FAE]  }
0x2b: {  	s6 =	sld [smem:$0x3FAF]  }
0x2c: {  	s7 =	sld [smem:$0x3FB0]  }
0x2d: {  	s3 =	simm.s32 $0x108;
	s8 =	sld [smem:$0x3FB1]  }
0x2e: {  	s3 =	simm.s32 @!p0 $0x1082;
	s9 =	sld [smem:$0x3FB2]  }
0x2f: {  	lr =	sadd.s32 s0, s3;
	s0 =	sld [smem:$0x3FA9]  }
0x30: {  	s3 =	sld [smem:$0x3FAC]  }
0x31: {  	[smem:$0x3FB5] =	sst s10  }
0x32: {  	s10 =	sld [smem:$0x3FB3];
	_ =	sdelay $0x3  }
0x33: {  	p0 =	seq.s32 s10, $0x1;
	s10 =	sld [smem:$0x3FB5];
	_ =	sdelay $0x3  }
0x34: {  	[smem:$0x3FB5] =	sst s10  }
0x35: {  	s10 =	sld [smem:$0x3FB4];
	_ =	sdelay $0x3  }
0x36: {  	p1 =	seq.s32 s10, $0x1;
	s10 =	sld [smem:$0x3FB5];
	_ =	sdelay $0x3  }
0x37: {  	[smem:$0x3FB5] =	sst s10  }
0x38: {  	s10 =	sld [smem:$0x3FB6]  }
0x39: {  	_ = 	snop;
	(pc) =	sbr.ind lr, $3  }
0x3a: {  	_ = 	snop  }
0x3b: {  	_ = 	snop  }
0x3c: {  	p2 =	seq.s32 s10, $0x1;
	s10 =	sld [smem:$0x3FB5]  }
0x3d: {  	_ =	shalt  }
0x3e: {  	_ =	shalt  }
0x3f: {  	_ =	shalt  }
0x40: {  	_ =	shalt  }
0x41: {  	_ =	shalt  }
0x42: {  	_ =	shalt  }
0x43: {  	_ =	shalt  }
0x44: {  	_ =	shalt  }
0x45: {  	_ =	shalt  }
0x46: {  	_ =	shalt  }
0x47: {  	_ =	shalt  }
0x48: {  	_ =	shalt  }
0x49: {  	_ =	shalt  }
0x4a: {  	_ =	shalt  }
0x4b: {  	_ =	shalt  }
0x4c: {  	_ =	shalt  }
0x4d: {  	_ =	shalt  }
0x4e: {  	_ =	shalt  }
0x4f: {  	_ =	shalt  }
0x50: {  	_ =	shalt  }
0x51: {  	_ =	shalt  }
0x52: {  	_ =	shalt  }
0x53: {  	_ =	shalt  }
0x54: {  	_ =	shalt  }
0x55: {  	_ =	shalt  }
0x56: {  	_ =	shalt  }
0x57: {  	_ =	shalt  }
0x58: {  	_ =	shalt  }
0x59: {  	_ =	shalt  }
0x5a: {  	_ =	shalt  }
0x5b: {  	_ =	shalt  }
0x5c: {  	_ =	shalt  }
0x5d: {  	_ =	shalt  }
0x5e: {  	_ =	shalt  }
0x5f: {  	_ =	shalt  }
0x60: {  	_ =	shalt  }
0x61: {  	_ =	shalt  }
0x62: {  	_ =	shalt  }
0x63: {  	_ =	shalt  }
0x64: {  	_ =	shalt  }
0x65: {  	_ =	shalt  }
0x66: {  	_ =	shalt  }
0x67: {  	_ =	shalt  }
0x68: {  	_ =	shalt  }
0x69: {  	_ =	shalt  }
0x6a: {  	_ =	shalt  }
0x6b: {  	_ =	shalt  }
0x6c: {  	_ =	shalt  }
0x6d: {  	_ =	shalt  }
0x6e: {  	_ =	shalt  }
0x6f: {  	_ =	shalt  }
0x70: {  	_ =	shalt  }
0x71: {  	_ =	shalt  }
0x72: {  	_ =	shalt  }
0x73: {  	_ =	shalt  }
0x74: {  	_ =	shalt  }
0x75: {  	_ =	shalt  }
0x76: {  	_ =	shalt  }
0x77: {  	_ =	shalt  }
0x78: {  	_ =	shalt  }
0x79: {  	_ =	shalt  }
0x7a: {  	_ =	shalt  }
0x7b: {  	_ =	shalt  }
0x7c: {  	_ =	shalt  }
0x7d: {  	_ =	shalt  }
0x7e: {  	_ =	shalt  }
0x7f: {  	_ =	shalt  }
0x80: {  	_ =	shalt  }
0x81: {  	_ =	shalt  }
0x82: {  	_ =	shalt  }
0x83: {  	_ =	shalt  }
0x84: {  	_ =	shalt  }
0x85: {  	_ =	shalt  }
0x86: {  	_ =	shalt  }
0x87: {  	_ =	shalt  }
.Lfunc_end0:
.L_simem_size_0:
called_computation_lowered:
.L_overlay_start_0:
0x88: {  	s2 =	sld [smem:$0x3FD9]  }
0x89: {  	s3 =	sld [smem:$0x3FFE];
	_ =	sdelay $0x1  }
0x8a: {  	s1 =	srdreg.scid  }
0x8b: {  	s0 =	sand.u32 $0x1, s1  }
0x8c: {  	s17 =	sshll.u32 s0, $0xA;
	s2 =	sadd.s32 s3, s2  }
0x8d: {  	s2 =	sadd.s32 s2, s17  }
0x8e: {  	[smem:$0x3FC1] =	sst s2  }
0x8f: {  	_ = 	snop  }
0x90: {  	s2 =	sld [smem:$0x3FC8]  }
0x91: {  	s18 =	sld [smem:$0x3FC7];
	(tm) =	ssettm $0x1  }
0x92: {  	s4 =	sld [smem:$0x3FFB];
	_ =	sdelay $0x3  }
0x93: {  	_ =	strace s4  }
0x94: {  	s4 =	sld [smem:$0x3FFC];
	_ =	sdelay $0x3  }
0x95: {  	_ =	strace s4  }
0x96: {  	s4 =	sld [smem:$0x3FFD];
	_ =	sdelay $0x3  }
0x97: {  	_ =	strace s4  }
0x98: {  	_ =	strace $0x8FFFFFFF  }
0x99: {  	s19 =	sld [smem:$0x3FDB];
	_ =	sdelay $0x1  }
0x9a: {  	s5 =	simm.s32 $_scs_section_size  }
0x9b: {  	s6 =	simm.s32 $_size__tile_overlayer_lowered;
	s7 =	simm.s32 $_tile_overlayer_lowered  }
0x9c: {  	s22 =	simm.s32 $0x1BFF;
	s21 =	sshll.u32 s7, $0x1;
	s4 =	sadd.s32 s5, s19  }
0x9d: {  	s8 =	simm.s32 $0x0;
	s20 =	sshll.u32 s6, $0x1;
	s6 =	sadd.s32 s21, s4  }
0x9e: {  	[timem:s8], [sflag:s22] =	dma.local [hbm:s6], s20  }
0x9f: {  	_ =	swait.ge [sflag:s22], s20  }
0xa0: {  	s5 =	ssub.s32 $0x0, s20;
	[sflag:s22] =	ssyncset.done $0x0  }
0xa1: {  	[sflag:s22] =	ssyncadd.s32 s5;
	_ =	sdelay $0x1  }
0xa2: {  	s23 =	simm.s32 $0x1B8B  }
0xa3: {  	_ =	swait.ge [sflag:s23], $0x1  }
0xa4: {  	[sflag:s23] =	ssyncset.done $0x0  }
0xa5: {  	s25 =	simm.s32 $0x1B8E;
	s24 =	sld [smem:$0x3FFE];
	[sflag:s23] =	ssyncadd.s32 $0xFFFFFFFF  }
0xa6: {  	s26 =	simm.s32 $execute0_lowered;
	[smem:$0x3FD2] =	sst s25  }
0xa7: {  	s6 =	sshll.u32 s26, $0x1;
	_ =	strace $0x80000046;
	[dreg:$0x1] =	wrdreg $0xFFFFFFFF  }
0xa8: {  	s28 =	simm.s32 $_size_execute0_lowered;
	s4 =	sadd.s32 s4, s6;
	[dreg:$0x0] =	wrdreg $0x0  }
0xa9: {  	s6 =	sshll.u32 s28, $0x1;
	[dreg:$0x2] =	wrdreg s4  }
0xaa: {  	[dreg:$0x3] =	wrdreg s6  }
0xab: {  	[dreg:$0x4] =	wrdreg $0xC0  }
0xac: {  	_ =	task [dreg:s8], $0x5FFFF  }
0xad: {  	[dreg:$0x1] =	wrdreg $0xFFFFFFFF  }
0xae: {  	[dreg:$0x0] =	wrdreg $0x60  }
0xaf: {  	[dreg:$0x2] =	wrdreg s24  }
0xb0: {  	[dreg:$0x3] =	wrdreg s2  }
0xb1: {  	[dreg:$0x4] =	wrdreg s18  }
0xb2: {  	[dreg:$0x5] =	wrdreg $0x0  }
0xb3: {  	[dreg:$0x6] =	wrdreg $0x9  }
0xb4: {  	_ =	task.clear_ibuf [dreg:s8], $0x7FFFF;
	_ =	strace $0x90000046  }
0xb5: {  	s29 =	simm.s32 $0x9;
	_ =	strace $0x80000048  }
0xb6: {  	_ =	swait.ge [sflag:s29], $0x1  }
0xb7: {  	[sflag:s29] =	ssyncadd.s32 $0xFFFFFFFF  }
0xb8: {  	_ =	strace $0x90000048  }
0xb9: {  	_ =	sfence  }
0xba: {  	s30 =	sld [smem:$0x0];
	_ =	sdelay $0x2  }
0xbb: {  	s31 =	sshll.u32 s1, $0xD;
	s1 =	sshrl.u32 s1, $0x2  }
0xbc: {  	s3 =	sand.u32 $0x4000, s31;
	s1 =	sadd.s32 s1, s30  }
0xbd: {  	s0 =	sor.u32 s3, s0;
	s1 =	sshll.u32 s1, $0x11  }
0xbe: {  	s0 =	sor.u32 s1, s0  }
0xbf: {  	s0 =	sadd.s32 $0x8F2B, s0  }
0xc0: {  	[sflag:s0] =	ssyncadd.remote.s32 $0x1  }
0xc1: {  	_ =	sfence.sel $0xFFFF  }
0xc2: {  	[dreg:$0x0] =	wrdreg $0xFFFFFFFF;
	(pc) =	sbr.abs _section_cstart, $3  }
0xc3: {  	[dreg:$0x1] =	wrdreg $0xFFFFFFFF  }
0xc4: {  	_ =	task.clear_ibuf [dreg:s8], $0x2FFFF;
	_ =	strace $0x9FFFFFFF  }
0xc5: {  	(tm) =	ssettm $0x7FFFFFFF  }
tec
execute0_lowered:
.L_overlay_start_1:
0x0: {  	(tag) =	ssettag $0x1  }
0x1: {  	s10 =	rddreg [dreg:$0x0];
	s0 =	srdreg.scid  }
0x2: {  	s17 =	rddreg [dreg:$0x1];
	s16 =	stileid.u32  }
0x3: {  	s18 =	simm.s32 $0x0;
	s11 =	sand.u32 $0x1, s0;
	s9 =	smul.u32 $0x13C00, s16  }
0x4: {  	[smem:$0x7FF] =	sst s18;
	s12 =	sadd.s32 $0x1D6600, s10;
	s0 =	ssub.s32 $0x2, s11  }
0x5: {  	s13 =	smul.u32 $0x13C000, s11;
	s1 =	sshrl.u32 s0, $0x1;
	s2 =	sadd.s32 $0x4000, s9  }
0x6: {  	s3 =	sadd.s32 $0x6000, s9;
	s4 =	sadd.s32 $0x8000, s9;
	s5 =	sadd.s32 $0xA000, s9  }
0x7: {  	s6 =	sadd.s32 $0xC000, s9;
	s7 =	sadd.s32 $0xE000, s9;
	s8 =	sadd.s32 $0x10000, s9  }
0x8: {  	s0 =	ssub.s32 s0, s1;
	s1 =	sadd.s32 $0x2000, s9;
	s14 =	sadd.s32 s9, s13  }
0x9: {  	s9 =	sadd.s32 $0x12000, s9;
	s29 =	sadd.s32 s13, s2;
	s31 =	sadd.s32 s13, s3  }
0xa: {  	s20 =	sadd.s32 s13, s4;
	s22 =	sadd.s32 s13, s5;
	s24 =	sadd.s32 s13, s6  }
0xb: {  	s14 =	sshrl.u32 s14, $0x3;
	s15 =	sadd.s32 s13, s1;
	s21 =	sshrl.u32 s20, $0x3  }
0xc: {  	s20 =	rddreg [dreg:$0x3];
	s14 =	sadd.s32 s12, s14;
	s28 =	sshrl.u32 s15, $0x3  }
0xd: {  	s30 =	sshrl.u32 s29, $0x3;
	[dreg:$0x11] =	wrdreg s14;
	s14 =	sadd.s32 s12, s28  }
0xe: {  	s26 =	sadd.s32 s13, s7;
	[dreg:$0x12] =	wrdreg s14;
	s14 =	sadd.s32 s12, s30  }
0xf: {  	s19 =	sshrl.u32 s31, $0x3;
	s23 =	sshrl.u32 s22, $0x3;
	[dreg:$0x13] =	wrdreg s14  }
0x10: {  	s25 =	sshrl.u32 s24, $0x3;
	s14 =	sadd.s32 s12, s19;
	s19 =	rddreg [dreg:$0x2]  }
0x11: {  	s29 =	sadd.s32 s13, s8;
	[dreg:$0x14] =	wrdreg s14;
	s14 =	sadd.s32 s12, s21  }
0x12: {  	s13 =	sadd.s32 s13, s9;
	[dreg:$0x15] =	wrdreg s14;
	s14 =	sadd.s32 s12, s23  }
0x13: {  	s28 =	sshrl.u32 s26, $0x3;
	[dreg:$0x16] =	wrdreg s14;
	s14 =	sadd.s32 s12, s25  }
0x14: {  	s30 =	sshrl.u32 s29, $0x3;
	[dreg:$0x17] =	wrdreg s14;
	s14 =	sadd.s32 s12, s28  }
0x15: {  	s13 =	sshrl.u32 s13, $0x3;
	[dreg:$0x18] =	wrdreg s14;
	s14 =	sadd.s32 s12, s30  }
0x16: {  	s12 =	sadd.s32 s12, s13;
	[dreg:$0x19] =	wrdreg s14  }
0x17: {  	s31 =	sshll.u32 s16, $0x1;
	s0 =	smax.u32 s0, $0x1;
	[dreg:$0x1b] =	wrdreg s12  }
0x18: {  	s14 =	sadd.s32 $0x1A00, s10;
	_ =	strace $0x80000047;
	[dreg:$0x1a] =	wrdreg s31  }
0x19: {  	s1 =	sadd.s32 s1, s20;
	s10 =	sadd.s32 $0x9DE00, s10;
	[dreg:$0x1c] =	wrdreg s14  }
0x1a: {  	s21 =	sshll.u32 s11, $0x6;
	s12 =	sor.u32 s11, s31;
	[dreg:$0x1d] =	wrdreg s10  }
0x1b: {  	s15 =	sshll.u32 s12, $0x7;
	s23 =	sor.u32 $0x20, s12;
	[dreg:$0x1e] =	wrdreg s21  }
0x1c: {  	s30 =	sshll.u32 s12, $0x3;
	s31 =	smul.u32 $0x4F000, s16;
	[smem:$0x7F2] =	sst s1  }
0x1d: {  	[smem:$0x7FD] =	sst s0;
	s22 =	sand.u32 $0xF00, s15;
	s10 =	sor.u32 s21, s15  }
0x1e: {  	s24 =	sshll.u32 s23, $0x7;
	s14 =	sadd.s32 s19, s30;
	s16 =	sshll.u32 s23, $0x3  }
0x1f: {  	s23 =	sadd.s32 s4, s20;
	s30 =	sor.u32 $0x40, s12;
	[smem:$0x7ED] =	sst s14  }
0x20: {  	s11 =	sor.u32 s21, s22;
	s10 =	sshrl.u32 s10, $0x3;
	[smem:$0x7F5] =	sst s23  }
0x21: {  	s25 =	sand.u32 $0x1F00, s24;
	s22 =	sadd.s32 s3, s20;
	[smem:$0x7FB] =	sst s30  }
0x22: {  	s29 =	sor.u32 s21, s24;
	s24 =	sadd.s32 s5, s20;
	[smem:$0x7F4] =	sst s22  }
0x23: {  	s26 =	sor.u32 s21, s25;
	s21 =	sadd.s32 s2, s20;
	[smem:$0x7F6] =	sst s24  }
0x24: {  	s11 =	sshrl.u32 s11, $0x3;
	s25 =	sadd.s32 s6, s20;
	[smem:$0x7F3] =	sst s21  }
0x25: {  	s10 =	sor.u32 $0x10, s10;
	s11 =	sadd.s32 s17, s11;
	[smem:$0x7F7] =	sst s25  }
0x26: {  	s10 =	sadd.s32 s17, s10;
	[dreg:$0x1f] =	wrdreg s11  }
0x27: {  	s28 =	sshrl.u32 s26, $0x3;
	s26 =	sadd.s32 s7, s20;
	[smem:$0x7EC] =	sst s10  }
0x28: {  	s10 =	sadd.s32 s17, s28;
	[smem:$0x7F8] =	sst s26  }
0x29: {  	s11 =	sshrl.u32 s29, $0x3;
	s28 =	sadd.s32 s8, s20;
	[smem:$0x7EE] =	sst s10  }
0x2a: {  	s29 =	sadd.s32 s9, s20;
	s14 =	sor.u32 $0x10, s11;
	[smem:$0x7F9] =	sst s28  }
.Ltmp0:
0x2b: {  	[smem:$0x7FA] =	sst s29;
	s10 =	sadd.s32 s17, s14;
	(pc) =	sbr.rel .LBB2_1-.Ltmp0, $4  }
0x2c: {  	s17 =	sshrl.u32 s31, $0x2;
	s31 =	sor.u32 $0x60, s12;
	[smem:$0x7EF] =	sst s10  }
0x2d: {  	v2 =	vlaneseq.u32;
	s10 =	sadd.s32 s19, s16;
	[smem:$0x7FC] =	sst s31  }
0x2e: {  	vm0 =	vmmov $0xffff;
	v3 =	vimm.f32 $0.0e+00;
	v1 =	vshrl.u32 v2, $0x3;
	s19 =	sadd.s32 s17, s20;
	[smem:$0x7F0] =	sst s10  }
0x2f: {  	v0 =	vand.u32 $0x7, v2;
	v2 =	vor.u32 $0x8, v2;
	v1 =	vmul.u32 $0x8, v1;
	s2 =	simm.s32 $0x0;
	s7 =	simm.s32 $0x13D80;
	[smem:$0x7F1] =	sst s19  }
.LBB2_19:
0x30: {  	s0 =	simm.s32 $0x7  }
0x31: {  	_ =	swait.ge [sflag:s0], $0x2000  }
0x32: {  	[sflag:s0] =	ssyncset.done $0x0  }
0x33: {  	s8 =	simm.s32 $0x8;
	[sflag:s0] =	ssyncadd.s32 $0xFFFFE000  }
0x34: {  	_ =	swait.ge [sflag:s8], $0x2000  }
0x35: {  	[sflag:s8] =	ssyncset.done $0x0  }
0x36: {  	[sflag:s8] =	ssyncadd.s32 $0xFFFFE000  }
0x37: {  	[bflag:$0x0] =	sbarrier.arrive $0xFFFF  }
0x38: {  	s9 =	sld [smem:$0x7F1];
	_ =	sdelay $0x1  }
0x39: {  	s1 =	simm.s32 $0x9  }
0x3a: {  	[tilespmem:s7], [sflag:$0x9] =	stream.linear.gather [spmem:s9], $0x2000, $0x38;
	v63 =	vld [tilespmem:$0x0]  }
0x3b: {  	_ =	swait.ge [sflag:s1], $0x2000  }
0x3c: {  	[sflag:s1] =	ssyncset.done $0x0  }
0x3d: {  	s10 =	rddreg [dreg:$0x11];
	[sflag:s1] =	ssyncadd.s32 $0xFFFFE000  }
0x3e: {  	[hbm4b:s10+s18] =	stream.linear.scatter [tilespmem:s7], [sflag:$0x9], $0x2000, $0x38;
	v63 =	vld [tilespmem:$0x0]  }
0x3f: {  	_ =	swait.ge [sflag:s1], $0x2000  }
0x40: {  	s11 =	sld [smem:$0x7F2]  }
0x41: {  	[sflag:s1] =	ssyncset.done $0x0  }
0x42: {  	[sflag:s1] =	ssyncadd.s32 $0xFFFFE000  }
0x43: {  	[tilespmem:s7], [sflag:$0x9] =	stream.linear.gather [spmem:s11], $0x2000, $0x38;
	v63 =	vld [tilespmem:$0x0]  }
0x44: {  	_ =	swait.ge [sflag:s1], $0x2000  }
0x45: {  	[sflag:s1] =	ssyncset.done $0x0  }
0x46: {  	s12 =	rddreg [dreg:$0x12];
	[sflag:s1] =	ssyncadd.s32 $0xFFFFE000  }
0x47: {  	[hbm4b:s12+s18] =	stream.linear.scatter [tilespmem:s7], [sflag:$0x9], $0x2000, $0x38;
	v63 =	vld [tilespmem:$0x0]  }
0x48: {  	_ =	swait.ge [sflag:s1], $0x2000  }
0x49: {  	s13 =	sld [smem:$0x7F3]  }
0x4a: {  	[sflag:s1] =	ssyncset.done $0x0  }
0x4b: {  	[sflag:s1] =	ssyncadd.s32 $0xFFFFE000  }
0x4c: {  	[tilespmem:s7], [sflag:$0x9] =	stream.linear.gather [spmem:s13], $0x2000, $0x38;
	v63 =	vld [tilespmem:$0x0]  }
0x4d: {  	_ =	swait.ge [sflag:s1], $0x2000  }
0x4e: {  	[sflag:s1] =	ssyncset.done $0x0  }
0x4f: {  	s14 =	rddreg [dreg:$0x13];
	[sflag:s1] =	ssyncadd.s32 $0xFFFFE000  }
0x50: {  	[hbm4b:s14+s18] =	stream.linear.scatter [tilespmem:s7], [sflag:$0x9], $0x2000, $0x38;
	v63 =	vld [tilespmem:$0x0]  }
0x51: {  	_ =	swait.ge [sflag:s1], $0x2000  }
0x52: {  	s15 =	sld [smem:$0x7F4]  }
0x53: {  	[sflag:s1] =	ssyncset.done $0x0  }
0x54: {  	[sflag:s1] =	ssyncadd.s32 $0xFFFFE000  }
0x55: {  	[tilespmem:s7], [sflag:$0x9] =	stream.linear.gather [spmem:s15], $0x2000, $0x38;
	v63 =	vld [tilespmem:$0x0]  }
0x56: {  	_ =	swait.ge [sflag:s1], $0x2000  }
0x57: {  	[sflag:s1] =	ssyncset.done $0x0  }
0x58: {  	s16 =	rddreg [dreg:$0x14];
	[sflag:s1] =	ssyncadd.s32 $0xFFFFE000  }
0x59: {  	[hbm4b:s16+s18] =	stream.linear.scatter [tilespmem:s7], [sflag:$0x9], $0x2000, $0x38;
	v63 =	vld [tilespmem:$0x0]  }
0x5a: {  	_ =	swait.ge [sflag:s1], $0x2000  }
0x5b: {  	s17 =	sld [smem:$0x7F5]  }
0x5c: {  	[sflag:s1] =	ssyncset.done $0x0  }
0x5d: {  	[sflag:s1] =	ssyncadd.s32 $0xFFFFE000  }
0x5e: {  	[tilespmem:s7], [sflag:$0x9] =	stream.linear.gather [spmem:s17], $0x2000, $0x38;
	v63 =	vld [tilespmem:$0x0]  }
0x5f: {  	_ =	swait.ge [sflag:s1], $0x2000  }
0x60: {  	[sflag:s1] =	ssyncset.done $0x0  }
0x61: {  	s19 =	rddreg [dreg:$0x15];
	[sflag:s1] =	ssyncadd.s32 $0xFFFFE000  }
0x62: {  	[hbm4b:s19+s18] =	stream.linear.scatter [tilespmem:s7], [sflag:$0x9], $0x2000, $0x38;
	v63 =	vld [tilespmem:$0x0]  }
0x63: {  	_ =	swait.ge [sflag:s1], $0x2000  }
0x64: {  	s20 =	sld [smem:$0x7F6]  }
0x65: {  	[sflag:s1] =	ssyncset.done $0x0  }
0x66: {  	[sflag:s1] =	ssyncadd.s32 $0xFFFFE000  }
0x67: {  	[tilespmem:s7], [sflag:$0x9] =	stream.linear.gather [spmem:s20], $0x2000, $0x38;
	v63 =	vld [tilespmem:$0x0]  }
0x68: {  	_ =	swait.ge [sflag:s1], $0x2000  }
0x69: {  	[sflag:s1] =	ssyncset.done $0x0  }
0x6a: {  	s21 =	rddreg [dreg:$0x16];
	[sflag:s1] =	ssyncadd.s32 $0xFFFFE000  }
0x6b: {  	[hbm4b:s21+s18] =	stream.linear.scatter [tilespmem:s7], [sflag:$0x9], $0x2000, $0x38;
	v63 =	vld [tilespmem:$0x0]  }
0x6c: {  	_ =	swait.ge [sflag:s1], $0x2000  }
0x6d: {  	s22 =	sld [smem:$0x7F7]  }
0x6e: {  	[sflag:s1] =	ssyncset.done $0x0  }
0x6f: {  	[sflag:s1] =	ssyncadd.s32 $0xFFFFE000  }
0x70: {  	[tilespmem:s7], [sflag:$0x9] =	stream.linear.gather [spmem:s22], $0x2000, $0x38;
	v63 =	vld [tilespmem:$0x0]  }
0x71: {  	_ =	swait.ge [sflag:s1], $0x2000  }
0x72: {  	[sflag:s1] =	ssyncset.done $0x0  }
0x73: {  	s23 =	rddreg [dreg:$0x17];
	[sflag:s1] =	ssyncadd.s32 $0xFFFFE000  }
0x74: {  	[hbm4b:s23+s18] =	stream.linear.scatter [tilespmem:s7], [sflag:$0x9], $0x2000, $0x38;
	v63 =	vld [tilespmem:$0x0]  }
0x75: {  	_ =	swait.ge [sflag:s1], $0x2000  }
0x76: {  	s24 =	sld [smem:$0x7F8]  }
0x77: {  	[sflag:s1] =	ssyncset.done $0x0  }
0x78: {  	[sflag:s1] =	ssyncadd.s32 $0xFFFFE000  }
0x79: {  	[tilespmem:s7], [sflag:$0x9] =	stream.linear.gather [spmem:s24], $0x2000, $0x38;
	v63 =	vld [tilespmem:$0x0]  }
0x7a: {  	_ =	swait.ge [sflag:s1], $0x2000  }
0x7b: {  	[sflag:s1] =	ssyncset.done $0x0  }
0x7c: {  	s25 =	rddreg [dreg:$0x18];
	[sflag:s1] =	ssyncadd.s32 $0xFFFFE000  }
0x7d: {  	[hbm4b:s25+s18] =	stream.linear.scatter [tilespmem:s7], [sflag:$0x9], $0x2000, $0x38;
	v63 =	vld [tilespmem:$0x0]  }
0x7e: {  	_ =	swait.ge [sflag:s1], $0x2000  }
0x7f: {  	s26 =	sld [smem:$0x7F9]  }
0x80: {  	[sflag:s1] =	ssyncset.done $0x0  }
0x81: {  	[sflag:s1] =	ssyncadd.s32 $0xFFFFE000  }
0x82: {  	[tilespmem:s7], [sflag:$0x9] =	stream.linear.gather [spmem:s26], $0x2000, $0x38;
	v63 =	vld [tilespmem:$0x0]  }
0x83: {  	_ =	swait.ge [sflag:s1], $0x2000  }
0x84: {  	[sflag:s1] =	ssyncset.done $0x0  }
0x85: {  	s28 =	rddreg [dreg:$0x19];
	[sflag:s1] =	ssyncadd.s32 $0xFFFFE000  }
0x86: {  	[hbm4b:s28+s18] =	stream.linear.scatter [tilespmem:s7], [sflag:$0x9], $0x2000, $0x38;
	v63 =	vld [tilespmem:$0x0]  }
0x87: {  	_ =	swait.ge [sflag:s1], $0x2000  }
0x88: {  	s29 =	sld [smem:$0x7FA]  }
0x89: {  	[sflag:s1] =	ssyncset.done $0x0  }
0x8a: {  	[sflag:s1] =	ssyncadd.s32 $0xFFFFE000  }
0x8b: {  	[tilespmem:s7], [sflag:$0x9] =	stream.linear.gather [spmem:s29], $0x1C00, $0x38;
	v63 =	vld [tilespmem:$0x0]  }
0x8c: {  	_ =	swait.ge [sflag:s1], $0x1C00  }
0x8d: {  	[sflag:s1] =	ssyncset.done $0x0  }
0x8e: {  	s30 =	rddreg [dreg:$0x1b];
	[sflag:s1] =	ssyncadd.s32 $0xFFFFE400  }
0x8f: {  	[hbm4b:s30+s18] =	stream.linear.scatter [tilespmem:s7], [sflag:$0x9], $0x1C00, $0x38;
	v63 =	vld [tilespmem:$0x0]  }
0x90: {  	_ =	swait.ge [sflag:s1], $0x1C00  }
0x91: {  	s2 =	sld [smem:$0x7EB]  }
0x92: {  	s31 =	sld [smem:$0x7FD];
	_ =	sdelay $0x1  }
0x93: {  	s2 =	sadd.s32 $0x1, s2  }
0x94: {  	p0 =	sne.s32 s2, s31  }
.Ltmp1:
0x95: {  	_ = 	snop;
	(pc) =	sbr.rel @!p0 .LBB2_20-.Ltmp1, $3  }
0x96: {  	_ =	sdelay $0x1  }
0x97: {  	[sflag:s1] =	ssyncset.done $0x0  }
0x98: {  	[sflag:s1] =	ssyncadd.s32 $0xFFFFE400  }
.LBB2_1:
0x99: {  	s0 =	rddreg [dreg:$0x1f]  }
0x9a: {  	s1 =	simm.s32 $0x13C00;
	s8 =	sld [smem:$0x7EC]  }
0x9b: {  	[tilespmem:s1], [sflag:$0x1] =	stream.linear.gather [hbm4b:s0+s18], $0x40, $0x38;
	v63 =	vld [tilespmem:$0x0]  }
0x9c: {  	s9 =	simm.s32 $0x13C80;
	s10 =	sld [smem:$0x7ED]  }
0x9d: {  	[tilespmem:s9], [sflag:$0x1] =	stream.linear.gather [hbm4b:s8+s18], $0x40, $0x38;
	v63 =	vld [tilespmem:$0x0]  }
0x9e: {  	s11 =	simm.s32 $0x13D00;
	s12 =	sld [smem:$0x7EE]  }
0x9f: {  	[tilespmem:s11], [sflag:$0x1] =	stream.linear.gather [hbm4b:s10+s18], $0x40, $0x38;
	v63 =	vld [tilespmem:$0x0]  }
0xa0: {  	s13 =	simm.s32 $0x19D80;
	s14 =	sld [smem:$0x7EF]  }
0xa1: {  	[tilespmem:s13], [sflag:$0x4] =	stream.linear.gather [hbm4b:s12+s18], $0x40, $0x38;
	v63 =	vld [tilespmem:$0x0]  }
0xa2: {  	s15 =	simm.s32 $0x19E00;
	s16 =	sld [smem:$0x7F0]  }
0xa3: {  	[tilespmem:s15], [sflag:$0x4] =	stream.linear.gather [hbm4b:s14+s18], $0x40, $0x38;
	v63 =	vld [tilespmem:$0x0]  }
0xa4: {  	[smem:$0x7EB] =	sst s2;
	s17 =	simm.s32 $0x19E80;
	s19 =	simm.s32 $0x1  }
0xa5: {  	[tilespmem:s17], [sflag:$0x4] =	stream.linear.gather [hbm4b:s16+s18], $0x40, $0x38;
	v63 =	vld [tilespmem:$0x0]  }
0xa6: {  	_ =	swait.ge [sflag:s19], $0x40  }
0xa7: {  	[sflag:s19] =	ssyncset.done $0x0  }
0xa8: {  	[sflag:s19] =	ssyncadd.s32 $0xFFFFFFC0  }
0xa9: {  	_ =	swait.ge [sflag:s19], $0x40  }
0xaa: {  	[sflag:s19] =	ssyncset.done $0x0  }
0xab: {  	[sflag:s19] =	ssyncadd.s32 $0xFFFFFFC0  }
0xac: {  	_ =	swait.ge [sflag:s19], $0x40  }
0xad: {  	[sflag:s19] =	ssyncset.done $0x0  }
0xae: {  	[sflag:s19] =	ssyncadd.s32 $0xFFFFFFC0  }
0xaf: {  	v4 =	vld [tilespmem:$0x13D00]  }
0xb0: {  	v5 =	vld [tilespmem:$0x13C00]  }
0xb1: {  	v6 =	vld [tilespmem:$0x13C80]  }
0xb2: {  	v7 =	vld [tilespmem:$0x13D10]  }
0xb3: {  	v8 =	vld [tilespmem:$0x13C10]  }
0xb4: {  	v9 =	vld [tilespmem:$0x13C90]  }
0xb5: {  	v10 =	vld [tilespmem:$0x13D20]  }
0xb6: {  	v11 =	vld [tilespmem:$0x13C20];
	v4 =	vmul.u32 $0x2710, v4  }
0xb7: {  	v12 =	vld [tilespmem:$0x13D30]  }
0xb8: {  	v13 =	vld [tilespmem:$0x13CA0];
	v7 =	vmul.u32 $0x2710, v7;
	v5 =	vadd.s32 v5, v4  }
0xb9: {  	v4 =	vadd.s32 v4, v6;
	[tilespmem:$0x13C00] =	vst v5;
	v5 =	vld [tilespmem:$0x13C30]  }
0xba: {  	v61 =	vld [tilespmem:$0x13CB0];
	v60 =	vmul.u32 $0x2710, v10;
	[tilespmem:$0x13D00] =	vst v4;
	v4 =	vadd.s32 v8, v7  }
0xbb: {  	[tilespmem:$0x13C10] =	vst v4;
	v4 =	vadd.s32 v7, v9  }
0xbc: {  	v62 =	vmul.u32 $0x2710, v12;
	[tilespmem:$0x13D10] =	vst v4;
	v4 =	vadd.s32 v11, v60  }
0xbd: {  	[tilespmem:$0x13C20] =	vst v4;
	v4 =	vadd.s32 v60, v13  }
0xbe: {  	[tilespmem:$0x13D20] =	vst v4;
	v4 =	vadd.s32 v5, v62  }
0xbf: {  	[tilespmem:$0x13C30] =	vst v4;
	v4 =	vadd.s32 v62, v61  }
0xc0: {  	s21 =	simm.s32 $0x40;
	s20 =	rddreg [dreg:$0x1c];
	[tilespmem:$0x13D30] =	vst v4  }
0xc1: {  	[tilespmem:s7], [sflag:$0x2] =	stream.indirect.gather [hbm4b:s20+s21], $0x80, s1, s21, $0xb8;
	v63 =	vld [tilespmem:$0x0]  }
0xc2: {  	v4 =	vld [tilespmem:$0x13D00];
	_ =	sdelay $0x4  }
0xc3: {  	v5 =	vshll.u32 v4, $0x1  }
0xc4: {  	v4 =	vand.u32 $0x7, v4;
	v5 =	vand.u32 $0xFFFFFFF0, v5  }
0xc5: {  	v4 =	vor.u32 v4, v5  }
0xc6: {  	v5 =	vperm.xlane v4, v0;
	_ =	sdelay $0x1  }
0xc7: {  	v4 =	vperm.xlane v4, v2;
	v5 =	vadd.s32 v1, v5;
	_ =	sdelay $0x1  }
0xc8: {  	v4 =	vadd.s32 v1, v4;
	_ =	sdelay $0x1  }
0xc9: {  	s23 =	simm.s32 $0x15D80;
	s22 =	rddreg [dreg:$0x1d]  }
0xca: {  	[tilespmem:s23], [sflag:$0x3] =	stream.indirect_vreg.gather [hbm4b:s22+s18], $0x80, v5, vm0, $0xb8;
	v63 =	vld [tilespmem:$0x0]  }
0xcb: {  	s24 =	simm.s32 $0x16580  }
0xcc: {  	[tilespmem:s24], [sflag:$0x3] =	stream.indirect_vreg.gather [hbm4b:s22+s18], $0x80, v4, vm0, $0xb8;
	v63 =	vld [tilespmem:$0x0]  }
0xcd: {  	v4 =	vld [tilespmem:$0x13D10];
	_ =	sdelay $0x4  }
0xce: {  	v5 =	vshll.u32 v4, $0x1  }
0xcf: {  	v4 =	vand.u32 $0x7, v4;
	v5 =	vand.u32 $0xFFFFFFF0, v5  }
0xd0: {  	v4 =	vor.u32 v4, v5  }
0xd1: {  	v5 =	vperm.xlane v4, v0;
	_ =	sdelay $0x1  }
0xd2: {  	v4 =	vperm.xlane v4, v2;
	v5 =	vadd.s32 v1, v5;
	_ =	sdelay $0x1  }
0xd3: {  	v4 =	vadd.s32 v1, v4;
	_ =	sdelay $0x1  }
0xd4: {  	s25 =	simm.s32 $0x16D80  }
0xd5: {  	[tilespmem:s25], [sflag:$0x3] =	stream.indirect_vreg.gather [hbm4b:s22+s18], $0x80, v5, vm0, $0xb8;
	v63 =	vld [tilespmem:$0x0]  }
0xd6: {  	s26 =	simm.s32 $0x17580  }
0xd7: {  	[tilespmem:s26], [sflag:$0x3] =	stream.indirect_vreg.gather [hbm4b:s22+s18], $0x80, v4, vm0, $0xb8;
	v63 =	vld [tilespmem:$0x0]  }
0xd8: {  	v4 =	vld [tilespmem:$0x13D20];
	_ =	sdelay $0x4  }
0xd9: {  	v5 =	vshll.u32 v4, $0x1  }
0xda: {  	v4 =	vand.u32 $0x7, v4;
	v5 =	vand.u32 $0xFFFFFFF0, v5  }
0xdb: {  	v4 =	vor.u32 v4, v5  }
0xdc: {  	v5 =	vperm.xlane v4, v0;
	_ =	sdelay $0x1  }
0xdd: {  	v4 =	vperm.xlane v4, v2;
	v5 =	vadd.s32 v1, v5;
	_ =	sdelay $0x1  }
0xde: {  	v4 =	vadd.s32 v1, v4;
	_ =	sdelay $0x1  }
0xdf: {  	s28 =	simm.s32 $0x17D80  }
0xe0: {  	[tilespmem:s28], [sflag:$0x3] =	stream.indirect_vreg.gather [hbm4b:s22+s18], $0x80, v5, vm0, $0xb8;
	v63 =	vld [tilespmem:$0x0]  }
0xe1: {  	s29 =	simm.s32 $0x18580  }
0xe2: {  	[tilespmem:s29], [sflag:$0x3] =	stream.indirect_vreg.gather [hbm4b:s22+s18], $0x80, v4, vm0, $0xb8;
	v63 =	vld [tilespmem:$0x0]  }
0xe3: {  	v4 =	vld [tilespmem:$0x13D30];
	_ =	sdelay $0x4  }
0xe4: {  	v5 =	vshll.u32 v4, $0x1  }
0xe5: {  	v4 =	vand.u32 $0x7, v4;
	v5 =	vand.u32 $0xFFFFFFF0, v5  }
0xe6: {  	v4 =	vor.u32 v4, v5  }
0xe7: {  	v5 =	vperm.xlane v4, v0;
	_ =	sdelay $0x1  }
0xe8: {  	v4 =	vperm.xlane v4, v2;
	v5 =	vadd.s32 v1, v5;
	_ =	sdelay $0x1  }
0xe9: {  	v4 =	vadd.s32 v1, v4;
	_ =	sdelay $0x1  }
0xea: {  	s30 =	simm.s32 $0x18D80  }
0xeb: {  	[tilespmem:s30], [sflag:$0x3] =	stream.indirect_vreg.gather [hbm4b:s22+s18], $0x80, v5, vm0, $0xb8;
	v63 =	vld [tilespmem:$0x0]  }
0xec: {  	s31 =	simm.s32 $0x19580;
	s0 =	simm.s32 $0x0;
	s1 =	simm.s32 $0x200  }
0xed: {  	[tilespmem:s31], [sflag:$0x3] =	stream.indirect_vreg.gather [hbm4b:s22+s18], $0x80, v4, vm0, $0xb8;
	v63 =	vld [tilespmem:$0x0]  }
.LBB2_2:
0xee: {  	p0 =	sne.s32 s1, $0x7E00;
	[tilespmem:s0+$0x19F70] =	vst v3  }
0xef: {  	[tilespmem:s0+$0x19F00] =	vst v3  }
0xf0: {  	[tilespmem:s0+$0x19F10] =	vst v3  }
.Ltmp2:
0xf1: {  	[tilespmem:s0+$0x19F20] =	vst v3;
	(pc) =	sbr.rel @p0 .LBB2_2-.Ltmp2, $4  }
0xf2: {  	[tilespmem:s0+$0x19F30] =	vst v3  }
0xf3: {  	[tilespmem:s0+$0x19F40] =	vst v3  }
0xf4: {  	[tilespmem:s0+$0x19F50] =	vst v3  }
0xf5: {  	[tilespmem:s0+$0x19F60] =	vst v3;
	s0 =	sshra.s32 s1, $0x2;
	s1 =	sadd.s32 $0x200, s1  }
0xf6: {  	[tilespmem:s0+$0x19F70] =	vst v3  }
0xf7: {  	[tilespmem:s0+$0x19F00] =	vst v3  }
0xf8: {  	[tilespmem:s0+$0x19F10] =	vst v3  }
0xf9: {  	[tilespmem:s0+$0x19F20] =	vst v3  }
0xfa: {  	[tilespmem:s0+$0x19F30] =	vst v3  }
0xfb: {  	[tilespmem:s0+$0x19F40] =	vst v3;
	s21 =	sld [smem:$0x7F1]  }
0xfc: {  	[tilespmem:s0+$0x19F50] =	vst v3  }
0xfd: {  	[tilespmem:s0+$0x19F60] =	vst v3;
	s1 =	simm.s32 $0x19F00;
	s2 =	simm.s32 $0x9  }
0xfe: {  	[spmem:s21] =	stream.linear.scatter [tilespmem:s1], [sflag:$0x9], $0x2000, $0x38;
	v63 =	vld [tilespmem:$0x0]  }
0xff: {  	_ =	swait.ge [sflag:s2], $0x2000  }
0x100: {  	s22 =	sld [smem:$0x7F2]  }
0x101: {  	[sflag:s2] =	ssyncset.done $0x0  }
0x102: {  	[sflag:s2] =	ssyncadd.s32 $0xFFFFE000  }
0x103: {  	[spmem:s22] =	stream.linear.scatter [tilespmem:s1], [sflag:$0x9], $0x2000, $0x38;
	v63 =	vld [tilespmem:$0x0]  }
0x104: {  	_ =	swait.ge [sflag:s2], $0x2000  }
0x105: {  	s23 =	sld [smem:$0x7F3]  }
0x106: {  	[sflag:s2] =	ssyncset.done $0x0  }
0x107: {  	[sflag:s2] =	ssyncadd.s32 $0xFFFFE000  }
0x108: {  	[spmem:s23] =	stream.linear.scatter [tilespmem:s1], [sflag:$0x9], $0x2000, $0x38;
	v63 =	vld [tilespmem:$0x0]  }
0x109: {  	_ =	swait.ge [sflag:s2], $0x2000  }
0x10a: {  	s24 =	sld [smem:$0x7F4]  }
0x10b: {  	[sflag:s2] =	ssyncset.done $0x0  }
0x10c: {  	[sflag:s2] =	ssyncadd.s32 $0xFFFFE000  }
0x10d: {  	[spmem:s24] =	stream.linear.scatter [tilespmem:s1], [sflag:$0x9], $0x2000, $0x38;
	v63 =	vld [tilespmem:$0x0]  }
0x10e: {  	_ =	swait.ge [sflag:s2], $0x2000  }
0x10f: {  	s25 =	sld [smem:$0x7F5]  }
0x110: {  	[sflag:s2] =	ssyncset.done $0x0  }
0x111: {  	[sflag:s2] =	ssyncadd.s32 $0xFFFFE000  }
0x112: {  	[spmem:s25] =	stream.linear.scatter [tilespmem:s1], [sflag:$0x9], $0x2000, $0x38;
	v63 =	vld [tilespmem:$0x0]  }
0x113: {  	_ =	swait.ge [sflag:s2], $0x2000  }
0x114: {  	s26 =	sld [smem:$0x7F6]  }
0x115: {  	[sflag:s2] =	ssyncset.done $0x0  }
0x116: {  	[sflag:s2] =	ssyncadd.s32 $0xFFFFE000  }
0x117: {  	[spmem:s26] =	stream.linear.scatter [tilespmem:s1], [sflag:$0x9], $0x2000, $0x38;
	v63 =	vld [tilespmem:$0x0]  }
0x118: {  	_ =	swait.ge [sflag:s2], $0x2000  }
0x119: {  	s28 =	sld [smem:$0x7F7]  }
0x11a: {  	[sflag:s2] =	ssyncset.done $0x0  }
0x11b: {  	[sflag:s2] =	ssyncadd.s32 $0xFFFFE000  }
0x11c: {  	[spmem:s28] =	stream.linear.scatter [tilespmem:s1], [sflag:$0x9], $0x2000, $0x38;
	v63 =	vld [tilespmem:$0x0]  }
0x11d: {  	_ =	swait.ge [sflag:s2], $0x2000  }
0x11e: {  	s29 =	sld [smem:$0x7F8]  }
0x11f: {  	[sflag:s2] =	ssyncset.done $0x0  }
0x120: {  	[sflag:s2] =	ssyncadd.s32 $0xFFFFE000  }
0x121: {  	[spmem:s29] =	stream.linear.scatter [tilespmem:s1], [sflag:$0x9], $0x2000, $0x38;
	v63 =	vld [tilespmem:$0x0]  }
0x122: {  	_ =	swait.ge [sflag:s2], $0x2000  }
0x123: {  	s30 =	sld [smem:$0x7F9]  }
0x124: {  	[sflag:s2] =	ssyncset.done $0x0  }
0x125: {  	[sflag:s2] =	ssyncadd.s32 $0xFFFFE000  }
0x126: {  	[spmem:s30] =	stream.linear.scatter [tilespmem:s1], [sflag:$0x9], $0x2000, $0x38;
	v63 =	vld [tilespmem:$0x0]  }
0x127: {  	_ =	swait.ge [sflag:s2], $0x2000  }
0x128: {  	s31 =	sld [smem:$0x7FA]  }
0x129: {  	[sflag:s2] =	ssyncset.done $0x0  }
0x12a: {  	[sflag:s2] =	ssyncadd.s32 $0xFFFFE000  }
0x12b: {  	[spmem:s31] =	stream.linear.scatter [tilespmem:s1], [sflag:$0x9], $0x1C00, $0x38;
	v63 =	vld [tilespmem:$0x0]  }
.Ltmp3:
0x12c: {  	_ =	swait.ge [sflag:s2], $0x1C00;
	(pc) =	sbr.rel .LBB2_4-.Ltmp3, $4  }
0x12d: {  	[sflag:s2] =	ssyncset.done $0x0  }
0x12e: {  	[sflag:s2] =	ssyncadd.s32 $0xFFFFE400  }
0x12f: {  	[bflag:$0x0] =	sbarrier.arrive $0xFFFF  }
0x130: {  	s1 =	simm.s32 $0x0  }
.LBB2_18:
0x131: {  	s0 =	sld [smem:$0x7FC];
	_ =	sdelay $0x2  }
0x132: {  	s0 =	sadd.s32 s0, s6  }
0x133: {  	p0 =	sgt.u32 s0, $0x9C3  }
0x134: {  	s1 =	sshll.u32 @!p0 s0, $0x7  }
0x135: {  	s6 =	rddreg [dreg:$0x1e];
	s2 =	sand.u32 @!p0 $0x7FF00, s1  }
0x136: {  	s5 =	rddreg [dreg:$0x1];
	s1 =	sor.u32 @!p0 s6, s1;
	s2 =	sor.u32 @!p0 s6, s2  }
0x137: {  	s3 =	simm.s32 @!p0 $0x0;
	s1 =	sshrl.u32 @!p0 s1, $0x3;
	s2 =	sshrl.u32 @!p0 s2, $0x3  }
0x138: {  	s4 =	simm.s32 @!p0 $0x19D80;
	s1 =	sor.u32 @!p0 $0x10, s1;
	s2 =	sadd.s32 @!p0 s5, s2  }
0x139: {  	[tilespmem:s4], [sflag:$0x4] =	stream.linear.gather @!p0 [hbm4b:s2+s3], $0x40, $0x38;
	v63 =	vld [tilespmem:$0x0]  }
0x13a: {  	s31 =	sld [smem:$0x7E9];
	s1 =	sadd.s32 @!p0 s5, s1;
	s2 =	simm.s32 @!p0 $0x19E00  }
0x13b: {  	[tilespmem:s2], [sflag:$0x4] =	stream.linear.gather @!p0 [hbm4b:s1+s3], $0x40, $0x38;
	v63 =	vld [tilespmem:$0x0]  }
0x13c: {  	s0 =	sshll.u32 @!p0 s0, $0x3;
	s1 =	rddreg [dreg:$0x2]  }
0x13d: {  	s0 =	sadd.s32 @!p0 s1, s0;
	s1 =	simm.s32 @!p0 $0x19E80  }
0x13e: {  	[tilespmem:s1], [sflag:$0x4] =	stream.linear.gather @!p0 [hbm4b:s0+s3], $0x40, $0x38;
	v63 =	vld [tilespmem:$0x0]  }
0x13f: {  	s1 =	sadd.s32 $0x1, s31  }
0x140: {  	p0 =	sne.s32 s1, $0x28  }
.Ltmp4:
0x141: {  	_ = 	snop;
	(pc) =	sbr.rel @!p0 .LBB2_19-.Ltmp4, $1  }
0x142: {  	_ =	sdelay $0x3  }
.LBB2_4:
0x143: {  	s6 =	sshll.u32 s1, $0x6;
	s0 =	rddreg [dreg:$0x1a]  }
0x144: {  	p0 =	seq.s32 s1, $0x0;
	s8 =	sor.u32 s0, s6  }
0x145: {  	p1 =	sgt.u32 @!p0 s8, $0x9A3  }
0x146: {  	p0 =	por p0, p1  }
.Ltmp5:
0x147: {  	_ = 	snop;
	(pc) =	sbr.rel @p0 .LBB2_6-.Ltmp5, $3  }
0x148: {  	_ =	sdelay $0x1  }
0x149: {  	[smem:$0x7E9] =	sst s1  }
0x14a: {  	[smem:$0x7EA] =	sst s6  }
0x14b: {  	s0 =	simm.s32 $0x8  }
0x14c: {  	_ =	swait.ge [sflag:s0], $0x2000  }
0x14d: {  	[sflag:s0] =	ssyncset.done $0x0  }
0x14e: {  	[sflag:s0] =	ssyncadd.s32 $0xFFFFE000  }
.LBB2_7:
0x14f: {  	s0 =	simm.s32 $0x4  }
0x150: {  	_ =	swait.ge [sflag:s0], $0x40  }
0x151: {  	[sflag:s0] =	ssyncset.done $0x0  }
0x152: {  	[sflag:s0] =	ssyncadd.s32 $0xFFFFFFC0  }
0x153: {  	_ =	swait.ge [sflag:s0], $0x40  }
0x154: {  	[sflag:s0] =	ssyncset.done $0x0  }
0x155: {  	[sflag:s0] =	ssyncadd.s32 $0xFFFFFFC0  }
0x156: {  	_ =	swait.ge [sflag:s0], $0x40  }
0x157: {  	[sflag:s0] =	ssyncset.done $0x0  }
0x158: {  	[sflag:s0] =	ssyncadd.s32 $0xFFFFFFC0  }
0x159: {  	v4 =	vld [tilespmem:$0x19E80]  }
0x15a: {  	v5 =	vld [tilespmem:$0x19D80]  }
0x15b: {  	v6 =	vld [tilespmem:$0x19E00]  }
0x15c: {  	v7 =	vld [tilespmem:$0x19E90]  }
0x15d: {  	v8 =	vld [tilespmem:$0x19D90]  }
0x15e: {  	v9 =	vld [tilespmem:$0x19E10]  }
0x15f: {  	v10 =	vld [tilespmem:$0x19EA0]  }
0x160: {  	v11 =	vld [tilespmem:$0x19DA0];
	v4 =	vmul.u32 $0x2710, v4  }
0x161: {  	v12 =	vld [tilespmem:$0x19EB0]  }
0x162: {  	v13 =	vld [tilespmem:$0x19E20];
	v7 =	vmul.u32 $0x2710, v7;
	v5 =	vadd.s32 v5, v4  }
0x163: {  	v4 =	vadd.s32 v4, v6;
	[tilespmem:$0x19D80] =	vst v5;
	v5 =	vld [tilespmem:$0x19DB0]  }
0x164: {  	v61 =	vld [tilespmem:$0x19E30];
	v60 =	vmul.u32 $0x2710, v10;
	[tilespmem:$0x19E80] =	vst v4;
	v4 =	vadd.s32 v8, v7  }
0x165: {  	[tilespmem:$0x19D90] =	vst v4;
	v4 =	vadd.s32 v7, v9  }
0x166: {  	v62 =	vmul.u32 $0x2710, v12;
	[tilespmem:$0x19E90] =	vst v4;
	v4 =	vadd.s32 v11, v60  }
0x167: {  	[tilespmem:$0x19DA0] =	vst v4;
	v4 =	vadd.s32 v60, v13  }
0x168: {  	[tilespmem:$0x19EA0] =	vst v4;
	v4 =	vadd.s32 v5, v62  }
0x169: {  	s1 =	simm.s32 $0x19D80;
	[tilespmem:$0x19DB0] =	vst v4;
	v4 =	vadd.s32 v62, v61  }
0x16a: {  	s2 =	simm.s32 $0x40;
	s3 =	simm.s32 $0x19F00;
	s21 =	rddreg [dreg:$0x1c];
	[tilespmem:$0x19EB0] =	vst v4  }
0x16b: {  	[tilespmem:s3], [sflag:$0x5] =	stream.indirect.gather [hbm4b:s21+s2], $0x80, s1, s2, $0xb8;
	v63 =	vld [tilespmem:$0x0]  }
0x16c: {  	v4 =	vld [tilespmem:$0x19E80];
	_ =	sdelay $0x4  }
0x16d: {  	v5 =	vshll.u32 v4, $0x1  }
0x16e: {  	v4 =	vand.u32 $0x7, v4;
	v5 =	vand.u32 $0xFFFFFFF0, v5  }
0x16f: {  	v4 =	vor.u32 v4, v5  }
0x170: {  	v5 =	vperm.xlane v4, v0;
	_ =	sdelay $0x1  }
0x171: {  	v4 =	vperm.xlane v4, v2;
	v5 =	vadd.s32 v1, v5;
	_ =	sdelay $0x1  }
0x172: {  	v4 =	vadd.s32 v1, v4;
	_ =	sdelay $0x1  }
0x173: {  	s23 =	simm.s32 $0x1BF00;
	s22 =	rddreg [dreg:$0x1d]  }
0x174: {  	[tilespmem:s23], [sflag:$0x6] =	stream.indirect_vreg.gather [hbm4b:s22+s18], $0x80, v5, vm0, $0xb8;
	v63 =	vld [tilespmem:$0x0]  }
0x175: {  	s24 =	simm.s32 $0x1C700  }
0x176: {  	[tilespmem:s24], [sflag:$0x6] =	stream.indirect_vreg.gather [hbm4b:s22+s18], $0x80, v4, vm0, $0xb8;
	v63 =	vld [tilespmem:$0x0]  }
0x177: {  	v4 =	vld [tilespmem:$0x19E90];
	_ =	sdelay $0x4  }
0x178: {  	v5 =	vshll.u32 v4, $0x1  }
0x179: {  	v4 =	vand.u32 $0x7, v4;
	v5 =	vand.u32 $0xFFFFFFF0, v5  }
0x17a: {  	v4 =	vor.u32 v4, v5  }
0x17b: {  	v5 =	vperm.xlane v4, v0;
	_ =	sdelay $0x1  }
0x17c: {  	v4 =	vperm.xlane v4, v2;
	v5 =	vadd.s32 v1, v5;
	_ =	sdelay $0x1  }
0x17d: {  	v4 =	vadd.s32 v1, v4;
	_ =	sdelay $0x1  }
0x17e: {  	s25 =	simm.s32 $0x1CF00  }
0x17f: {  	[tilespmem:s25], [sflag:$0x6] =	stream.indirect_vreg.gather [hbm4b:s22+s18], $0x80, v5, vm0, $0xb8;
	v63 =	vld [tilespmem:$0x0]  }
0x180: {  	s26 =	simm.s32 $0x1D700  }
0x181: {  	[tilespmem:s26], [sflag:$0x6] =	stream.indirect_vreg.gather [hbm4b:s22+s18], $0x80, v4, vm0, $0xb8;
	v63 =	vld [tilespmem:$0x0]  }
0x182: {  	v4 =	vld [tilespmem:$0x19EA0];
	_ =	sdelay $0x4  }
0x183: {  	v5 =	vshll.u32 v4, $0x1  }
0x184: {  	v4 =	vand.u32 $0x7, v4;
	v5 =	vand.u32 $0xFFFFFFF0, v5  }
0x185: {  	v4 =	vor.u32 v4, v5  }
0x186: {  	v5 =	vperm.xlane v4, v0;
	_ =	sdelay $0x1  }
0x187: {  	v4 =	vperm.xlane v4, v2;
	v5 =	vadd.s32 v1, v5;
	_ =	sdelay $0x1  }
0x188: {  	v4 =	vadd.s32 v1, v4;
	_ =	sdelay $0x1  }
0x189: {  	s28 =	simm.s32 $0x1DF00  }
0x18a: {  	[tilespmem:s28], [sflag:$0x6] =	stream.indirect_vreg.gather [hbm4b:s22+s18], $0x80, v5, vm0, $0xb8;
	v63 =	vld [tilespmem:$0x0]  }
0x18b: {  	s29 =	simm.s32 $0x1E700  }
0x18c: {  	[tilespmem:s29], [sflag:$0x6] =	stream.indirect_vreg.gather [hbm4b:s22+s18], $0x80, v4, vm0, $0xb8;
	v63 =	vld [tilespmem:$0x0]  }
0x18d: {  	v4 =	vld [tilespmem:$0x19EB0];
	_ =	sdelay $0x4  }
0x18e: {  	v5 =	vshll.u32 v4, $0x1  }
0x18f: {  	v4 =	vand.u32 $0x7, v4;
	v5 =	vand.u32 $0xFFFFFFF0, v5  }
0x190: {  	v4 =	vor.u32 v4, v5  }
0x191: {  	v5 =	vperm.xlane v4, v0;
	_ =	sdelay $0x1  }
0x192: {  	v4 =	vperm.xlane v4, v2;
	v5 =	vadd.s32 v1, v5;
	_ =	sdelay $0x1  }
0x193: {  	v4 =	vadd.s32 v1, v4;
	_ =	sdelay $0x1  }
0x194: {  	s30 =	simm.s32 $0x1EF00  }
0x195: {  	[tilespmem:s30], [sflag:$0x6] =	stream.indirect_vreg.gather [hbm4b:s22+s18], $0x80, v5, vm0, $0xb8;
	v63 =	vld [tilespmem:$0x0]  }
0x196: {  	s31 =	simm.s32 $0x1F700  }
0x197: {  	[tilespmem:s31], [sflag:$0x6] =	stream.indirect_vreg.gather [hbm4b:s22+s18], $0x80, v4, vm0, $0xb8;
	v63 =	vld [tilespmem:$0x0]  }
.LBB2_9:
0x198: {  	[smem:$0x7E8] =	sst s8;
	s0 =	simm.s32 $0x2  }
0x199: {  	_ =	swait.ge [sflag:s0], $0x2000  }
0x19a: {  	s20 =	simm.s32 $0x3;
	[sflag:s0] =	ssyncset.done $0x0  }
0x19b: {  	s2 =	simm.s32 $0x0;
	s28 =	simm.s32 $0x13E80;
	[sflag:s0] =	ssyncadd.s32 $0xFFFFE000  }
0x19c: {  	s3 =	simm.s32 $0x180;
	s21 =	sand.u32 $0x7, s2;
	_ =	swait.ge [sflag:s20], $0x4000  }
0x19d: {  	s1 =	sand.u32 $0x3800, s2;
	s22 =	sand.u32 $0x380, s3;
	[sflag:s20] =	ssyncset.done $0x0  }
0x19e: {  	s4 =	sadd.s32 $0x15D80, s1;
	s0 =	sshll.u32 s21, $0x7;
	[sflag:s20] =	ssyncadd.s32 $0xFFFFC000  }
0x19f: {  	s1 =	sadd.s32 s22, s4;
	s23 =	sadd.s32 $0x0, s0;
	v4 =	vld [tilespmem:s28+$0x80]  }
0x1a0: {  	s6 =	sadd.s32 $0x180, s23;
	v5 =	vld [tilespmem:s1+$0x0]  }
0x1a1: {  	p0 =	por $0x0, $0x0;
	s0 =	simm.s32 $0x1;
	s24 =	sor.u32 $0x400, s6  }
0x1a2: {  	s0 =	simm.s32 @!p0 $0x0;
	v6 =	vld [tilespmem:s24+$0x15D80]  }
0x1a3: {  	s25 =	sand.u32 $0x200, s2;
	s5 =	sshll.u32 s0, $0x9  }
0x1a4: {  	s26 =	simm.s32 $0x80;
	s0 =	sor.u32 s25, s4;
	v7 =	vld [tilespmem:s28+$0xFFFFFF80];
	s5 =	sadd.s32 $0x0, s5  }
0x1a5: {  	s9 =	sand.u32 $0x280, s26;
	v8 =	vld [tilespmem:s0+$0x0];
	s7 =	sor.u32 $0x400, s5;
	v4 =	vmul.f32 v5, v4  }
0x1a6: {  	s10 =	simm.s32 $0x100;
	v9 =	vld [tilespmem:s7+$0x15D80];
	s7 =	sadd.s32 s9, s4  }
0x1a7: {  	s8 =	sand.u32 $0x300, s10;
	v11 =	vld [tilespmem:s7+$0x0];
	v4 =	vadd.f32 v6, v4  }
0x1a8: {  	s9 =	sadd.s32 s8, s4;
	v5 =	vld [tilespmem:s28+$0xFFFFFF00]  }
0x1a9: {  	v13 =	vld [tilespmem:s9+$0x0];
	v4 =	vmax.f32 v4, $0.0e+00  }
0x1aa: {  	s2 =	sand.u32 $0x3, s2;
	[tilespmem:s28+$0x80] =	vst v4;
	v4 =	vld [tilespmem:s28+$0x90]  }
0x1ab: {  	s2 =	sshll.u32 s2, $0x8;
	v10 =	vld [tilespmem:s1+$0x10]  }
0x1ac: {  	s2 =	sadd.s32 $0x0, s2;
	s12 =	sadd.s32 $0x80, s23;
	s10 =	sor.u32 $0x410, s6;
	v6 =	vld [tilespmem:s28+$0x0]  }
0x1ad: {  	s11 =	sor.u32 $0x400, s12;
	s4 =	sadd.s32 $0x100, s2;
	v5 =	vmul.f32 v8, v5;
	v12 =	vld [tilespmem:s10+$0x15D80]  }
0x1ae: {  	s13 =	sor.u32 $0x400, s4;
	v8 =	vld [tilespmem:s11+$0x15D80]  }
0x1af: {  	v14 =	vld [tilespmem:s13+$0x15D80];
	v5 =	vadd.f32 v9, v5  }
0x1b0: {  	v7 =	vmul.f32 v11, v7;
	v11 =	vld [tilespmem:s28+$0x10];
	v4 =	vmul.f32 v10, v4  }
0x1b1: {  	v9 =	vld [tilespmem:s28+$0xFFFFFF10];
	v5 =	vmax.f32 v5, $0.0e+00  }
0x1b2: {  	[tilespmem:s28+$0xFFFFFF00] =	vst v5;
	v10 =	vld [tilespmem:s28+$0xFFFFFF90];
	v4 =	vadd.f32 v12, v4  }
0x1b3: {  	s14 =	sor.u32 $0x410, s5;
	v5 =	vmul.f32 v13, v6;
	v6 =	vadd.f32 v8, v7;
	v7 =	vld [tilespmem:s0+$0x10]  }
0x1b4: {  	v8 =	vld [tilespmem:s14+$0x15D80];
	v4 =	vmax.f32 v4, $0.0e+00  }
0x1b5: {  	[tilespmem:s28+$0x90] =	vst v4;
	v4 =	vadd.f32 v14, v5;
	v5 =	vmax.f32 v6, $0.0e+00;
	v6 =	vld [tilespmem:s28+$0xA0]  }
0x1b6: {  	[tilespmem:s28+$0xFFFFFF80] =	vst v5;
	v5 =	vld [tilespmem:s1+$0x20]  }
0x1b7: {  	s16 =	sor.u32 $0x410, s12;
	v12 =	vld [tilespmem:s7+$0x10]  }
0x1b8: {  	s15 =	sor.u32 $0x420, s6;
	v7 =	vmul.f32 v7, v9;
	v4 =	vmax.f32 v4, $0.0e+00;
	v9 =	vld [tilespmem:s16+$0x15D80]  }
0x1b9: {  	[tilespmem:s28+$0x0] =	vst v4;
	v4 =	vld [tilespmem:s15+$0x15D80]  }
0x1ba: {  	v7 =	vadd.f32 v8, v7;
	v8 =	vld [tilespmem:s28+$0xFFFFFFA0]  }
0x1bb: {  	s17 =	sor.u32 $0x410, s4;
	v13 =	vld [tilespmem:s9+$0x10]  }
0x1bc: {  	v14 =	vld [tilespmem:s17+$0x15D80];
	v7 =	vmax.f32 v7, $0.0e+00;
	v5 =	vmul.f32 v5, v6  }
0x1bd: {  	[tilespmem:s28+$0xFFFFFF10] =	vst v7;
	v6 =	vld [tilespmem:s28+$0xFFFFFF20]  }
0x1be: {  	s18 =	sor.u32 $0x420, s5;
	v7 =	vmul.f32 v12, v10;
	v10 =	vld [tilespmem:s0+$0x20];
	v4 =	vadd.f32 v4, v5  }
0x1bf: {  	v12 =	vld [tilespmem:s18+$0x15D80]  }
0x1c0: {  	v5 =	vld [tilespmem:s28+$0x20];
	v4 =	vmax.f32 v4, $0.0e+00  }
0x1c1: {  	v11 =	vmul.f32 v13, v11;
	v13 =	vld [tilespmem:s28+$0xFFFFFF30];
	[tilespmem:s28+$0xA0] =	vst v4;
	v4 =	vadd.f32 v9, v7  }
0x1c2: {  	v7 =	vld [tilespmem:s28+$0xB0]  }
0x1c3: {  	s19 =	sor.u32 $0x430, s6;
	v9 =	vadd.f32 v14, v11;
	v11 =	vld [tilespmem:s1+$0x30];
	v6 =	vmul.f32 v10, v6;
	v4 =	vmax.f32 v4, $0.0e+00  }
0x1c4: {  	[tilespmem:s28+$0xFFFFFF90] =	vst v4;
	v4 =	vld [tilespmem:s19+$0x15D80]  }
0x1c5: {  	v9 =	vmax.f32 v9, $0.0e+00;
	v6 =	vadd.f32 v12, v6;
	v12 =	vld [tilespmem:s28+$0xFFFFFFB0]  }
0x1c6: {  	[tilespmem:s28+$0x10] =	vst v9;
	v14 =	vld [tilespmem:s7+$0x20]  }
0x1c7: {  	s20 =	sor.u32 $0x420, s12;
	v9 =	vld [tilespmem:s9+$0x20]  }
0x1c8: {  	s21 =	sor.u32 $0x420, s4;
	v10 =	vld [tilespmem:s20+$0x15D80];
	v7 =	vmul.f32 v11, v7  }
0x1c9: {  	v6 =	vmax.f32 v6, $0.0e+00;
	v11 =	vld [tilespmem:s21+$0x15D80]  }
0x1ca: {  	[tilespmem:s28+$0xFFFFFF20] =	vst v6;
	v4 =	vadd.f32 v4, v7;
	v7 =	vld [tilespmem:s28+$0x30]  }
0x1cb: {  	s22 =	sor.u32 $0x430, s5;
	v6 =	vmul.f32 v14, v8;
	v8 =	vld [tilespmem:s0+$0x30]  }
0x1cc: {  	v14 =	vld [tilespmem:s22+$0x15D80];
	v4 =	vmax.f32 v4, $0.0e+00  }
0x1cd: {  	[tilespmem:s28+$0xB0] =	vst v4;
	v4 =	vmul.f32 v9, v5;
	v5 =	vadd.f32 v10, v6;
	v6 =	vld [tilespmem:s28+$0xC0]  }
0x1ce: {  	v10 =	vld [tilespmem:s28+$0xFFFFFF40]  }
0x1cf: {  	v9 =	vld [tilespmem:s1+$0x40];
	v4 =	vadd.f32 v11, v4  }
0x1d0: {  	s23 =	sor.u32 $0x440, s6;
	v5 =	vmax.f32 v5, $0.0e+00;
	v11 =	vld [tilespmem:s28+$0xFFFFFFC0]  }
0x1d1: {  	[tilespmem:s28+$0xFFFFFFA0] =	vst v5;
	v5 =	vld [tilespmem:s23+$0x15D80];
	v4 =	vmax.f32 v4, $0.0e+00  }
0x1d2: {  	[tilespmem:s28+$0x20] =	vst v4;
	v4 =	vld [tilespmem:s7+$0x30]  }
0x1d3: {  	s24 =	sor.u32 $0x430, s12;
	v8 =	vmul.f32 v8, v13;
	v13 =	vld [tilespmem:s9+$0x30]  }
0x1d4: {  	s25 =	sor.u32 $0x430, s4;
	v6 =	vmul.f32 v9, v6;
	v9 =	vld [tilespmem:s24+$0x15D80]  }
0x1d5: {  	v8 =	vadd.f32 v14, v8;
	v14 =	vld [tilespmem:s25+$0x15D80];
	s25 =	simm.s32 $0x14080  }
0x1d6: {  	v15 =	vld [tilespmem:s25+$0x80]  }
0x1d7: {  	v18 =	vld [tilespmem:s25+$0xFFFFFF80]  }
0x1d8: {  	v20 =	vld [tilespmem:s25+$0x0]  }
0x1d9: {  	v49 =	vld [tilespmem:s25+$0xFFFFFF10]  }
0x1da: {  	v52 =	vld [tilespmem:s25+$0xFFFFFF90]  }
0x1db: {  	v57 =	vld [tilespmem:s25+$0xFFFFFF20]  }
0x1dc: {  	v58 =	vld [tilespmem:s25+$0xB0]  }
0x1dd: {  	v61 =	vld [tilespmem:s25+$0xFFFFFFA0]  }
0x1de: {  	v8 =	vmax.f32 v8, $0.0e+00;
	v22 =	vld [tilespmem:s25+$0x20]  }
0x1df: {  	v5 =	vadd.f32 v5, v6;
	[tilespmem:s28+$0xFFFFFF30] =	vst v8;
	v6 =	vld [tilespmem:s28+$0x40]  }
0x1e0: {  	s26 =	sor.u32 $0x440, s5;
	v8 =	vld [tilespmem:s0+$0x40];
	v4 =	vmul.f32 v4, v12  }
0x1e1: {  	v5 =	vmax.f32 v5, $0.0e+00;
	v12 =	vld [tilespmem:s26+$0x15D80];
	v7 =	vmul.f32 v13, v7  }
0x1e2: {  	[tilespmem:s28+$0xC0] =	vst v5;
	v5 =	vld [tilespmem:s28+$0xD0];
	v4 =	vadd.f32 v9, v4  }
0x1e3: {  	v13 =	vld [tilespmem:s28+$0xFFFFFF50];
	v7 =	vadd.f32 v14, v7  }
0x1e4: {  	s3 =	sor.u32 $0x450, s6;
	v9 =	vld [tilespmem:s1+$0x50];
	v4 =	vmax.f32 v4, $0.0e+00  }
0x1e5: {  	v8 =	vmul.f32 v8, v10;
	[tilespmem:s28+$0xFFFFFFB0] =	vst v4;
	v4 =	vmax.f32 v7, $0.0e+00;
	v7 =	vld [tilespmem:s3+$0x15D80]  }
0x1e6: {  	[tilespmem:s28+$0x30] =	vst v4;
	v4 =	vld [tilespmem:s7+$0x40]  }
0x1e7: {  	s8 =	sor.u32 $0x440, s12;
	v8 =	vadd.f32 v12, v8;
	v10 =	vld [tilespmem:s9+$0x40]  }
0x1e8: {  	s10 =	sor.u32 $0x440, s4;
	v12 =	vld [tilespmem:s8+$0x15D80]  }
0x1e9: {  	v5 =	vmul.f32 v9, v5;
	v9 =	vld [tilespmem:s10+$0x15D80];
	v8 =	vmax.f32 v8, $0.0e+00  }
0x1ea: {  	v14 =	vld [tilespmem:s28+$0xFFFFFFD0];
	[tilespmem:s28+$0xFFFFFF40] =	vst v8  }
0x1eb: {  	v5 =	vadd.f32 v7, v5;
	v7 =	vld [tilespmem:s0+$0x50];
	v4 =	vmul.f32 v4, v11  }
0x1ec: {  	s11 =	sor.u32 $0x450, s5;
	v8 =	vld [tilespmem:s28+$0x50];
	v6 =	vmul.f32 v10, v6  }
0x1ed: {  	v5 =	vmax.f32 v5, $0.0e+00;
	v10 =	vld [tilespmem:s11+$0x15D80];
	v4 =	vadd.f32 v12, v4  }
0x1ee: {  	[tilespmem:s28+$0xD0] =	vst v5;
	v5 =	vld [tilespmem:s28+$0xE0];
	v6 =	vadd.f32 v9, v6  }
0x1ef: {  	s13 =	sor.u32 $0x460, s6;
	v9 =	vld [tilespmem:s1+$0x60];
	v4 =	vmax.f32 v4, $0.0e+00  }
0x1f0: {  	v7 =	vmul.f32 v7, v13;
	[tilespmem:s28+$0xFFFFFFC0] =	vst v4;
	v4 =	vmax.f32 v6, $0.0e+00;
	v6 =	vld [tilespmem:s13+$0x15D80]  }
0x1f1: {  	s14 =	sor.u32 $0x450, s12;
	v11 =	vld [tilespmem:s7+$0x50]  }
0x1f2: {  	[tilespmem:s28+$0x40] =	vst v4;
	v7 =	vadd.f32 v10, v7;
	v10 =	vld [tilespmem:s14+$0x15D80]  }
0x1f3: {  	v4 =	vld [tilespmem:s9+$0x50]  }
0x1f4: {  	s15 =	sor.u32 $0x450, s4;
	v25 =	vld [tilespmem:s25+$0xFFFFFF30];
	v5 =	vmul.f32 v9, v5  }
0x1f5: {  	v9 =	vld [tilespmem:s15+$0x15D80];
	v7 =	vmax.f32 v7, $0.0e+00  }
0x1f6: {  	v12 =	vld [tilespmem:s28+$0xFFFFFF60];
	[tilespmem:s28+$0xFFFFFF50] =	vst v7;
	v5 =	vadd.f32 v6, v5;
	v6 =	vmul.f32 v11, v14  }
0x1f7: {  	v7 =	vld [tilespmem:s0+$0x60]  }
0x1f8: {  	v11 =	vld [tilespmem:s28+$0x60];
	v4 =	vmul.f32 v4, v8;
	v6 =	vadd.f32 v10, v6  }
0x1f9: {  	s16 =	sor.u32 $0x460, s5;
	v8 =	vld [tilespmem:s28+$0xFFFFFFE0];
	v5 =	vmax.f32 v5, $0.0e+00  }
0x1fa: {  	s8 =	simm.s32 $0x4;
	[tilespmem:s28+$0xE0] =	vst v5;
	v10 =	vld [tilespmem:s16+$0x15D80];
	v5 =	vadd.f32 v9, v4;
	v6 =	vmax.f32 v6, $0.0e+00  }
0x1fb: {  	s17 =	sor.u32 $0x460, s12;
	s19 =	sand.u32 $0x7, s8;
	s16 =	simm.s32 $0x400;
	v4 =	vld [tilespmem:s1+$0x70];
	[tilespmem:s28+$0xFFFFFFD0] =	vst v6  }
0x1fc: {  	s21 =	simm.s32 $0x380;
	s22 =	sshll.u32 s19, $0x7;
	s20 =	sand.u32 $0x3800, s16;
	v5 =	vmax.f32 v5, $0.0e+00;
	v6 =	vld [tilespmem:s7+$0x60]  }
0x1fd: {  	s23 =	sand.u32 $0x380, s21;
	s2 =	sadd.s32 $0x400, s22;
	s1 =	sadd.s32 $0x15D80, s20;
	[tilespmem:s28+$0x50] =	vst v5;
	v13 =	vld [tilespmem:s17+$0x15D80]  }
0x1fe: {  	s24 =	sor.u32 $0x470, s6;
	s6 =	sadd.s32 $0x180, s2;
	s17 =	sadd.s32 s23, s1;
	v5 =	vld [tilespmem:s9+$0x60]  }
0x1ff: {  	s26 =	sor.u32 $0x400, s6;
	v7 =	vmul.f32 v7, v12;
	v12 =	vld [tilespmem:s17+$0x0]  }
0x200: {  	s18 =	sor.u32 $0x460, s4;
	v16 =	vld [tilespmem:s26+$0x15D80]  }
0x201: {  	v14 =	vld [tilespmem:s18+$0x15D80]  }
0x202: {  	v27 =	vld [tilespmem:s25+$0xC0];
	v7 =	vadd.f32 v10, v7;
	v8 =	vmul.f32 v6, v8  }
0x203: {  	v30 =	vld [tilespmem:s25+$0xFFFFFFB0];
	v11 =	vmul.f32 v5, v11  }
0x204: {  	v32 =	vld [tilespmem:s25+$0x30];
	v5 =	vmax.f32 v7, $0.0e+00;
	v7 =	vadd.f32 v13, v8;
	v13 =	vmul.f32 v12, v15  }
0x205: {  	v9 =	vld [tilespmem:s24+$0x15D80];
	[tilespmem:s28+$0xFFFFFF60] =	vst v5  }
0x206: {  	v8 =	vadd.f32 v14, v11;
	v12 =	vld [tilespmem:s0+$0x70];
	v7 =	vmax.f32 v7, $0.0e+00;
	v13 =	vadd.f32 v16, v13  }
0x207: {  	v14 =	vld [tilespmem:s25+$0xFFFFFF00];
	[tilespmem:s28+$0xFFFFFFE0] =	vst v7  }
0x208: {  	s29 =	simm.s32 $0x200;
	p0 =	por !p0, !p0;
	s0 =	simm.s32 $0x1;
	v7 =	vmax.f32 v8, $0.0e+00;
	v8 =	vld [tilespmem:s7+$0x70];
	v13 =	vmax.f32 v13, $0.0e+00  }
0x209: {  	s10 =	sand.u32 $0x200, s29;
	s0 =	simm.s32 @!p0 $0x0;
	[tilespmem:s25+$0x80] =	vst v13;
	v13 =	vld [tilespmem:s25+$0x90]  }
0x20a: {  	s22 =	simm.s32 $0x300;
	s0 =	sshll.u32 s0, $0x9;
	s7 =	sor.u32 s10, s1;
	v15 =	vld [tilespmem:s17+$0x10]  }
0x20b: {  	s11 =	sor.u32 $0x410, s6;
	s13 =	simm.s32 $0x2;
	s15 =	sadd.s32 $0x400, s0;
	v46 =	vld [tilespmem:s7+$0x0]  }
0x20c: {  	s14 =	sand.u32 $0x3, s13;
	s23 =	sand.u32 $0x300, s22;
	s19 =	sor.u32 $0x400, s15;
	v17 =	vld [tilespmem:s11+$0x15D80]  }
0x20d: {  	s20 =	sshll.u32 s14, $0x8;
	s18 =	simm.s32 $0x280;
	s14 =	sadd.s32 s23, s1;
	v19 =	vld [tilespmem:s19+$0x15D80]  }
0x20e: {  	s21 =	sand.u32 $0x280, s18;
	v47 =	vld [tilespmem:s14+$0x0];
	[tilespmem:s28+$0x60] =	vst v7  }
0x20f: {  	v7 =	vld [tilespmem:s9+$0x70];
	s9 =	sadd.s32 s21, s1;
	v13 =	vmul.f32 v15, v13  }
0x210: {  	s5 =	sor.u32 $0x470, s5;
	s24 =	sadd.s32 $0x400, s20;
	s0 =	sadd.s32 $0x80, s2;
	v14 =	vmul.f32 v46, v14;
	v15 =	vld [tilespmem:s9+$0x0]  }
0x211: {  	v11 =	vld [tilespmem:s5+$0x15D80];
	s26 =	sor.u32 $0x400, s0;
	s1 =	sadd.s32 $0x100, s24;
	v13 =	vadd.f32 v17, v13  }
0x212: {  	v21 =	vld [tilespmem:s26+$0x15D80];
	s3 =	sor.u32 $0x400, s1;
	v14 =	vadd.f32 v19, v14  }
0x213: {  	v48 =	vld [tilespmem:s3+$0x15D80];
	v13 =	vmax.f32 v13, $0.0e+00  }
0x214: {  	[tilespmem:s25+$0x90] =	vst v13;
	v13 =	vmax.f32 v14, $0.0e+00;
	v14 =	vld [tilespmem:s25+$0xA0]  }
0x215: {  	v15 =	vmul.f32 v15, v18;
	[tilespmem:s25+$0xFFFFFF00] =	vst v13;
	v13 =	vld [tilespmem:s17+$0x20]  }
0x216: {  	s5 =	sor.u32 $0x420, s6;
	v16 =	vmul.f32 v47, v20;
	v50 =	vld [tilespmem:s7+$0x10]  }
0x217: {  	s10 =	sor.u32 $0x410, s15;
	v51 =	vld [tilespmem:s5+$0x15D80];
	v15 =	vadd.f32 v21, v15  }
0x218: {  	v16 =	vadd.f32 v48, v16;
	v53 =	vld [tilespmem:s10+$0x15D80]  }
0x219: {  	v35 =	vld [tilespmem:s25+$0xFFFFFF40];
	v15 =	vmax.f32 v15, $0.0e+00  }
0x21a: {  	[tilespmem:s25+$0xFFFFFF80] =	vst v15;
	v15 =	vld [tilespmem:s25+$0x10];
	v13 =	vmul.f32 v13, v14;
	v14 =	vmax.f32 v16, $0.0e+00  }
0x21b: {  	v54 =	vld [tilespmem:s9+$0x10];
	[tilespmem:s25+$0x0] =	vst v14;
	v18 =	vmul.f32 v50, v49  }
0x21c: {  	s11 =	sor.u32 $0x410, s0;
	v13 =	vadd.f32 v51, v13;
	v55 =	vld [tilespmem:s14+$0x10]  }
0x21d: {  	s13 =	sor.u32 $0x410, s1;
	v14 =	vld [tilespmem:s11+$0x15D80];
	v17 =	vadd.f32 v53, v18  }
0x21e: {  	v56 =	vld [tilespmem:s13+$0x15D80];
	v13 =	vmax.f32 v13, $0.0e+00  }
0x21f: {  	v39 =	vld [tilespmem:s25+$0xFFFFFFC0];
	[tilespmem:s25+$0xA0] =	vst v13;
	v13 =	vmax.f32 v17, $0.0e+00  }
0x220: {  	v16 =	vmul.f32 v54, v52;
	[tilespmem:s25+$0xFFFFFF10] =	vst v13;
	v13 =	vld [tilespmem:s17+$0x30]  }
0x221: {  	s18 =	sor.u32 $0x430, s6;
	v15 =	vmul.f32 v55, v15;
	v59 =	vld [tilespmem:s7+$0x20]  }
0x222: {  	s19 =	sor.u32 $0x420, s15;
	v60 =	vld [tilespmem:s18+$0x15D80];
	v14 =	vadd.f32 v14, v16  }
0x223: {  	v62 =	vld [tilespmem:s19+$0x15D80];
	v15 =	vadd.f32 v56, v15  }
0x224: {  	v41 =	vld [tilespmem:s25+$0x40];
	v14 =	vmax.f32 v14, $0.0e+00  }
0x225: {  	v44 =	vld [tilespmem:s25+$0xFFFFFF50];
	[tilespmem:s25+$0xFFFFFF90] =	vst v14;
	v15 =	vmax.f32 v15, $0.0e+00;
	v13 =	vmul.f32 v13, v58  }
0x226: {  	v14 =	vld [tilespmem:s9+$0x20];
	[tilespmem:s25+$0x10] =	vst v15;
	v23 =	vmul.f32 v59, v57  }
0x227: {  	s20 =	sor.u32 $0x420, s0;
	v15 =	vld [tilespmem:s14+$0x20];
	v13 =	vadd.f32 v60, v13  }
0x228: {  	s21 =	sor.u32 $0x420, s1;
	v24 =	vld [tilespmem:s20+$0x15D80];
	v17 =	vadd.f32 v62, v23  }
0x229: {  	v26 =	vld [tilespmem:s21+$0x15D80];
	v13 =	vmax.f32 v13, $0.0e+00  }
0x22a: {  	v10 =	vld [tilespmem:s28+$0xFFFFFF70];
	[tilespmem:s25+$0xB0] =	vst v13;
	v13 =	vmax.f32 v17, $0.0e+00  }
0x22b: {  	v14 =	vmul.f32 v14, v61;
	[tilespmem:s25+$0xFFFFFF20] =	vst v13;
	v13 =	vld [tilespmem:s17+$0x40]  }
0x22c: {  	s22 =	sor.u32 $0x440, s6;
	v15 =	vmul.f32 v15, v22;
	v28 =	vld [tilespmem:s7+$0x30]  }
0x22d: {  	s23 =	sor.u32 $0x430, s15;
	v29 =	vld [tilespmem:s22+$0x15D80];
	v14 =	vadd.f32 v24, v14  }
0x22e: {  	v31 =	vld [tilespmem:s23+$0x15D80];
	v15 =	vadd.f32 v26, v15  }
0x22f: {  	v6 =	vld [tilespmem:s28+$0xFFFFFFF0];
	v14 =	vmax.f32 v14, $0.0e+00  }
0x230: {  	v5 =	vld [tilespmem:s28+$0x70];
	[tilespmem:s25+$0xFFFFFFA0] =	vst v14;
	v14 =	vmax.f32 v15, $0.0e+00;
	v13 =	vmul.f32 v13, v27  }
0x231: {  	[tilespmem:s25+$0x20] =	vst v14;
	v14 =	vld [tilespmem:s9+$0x30];
	v15 =	vmul.f32 v28, v25  }
0x232: {  	s24 =	sor.u32 $0x430, s0;
	v33 =	vld [tilespmem:s14+$0x30];
	v13 =	vadd.f32 v29, v13  }
0x233: {  	s26 =	sor.u32 $0x430, s1;
	v34 =	vld [tilespmem:s24+$0x15D80];
	v15 =	vadd.f32 v31, v15  }
0x234: {  	v36 =	vld [tilespmem:s26+$0x15D80];
	v13 =	vmax.f32 v13, $0.0e+00  }
0x235: {  	v49 =	vld [tilespmem:s25+$0xFFFFFFD0];
	[tilespmem:s25+$0xC0] =	vst v13;
	v13 =	vmax.f32 v15, $0.0e+00  }
0x236: {  	v15 =	vld [tilespmem:s25+$0xD0];
	[tilespmem:s25+$0xFFFFFF30] =	vst v13;
	v13 =	vmul.f32 v14, v30  }
0x237: {  	v14 =	vld [tilespmem:s17+$0x50];
	v17 =	vmul.f32 v33, v32  }
0x238: {  	s3 =	sor.u32 $0x450, s6;
	v37 =	vld [tilespmem:s7+$0x40];
	v13 =	vadd.f32 v34, v13  }
0x239: {  	s5 =	sor.u32 $0x440, s15;
	v38 =	vld [tilespmem:s3+$0x15D80];
	v17 =	vadd.f32 v36, v17  }
0x23a: {  	v40 =	vld [tilespmem:s5+$0x15D80];
	v13 =	vmax.f32 v13, $0.0e+00  }
0x23b: {  	v50 =	vld [tilespmem:s25+$0x50];
	[tilespmem:s25+$0xFFFFFFB0] =	vst v13;
	v13 =	vmax.f32 v17, $0.0e+00  }
0x23c: {  	v14 =	vmul.f32 v14, v15;
	[tilespmem:s25+$0x30] =	vst v13;
	v13 =	vld [tilespmem:s9+$0x40]  }
0x23d: {  	s10 =	sor.u32 $0x440, s0;
	v15 =	vmul.f32 v37, v35;
	v42 =	vld [tilespmem:s14+$0x40]  }
0x23e: {  	s11 =	sor.u32 $0x440, s1;
	v43 =	vld [tilespmem:s10+$0x15D80];
	v14 =	vadd.f32 v38, v14  }
0x23f: {  	v45 =	vld [tilespmem:s11+$0x15D80];
	v15 =	vadd.f32 v40, v15  }
0x240: {  	v54 =	vld [tilespmem:s25+$0xFFFFFF60];
	v14 =	vmax.f32 v14, $0.0e+00  }
0x241: {  	v55 =	vld [tilespmem:s28+$0xF0];
	[tilespmem:s25+$0xD0] =	vst v14;
	v14 =	vmax.f32 v15, $0.0e+00;
	v13 =	vmul.f32 v13, v39  }
0x242: {  	v15 =	vld [tilespmem:s25+$0xE0];
	[tilespmem:s25+$0xFFFFFF40] =	vst v14;
	v17 =	vmul.f32 v42, v41  }
0x243: {  	v46 =	vld [tilespmem:s7+$0x50];
	v13 =	vadd.f32 v43, v13  }
0x244: {  	s18 =	sor.u32 $0x450, s15;
	v14 =	vld [tilespmem:s17+$0x60];
	v17 =	vadd.f32 v45, v17  }
0x245: {  	s13 =	sor.u32 $0x460, s6;
	v48 =	vld [tilespmem:s18+$0x15D80];
	v13 =	vmax.f32 v13, $0.0e+00  }
0x246: {  	v47 =	vld [tilespmem:s13+$0x15D80];
	[tilespmem:s25+$0xFFFFFFC0] =	vst v13;
	v13 =	vmax.f32 v17, $0.0e+00  }
0x247: {  	[tilespmem:s25+$0x40] =	vst v13;
	v52 =	vld [tilespmem:s9+$0x50]  }
0x248: {  	s19 =	sor.u32 $0x450, s0;
	v51 =	vmul.f32 v46, v44;
	v53 =	vld [tilespmem:s14+$0x50]  }
0x249: {  	s20 =	sor.u32 $0x450, s1;
	v14 =	vmul.f32 v14, v15;
	v15 =	vld [tilespmem:s19+$0x15D80]  }
0x24a: {  	v13 =	vld [tilespmem:s20+$0x15D80];
	v16 =	vadd.f32 v48, v51  }
0x24b: {  	v58 =	vld [tilespmem:s25+$0x60];
	v14 =	vadd.f32 v47, v14  }
0x24c: {  	v57 =	vld [tilespmem:s25+$0xFFFFFFE0];
	v16 =	vmax.f32 v16, $0.0e+00;
	v17 =	vmul.f32 v52, v49  }
0x24d: {  	v59 =	vld [tilespmem:s25+$0xF0];
	v14 =	vmax.f32 v14, $0.0e+00;
	[tilespmem:s25+$0xFFFFFF50] =	vst v16;
	v18 =	vmul.f32 v53, v50  }
0x24e: {  	[tilespmem:s25+$0xE0] =	vst v14;
	v56 =	vld [tilespmem:s7+$0x60];
	v15 =	vadd.f32 v15, v17  }
0x24f: {  	s21 =	sor.u32 $0x460, s15;
	v14 =	vld [tilespmem:s17+$0x70];
	v13 =	vadd.f32 v13, v18  }
0x250: {  	s22 =	sor.u32 $0x470, s6;
	v16 =	vld [tilespmem:s21+$0x15D80];
	v15 =	vmax.f32 v15, $0.0e+00  }
0x251: {  	[tilespmem:s25+$0xFFFFFFD0] =	vst v15;
	v13 =	vmax.f32 v13, $0.0e+00;
	v15 =	vld [tilespmem:s22+$0x15D80]  }
0x252: {  	v4 =	vmul.f32 v4, v55;
	[tilespmem:s25+$0x50] =	vst v13;
	v13 =	vld [tilespmem:s9+$0x60]  }
0x253: {  	s23 =	sor.u32 $0x460, s0;
	v19 =	vmul.f32 v56, v54;
	v60 =	vld [tilespmem:s14+$0x60]  }
0x254: {  	v4 =	vadd.f32 v9, v4;
	v9 =	vmul.f32 v12, v10;
	s24 =	sor.u32 $0x460, s1;
	v12 =	vld [tilespmem:s23+$0x15D80]  }
0x255: {  	v10 =	vmul.f32 v14, v59;
	v61 =	vld [tilespmem:s24+$0x15D80];
	v14 =	vadd.f32 v16, v19  }
0x256: {  	v4 =	vmax.f32 v4, $0.0e+00;
	v62 =	vadd.f32 v11, v9;
	v11 =	vld [tilespmem:s25+$0xFFFFFF70]  }
0x257: {  	v9 =	vld [tilespmem:s25+$0xFFFFFFF0];
	[tilespmem:s28+$0xF0] =	vst v4;
	v15 =	vadd.f32 v15, v10;
	v4 =	vmax.f32 v14, $0.0e+00  }
0x258: {  	s30 =	simm.s32 $0x4;
	s31 =	simm.s32 $0x4;
	p0 =	por !p0, !p0;
	v14 =	vmax.f32 v62, $0.0e+00;
	v10 =	vld [tilespmem:s25+$0x70];
	v13 =	vmul.f32 v13, v57;
	[tilespmem:s25+$0xFFFFFF60] =	vst v4;
	v17 =	vmul.f32 v60, v58  }
0x259: {  	s6 =	sor.u32 $0x470, s1;
	s0 =	sor.u32 $0x470, s0;
	s26 =	sor.u32 $0x470, s15;
	v4 =	vmul.f32 v8, v6;
	[tilespmem:s28+$0xFFFFFF70] =	vst v14;
	v6 =	vmax.f32 v15, $0.0e+00;
	v8 =	vld [tilespmem:s7+$0x70]  }
0x25a: {  	v5 =	vmul.f32 v7, v5;
	s3 =	sor.u32 $0x470, s4;
	s5 =	sor.u32 $0x470, s12;
	s12 =	simm.s32 $0x14080;
	v12 =	vadd.f32 v12, v13;
	[tilespmem:s25+$0xF0] =	vst v6;
	v6 =	vld [tilespmem:s26+$0x15D80];
	v7 =	vadd.f32 v61, v17  }
.LBB2_10:
0x25b: {  	_ = 	snop  }
0x25c: {  	v13 =	vld [tilespmem:s5+$0x15D80];
	v12 =	vmax.f32 v12, $0.0e+00  }
0x25d: {  	s2 =	simm.s32 $0x1;
	s8 =	sadd.s32 $0x4, s8;
	v7 =	vmax.f32 v7, $0.0e+00;
	[tilespmem:s25+$0xFFFFFFE0] =	vst v12;
	v12 =	vld [tilespmem:s3+$0x15D80]  }
0x25e: {  	s16 =	sadd.s32 $0x400, s16;
	s29 =	sadd.s32 $0x200, s29;
	[tilespmem:s25+$0x60] =	vst v7;
	s25 =	sadd.s32 $0x200, s25;
	v14 =	vld [tilespmem:s9+$0x70]  }
0x25f: {  	s2 =	simm.s32 @!p0 $0x0;
	s19 =	sand.u32 $0x3800, s16;
	s4 =	sadd.s32 $0x180, s29;
	v15 =	vld [tilespmem:s25+$0xFFFFFF80]  }
0x260: {  	s18 =	sand.u32 $0x7, s8;
	s3 =	sadd.s32 $0x15D80, s19;
	s4 =	sand.u32 $0x380, s4;
	v7 =	vmul.f32 v8, v11;
	v8 =	vld [tilespmem:s14+$0x70]  }
0x261: {  	s13 =	sshll.u32 s2, $0x9;
	s2 =	sshll.u32 s18, $0x7;
	s7 =	sadd.s32 s4, s3;
	v11 =	vld [tilespmem:s25+$0xFFFFFF00]  }
0x262: {  	s1 =	sand.u32 $0x3, s31;
	s2 =	sadd.s32 s16, s2;
	v16 =	vld [tilespmem:s7+$0x0];
	v6 =	vadd.f32 v6, v7;
	v7 =	vadd.f32 v13, v4  }
0x263: {  	s17 =	smov.u32 s6;
	s26 =	smov.u32 s28;
	s22 =	sadd.s32 $0x180, s2;
	v13 =	vld [tilespmem:s25+$0x80]  }
0x264: {  	s20 =	sadd.s32 $0x80, s29;
	s24 =	sand.u32 $0x200, s29;
	s10 =	sor.u32 $0x400, s22;
	v12 =	vadd.f32 v12, v5;
	v5 =	vmax.f32 v6, $0.0e+00;
	v6 =	vmax.f32 v7, $0.0e+00;
	v7 =	vld [tilespmem:s25+$0x0]  }
0x265: {  	s23 =	sadd.s32 $0x100, s29;
	s21 =	sand.u32 $0x280, s20;
	s15 =	sor.u32 s24, s3;
	v4 =	vmul.f32 v14, v9;
	v9 =	vld [tilespmem:s10+$0x15D80];
	[tilespmem:s12+$0xFFFFFF70] =	vst v5  }
0x266: {  	s1 =	sshll.u32 s1, $0x8;
	s6 =	sand.u32 $0x300, s23;
	s9 =	sadd.s32 s21, s3;
	v5 =	vmul.f32 v8, v10;
	v8 =	vmax.f32 v12, $0.0e+00;
	[tilespmem:s28+$0xFFFFFFF0] =	vst v6;
	v6 =	vld [tilespmem:s15+$0x0]  }
0x267: {  	s1 =	sadd.s32 s16, s1;
	s14 =	sadd.s32 s6, s3;
	s28 =	sadd.s32 $0x80, s2;
	[tilespmem:s26+$0x70] =	vst v8;
	v8 =	vld [tilespmem:s9+$0x0]  }
0x268: {  	s6 =	sadd.s32 $0x100, s1;
	s10 =	sor.u32 $0x400, s28;
	v10 =	vld [tilespmem:s14+$0x0];
	v12 =	vmul.f32 v16, v13  }
0x269: {  	s21 =	sadd.s32 s13, s16;
	s1 =	sor.u32 $0x400, s6;
	v13 =	vld [tilespmem:s10+$0x15D80]  }
0x26a: {  	s5 =	smov.u32 s0;
	s13 =	sor.u32 $0x400, s21;
	s19 =	sor.u32 $0x450, s6;
	v14 =	vld [tilespmem:s1+$0x15D80];
	v9 =	vadd.f32 v9, v12  }
0x26b: {  	s11 =	sor.u32 $0x410, s21;
	[dreg:$0xf] =	wrdreg s19;
	s0 =	sor.u32 $0x460, s28;
	v12 =	vld [tilespmem:s13+$0x15D80]  }
0x26c: {  	s4 =	sor.u32 $0x420, s21;
	[dreg:$0xb] =	wrdreg s0;
	s0 =	sor.u32 $0x460, s6;
	v6 =	vmul.f32 v6, v11;
	v11 =	vld [tilespmem:s25+$0xFFFFFF10];
	v8 =	vmul.f32 v8, v15;
	v9 =	vmax.f32 v9, $0.0e+00  }
0x26d: {  	s19 =	sor.u32 $0x450, s21;
	s10 =	sor.u32 $0x430, s21;
	[dreg:$0x9] =	wrdreg s0;
	v7 =	vmul.f32 v10, v7;
	[tilespmem:s25+$0x80] =	vst v9;
	v9 =	vld [tilespmem:s25+$0x90]  }
0x26e: {  	s0 =	sor.u32 $0x460, s21;
	s13 =	sor.u32 $0x440, s21;
	s21 =	sor.u32 $0x470, s21;
	v8 =	vadd.f32 v13, v8;
	v10 =	vld [tilespmem:s7+$0x10]  }
0x26f: {  	[dreg:$0x7] =	wrdreg s21;
	s21 =	sor.u32 $0x410, s22;
	v13 =	vld [tilespmem:s25+$0xFFFFFF90];
	v7 =	vadd.f32 v14, v7  }
0x270: {  	v6 =	vadd.f32 v12, v6;
	v12 =	vld [tilespmem:s21+$0x15D80];
	v8 =	vmax.f32 v8, $0.0e+00  }
0x271: {  	[tilespmem:s25+$0xFFFFFF80] =	vst v8;
	v7 =	vmax.f32 v7, $0.0e+00;
	v8 =	vld [tilespmem:s25+$0x10]  }
0x272: {  	v6 =	vmax.f32 v6, $0.0e+00;
	v14 =	vld [tilespmem:s9+$0x10];
	[tilespmem:s25+$0x0] =	vst v7  }
0x273: {  	[tilespmem:s25+$0xFFFFFF00] =	vst v6;
	v6 =	vld [tilespmem:s14+$0x10];
	v7 =	vmul.f32 v10, v9  }
0x274: {  	v9 =	vld [tilespmem:s15+$0x10]  }
0x275: {  	s26 =	sor.u32 $0x410, s28;
	v10 =	vld [tilespmem:s11+$0x15D80];
	v7 =	vadd.f32 v12, v7  }
0x276: {  	[dreg:$0x5] =	wrdreg s17;
	s17 =	sor.u32 $0x410, s6;
	v12 =	vld [tilespmem:s26+$0x15D80]  }
0x277: {  	v13 =	vmul.f32 v14, v13;
	v14 =	vld [tilespmem:s17+$0x15D80];
	v7 =	vmax.f32 v7, $0.0e+00  }
0x278: {  	[tilespmem:s25+$0x90] =	vst v7;
	v7 =	vld [tilespmem:s25+$0xA0]  }
0x279: {  	v6 =	vmul.f32 v6, v8;
	v8 =	vmul.f32 v9, v11;
	v9 =	vld [tilespmem:s7+$0x20]  }
0x27a: {  	s26 =	sor.u32 $0x420, s22  }
0x27b: {  	v8 =	vadd.f32 v10, v8;
	v10 =	vadd.f32 v12, v13;
	v12 =	vld [tilespmem:s26+$0x15D80]  }
0x27c: {  	v11 =	vld [tilespmem:s25+$0xFFFFFF20]  }
0x27d: {  	v13 =	vld [tilespmem:s25+$0xFFFFFFA0];
	v6 =	vadd.f32 v14, v6;
	v8 =	vmax.f32 v8, $0.0e+00  }
0x27e: {  	v10 =	vmax.f32 v10, $0.0e+00;
	v14 =	vld [tilespmem:s25+$0x20];
	[tilespmem:s25+$0xFFFFFF10] =	vst v8;
	v7 =	vmul.f32 v9, v7  }
0x27f: {  	[tilespmem:s25+$0xFFFFFF90] =	vst v10;
	v6 =	vmax.f32 v6, $0.0e+00;
	v9 =	vld [tilespmem:s15+$0x20]  }
0x280: {  	v10 =	vld [tilespmem:s9+$0x20];
	[tilespmem:s25+$0x10] =	vst v6;
	v6 =	vadd.f32 v12, v7  }
0x281: {  	s24 =	sor.u32 $0x420, s28;
	v12 =	vld [tilespmem:s4+$0x15D80]  }
0x282: {  	v15 =	vld [tilespmem:s24+$0x15D80];
	v6 =	vmax.f32 v6, $0.0e+00  }
0x283: {  	[tilespmem:s25+$0xA0] =	vst v6;
	v6 =	vld [tilespmem:s25+$0xB0]  }
0x284: {  	v9 =	vmul.f32 v9, v11;
	v11 =	vld [tilespmem:s7+$0x30]  }
0x285: {  	s11 =	sor.u32 $0x430, s22;
	v7 =	vld [tilespmem:s14+$0x20]  }
0x286: {  	v10 =	vmul.f32 v10, v13;
	v13 =	vld [tilespmem:s11+$0x15D80];
	v9 =	vadd.f32 v12, v9  }
0x287: {  	v60 =	vld [tilespmem:s25+$0x30];
	s18 =	sor.u32 $0x420, s6  }
0x288: {  	v12 =	vld [tilespmem:s18+$0x15D80];
	v9 =	vmax.f32 v9, $0.0e+00  }
0x289: {  	v8 =	vld [tilespmem:s25+$0xFFFFFF30];
	[tilespmem:s25+$0xFFFFFF20] =	vst v9;
	v6 =	vmul.f32 v11, v6  }
0x28a: {  	v10 =	vadd.f32 v15, v10;
	v11 =	vld [tilespmem:s15+$0x30]  }
0x28b: {  	v7 =	vmul.f32 v7, v14;
	v14 =	vld [tilespmem:s25+$0xFFFFFFB0];
	v6 =	vadd.f32 v13, v6  }
0x28c: {  	v10 =	vmax.f32 v10, $0.0e+00;
	v9 =	vld [tilespmem:s25+$0xFFFFFF40]  }
0x28d: {  	[tilespmem:s25+$0xFFFFFFA0] =	vst v10;
	v7 =	vadd.f32 v12, v7;
	v13 =	vld [tilespmem:s10+$0x15D80];
	v6 =	vmax.f32 v6, $0.0e+00  }
0x28e: {  	[tilespmem:s25+$0xB0] =	vst v6;
	v6 =	vld [tilespmem:s25+$0xC0]  }
0x28f: {  	v7 =	vmax.f32 v7, $0.0e+00;
	v8 =	vmul.f32 v11, v8;
	v11 =	vld [tilespmem:s9+$0x30]  }
0x290: {  	s17 =	sor.u32 $0x440, s22;
	[tilespmem:s25+$0x20] =	vst v7;
	v7 =	vld [tilespmem:s7+$0x40]  }
0x291: {  	v12 =	vld [tilespmem:s17+$0x15D80]  }
0x292: {  	s23 =	sor.u32 $0x430, s28;
	v8 =	vadd.f32 v13, v8;
	v13 =	vld [tilespmem:s14+$0x30]  }
0x293: {  	s2 =	sor.u32 $0x430, s6;
	v15 =	vld [tilespmem:s23+$0x15D80]  }
0x294: {  	v17 =	vld [tilespmem:s2+$0x15D80];
	v8 =	vmax.f32 v8, $0.0e+00  }
0x295: {  	v10 =	vld [tilespmem:s25+$0xFFFFFFC0];
	[tilespmem:s25+$0xFFFFFF30] =	vst v8;
	v6 =	vmul.f32 v7, v6  }
0x296: {  	v7 =	vmul.f32 v11, v14;
	v11 =	vld [tilespmem:s15+$0x40]  }
0x297: {  	v8 =	vld [tilespmem:s25+$0x40];
	v13 =	vmul.f32 v13, v60;
	v6 =	vadd.f32 v12, v6  }
0x298: {  	v12 =	vld [tilespmem:s13+$0x15D80];
	v7 =	vadd.f32 v15, v7  }
0x299: {  	v14 =	vld [tilespmem:s25+$0xFFFFFF50];
	v13 =	vadd.f32 v17, v13;
	v6 =	vmax.f32 v6, $0.0e+00  }
0x29a: {  	v7 =	vmax.f32 v7, $0.0e+00;
	[tilespmem:s25+$0xC0] =	vst v6;
	v6 =	vld [tilespmem:s25+$0xD0]  }
0x29b: {  	s18 =	sor.u32 $0x450, s22;
	v9 =	vmul.f32 v11, v9;
	[tilespmem:s25+$0xFFFFFFB0] =	vst v7;
	v11 =	vmax.f32 v13, $0.0e+00;
	v15 =	vld [tilespmem:s7+$0x50]  }
0x29c: {  	s3 =	sor.u32 $0x440, s28;
	[tilespmem:s25+$0x30] =	vst v11;
	v11 =	vld [tilespmem:s18+$0x15D80]  }
0x29d: {  	v61 =	vld [tilespmem:s3+$0x15D80];
	v9 =	vadd.f32 v12, v9  }
0x29e: {  	v12 =	vld [tilespmem:s9+$0x40]  }
0x29f: {  	s20 =	sor.u32 $0x440, s6;
	v13 =	vld [tilespmem:s14+$0x40];
	v9 =	vmax.f32 v9, $0.0e+00  }
0x2a0: {  	[tilespmem:s25+$0xFFFFFF40] =	vst v9;
	v9 =	vld [tilespmem:s20+$0x15D80];
	v6 =	vmul.f32 v15, v6  }
0x2a1: {  	v15 =	vld [tilespmem:s15+$0x50]  }
0x2a2: {  	v7 =	vld [tilespmem:s25+$0xFFFFFFD0];
	v6 =	vadd.f32 v11, v6  }
0x2a3: {  	v10 =	vmul.f32 v12, v10;
	v12 =	vld [tilespmem:s19+$0x15D80]  }
0x2a4: {  	v8 =	vmul.f32 v13, v8;
	v11 =	vld [tilespmem:s25+$0x50];
	v6 =	vmax.f32 v6, $0.0e+00  }
0x2a5: {  	v10 =	vadd.f32 v61, v10;
	[tilespmem:s25+$0xD0] =	vst v6;
	v6 =	vld [tilespmem:s25+$0xE0]  }
0x2a6: {  	v8 =	vadd.f32 v9, v8;
	v13 =	vmul.f32 v15, v14;
	v14 =	vld [tilespmem:s25+$0xFFFFFF60]  }
0x2a7: {  	s19 =	sor.u32 $0x460, s22;
	v10 =	vmax.f32 v10, $0.0e+00;
	v9 =	vld [tilespmem:s7+$0x60]  }
0x2a8: {  	[tilespmem:s25+$0xFFFFFFC0] =	vst v10;
	v8 =	vmax.f32 v8, $0.0e+00;
	v10 =	vld [tilespmem:s19+$0x15D80]  }
0x2a9: {  	v12 =	vadd.f32 v12, v13;
	v13 =	vld [tilespmem:s9+$0x50];
	[tilespmem:s25+$0x40] =	vst v8  }
0x2aa: {  	s1 =	sor.u32 $0x450, s28;
	v8 =	vld [tilespmem:s14+$0x50]  }
0x2ab: {  	s20 =	rddreg [dreg:$0xf];
	v15 =	vld [tilespmem:s1+$0x15D80];
	v12 =	vmax.f32 v12, $0.0e+00  }
0x2ac: {  	[tilespmem:s25+$0xFFFFFF50] =	vst v12;
	v6 =	vmul.f32 v9, v6;
	v9 =	vld [tilespmem:s20+$0x15D80]  }
0x2ad: {  	v12 =	vld [tilespmem:s15+$0x60]  }
0x2ae: {  	[dreg:$0xd] =	wrdreg s0;
	v7 =	vmul.f32 v13, v7;
	v13 =	vld [tilespmem:s25+$0x60];
	v6 =	vadd.f32 v10, v6  }
0x2af: {  	s21 =	rddreg [dreg:$0xd];
	v10 =	vld [tilespmem:s25+$0xFFFFFFE0];
	v8 =	vmul.f32 v8, v11  }
0x2b0: {  	v11 =	vld [tilespmem:s21+$0x15D80];
	v7 =	vadd.f32 v15, v7;
	v6 =	vmax.f32 v6, $0.0e+00  }
0x2b1: {  	[tilespmem:s25+$0xE0] =	vst v6;
	v6 =	vld [tilespmem:s25+$0xF0];
	v8 =	vadd.f32 v9, v8  }
0x2b2: {  	s22 =	sor.u32 $0x470, s22;
	v7 =	vmax.f32 v7, $0.0e+00;
	v9 =	vld [tilespmem:s7+$0x70]  }
0x2b3: {  	[tilespmem:s25+$0xFFFFFFD0] =	vst v7;
	v7 =	vmax.f32 v8, $0.0e+00;
	v8 =	vld [tilespmem:s22+$0x15D80]  }
0x2b4: {  	v12 =	vmul.f32 v12, v14;
	v14 =	vld [tilespmem:s9+$0x60];
	[tilespmem:s25+$0x50] =	vst v7  }
0x2b5: {  	s23 =	rddreg [dreg:$0xb];
	v7 =	vld [tilespmem:s14+$0x60]  }
0x2b6: {  	s30 =	sadd.s32 $0x4, s30;
	s24 =	rddreg [dreg:$0x9];
	v15 =	vld [tilespmem:s23+$0x15D80]  }
0x2b7: {  	p1 =	slt.u32 s30, $0x3C;
	v62 =	vld [tilespmem:s24+$0x15D80];
	v6 =	vmul.f32 v9, v6;
	v9 =	vadd.f32 v11, v12  }
.Ltmp6:
0x2b8: {  	v11 =	vld [tilespmem:s25+$0xFFFFFF70];
	(pc) =	sbr.rel @p1 .LBB2_10-.Ltmp6, $4  }
0x2b9: {  	v12 =	vmul.f32 v14, v10;
	v10 =	vld [tilespmem:s25+$0x70];
	v6 =	vadd.f32 v8, v6;
	v8 =	vmax.f32 v9, $0.0e+00  }
0x2ba: {  	s31 =	sadd.s32 $0x2, s31;
	p0 =	por !p0, !p0;
	v9 =	vld [tilespmem:s25+$0xFFFFFFF0];
	[tilespmem:s25+$0xFFFFFF60] =	vst v8;
	v7 =	vmul.f32 v7, v13  }
0x2bb: {  	s6 =	sor.u32 $0x470, s6;
	s0 =	sor.u32 $0x470, s28;
	s26 =	rddreg [dreg:$0x7];
	v6 =	vmax.f32 v6, $0.0e+00;
	v8 =	vld [tilespmem:s15+$0x70]  }
0x2bc: {  	s28 =	smov.u32 s12;
	s12 =	smov.u32 s25;
	s3 =	rddreg [dreg:$0x5];
	v12 =	vadd.f32 v15, v12;
	[tilespmem:s25+$0xF0] =	vst v6;
	v6 =	vld [tilespmem:s26+$0x15D80];
	v7 =	vadd.f32 v62, v7  }
0x2bd: {  	_ = 	snop  }
0x2be: {  	v13 =	vld [tilespmem:s5+$0x15D80];
	v12 =	vmax.f32 v12, $0.0e+00  }
0x2bf: {  	v57 =	vld [tilespmem:s3+$0x15D80];
	v7 =	vmax.f32 v7, $0.0e+00;
	[tilespmem:s25+$0xFFFFFFE0] =	vst v12  }
0x2c0: {  	[tilespmem:s25+$0x60] =	vst v7;
	v14 =	vld [tilespmem:s9+$0x70]  }
0x2c1: {  	v7 =	vld [tilespmem:s14+$0x70]  }
0x2c2: {  	v8 =	vmul.f32 v8, v11;
	v58 =	vld [tilespmem:s0+$0x15D80]  }
0x2c3: {  	v15 =	vld [tilespmem:s6+$0x15D80]  }
0x2c4: {  	v6 =	vadd.f32 v6, v8  }
0x2c5: {  	v4 =	vadd.f32 v13, v4;
	v59 =	vmul.f32 v14, v9  }
0x2c6: {  	v5 =	vadd.f32 v57, v5;
	v6 =	vmax.f32 v6, $0.0e+00;
	v7 =	vmul.f32 v7, v10  }
0x2c7: {  	v4 =	vmax.f32 v4, $0.0e+00;
	[tilespmem:s12+$0xFFFFFF70] =	vst v6;
	v60 =	vadd.f32 v58, v59  }
0x2c8: {  	v5 =	vmax.f32 v5, $0.0e+00;
	[tilespmem:s28+$0xFFFFFFF0] =	vst v4;
	v4 =	vadd.f32 v15, v7  }
0x2c9: {  	[tilespmem:s28+$0x70] =	vst v5;
	v5 =	vmax.f32 v60, $0.0e+00  }
0x2ca: {  	v4 =	vmax.f32 v4, $0.0e+00;
	[tilespmem:s12+$0xFFFFFFF0] =	vst v5  }
0x2cb: {  	[tilespmem:s12+$0x70] =	vst v4  }
0x2cc: {  	v4 =	vld [tilespmem:$0x13C80]  }
0x2cd: {  	v5 =	vld [tilespmem:$0x13C90]  }
0x2ce: {  	v61 =	vld [tilespmem:$0x13CA0]  }
0x2cf: {  	v62 =	vld [tilespmem:$0x13CB0];
	_ =	sdelay $0x1  }
0x2d0: {  	[tilespmem:$0x1FF00] =	vst v4  }
0x2d1: {  	s31 =	rddreg [dreg:$0x3];
	[tilespmem:$0x1FF10] =	vst v5  }
0x2d2: {  	s1 =	simm.s32 $0x40;
	s7 =	simm.s32 $0x13D80;
	s6 =	sld [smem:$0x7EA];
	[tilespmem:$0x1FF20] =	vst v61  }
0x2d3: {  	s2 =	simm.s32 $0x1FF00;
	s18 =	simm.s32 $0x0;
	s8 =	sld [smem:$0x7E8];
	[tilespmem:$0x1FF30] =	vst v62  }
0x2d4: {  	[spmem:s31] =	stream.indirect.scatter.add.f32 [tilespmem:s7], [sflag:$0x7], $0x80, s2, s1, $0xb8;
	v63 =	vld [tilespmem:$0x0]  }
.LBB2_12:
0x2d5: {  	s0 =	sld [smem:$0x7FB];
	_ =	sdelay $0x2  }
0x2d6: {  	s0 =	sadd.s32 s0, s6  }
0x2d7: {  	p0 =	sgt.u32 s0, $0x9C3  }
.Ltmp7:
0x2d8: {  	_ = 	snop;
	(pc) =	sbr.rel @p0 .LBB2_14-.Ltmp7, $1  }
0x2d9: {  	_ =	sdelay $0x3  }
0x2da: {  	s1 =	sshll.u32 s0, $0x7  }
0x2db: {  	s4 =	rddreg [dreg:$0x1e];
	s2 =	sand.u32 $0x7EF00, s1  }
0x2dc: {  	s3 =	rddreg [dreg:$0x1];
	s1 =	sor.u32 s4, s1;
	s2 =	sor.u32 s4, s2  }
0x2dd: {  	s5 =	simm.s32 $0x13C00;
	s1 =	sshrl.u32 s1, $0x3;
	s2 =	sshrl.u32 s2, $0x3  }
0x2de: {  	s13 =	simm.s32 $0x13C80;
	s1 =	sor.u32 $0x10, s1;
	s2 =	sadd.s32 s3, s2  }
0x2df: {  	[tilespmem:s5], [sflag:$0x1] =	stream.linear.gather [hbm4b:s2+s18], $0x40, $0x38;
	v63 =	vld [tilespmem:$0x0]  }
0x2e0: {  	s14 =	sshll.u32 s0, $0x3;
	s15 =	rddreg [dreg:$0x2];
	s1 =	sadd.s32 s3, s1  }
0x2e1: {  	[tilespmem:s13], [sflag:$0x1] =	stream.linear.gather [hbm4b:s1+s18], $0x40, $0x38;
	v63 =	vld [tilespmem:$0x0]  }
0x2e2: {  	s16 =	simm.s32 $0x13D00;
	s17 =	simm.s32 $0x7;
	s0 =	sadd.s32 s15, s14  }
0x2e3: {  	[tilespmem:s16], [sflag:$0x1] =	stream.linear.gather [hbm4b:s0+s18], $0x40, $0x38;
	v63 =	vld [tilespmem:$0x0]  }
0x2e4: {  	_ =	swait.ge [sflag:s17], $0x2000  }
0x2e5: {  	[sflag:s17] =	ssyncset.done $0x0  }
0x2e6: {  	s19 =	simm.s32 $0x1;
	[sflag:s17] =	ssyncadd.s32 $0xFFFFE000  }
0x2e7: {  	_ =	swait.ge [sflag:s19], $0x40  }
0x2e8: {  	[sflag:s19] =	ssyncset.done $0x0  }
0x2e9: {  	[sflag:s19] =	ssyncadd.s32 $0xFFFFFFC0  }
0x2ea: {  	_ =	swait.ge [sflag:s19], $0x40  }
0x2eb: {  	[sflag:s19] =	ssyncset.done $0x0  }
0x2ec: {  	[sflag:s19] =	ssyncadd.s32 $0xFFFFFFC0  }
0x2ed: {  	_ =	swait.ge [sflag:s19], $0x40  }
0x2ee: {  	[sflag:s19] =	ssyncset.done $0x0  }
0x2ef: {  	[sflag:s19] =	ssyncadd.s32 $0xFFFFFFC0  }
0x2f0: {  	v4 =	vld [tilespmem:$0x13D00]  }
0x2f1: {  	v5 =	vld [tilespmem:$0x13C00]  }
0x2f2: {  	v6 =	vld [tilespmem:$0x13C80]  }
0x2f3: {  	v7 =	vld [tilespmem:$0x13D10]  }
0x2f4: {  	v8 =	vld [tilespmem:$0x13C10]  }
0x2f5: {  	v9 =	vld [tilespmem:$0x13C90]  }
0x2f6: {  	v10 =	vld [tilespmem:$0x13D20]  }
0x2f7: {  	v11 =	vld [tilespmem:$0x13C20];
	v4 =	vmul.u32 $0x2710, v4  }
0x2f8: {  	v12 =	vld [tilespmem:$0x13D30]  }
0x2f9: {  	v13 =	vld [tilespmem:$0x13CA0];
	v7 =	vmul.u32 $0x2710, v7;
	v5 =	vadd.s32 v5, v4  }
0x2fa: {  	v4 =	vadd.s32 v4, v6;
	[tilespmem:$0x13C00] =	vst v5;
	v5 =	vld [tilespmem:$0x13C30]  }
0x2fb: {  	v61 =	vld [tilespmem:$0x13CB0];
	v60 =	vmul.u32 $0x2710, v10;
	[tilespmem:$0x13D00] =	vst v4;
	v4 =	vadd.s32 v8, v7  }
0x2fc: {  	[tilespmem:$0x13C10] =	vst v4;
	v4 =	vadd.s32 v7, v9  }
0x2fd: {  	v62 =	vmul.u32 $0x2710, v12;
	[tilespmem:$0x13D10] =	vst v4;
	v4 =	vadd.s32 v11, v60  }
0x2fe: {  	[tilespmem:$0x13C20] =	vst v4;
	v4 =	vadd.s32 v60, v13  }
0x2ff: {  	[tilespmem:$0x13D20] =	vst v4;
	v4 =	vadd.s32 v5, v62  }
0x300: {  	[tilespmem:$0x13C30] =	vst v4;
	v4 =	vadd.s32 v62, v61  }
0x301: {  	s21 =	simm.s32 $0x40;
	s20 =	rddreg [dreg:$0x1c];
	[tilespmem:$0x13D30] =	vst v4  }
0x302: {  	[tilespmem:s7], [sflag:$0x2] =	stream.indirect.gather [hbm4b:s20+s21], $0x80, s5, s21, $0xb8;
	v63 =	vld [tilespmem:$0x0]  }
0x303: {  	v4 =	vld [tilespmem:$0x13D00];
	_ =	sdelay $0x4  }
0x304: {  	v5 =	vshll.u32 v4, $0x1  }
0x305: {  	v4 =	vand.u32 $0x7, v4;
	v5 =	vand.u32 $0xFFFFFFF0, v5  }
0x306: {  	v4 =	vor.u32 v4, v5  }
0x307: {  	v5 =	vperm.xlane v4, v0;
	_ =	sdelay $0x1  }
0x308: {  	v4 =	vperm.xlane v4, v2;
	v5 =	vadd.s32 v1, v5;
	_ =	sdelay $0x1  }
0x309: {  	v4 =	vadd.s32 v1, v4;
	_ =	sdelay $0x1  }
0x30a: {  	s23 =	simm.s32 $0x15D80;
	s22 =	rddreg [dreg:$0x1d]  }
0x30b: {  	[tilespmem:s23], [sflag:$0x3] =	stream.indirect_vreg.gather [hbm4b:s22+s18], $0x80, v5, vm0, $0xb8;
	v63 =	vld [tilespmem:$0x0]  }
0x30c: {  	s24 =	simm.s32 $0x16580  }
0x30d: {  	[tilespmem:s24], [sflag:$0x3] =	stream.indirect_vreg.gather [hbm4b:s22+s18], $0x80, v4, vm0, $0xb8;
	v63 =	vld [tilespmem:$0x0]  }
0x30e: {  	v4 =	vld [tilespmem:$0x13D10];
	_ =	sdelay $0x4  }
0x30f: {  	v5 =	vshll.u32 v4, $0x1  }
0x310: {  	v4 =	vand.u32 $0x7, v4;
	v5 =	vand.u32 $0xFFFFFFF0, v5  }
0x311: {  	v4 =	vor.u32 v4, v5  }
0x312: {  	v5 =	vperm.xlane v4, v0;
	_ =	sdelay $0x1  }
0x313: {  	v4 =	vperm.xlane v4, v2;
	v5 =	vadd.s32 v1, v5;
	_ =	sdelay $0x1  }
0x314: {  	v4 =	vadd.s32 v1, v4;
	_ =	sdelay $0x1  }
0x315: {  	s25 =	simm.s32 $0x16D80  }
0x316: {  	[tilespmem:s25], [sflag:$0x3] =	stream.indirect_vreg.gather [hbm4b:s22+s18], $0x80, v5, vm0, $0xb8;
	v63 =	vld [tilespmem:$0x0]  }
0x317: {  	s26 =	simm.s32 $0x17580  }
0x318: {  	[tilespmem:s26], [sflag:$0x3] =	stream.indirect_vreg.gather [hbm4b:s22+s18], $0x80, v4, vm0, $0xb8;
	v63 =	vld [tilespmem:$0x0]  }
0x319: {  	v4 =	vld [tilespmem:$0x13D20];
	_ =	sdelay $0x4  }
0x31a: {  	v5 =	vshll.u32 v4, $0x1  }
0x31b: {  	v4 =	vand.u32 $0x7, v4;
	v5 =	vand.u32 $0xFFFFFFF0, v5  }
0x31c: {  	v4 =	vor.u32 v4, v5  }
0x31d: {  	v5 =	vperm.xlane v4, v0;
	_ =	sdelay $0x1  }
0x31e: {  	v4 =	vperm.xlane v4, v2;
	v5 =	vadd.s32 v1, v5;
	_ =	sdelay $0x1  }
0x31f: {  	v4 =	vadd.s32 v1, v4;
	_ =	sdelay $0x1  }
0x320: {  	s28 =	simm.s32 $0x17D80  }
0x321: {  	[tilespmem:s28], [sflag:$0x3] =	stream.indirect_vreg.gather [hbm4b:s22+s18], $0x80, v5, vm0, $0xb8;
	v63 =	vld [tilespmem:$0x0]  }
0x322: {  	s29 =	simm.s32 $0x18580  }
0x323: {  	[tilespmem:s29], [sflag:$0x3] =	stream.indirect_vreg.gather [hbm4b:s22+s18], $0x80, v4, vm0, $0xb8;
	v63 =	vld [tilespmem:$0x0]  }
0x324: {  	v4 =	vld [tilespmem:$0x13D30];
	_ =	sdelay $0x4  }
0x325: {  	v5 =	vshll.u32 v4, $0x1  }
0x326: {  	v4 =	vand.u32 $0x7, v4;
	v5 =	vand.u32 $0xFFFFFFF0, v5  }
0x327: {  	v4 =	vor.u32 v4, v5  }
0x328: {  	v5 =	vperm.xlane v4, v0;
	_ =	sdelay $0x1  }
0x329: {  	v4 =	vperm.xlane v4, v2;
	v5 =	vadd.s32 v1, v5;
	_ =	sdelay $0x1  }
0x32a: {  	v4 =	vadd.s32 v1, v4;
	_ =	sdelay $0x1  }
0x32b: {  	s30 =	simm.s32 $0x18D80  }
0x32c: {  	[tilespmem:s30], [sflag:$0x3] =	stream.indirect_vreg.gather [hbm4b:s22+s18], $0x80, v5, vm0, $0xb8;
	v63 =	vld [tilespmem:$0x0]  }
0x32d: {  	s31 =	simm.s32 $0x19580  }
0x32e: {  	[tilespmem:s31], [sflag:$0x3] =	stream.indirect_vreg.gather [hbm4b:s22+s18], $0x80, v4, vm0, $0xb8;
	v63 =	vld [tilespmem:$0x0]  }
.LBB2_14:
0x32f: {  	p0 =	sgt.u32 s8, $0x9A3  }
.Ltmp8:
0x330: {  	_ = 	snop;
	(pc) =	sbr.rel @p0 .LBB2_18-.Ltmp8, $1  }
0x331: {  	_ =	sdelay $0x3  }
0x332: {  	s0 =	simm.s32 $0x5  }
0x333: {  	_ =	swait.ge [sflag:s0], $0x2000  }
0x334: {  	s6 =	simm.s32 $0x6;
	[sflag:s0] =	ssyncset.done $0x0  }
0x335: {  	s2 =	simm.s32 $0x0;
	s28 =	simm.s32 $0x1A000;
	[sflag:s0] =	ssyncadd.s32 $0xFFFFE000  }
0x336: {  	s3 =	simm.s32 $0x180;
	s7 =	sand.u32 $0x7, s2;
	_ =	swait.ge [sflag:s6], $0x4000  }
0x337: {  	s1 =	sand.u32 $0x3800, s2;
	s8 =	sand.u32 $0x380, s3;
	[sflag:s6] =	ssyncset.done $0x0  }
0x338: {  	s4 =	sadd.s32 $0x1BF00, s1;
	s0 =	sshll.u32 s7, $0x7;
	[sflag:s6] =	ssyncadd.s32 $0xFFFFC000  }
0x339: {  	s1 =	sadd.s32 s8, s4;
	s9 =	sadd.s32 $0x0, s0;
	v4 =	vld [tilespmem:s28+$0x80]  }
0x33a: {  	s6 =	sadd.s32 $0x180, s9;
	v5 =	vld [tilespmem:s1+$0x0]  }
0x33b: {  	p0 =	por $0x0, $0x0;
	s0 =	simm.s32 $0x1;
	s10 =	sor.u32 $0x400, s6  }
0x33c: {  	s0 =	simm.s32 @!p0 $0x0;
	v6 =	vld [tilespmem:s10+$0x1BF00]  }
0x33d: {  	s11 =	sand.u32 $0x200, s2;
	s5 =	sshll.u32 s0, $0x9  }
0x33e: {  	s8 =	simm.s32 $0x80;
	s0 =	sadd.s32 s11, s4;
	v7 =	vld [tilespmem:s28+$0xFFFFFF80];
	s5 =	sadd.s32 $0x0, s5  }
0x33f: {  	s12 =	sand.u32 $0x280, s8;
	v8 =	vld [tilespmem:s0+$0x0];
	s7 =	sor.u32 $0x400, s5;
	v4 =	vmul.f32 v5, v4  }
0x340: {  	s13 =	simm.s32 $0x100;
	v9 =	vld [tilespmem:s7+$0x1BF00];
	s7 =	sadd.s32 s12, s4  }
0x341: {  	s8 =	sand.u32 $0x300, s13;
	v11 =	vld [tilespmem:s7+$0x0];
	v4 =	vadd.f32 v6, v4  }
0x342: {  	s12 =	sadd.s32 $0x80, s9;
	s9 =	sadd.s32 s8, s4;
	v5 =	vld [tilespmem:s28+$0xFFFFFF00]  }
0x343: {  	v13 =	vld [tilespmem:s9+$0x0];
	v4 =	vmax.f32 v4, $0.0e+00  }
0x344: {  	s2 =	sand.u32 $0x3, s2;
	[tilespmem:s28+$0x80] =	vst v4;
	v4 =	vld [tilespmem:s28+$0x90]  }
0x345: {  	s2 =	sshll.u32 s2, $0x8;
	v10 =	vld [tilespmem:s1+$0x10]  }
0x346: {  	s2 =	sadd.s32 $0x0, s2;
	s10 =	sor.u32 $0x410, s6;
	v6 =	vld [tilespmem:s28+$0x0]  }
0x347: {  	s4 =	sadd.s32 $0x100, s2;
	s14 =	sor.u32 $0x400, s12;
	v5 =	vmul.f32 v8, v5;
	v12 =	vld [tilespmem:s10+$0x1BF00]  }
0x348: {  	s15 =	sor.u32 $0x400, s4;
	v8 =	vld [tilespmem:s14+$0x1BF00]  }
0x349: {  	v14 =	vld [tilespmem:s15+$0x1BF00];
	v5 =	vadd.f32 v9, v5  }
0x34a: {  	v7 =	vmul.f32 v11, v7;
	v11 =	vld [tilespmem:s28+$0x10];
	v4 =	vmul.f32 v10, v4  }
0x34b: {  	v9 =	vld [tilespmem:s28+$0xFFFFFF10];
	v5 =	vmax.f32 v5, $0.0e+00  }
0x34c: {  	[tilespmem:s28+$0xFFFFFF00] =	vst v5;
	v10 =	vld [tilespmem:s28+$0xFFFFFF90];
	v4 =	vadd.f32 v12, v4  }
0x34d: {  	s16 =	sor.u32 $0x410, s5;
	v5 =	vmul.f32 v13, v6;
	v6 =	vadd.f32 v8, v7;
	v7 =	vld [tilespmem:s0+$0x10]  }
0x34e: {  	v8 =	vld [tilespmem:s16+$0x1BF00];
	v4 =	vmax.f32 v4, $0.0e+00  }
0x34f: {  	[tilespmem:s28+$0x90] =	vst v4;
	v4 =	vadd.f32 v14, v5;
	v5 =	vmax.f32 v6, $0.0e+00;
	v6 =	vld [tilespmem:s28+$0xA0]  }
0x350: {  	[tilespmem:s28+$0xFFFFFF80] =	vst v5;
	v5 =	vld [tilespmem:s1+$0x20]  }
0x351: {  	s18 =	sor.u32 $0x410, s12;
	v12 =	vld [tilespmem:s7+$0x10]  }
0x352: {  	s17 =	sor.u32 $0x420, s6;
	v7 =	vmul.f32 v7, v9;
	v4 =	vmax.f32 v4, $0.0e+00;
	v9 =	vld [tilespmem:s18+$0x1BF00]  }
0x353: {  	[tilespmem:s28+$0x0] =	vst v4;
	v4 =	vld [tilespmem:s17+$0x1BF00]  }
0x354: {  	v7 =	vadd.f32 v8, v7;
	v8 =	vld [tilespmem:s28+$0xFFFFFFA0]  }
0x355: {  	s19 =	sor.u32 $0x410, s4;
	v13 =	vld [tilespmem:s9+$0x10]  }
0x356: {  	v14 =	vld [tilespmem:s19+$0x1BF00];
	v7 =	vmax.f32 v7, $0.0e+00;
	v5 =	vmul.f32 v5, v6  }
0x357: {  	[tilespmem:s28+$0xFFFFFF10] =	vst v7;
	v6 =	vld [tilespmem:s28+$0xFFFFFF20]  }
0x358: {  	s20 =	sor.u32 $0x420, s5;
	v7 =	vmul.f32 v12, v10;
	v10 =	vld [tilespmem:s0+$0x20];
	v4 =	vadd.f32 v4, v5  }
0x359: {  	v12 =	vld [tilespmem:s20+$0x1BF00]  }
0x35a: {  	v5 =	vld [tilespmem:s28+$0x20];
	v4 =	vmax.f32 v4, $0.0e+00  }
0x35b: {  	v11 =	vmul.f32 v13, v11;
	v13 =	vld [tilespmem:s28+$0xFFFFFF30];
	[tilespmem:s28+$0xA0] =	vst v4;
	v4 =	vadd.f32 v9, v7  }
0x35c: {  	v7 =	vld [tilespmem:s28+$0xB0]  }
0x35d: {  	s21 =	sor.u32 $0x430, s6;
	v9 =	vadd.f32 v14, v11;
	v11 =	vld [tilespmem:s1+$0x30];
	v6 =	vmul.f32 v10, v6;
	v4 =	vmax.f32 v4, $0.0e+00  }
0x35e: {  	[tilespmem:s28+$0xFFFFFF90] =	vst v4;
	v4 =	vld [tilespmem:s21+$0x1BF00]  }
0x35f: {  	v9 =	vmax.f32 v9, $0.0e+00;
	v6 =	vadd.f32 v12, v6;
	v12 =	vld [tilespmem:s28+$0xFFFFFFB0]  }
0x360: {  	[tilespmem:s28+$0x10] =	vst v9;
	v14 =	vld [tilespmem:s7+$0x20]  }
0x361: {  	s22 =	sor.u32 $0x420, s12;
	v9 =	vld [tilespmem:s9+$0x20]  }
0x362: {  	s23 =	sor.u32 $0x420, s4;
	v10 =	vld [tilespmem:s22+$0x1BF00];
	v7 =	vmul.f32 v11, v7  }
0x363: {  	v6 =	vmax.f32 v6, $0.0e+00;
	v11 =	vld [tilespmem:s23+$0x1BF00]  }
0x364: {  	[tilespmem:s28+$0xFFFFFF20] =	vst v6;
	v4 =	vadd.f32 v4, v7;
	v7 =	vld [tilespmem:s28+$0x30]  }
0x365: {  	s24 =	sor.u32 $0x430, s5;
	v6 =	vmul.f32 v14, v8;
	v8 =	vld [tilespmem:s0+$0x30]  }
0x366: {  	v14 =	vld [tilespmem:s24+$0x1BF00];
	s24 =	simm.s32 $0x1A200  }
0x367: {  	v15 =	vld [tilespmem:s24+$0x80]  }
0x368: {  	v18 =	vld [tilespmem:s24+$0xFFFFFF80]  }
0x369: {  	v20 =	vld [tilespmem:s24+$0x0]  }
0x36a: {  	v49 =	vld [tilespmem:s24+$0xFFFFFF10]  }
0x36b: {  	v52 =	vld [tilespmem:s24+$0xFFFFFF90]  }
0x36c: {  	v57 =	vld [tilespmem:s24+$0xFFFFFF20]  }
0x36d: {  	v58 =	vld [tilespmem:s24+$0xB0]  }
0x36e: {  	v61 =	vld [tilespmem:s24+$0xFFFFFFA0]  }
0x36f: {  	v22 =	vld [tilespmem:s24+$0x20]  }
0x370: {  	v4 =	vmax.f32 v4, $0.0e+00;
	v25 =	vld [tilespmem:s24+$0xFFFFFF30]  }
0x371: {  	[tilespmem:s28+$0xB0] =	vst v4;
	v4 =	vmul.f32 v9, v5;
	v5 =	vadd.f32 v10, v6;
	v6 =	vld [tilespmem:s28+$0xC0]  }
0x372: {  	v10 =	vld [tilespmem:s28+$0xFFFFFF40]  }
0x373: {  	v9 =	vld [tilespmem:s1+$0x40];
	v4 =	vadd.f32 v11, v4  }
0x374: {  	s25 =	sor.u32 $0x440, s6;
	v5 =	vmax.f32 v5, $0.0e+00;
	v11 =	vld [tilespmem:s28+$0xFFFFFFC0]  }
0x375: {  	[tilespmem:s28+$0xFFFFFFA0] =	vst v5;
	v5 =	vld [tilespmem:s25+$0x1BF00];
	v8 =	vmul.f32 v8, v13;
	v4 =	vmax.f32 v4, $0.0e+00  }
0x376: {  	[tilespmem:s28+$0x20] =	vst v4;
	v4 =	vld [tilespmem:s7+$0x30]  }
0x377: {  	s26 =	sor.u32 $0x430, s12;
	v8 =	vadd.f32 v14, v8;
	v13 =	vld [tilespmem:s9+$0x30]  }
0x378: {  	s31 =	sor.u32 $0x430, s4;
	v6 =	vmul.f32 v9, v6;
	v9 =	vld [tilespmem:s26+$0x1BF00]  }
0x379: {  	v14 =	vld [tilespmem:s31+$0x1BF00];
	v8 =	vmax.f32 v8, $0.0e+00  }
0x37a: {  	v5 =	vadd.f32 v5, v6;
	[tilespmem:s28+$0xFFFFFF30] =	vst v8;
	v6 =	vld [tilespmem:s28+$0x40]  }
0x37b: {  	s3 =	sor.u32 $0x440, s5;
	v8 =	vld [tilespmem:s0+$0x40];
	v4 =	vmul.f32 v4, v12  }
0x37c: {  	v5 =	vmax.f32 v5, $0.0e+00;
	v12 =	vld [tilespmem:s3+$0x1BF00];
	v7 =	vmul.f32 v13, v7  }
0x37d: {  	[tilespmem:s28+$0xC0] =	vst v5;
	v5 =	vld [tilespmem:s28+$0xD0];
	v4 =	vadd.f32 v9, v4  }
0x37e: {  	v9 =	vld [tilespmem:s1+$0x50];
	v7 =	vadd.f32 v14, v7  }
0x37f: {  	s8 =	sor.u32 $0x450, s6;
	v13 =	vld [tilespmem:s28+$0xFFFFFF50];
	v4 =	vmax.f32 v4, $0.0e+00  }
0x380: {  	v8 =	vmul.f32 v8, v10;
	[tilespmem:s28+$0xFFFFFFB0] =	vst v4;
	v4 =	vmax.f32 v7, $0.0e+00;
	v7 =	vld [tilespmem:s8+$0x1BF00]  }
0x381: {  	[tilespmem:s28+$0x30] =	vst v4;
	v4 =	vld [tilespmem:s7+$0x40]  }
0x382: {  	s10 =	sor.u32 $0x440, s12;
	v8 =	vadd.f32 v12, v8;
	v10 =	vld [tilespmem:s9+$0x40]  }
0x383: {  	s11 =	sor.u32 $0x440, s4;
	v12 =	vld [tilespmem:s10+$0x1BF00];
	v5 =	vmul.f32 v9, v5  }
0x384: {  	v9 =	vld [tilespmem:s11+$0x1BF00];
	v8 =	vmax.f32 v8, $0.0e+00  }
0x385: {  	v14 =	vld [tilespmem:s28+$0xFFFFFFD0];
	[tilespmem:s28+$0xFFFFFF40] =	vst v8;
	v5 =	vadd.f32 v7, v5  }
0x386: {  	s13 =	sor.u32 $0x450, s5;
	v7 =	vld [tilespmem:s0+$0x50];
	v4 =	vmul.f32 v4, v11  }
0x387: {  	v6 =	vmul.f32 v10, v6;
	v5 =	vmax.f32 v5, $0.0e+00;
	v10 =	vld [tilespmem:s13+$0x1BF00]  }
0x388: {  	v4 =	vadd.f32 v12, v4;
	[tilespmem:s28+$0xD0] =	vst v5;
	v5 =	vld [tilespmem:s28+$0xE0]  }
0x389: {  	v6 =	vadd.f32 v9, v6;
	v9 =	vld [tilespmem:s1+$0x60]  }
0x38a: {  	s14 =	sor.u32 $0x460, s6;
	v8 =	vld [tilespmem:s28+$0x50];
	v4 =	vmax.f32 v4, $0.0e+00  }
0x38b: {  	v7 =	vmul.f32 v7, v13;
	[tilespmem:s28+$0xFFFFFFC0] =	vst v4;
	v4 =	vmax.f32 v6, $0.0e+00;
	v6 =	vld [tilespmem:s14+$0x1BF00]  }
0x38c: {  	v11 =	vld [tilespmem:s7+$0x50];
	[tilespmem:s28+$0x40] =	vst v4  }
0x38d: {  	s15 =	sor.u32 $0x450, s12;
	v7 =	vadd.f32 v10, v7;
	v4 =	vld [tilespmem:s9+$0x50]  }
0x38e: {  	s16 =	sor.u32 $0x450, s4;
	v10 =	vld [tilespmem:s15+$0x1BF00];
	v5 =	vmul.f32 v9, v5  }
0x38f: {  	v9 =	vld [tilespmem:s16+$0x1BF00];
	v7 =	vmax.f32 v7, $0.0e+00  }
0x390: {  	v12 =	vld [tilespmem:s28+$0xFFFFFF60];
	[tilespmem:s28+$0xFFFFFF50] =	vst v7;
	v5 =	vadd.f32 v6, v5  }
0x391: {  	v7 =	vld [tilespmem:s0+$0x60];
	v6 =	vmul.f32 v11, v14  }
0x392: {  	s16 =	simm.s32 $0x400;
	v11 =	vld [tilespmem:s28+$0x60];
	v4 =	vmul.f32 v4, v8;
	v5 =	vmax.f32 v5, $0.0e+00  }
0x393: {  	s17 =	sor.u32 $0x460, s5;
	s22 =	simm.s32 $0x380;
	s21 =	sand.u32 $0x3800, s16;
	v8 =	vld [tilespmem:s28+$0xFFFFFFE0];
	v6 =	vadd.f32 v10, v6;
	[tilespmem:s28+$0xE0] =	vst v5  }
0x394: {  	s25 =	sand.u32 $0x380, s22;
	s8 =	simm.s32 $0x4;
	v5 =	vadd.f32 v9, v4;
	v4 =	vld [tilespmem:s1+$0x70];
	s1 =	sadd.s32 $0x1BF00, s21  }
0x395: {  	s20 =	sand.u32 $0x7, s8;
	v10 =	vld [tilespmem:s17+$0x1BF00];
	v6 =	vmax.f32 v6, $0.0e+00;
	s17 =	sadd.s32 s25, s1  }
0x396: {  	s23 =	sshll.u32 s20, $0x7;
	v7 =	vmul.f32 v7, v12;
	[tilespmem:s28+$0xFFFFFFD0] =	vst v6;
	v5 =	vmax.f32 v5, $0.0e+00;
	v12 =	vld [tilespmem:s17+$0x0]  }
0x397: {  	s2 =	sadd.s32 $0x400, s23;
	v6 =	vld [tilespmem:s7+$0x60];
	[tilespmem:s28+$0x50] =	vst v5  }
0x398: {  	s18 =	sor.u32 $0x460, s12;
	s26 =	sor.u32 $0x470, s6;
	s6 =	sadd.s32 $0x180, s2;
	v5 =	vld [tilespmem:s9+$0x60]  }
0x399: {  	s31 =	sor.u32 $0x400, s6;
	v13 =	vld [tilespmem:s18+$0x1BF00]  }
0x39a: {  	s19 =	sor.u32 $0x460, s4;
	v16 =	vld [tilespmem:s31+$0x1BF00]  }
0x39b: {  	v14 =	vld [tilespmem:s19+$0x1BF00]  }
0x39c: {  	v27 =	vld [tilespmem:s24+$0xC0];
	v7 =	vadd.f32 v10, v7;
	v8 =	vmul.f32 v6, v8  }
0x39d: {  	v30 =	vld [tilespmem:s24+$0xFFFFFFB0];
	v11 =	vmul.f32 v5, v11  }
0x39e: {  	v32 =	vld [tilespmem:s24+$0x30];
	v5 =	vmax.f32 v7, $0.0e+00;
	v7 =	vadd.f32 v13, v8;
	v13 =	vmul.f32 v12, v15  }
0x39f: {  	v9 =	vld [tilespmem:s26+$0x1BF00];
	[tilespmem:s28+$0xFFFFFF60] =	vst v5  }
0x3a0: {  	v8 =	vadd.f32 v14, v11;
	v12 =	vld [tilespmem:s0+$0x70];
	v7 =	vmax.f32 v7, $0.0e+00;
	v13 =	vadd.f32 v16, v13  }
0x3a1: {  	v14 =	vld [tilespmem:s24+$0xFFFFFF00];
	[tilespmem:s28+$0xFFFFFFE0] =	vst v7  }
0x3a2: {  	p0 =	por !p0, !p0;
	s25 =	simm.s32 $0x200;
	s0 =	simm.s32 $0x1;
	v7 =	vmax.f32 v8, $0.0e+00;
	v8 =	vld [tilespmem:s7+$0x70];
	v13 =	vmax.f32 v13, $0.0e+00  }
0x3a3: {  	s10 =	sand.u32 $0x200, s25;
	s0 =	simm.s32 @!p0 $0x0;
	[tilespmem:s24+$0x80] =	vst v13;
	v13 =	vld [tilespmem:s24+$0x90]  }
0x3a4: {  	s22 =	simm.s32 $0x300;
	s0 =	sshll.u32 s0, $0x9;
	s7 =	sadd.s32 s10, s1;
	v15 =	vld [tilespmem:s17+$0x10]  }
0x3a5: {  	s11 =	sor.u32 $0x410, s6;
	s13 =	simm.s32 $0x2;
	s15 =	sadd.s32 $0x400, s0;
	v46 =	vld [tilespmem:s7+$0x0]  }
0x3a6: {  	s23 =	sand.u32 $0x300, s22;
	s14 =	sand.u32 $0x3, s13;
	s19 =	sor.u32 $0x400, s15;
	v17 =	vld [tilespmem:s11+$0x1BF00]  }
0x3a7: {  	s20 =	sshll.u32 s14, $0x8;
	s14 =	sadd.s32 s23, s1;
	s18 =	simm.s32 $0x280;
	v19 =	vld [tilespmem:s19+$0x1BF00]  }
0x3a8: {  	v47 =	vld [tilespmem:s14+$0x0];
	s21 =	sand.u32 $0x280, s18;
	[tilespmem:s28+$0x60] =	vst v7  }
0x3a9: {  	v7 =	vld [tilespmem:s9+$0x70];
	s9 =	sadd.s32 s21, s1;
	v13 =	vmul.f32 v15, v13  }
0x3aa: {  	s5 =	sor.u32 $0x470, s5;
	s26 =	sadd.s32 $0x400, s20;
	s0 =	sadd.s32 $0x80, s2;
	v14 =	vmul.f32 v46, v14;
	v15 =	vld [tilespmem:s9+$0x0]  }
0x3ab: {  	v11 =	vld [tilespmem:s5+$0x1BF00];
	s31 =	sor.u32 $0x400, s0;
	s1 =	sadd.s32 $0x100, s26;
	v13 =	vadd.f32 v17, v13  }
0x3ac: {  	v21 =	vld [tilespmem:s31+$0x1BF00];
	s3 =	sor.u32 $0x400, s1;
	v14 =	vadd.f32 v19, v14  }
0x3ad: {  	v48 =	vld [tilespmem:s3+$0x1BF00];
	v13 =	vmax.f32 v13, $0.0e+00  }
0x3ae: {  	[tilespmem:s24+$0x90] =	vst v13;
	v13 =	vmax.f32 v14, $0.0e+00;
	v14 =	vld [tilespmem:s24+$0xA0]  }
0x3af: {  	v15 =	vmul.f32 v15, v18;
	[tilespmem:s24+$0xFFFFFF00] =	vst v13;
	v13 =	vld [tilespmem:s17+$0x20]  }
0x3b0: {  	s5 =	sor.u32 $0x420, s6;
	v16 =	vmul.f32 v47, v20;
	v50 =	vld [tilespmem:s7+$0x10]  }
0x3b1: {  	s10 =	sor.u32 $0x410, s15;
	v51 =	vld [tilespmem:s5+$0x1BF00];
	v15 =	vadd.f32 v21, v15  }
0x3b2: {  	v16 =	vadd.f32 v48, v16;
	v53 =	vld [tilespmem:s10+$0x1BF00]  }
0x3b3: {  	v35 =	vld [tilespmem:s24+$0xFFFFFF40];
	v15 =	vmax.f32 v15, $0.0e+00  }
0x3b4: {  	[tilespmem:s24+$0xFFFFFF80] =	vst v15;
	v15 =	vld [tilespmem:s24+$0x10];
	v13 =	vmul.f32 v13, v14;
	v14 =	vmax.f32 v16, $0.0e+00  }
0x3b5: {  	v54 =	vld [tilespmem:s9+$0x10];
	[tilespmem:s24+$0x0] =	vst v14;
	v18 =	vmul.f32 v50, v49  }
0x3b6: {  	s11 =	sor.u32 $0x410, s0;
	v13 =	vadd.f32 v51, v13;
	v55 =	vld [tilespmem:s14+$0x10]  }
0x3b7: {  	s13 =	sor.u32 $0x410, s1;
	v14 =	vld [tilespmem:s11+$0x1BF00];
	v17 =	vadd.f32 v53, v18  }
0x3b8: {  	v56 =	vld [tilespmem:s13+$0x1BF00];
	v13 =	vmax.f32 v13, $0.0e+00  }
0x3b9: {  	v39 =	vld [tilespmem:s24+$0xFFFFFFC0];
	[tilespmem:s24+$0xA0] =	vst v13;
	v13 =	vmax.f32 v17, $0.0e+00  }
0x3ba: {  	v16 =	vmul.f32 v54, v52;
	[tilespmem:s24+$0xFFFFFF10] =	vst v13;
	v13 =	vld [tilespmem:s17+$0x30]  }
0x3bb: {  	s18 =	sor.u32 $0x430, s6;
	v15 =	vmul.f32 v55, v15;
	v59 =	vld [tilespmem:s7+$0x20]  }
0x3bc: {  	s19 =	sor.u32 $0x420, s15;
	v60 =	vld [tilespmem:s18+$0x1BF00];
	v14 =	vadd.f32 v14, v16  }
0x3bd: {  	v62 =	vld [tilespmem:s19+$0x1BF00];
	v15 =	vadd.f32 v56, v15  }
0x3be: {  	v41 =	vld [tilespmem:s24+$0x40];
	v14 =	vmax.f32 v14, $0.0e+00  }
0x3bf: {  	v44 =	vld [tilespmem:s24+$0xFFFFFF50];
	[tilespmem:s24+$0xFFFFFF90] =	vst v14;
	v15 =	vmax.f32 v15, $0.0e+00;
	v13 =	vmul.f32 v13, v58  }
0x3c0: {  	v14 =	vld [tilespmem:s9+$0x20];
	[tilespmem:s24+$0x10] =	vst v15;
	v23 =	vmul.f32 v59, v57  }
0x3c1: {  	s20 =	sor.u32 $0x420, s0;
	v15 =	vld [tilespmem:s14+$0x20];
	v13 =	vadd.f32 v60, v13  }
0x3c2: {  	s21 =	sor.u32 $0x420, s1;
	v24 =	vld [tilespmem:s20+$0x1BF00];
	v17 =	vadd.f32 v62, v23  }
0x3c3: {  	v26 =	vld [tilespmem:s21+$0x1BF00];
	v13 =	vmax.f32 v13, $0.0e+00  }
0x3c4: {  	v10 =	vld [tilespmem:s28+$0xFFFFFF70];
	[tilespmem:s24+$0xB0] =	vst v13;
	v13 =	vmax.f32 v17, $0.0e+00  }
0x3c5: {  	v14 =	vmul.f32 v14, v61;
	[tilespmem:s24+$0xFFFFFF20] =	vst v13;
	v13 =	vld [tilespmem:s17+$0x40]  }
0x3c6: {  	s22 =	sor.u32 $0x440, s6;
	v15 =	vmul.f32 v15, v22;
	v28 =	vld [tilespmem:s7+$0x30]  }
0x3c7: {  	s23 =	sor.u32 $0x430, s15;
	v29 =	vld [tilespmem:s22+$0x1BF00];
	v14 =	vadd.f32 v24, v14  }
0x3c8: {  	v31 =	vld [tilespmem:s23+$0x1BF00];
	v15 =	vadd.f32 v26, v15  }
0x3c9: {  	v6 =	vld [tilespmem:s28+$0xFFFFFFF0];
	v14 =	vmax.f32 v14, $0.0e+00  }
0x3ca: {  	v5 =	vld [tilespmem:s28+$0x70];
	[tilespmem:s24+$0xFFFFFFA0] =	vst v14;
	v14 =	vmax.f32 v15, $0.0e+00;
	v13 =	vmul.f32 v13, v27  }
0x3cb: {  	[tilespmem:s24+$0x20] =	vst v14;
	v14 =	vld [tilespmem:s9+$0x30];
	v15 =	vmul.f32 v28, v25  }
0x3cc: {  	s26 =	sor.u32 $0x430, s0;
	v33 =	vld [tilespmem:s14+$0x30];
	v13 =	vadd.f32 v29, v13  }
0x3cd: {  	s31 =	sor.u32 $0x430, s1;
	v34 =	vld [tilespmem:s26+$0x1BF00];
	v15 =	vadd.f32 v31, v15  }
0x3ce: {  	v36 =	vld [tilespmem:s31+$0x1BF00];
	v13 =	vmax.f32 v13, $0.0e+00  }
0x3cf: {  	v49 =	vld [tilespmem:s24+$0xFFFFFFD0];
	[tilespmem:s24+$0xC0] =	vst v13;
	v13 =	vmax.f32 v15, $0.0e+00  }
0x3d0: {  	v15 =	vld [tilespmem:s24+$0xD0];
	[tilespmem:s24+$0xFFFFFF30] =	vst v13;
	v13 =	vmul.f32 v14, v30  }
0x3d1: {  	v14 =	vld [tilespmem:s17+$0x50];
	v17 =	vmul.f32 v33, v32  }
0x3d2: {  	s3 =	sor.u32 $0x450, s6;
	v37 =	vld [tilespmem:s7+$0x40];
	v13 =	vadd.f32 v34, v13  }
0x3d3: {  	s5 =	sor.u32 $0x440, s15;
	v38 =	vld [tilespmem:s3+$0x1BF00];
	v17 =	vadd.f32 v36, v17  }
0x3d4: {  	v40 =	vld [tilespmem:s5+$0x1BF00];
	v13 =	vmax.f32 v13, $0.0e+00  }
0x3d5: {  	v50 =	vld [tilespmem:s24+$0x50];
	[tilespmem:s24+$0xFFFFFFB0] =	vst v13;
	v13 =	vmax.f32 v17, $0.0e+00  }
0x3d6: {  	v14 =	vmul.f32 v14, v15;
	[tilespmem:s24+$0x30] =	vst v13;
	v13 =	vld [tilespmem:s9+$0x40]  }
0x3d7: {  	s10 =	sor.u32 $0x440, s0;
	v15 =	vmul.f32 v37, v35;
	v42 =	vld [tilespmem:s14+$0x40]  }
0x3d8: {  	s11 =	sor.u32 $0x440, s1;
	v43 =	vld [tilespmem:s10+$0x1BF00];
	v14 =	vadd.f32 v38, v14  }
0x3d9: {  	v45 =	vld [tilespmem:s11+$0x1BF00];
	v15 =	vadd.f32 v40, v15  }
0x3da: {  	v54 =	vld [tilespmem:s24+$0xFFFFFF60];
	v14 =	vmax.f32 v14, $0.0e+00  }
0x3db: {  	v55 =	vld [tilespmem:s28+$0xF0];
	[tilespmem:s24+$0xD0] =	vst v14;
	v14 =	vmax.f32 v15, $0.0e+00;
	v13 =	vmul.f32 v13, v39  }
0x3dc: {  	v15 =	vld [tilespmem:s24+$0xE0];
	[tilespmem:s24+$0xFFFFFF40] =	vst v14;
	v17 =	vmul.f32 v42, v41  }
0x3dd: {  	v46 =	vld [tilespmem:s7+$0x50];
	v13 =	vadd.f32 v43, v13  }
0x3de: {  	s18 =	sor.u32 $0x450, s15;
	v14 =	vld [tilespmem:s17+$0x60];
	v17 =	vadd.f32 v45, v17  }
0x3df: {  	s13 =	sor.u32 $0x460, s6;
	v48 =	vld [tilespmem:s18+$0x1BF00];
	v13 =	vmax.f32 v13, $0.0e+00  }
0x3e0: {  	v47 =	vld [tilespmem:s13+$0x1BF00];
	[tilespmem:s24+$0xFFFFFFC0] =	vst v13;
	v13 =	vmax.f32 v17, $0.0e+00  }
0x3e1: {  	[tilespmem:s24+$0x40] =	vst v13;
	v52 =	vld [tilespmem:s9+$0x50]  }
0x3e2: {  	s19 =	sor.u32 $0x450, s0;
	v51 =	vmul.f32 v46, v44;
	v53 =	vld [tilespmem:s14+$0x50]  }
0x3e3: {  	s20 =	sor.u32 $0x450, s1;
	v14 =	vmul.f32 v14, v15;
	v15 =	vld [tilespmem:s19+$0x1BF00]  }
0x3e4: {  	v13 =	vld [tilespmem:s20+$0x1BF00];
	v16 =	vadd.f32 v48, v51  }
0x3e5: {  	v58 =	vld [tilespmem:s24+$0x60];
	v14 =	vadd.f32 v47, v14  }
0x3e6: {  	v57 =	vld [tilespmem:s24+$0xFFFFFFE0];
	v16 =	vmax.f32 v16, $0.0e+00;
	v17 =	vmul.f32 v52, v49  }
0x3e7: {  	v59 =	vld [tilespmem:s24+$0xF0];
	v14 =	vmax.f32 v14, $0.0e+00;
	[tilespmem:s24+$0xFFFFFF50] =	vst v16;
	v18 =	vmul.f32 v53, v50  }
0x3e8: {  	[tilespmem:s24+$0xE0] =	vst v14;
	v56 =	vld [tilespmem:s7+$0x60];
	v15 =	vadd.f32 v15, v17  }
0x3e9: {  	s21 =	sor.u32 $0x460, s15;
	v14 =	vld [tilespmem:s17+$0x70];
	v13 =	vadd.f32 v13, v18  }
0x3ea: {  	s22 =	sor.u32 $0x470, s6;
	v16 =	vld [tilespmem:s21+$0x1BF00];
	v15 =	vmax.f32 v15, $0.0e+00  }
0x3eb: {  	[tilespmem:s24+$0xFFFFFFD0] =	vst v15;
	v13 =	vmax.f32 v13, $0.0e+00;
	v15 =	vld [tilespmem:s22+$0x1BF00]  }
0x3ec: {  	v4 =	vmul.f32 v4, v55;
	[tilespmem:s24+$0x50] =	vst v13;
	v13 =	vld [tilespmem:s9+$0x60]  }
0x3ed: {  	s23 =	sor.u32 $0x460, s0;
	v19 =	vmul.f32 v56, v54;
	v60 =	vld [tilespmem:s14+$0x60]  }
0x3ee: {  	v4 =	vadd.f32 v9, v4;
	v9 =	vmul.f32 v12, v10;
	s26 =	sor.u32 $0x460, s1;
	v12 =	vld [tilespmem:s23+$0x1BF00]  }
0x3ef: {  	v10 =	vmul.f32 v14, v59;
	v61 =	vld [tilespmem:s26+$0x1BF00];
	v14 =	vadd.f32 v16, v19  }
0x3f0: {  	v4 =	vmax.f32 v4, $0.0e+00;
	v62 =	vadd.f32 v11, v9;
	v11 =	vld [tilespmem:s24+$0xFFFFFF70]  }
0x3f1: {  	v9 =	vld [tilespmem:s24+$0xFFFFFFF0];
	[tilespmem:s28+$0xF0] =	vst v4;
	v15 =	vadd.f32 v15, v10;
	v4 =	vmax.f32 v14, $0.0e+00  }
0x3f2: {  	s29 =	simm.s32 $0x4;
	s30 =	simm.s32 $0x4;
	p0 =	por !p0, !p0;
	v14 =	vmax.f32 v62, $0.0e+00;
	v10 =	vld [tilespmem:s24+$0x70];
	v13 =	vmul.f32 v13, v57;
	[tilespmem:s24+$0xFFFFFF60] =	vst v4;
	v17 =	vmul.f32 v60, v58  }
0x3f3: {  	s6 =	sor.u32 $0x470, s1;
	s0 =	sor.u32 $0x470, s0;
	s31 =	sor.u32 $0x470, s15;
	v4 =	vmul.f32 v8, v6;
	[tilespmem:s28+$0xFFFFFF70] =	vst v14;
	v6 =	vmax.f32 v15, $0.0e+00;
	v8 =	vld [tilespmem:s7+$0x70]  }
0x3f4: {  	v5 =	vmul.f32 v7, v5;
	s3 =	sor.u32 $0x470, s4;
	s5 =	sor.u32 $0x470, s12;
	s12 =	simm.s32 $0x1A200;
	v12 =	vadd.f32 v12, v13;
	[tilespmem:s24+$0xF0] =	vst v6;
	v6 =	vld [tilespmem:s31+$0x1BF00];
	v7 =	vadd.f32 v61, v17  }
.LBB2_16:
0x3f5: {  	_ = 	snop  }
0x3f6: {  	v13 =	vld [tilespmem:s5+$0x1BF00];
	v12 =	vmax.f32 v12, $0.0e+00  }
0x3f7: {  	s2 =	simm.s32 $0x1;
	s8 =	sadd.s32 $0x4, s8;
	v7 =	vmax.f32 v7, $0.0e+00;
	[tilespmem:s24+$0xFFFFFFE0] =	vst v12;
	v12 =	vld [tilespmem:s3+$0x1BF00]  }
0x3f8: {  	s16 =	sadd.s32 $0x400, s16;
	s25 =	sadd.s32 $0x200, s25;
	[tilespmem:s24+$0x60] =	vst v7;
	s24 =	sadd.s32 $0x200, s24;
	v14 =	vld [tilespmem:s9+$0x70]  }
0x3f9: {  	s2 =	simm.s32 @!p0 $0x0;
	s19 =	sand.u32 $0x3800, s16;
	s4 =	sadd.s32 $0x180, s25;
	v15 =	vld [tilespmem:s24+$0xFFFFFF80]  }
0x3fa: {  	s18 =	sand.u32 $0x7, s8;
	s3 =	sadd.s32 $0x1BF00, s19;
	s4 =	sand.u32 $0x380, s4;
	v7 =	vmul.f32 v8, v11;
	v8 =	vld [tilespmem:s14+$0x70]  }
0x3fb: {  	s13 =	sshll.u32 s2, $0x9;
	s2 =	sshll.u32 s18, $0x7;
	s7 =	sadd.s32 s4, s3;
	v11 =	vld [tilespmem:s24+$0xFFFFFF00]  }
0x3fc: {  	s1 =	sand.u32 $0x3, s30;
	s2 =	sadd.s32 s16, s2;
	v16 =	vld [tilespmem:s7+$0x0];
	v6 =	vadd.f32 v6, v7;
	v7 =	vadd.f32 v13, v4  }
0x3fd: {  	s17 =	smov.u32 s6;
	s31 =	smov.u32 s28;
	s22 =	sadd.s32 $0x180, s2;
	v13 =	vld [tilespmem:s24+$0x80]  }
0x3fe: {  	s20 =	sadd.s32 $0x80, s25;
	s26 =	sand.u32 $0x200, s25;
	s10 =	sor.u32 $0x400, s22;
	v12 =	vadd.f32 v12, v5;
	v5 =	vmax.f32 v6, $0.0e+00;
	v6 =	vmax.f32 v7, $0.0e+00;
	v7 =	vld [tilespmem:s24+$0x0]  }
0x3ff: {  	s23 =	sadd.s32 $0x100, s25;
	s21 =	sand.u32 $0x280, s20;
	s15 =	sadd.s32 s26, s3;
	v4 =	vmul.f32 v14, v9;
	v9 =	vld [tilespmem:s10+$0x1BF00];
	[tilespmem:s12+$0xFFFFFF70] =	vst v5  }
0x400: {  	s1 =	sshll.u32 s1, $0x8;
	s6 =	sand.u32 $0x300, s23;
	s9 =	sadd.s32 s21, s3;
	v5 =	vmul.f32 v8, v10;
	v8 =	vmax.f32 v12, $0.0e+00;
	[tilespmem:s28+$0xFFFFFFF0] =	vst v6;
	v6 =	vld [tilespmem:s15+$0x0]  }
0x401: {  	s1 =	sadd.s32 s16, s1;
	s14 =	sadd.s32 s6, s3;
	s28 =	sadd.s32 $0x80, s2;
	[tilespmem:s31+$0x70] =	vst v8;
	v8 =	vld [tilespmem:s9+$0x0]  }
0x402: {  	s6 =	sadd.s32 $0x100, s1;
	s4 =	sor.u32 $0x400, s28;
	v10 =	vld [tilespmem:s14+$0x0];
	v12 =	vmul.f32 v16, v13  }
0x403: {  	s21 =	sadd.s32 s13, s16;
	s1 =	sor.u32 $0x400, s6;
	v13 =	vld [tilespmem:s4+$0x1BF00]  }
0x404: {  	s5 =	smov.u32 s0;
	s19 =	sor.u32 $0x450, s6;
	s10 =	sor.u32 $0x400, s21;
	v14 =	vld [tilespmem:s1+$0x1BF00];
	v9 =	vadd.f32 v9, v12  }
0x405: {  	s11 =	sor.u32 $0x410, s21;
	[dreg:$0x10] =	wrdreg s19;
	s0 =	sor.u32 $0x460, s28;
	v12 =	vld [tilespmem:s10+$0x1BF00]  }
0x406: {  	s19 =	sor.u32 $0x450, s21;
	[dreg:$0xc] =	wrdreg s0;
	s0 =	sor.u32 $0x460, s6;
	v6 =	vmul.f32 v6, v11;
	v11 =	vld [tilespmem:s24+$0xFFFFFF10];
	v8 =	vmul.f32 v8, v15;
	v9 =	vmax.f32 v9, $0.0e+00  }
0x407: {  	s2 =	sor.u32 $0x440, s21;
	s4 =	sor.u32 $0x420, s21;
	[dreg:$0xa] =	wrdreg s0;
	v7 =	vmul.f32 v10, v7;
	[tilespmem:s24+$0x80] =	vst v9;
	v9 =	vld [tilespmem:s24+$0x90]  }
0x408: {  	s0 =	sor.u32 $0x460, s21;
	s10 =	sor.u32 $0x430, s21;
	s21 =	sor.u32 $0x470, s21;
	v8 =	vadd.f32 v13, v8;
	v10 =	vld [tilespmem:s7+$0x10]  }
0x409: {  	[dreg:$0x8] =	wrdreg s21;
	s21 =	sor.u32 $0x410, s22;
	v13 =	vld [tilespmem:s24+$0xFFFFFF90];
	v7 =	vadd.f32 v14, v7  }
0x40a: {  	v6 =	vadd.f32 v12, v6;
	v12 =	vld [tilespmem:s21+$0x1BF00];
	v8 =	vmax.f32 v8, $0.0e+00  }
0x40b: {  	[tilespmem:s24+$0xFFFFFF80] =	vst v8;
	v7 =	vmax.f32 v7, $0.0e+00;
	v8 =	vld [tilespmem:s24+$0x10]  }
0x40c: {  	v6 =	vmax.f32 v6, $0.0e+00;
	v14 =	vld [tilespmem:s9+$0x10];
	[tilespmem:s24+$0x0] =	vst v7  }
0x40d: {  	[tilespmem:s24+$0xFFFFFF00] =	vst v6;
	v6 =	vld [tilespmem:s14+$0x10];
	v7 =	vmul.f32 v10, v9  }
0x40e: {  	v9 =	vld [tilespmem:s15+$0x10]  }
0x40f: {  	s26 =	sor.u32 $0x410, s28;
	v10 =	vld [tilespmem:s11+$0x1BF00];
	v7 =	vadd.f32 v12, v7  }
0x410: {  	[dreg:$0x6] =	wrdreg s17;
	s17 =	sor.u32 $0x410, s6;
	v12 =	vld [tilespmem:s26+$0x1BF00]  }
0x411: {  	v13 =	vmul.f32 v14, v13;
	v14 =	vld [tilespmem:s17+$0x1BF00];
	v7 =	vmax.f32 v7, $0.0e+00  }
0x412: {  	[tilespmem:s24+$0x90] =	vst v7;
	v7 =	vld [tilespmem:s24+$0xA0]  }
0x413: {  	v6 =	vmul.f32 v6, v8;
	v8 =	vmul.f32 v9, v11;
	v9 =	vld [tilespmem:s7+$0x20]  }
0x414: {  	s26 =	sor.u32 $0x420, s22  }
0x415: {  	v8 =	vadd.f32 v10, v8;
	v10 =	vadd.f32 v12, v13;
	v12 =	vld [tilespmem:s26+$0x1BF00]  }
0x416: {  	v11 =	vld [tilespmem:s24+$0xFFFFFF20]  }
0x417: {  	v13 =	vld [tilespmem:s24+$0xFFFFFFA0];
	v6 =	vadd.f32 v14, v6;
	v8 =	vmax.f32 v8, $0.0e+00  }
0x418: {  	v10 =	vmax.f32 v10, $0.0e+00;
	v14 =	vld [tilespmem:s24+$0x20];
	[tilespmem:s24+$0xFFFFFF10] =	vst v8;
	v7 =	vmul.f32 v9, v7  }
0x419: {  	[tilespmem:s24+$0xFFFFFF90] =	vst v10;
	v6 =	vmax.f32 v6, $0.0e+00;
	v9 =	vld [tilespmem:s15+$0x20]  }
0x41a: {  	v10 =	vld [tilespmem:s9+$0x20];
	[tilespmem:s24+$0x10] =	vst v6;
	v6 =	vadd.f32 v12, v7  }
0x41b: {  	s23 =	sor.u32 $0x420, s28;
	v12 =	vld [tilespmem:s4+$0x1BF00]  }
0x41c: {  	v15 =	vld [tilespmem:s23+$0x1BF00];
	v6 =	vmax.f32 v6, $0.0e+00  }
0x41d: {  	[tilespmem:s24+$0xA0] =	vst v6;
	v6 =	vld [tilespmem:s24+$0xB0]  }
0x41e: {  	v9 =	vmul.f32 v9, v11;
	v11 =	vld [tilespmem:s7+$0x30]  }
0x41f: {  	s11 =	sor.u32 $0x430, s22;
	v7 =	vld [tilespmem:s14+$0x20]  }
0x420: {  	v10 =	vmul.f32 v10, v13;
	v13 =	vld [tilespmem:s11+$0x1BF00];
	v9 =	vadd.f32 v12, v9  }
0x421: {  	v60 =	vld [tilespmem:s24+$0x30];
	s18 =	sor.u32 $0x420, s6  }
0x422: {  	v12 =	vld [tilespmem:s18+$0x1BF00];
	v9 =	vmax.f32 v9, $0.0e+00  }
0x423: {  	v8 =	vld [tilespmem:s24+$0xFFFFFF30];
	[tilespmem:s24+$0xFFFFFF20] =	vst v9;
	v6 =	vmul.f32 v11, v6  }
0x424: {  	v10 =	vadd.f32 v15, v10;
	v11 =	vld [tilespmem:s15+$0x30]  }
0x425: {  	v7 =	vmul.f32 v7, v14;
	v14 =	vld [tilespmem:s24+$0xFFFFFFB0];
	v6 =	vadd.f32 v13, v6  }
0x426: {  	v10 =	vmax.f32 v10, $0.0e+00;
	v9 =	vld [tilespmem:s24+$0xFFFFFF40]  }
0x427: {  	[tilespmem:s24+$0xFFFFFFA0] =	vst v10;
	v7 =	vadd.f32 v12, v7;
	v13 =	vld [tilespmem:s10+$0x1BF00];
	v6 =	vmax.f32 v6, $0.0e+00  }
0x428: {  	[tilespmem:s24+$0xB0] =	vst v6;
	v6 =	vld [tilespmem:s24+$0xC0]  }
0x429: {  	v7 =	vmax.f32 v7, $0.0e+00;
	v8 =	vmul.f32 v11, v8;
	v11 =	vld [tilespmem:s9+$0x30]  }
0x42a: {  	s17 =	sor.u32 $0x440, s22;
	[tilespmem:s24+$0x20] =	vst v7;
	v7 =	vld [tilespmem:s7+$0x40]  }
0x42b: {  	v12 =	vld [tilespmem:s17+$0x1BF00]  }
0x42c: {  	s31 =	sor.u32 $0x430, s28;
	v8 =	vadd.f32 v13, v8;
	v13 =	vld [tilespmem:s14+$0x30]  }
0x42d: {  	s13 =	sor.u32 $0x430, s6;
	v15 =	vld [tilespmem:s31+$0x1BF00]  }
0x42e: {  	v17 =	vld [tilespmem:s13+$0x1BF00];
	v8 =	vmax.f32 v8, $0.0e+00  }
0x42f: {  	v10 =	vld [tilespmem:s24+$0xFFFFFFC0];
	[tilespmem:s24+$0xFFFFFF30] =	vst v8;
	v6 =	vmul.f32 v7, v6  }
0x430: {  	v7 =	vmul.f32 v11, v14;
	v11 =	vld [tilespmem:s15+$0x40]  }
0x431: {  	v8 =	vld [tilespmem:s24+$0x40];
	v13 =	vmul.f32 v13, v60;
	v6 =	vadd.f32 v12, v6  }
0x432: {  	v12 =	vld [tilespmem:s2+$0x1BF00];
	v7 =	vadd.f32 v15, v7  }
0x433: {  	v14 =	vld [tilespmem:s24+$0xFFFFFF50];
	v13 =	vadd.f32 v17, v13;
	v6 =	vmax.f32 v6, $0.0e+00  }
0x434: {  	v7 =	vmax.f32 v7, $0.0e+00;
	[tilespmem:s24+$0xC0] =	vst v6;
	v6 =	vld [tilespmem:s24+$0xD0]  }
0x435: {  	s18 =	sor.u32 $0x450, s22;
	v9 =	vmul.f32 v11, v9;
	[tilespmem:s24+$0xFFFFFFB0] =	vst v7;
	v11 =	vmax.f32 v13, $0.0e+00;
	v15 =	vld [tilespmem:s7+$0x50]  }
0x436: {  	s3 =	sor.u32 $0x440, s28;
	[tilespmem:s24+$0x30] =	vst v11;
	v11 =	vld [tilespmem:s18+$0x1BF00]  }
0x437: {  	v61 =	vld [tilespmem:s3+$0x1BF00];
	v9 =	vadd.f32 v12, v9  }
0x438: {  	v12 =	vld [tilespmem:s9+$0x40]  }
0x439: {  	s20 =	sor.u32 $0x440, s6;
	v13 =	vld [tilespmem:s14+$0x40];
	v9 =	vmax.f32 v9, $0.0e+00  }
0x43a: {  	[tilespmem:s24+$0xFFFFFF40] =	vst v9;
	v9 =	vld [tilespmem:s20+$0x1BF00];
	v6 =	vmul.f32 v15, v6  }
0x43b: {  	v15 =	vld [tilespmem:s15+$0x50]  }
0x43c: {  	v7 =	vld [tilespmem:s24+$0xFFFFFFD0];
	v6 =	vadd.f32 v11, v6  }
0x43d: {  	v10 =	vmul.f32 v12, v10;
	v12 =	vld [tilespmem:s19+$0x1BF00]  }
0x43e: {  	v8 =	vmul.f32 v13, v8;
	v11 =	vld [tilespmem:s24+$0x50];
	v6 =	vmax.f32 v6, $0.0e+00  }
0x43f: {  	v10 =	vadd.f32 v61, v10;
	[tilespmem:s24+$0xD0] =	vst v6;
	v6 =	vld [tilespmem:s24+$0xE0]  }
0x440: {  	v8 =	vadd.f32 v9, v8;
	v13 =	vmul.f32 v15, v14;
	v14 =	vld [tilespmem:s24+$0xFFFFFF60]  }
0x441: {  	s19 =	sor.u32 $0x460, s22;
	v10 =	vmax.f32 v10, $0.0e+00;
	v9 =	vld [tilespmem:s7+$0x60]  }
0x442: {  	[tilespmem:s24+$0xFFFFFFC0] =	vst v10;
	v8 =	vmax.f32 v8, $0.0e+00;
	v10 =	vld [tilespmem:s19+$0x1BF00]  }
0x443: {  	v12 =	vadd.f32 v12, v13;
	v13 =	vld [tilespmem:s9+$0x50];
	[tilespmem:s24+$0x40] =	vst v8  }
0x444: {  	s1 =	sor.u32 $0x450, s28;
	v8 =	vld [tilespmem:s14+$0x50]  }
0x445: {  	s20 =	rddreg [dreg:$0x10];
	v15 =	vld [tilespmem:s1+$0x1BF00];
	v12 =	vmax.f32 v12, $0.0e+00  }
0x446: {  	[tilespmem:s24+$0xFFFFFF50] =	vst v12;
	v6 =	vmul.f32 v9, v6;
	v9 =	vld [tilespmem:s20+$0x1BF00]  }
0x447: {  	v12 =	vld [tilespmem:s15+$0x60]  }
0x448: {  	[dreg:$0xe] =	wrdreg s0;
	v7 =	vmul.f32 v13, v7;
	v13 =	vld [tilespmem:s24+$0x60];
	v6 =	vadd.f32 v10, v6  }
0x449: {  	s21 =	rddreg [dreg:$0xe];
	v10 =	vld [tilespmem:s24+$0xFFFFFFE0];
	v8 =	vmul.f32 v8, v11  }
0x44a: {  	v11 =	vld [tilespmem:s21+$0x1BF00];
	v7 =	vadd.f32 v15, v7;
	v6 =	vmax.f32 v6, $0.0e+00  }
0x44b: {  	[tilespmem:s24+$0xE0] =	vst v6;
	v6 =	vld [tilespmem:s24+$0xF0];
	v8 =	vadd.f32 v9, v8  }
0x44c: {  	s22 =	sor.u32 $0x470, s22;
	v7 =	vmax.f32 v7, $0.0e+00;
	v9 =	vld [tilespmem:s7+$0x70]  }
0x44d: {  	[tilespmem:s24+$0xFFFFFFD0] =	vst v7;
	v7 =	vmax.f32 v8, $0.0e+00;
	v8 =	vld [tilespmem:s22+$0x1BF00]  }
0x44e: {  	v12 =	vmul.f32 v12, v14;
	v14 =	vld [tilespmem:s9+$0x60];
	[tilespmem:s24+$0x50] =	vst v7  }
0x44f: {  	s23 =	rddreg [dreg:$0xc];
	v7 =	vld [tilespmem:s14+$0x60]  }
0x450: {  	s29 =	sadd.s32 $0x4, s29;
	s26 =	rddreg [dreg:$0xa];
	v15 =	vld [tilespmem:s23+$0x1BF00]  }
0x451: {  	p1 =	slt.u32 s29, $0x3C;
	v62 =	vld [tilespmem:s26+$0x1BF00];
	v6 =	vmul.f32 v9, v6;
	v9 =	vadd.f32 v11, v12  }
.Ltmp9:
0x452: {  	v11 =	vld [tilespmem:s24+$0xFFFFFF70];
	(pc) =	sbr.rel @p1 .LBB2_16-.Ltmp9, $4  }
0x453: {  	v12 =	vmul.f32 v14, v10;
	v10 =	vld [tilespmem:s24+$0x70];
	v6 =	vadd.f32 v8, v6;
	v8 =	vmax.f32 v9, $0.0e+00  }
0x454: {  	s30 =	sadd.s32 $0x2, s30;
	p0 =	por !p0, !p0;
	v9 =	vld [tilespmem:s24+$0xFFFFFFF0];
	[tilespmem:s24+$0xFFFFFF60] =	vst v8;
	v7 =	vmul.f32 v7, v13  }
0x455: {  	s6 =	sor.u32 $0x470, s6;
	s0 =	sor.u32 $0x470, s28;
	s31 =	rddreg [dreg:$0x8];
	v6 =	vmax.f32 v6, $0.0e+00;
	v8 =	vld [tilespmem:s15+$0x70]  }
0x456: {  	s28 =	smov.u32 s12;
	s12 =	smov.u32 s24;
	s3 =	rddreg [dreg:$0x6];
	v12 =	vadd.f32 v15, v12;
	[tilespmem:s24+$0xF0] =	vst v6;
	v6 =	vld [tilespmem:s31+$0x1BF00];
	v7 =	vadd.f32 v62, v7  }
0x457: {  	_ = 	snop  }
0x458: {  	v13 =	vld [tilespmem:s5+$0x1BF00];
	v12 =	vmax.f32 v12, $0.0e+00  }
0x459: {  	v57 =	vld [tilespmem:s3+$0x1BF00];
	v7 =	vmax.f32 v7, $0.0e+00;
	[tilespmem:s24+$0xFFFFFFE0] =	vst v12  }
0x45a: {  	[tilespmem:s24+$0x60] =	vst v7;
	v14 =	vld [tilespmem:s9+$0x70]  }
0x45b: {  	v7 =	vld [tilespmem:s14+$0x70]  }
0x45c: {  	v8 =	vmul.f32 v8, v11;
	v58 =	vld [tilespmem:s0+$0x1BF00]  }
0x45d: {  	v15 =	vld [tilespmem:s6+$0x1BF00]  }
0x45e: {  	v6 =	vadd.f32 v6, v8  }
0x45f: {  	v4 =	vadd.f32 v13, v4;
	v59 =	vmul.f32 v14, v9  }
0x460: {  	v5 =	vadd.f32 v57, v5;
	v6 =	vmax.f32 v6, $0.0e+00;
	v7 =	vmul.f32 v7, v10  }
0x461: {  	v4 =	vmax.f32 v4, $0.0e+00;
	[tilespmem:s12+$0xFFFFFF70] =	vst v6;
	v60 =	vadd.f32 v58, v59  }
0x462: {  	v5 =	vmax.f32 v5, $0.0e+00;
	[tilespmem:s28+$0xFFFFFFF0] =	vst v4;
	v4 =	vadd.f32 v15, v7  }
0x463: {  	[tilespmem:s28+$0x70] =	vst v5;
	v5 =	vmax.f32 v60, $0.0e+00  }
0x464: {  	v4 =	vmax.f32 v4, $0.0e+00;
	[tilespmem:s12+$0xFFFFFFF0] =	vst v5  }
0x465: {  	[tilespmem:s12+$0x70] =	vst v4  }
0x466: {  	v4 =	vld [tilespmem:$0x19E00]  }
0x467: {  	v5 =	vld [tilespmem:$0x19E10]  }
0x468: {  	v61 =	vld [tilespmem:$0x19E20]  }
0x469: {  	v62 =	vld [tilespmem:$0x19E30];
	_ =	sdelay $0x1  }
.Ltmp10:
0x46a: {  	[tilespmem:$0x1FF80] =	vst v4;
	(pc) =	sbr.rel .LBB2_18-.Ltmp10, $4  }
0x46b: {  	s30 =	rddreg [dreg:$0x3];
	[tilespmem:$0x1FF90] =	vst v5  }
0x46c: {  	s1 =	simm.s32 $0x40;
	s2 =	simm.s32 $0x19F00;
	s31 =	simm.s32 $0x1FF80;
	[tilespmem:$0x1FFA0] =	vst v61  }
0x46d: {  	s18 =	simm.s32 $0x0;
	s7 =	simm.s32 $0x13D80;
	s6 =	sld [smem:$0x7EA];
	[tilespmem:$0x1FFB0] =	vst v62  }
0x46e: {  	[spmem:s30] =	stream.indirect.scatter.add.f32 [tilespmem:s2], [sflag:$0x8], $0x80, s31, s1, $0xb8;
	v63 =	vld [tilespmem:$0x0]  }
.LBB2_6:
0x46f: {  	p0 =	sgt.u32 s8, $0x9A3  }
.Ltmp11:
0x470: {  	_ = 	snop;
	(pc) =	sbr.rel @!p0 .LBB2_7-.Ltmp11, $1  }
0x471: {  	_ =	sdelay $0x3  }
0x472: {  	p0 =	sgt.u32 s8, $0x9C3  }
.Ltmp12:
0x473: {  	_ = 	snop;
	(pc) =	sbr.rel @p0 .LBB2_12-.Ltmp12, $4  }
.Ltmp13:
0x474: {  	_ = 	snop;
	(pc) =	sbr.rel @!p0 .LBB2_9-.Ltmp13, $4  }
0x475: {  	_ = 	snop  }
0x476: {  	_ = 	snop  }
0x477: {  	_ = 	snop  }
0x478: {  	_ = 	snop  }
.LBB2_20:
0x479: {  	_ =	sfence.sel $0x180000  }
0x47a: {  	[bflag:$0x0] =	sbarrier.arrive $0xFFFF  }
0x47b: {  	_ =	strace $0x90000047  }
0x47c: {  	s0 =	stileid.u32;
	[bflag:$0x2] =	sbarrier.arrive $0xFFFF  }
0x47d: {  	p0 =	sne.s32 s0, $0x0;
	s0 =	rddreg [dreg:$0x4]  }
0x47e: {  	s0 =	sadd.s32 @!p0 $0x100000, s0  }
0x47f: {  	[sflag:s0] =	ssyncadd.tile.s32 @!p0 $0x1;
	_ =	shalt  }
.Lfunc_end2:
_tile_overlayer_lowered:
.L_overlay_start_2:
0x480: {  	(tag) =	ssettag $0x2  }
0x481: {  	s0 =	rddreg [dreg:$0x0];
	s2 =	stileid.u32  }
0x482: {  	s1 =	rddreg [dreg:$0x1];
	p0 =	sne.s32 s2, $0x0  }
0x483: {  	s3 =	rddreg [dreg:$0x2];
	[bflag:$0x3] =	sbarrier.arrive $0xFFFF;
	s2 =	simm.s32 @!p0 $0x1C09  }
0x484: {  	[timem:s3], [sflag:s2] =	dma.local @!p0 [hbm:s0], s1  }
0x485: {  	s0 =	simm.s32 @!p0 $0x9  }
0x486: {  	_ =	swait.ge @!p0 [sflag:s0], s1  }
0x487: {  	s1 =	ssub.s32 @!p0 $0x0, s1;
	[sflag:s0] =	ssyncset.done @!p0 $0x0  }
0x488: {  	[sflag:s0] =	ssyncadd.s32 @!p0 s1  }
0x489: {  	[bflag:$0x3] =	sbarrier.arrive $0xFFFF  }
0x48a: {  	_ =	shalt  }

</sc_bundles>
